<compile_context>
chip_gen: v7x
topology: tpu7x:2x2x1
jax: 0.10.2.dev20260603
libtpu: 0.0.44.dev20260713+nightly
codegen_flags: <defaults>
</compile_context>

<pallas_src>
import functools

import jax
import jax.numpy as jnp
from jax import lax
from jax.experimental import pallas as pl
from jax.experimental.pallas import tpu as pltpu
from jax.experimental.pallas import tpu_sc as plsc

_NUM_EXPERTS = 64
_TOP_K = 2
_ALPHA = 0.01
_TILE = 4096

_NC = 2
_NS = 16
_NW = _NC * _NS
_L = 16


def _matmul_body(x_ref, wt_ref, lt_out, ps_out, psacc, *, n_steps):
    pid = pl.program_id(0)

    @pl.when(pid == 0)
    def _init():
        psacc[...] = jnp.zeros_like(psacc)

    tile = x_ref.shape[0]
    logits = jnp.dot(x_ref[...], wt_ref[...],
                     preferred_element_type=jnp.float32)
    sub = tile // 1024
    lt_out[...] = logits.reshape(sub, 1024, _NUM_EXPERTS).transpose(0, 2, 1)

    m = jnp.max(logits, axis=-1, keepdims=True)
    e = jnp.exp(logits - m)
    z = jnp.sum(e, axis=-1, keepdims=True)
    psacc[...] += jnp.sum(e / z, axis=0, keepdims=True)

    @pl.when(pid == n_steps - 1)
    def _fin():
        ps_out[...] = psacc[...]


def _sc_router_body(lt_hbm, w_hbm, e_hbm, cnt_hbm,
                    blk, wstage, estage, cntacc, dsem):
    wid = lax.axis_index("s") * _NC + lax.axis_index("c")
    chunk = blk.shape[1]
    n_groups = chunk // _L

    cp = pltpu.async_copy(lt_hbm.at[wid], blk, dsem)

    zf = jnp.zeros((_L,), jnp.float32)

    def zero_body(e, _):
        cntacc[e, :] = zf
        return 0

    lax.fori_loop(0, _NUM_EXPERTS, zero_body, 0)
    cp.wait()

    def group_body(g, _):
        sl = pl.ds(g * _L, _L)

        m1 = blk[0, sl]
        i1 = jnp.zeros((_L,), jnp.int32)
        m2 = jnp.full((_L,), -jnp.inf, jnp.float32)
        i2 = jnp.zeros((_L,), jnp.int32)
        for e in range(1, _NUM_EXPERTS):
            v = blk[e, sl]
            ev = jnp.full((_L,), e, jnp.int32)
            gt1 = v > m1
            gt2 = v > m2
            m2 = jnp.where(gt1, m1, jnp.where(gt2, v, m2))
            i2 = jnp.where(gt1, i1, jnp.where(gt2, ev, i2))
            m1 = jnp.where(gt1, v, m1)
            i1 = jnp.where(gt1, ev, i1)

        one = jnp.ones((_L,), jnp.float32)
        for e in range(_NUM_EXPERTS):
            hits = (jnp.where(i1 == e, one, 0.0) +
                    jnp.where(i2 == e, one, 0.0))
            cntacc[e, :] = cntacc[e, :] + hits

        t = jnp.exp(m2 - m1)
        w1 = 1.0 / (1.0 + t)
        wstage[0, sl] = w1
        wstage[1, sl] = 1.0 - w1
        estage[0, sl] = i1
        estage[1, sl] = i2
        return 0

    lax.fori_loop(0, n_groups, group_body, 0)

    base = wid * chunk
    pltpu.sync_copy(wstage.at[0], w_hbm.at[0, pl.ds(base, chunk)])
    pltpu.sync_copy(wstage.at[1], w_hbm.at[1, pl.ds(base, chunk)])
    pltpu.sync_copy(estage.at[0], e_hbm.at[0, pl.ds(base, chunk)])
    pltpu.sync_copy(estage.at[1], e_hbm.at[1, pl.ds(base, chunk)])
    pltpu.sync_copy(cntacc, cnt_hbm.at[wid])


def _loss_body(ps_ref, cnt_ref, loss_out, *, num_tokens):
    cnt = jnp.sum(cnt_ref[...], axis=(0, 2))
    scale = _ALPHA * _NUM_EXPERTS / (num_tokens * num_tokens)
    loss_out[...] = scale * jnp.sum(ps_ref[0, :] * cnt, keepdims=True)[None]


def kernel(hidden_states, W_gate):
    batch, seq, hidden = hidden_states.shape
    num_tokens = batch * seq
    x = hidden_states.reshape(num_tokens, hidden)
    wt = W_gate.T
    chunk = num_tokens // _NW
    n_steps = num_tokens // _TILE
    sub = _TILE // 1024

    logits_t, psum = pl.pallas_call(
        functools.partial(_matmul_body, n_steps=n_steps),
        grid=(n_steps,),
        in_specs=[
            pl.BlockSpec((_TILE, hidden), lambda i: (i, 0)),
            pl.BlockSpec((hidden, _NUM_EXPERTS), lambda i: (0, 0)),
        ],
        out_specs=[
            pl.BlockSpec((sub, _NUM_EXPERTS, 1024), lambda i: (i, 0, 0)),
            pl.BlockSpec((1, _NUM_EXPERTS), lambda i: (0, 0)),
        ],
        out_shape=[
            jax.ShapeDtypeStruct((num_tokens // 1024, _NUM_EXPERTS, 1024),
                                 jnp.float32),
            jax.ShapeDtypeStruct((1, _NUM_EXPERTS), jnp.float32),
        ],
        scratch_shapes=[
            pltpu.VMEM((1, _NUM_EXPERTS), jnp.float32),
        ],
    )(x, wt)

    sc_router = pl.kernel(
        _sc_router_body,
        mesh=plsc.VectorSubcoreMesh(core_axis_name="c", subcore_axis_name="s"),
        out_type=[
            jax.ShapeDtypeStruct((2, num_tokens), jnp.float32),
            jax.ShapeDtypeStruct((2, num_tokens), jnp.int32),
            jax.ShapeDtypeStruct((_NW, _NUM_EXPERTS, _L), jnp.float32),
        ],
        scratch_types=[
            pltpu.VMEM((_NUM_EXPERTS, chunk), jnp.float32),
            pltpu.VMEM((2, chunk), jnp.float32),
            pltpu.VMEM((2, chunk), jnp.int32),
            pltpu.VMEM((_NUM_EXPERTS, _L), jnp.float32),
            pltpu.SemaphoreType.DMA,
        ],
    )
    w2, e2, cnt_part = sc_router(logits_t)

    loss = pl.pallas_call(
        functools.partial(_loss_body, num_tokens=num_tokens),
        in_specs=[
            pl.BlockSpec((1, _NUM_EXPERTS), lambda: (0, 0)),
            pl.BlockSpec((_NW, _NUM_EXPERTS, _L), lambda: (0, 0, 0)),
        ],
        out_specs=pl.BlockSpec((1, 1), lambda: (0, 0)),
        out_shape=jax.ShapeDtypeStruct((1, 1), jnp.float32),
    )(psum, cnt_part)

    weights = jnp.stack([w2[0], w2[1]], axis=-1)
    experts = jnp.stack([e2[0], e2[1]], axis=-1)
    return (weights.reshape(batch, seq, _TOP_K),
            experts.reshape(batch, seq, _TOP_K),
            loss[0, 0])

# --- scband reference (transcript-rebuilt; emitter-appended) ---
"""Pipeline reference for scband-expert-router-34806414967252 (READ-ONLY COPY).

The authoritative reference and input builder live on the scoring server;
editing this copy changes nothing except your own understanding.
"""

import jax, jax.numpy as jnp
import numpy as np

NUM_EXPERTS = 64
TOP_K = 2
ALPHA = 0.01
HIDDEN = 768


def setup_inputs(seed: int = 0) -> dict:
    key = jax.random.key(seed)
    k1, k2 = jax.random.split(key)
    hidden_states = jax.random.normal(k1, (4, 8192, HIDDEN), dtype=jnp.float32)
    # gate: nn.Linear(hidden_size, num_experts, bias=False) -> weight [num_experts, hidden]
    W_gate = jax.random.normal(k2, (NUM_EXPERTS, HIDDEN), dtype=jnp.float32) * (1.0 / np.sqrt(HIDDEN))
    return {"hidden_states": hidden_states, "W_gate": W_gate}


def reference(hidden_states, W_gate):
    batch, seq, hidden = hidden_states.shape
    # router_logits = gate(hidden_states)
    router_logits = jnp.einsum('bsh,eh->bse', hidden_states, W_gate)
    # top-k selection
    router_weights, selected_experts = jax.lax.top_k(router_logits, TOP_K)
    router_weights = jax.nn.softmax(router_weights, axis=-1)
    # load balance loss (Switch Transformer style)
    num_tokens = batch * seq
    router_probs = jax.nn.softmax(router_logits, axis=-1)
    expert_mask = jax.nn.one_hot(selected_experts, NUM_EXPERTS, dtype=jnp.float32)  # [b,s,k,E]
    expert_mask = expert_mask.sum(axis=-2)  # [b,s,E]
    tokens_per_expert = expert_mask.sum(axis=(0, 1))  # [E]
    f_i = tokens_per_expert / max(num_tokens, 1)
    P_i = router_probs.mean(axis=(0, 1))
    router_loss = ALPHA * NUM_EXPERTS * (f_i * P_i).sum()
    return (router_weights, selected_experts, router_loss)

if __name__ == "__main__":
    import jax
    _d = setup_inputs()
    print(jax.jit(kernel)(*tuple(_d.values())))

</pallas_src>

<mosaic_0001>
#map = affine_map<(d0, d1) -> (0, 0, 0)>
#map1 = affine_map<(d0, d1) -> (0, 0)>
module attributes {stable_mosaic.version = 14 : i64} {
  func.func @_sc_router_body(%arg0: i32, %arg1: i32, %arg2: memref<32x64x1024xf32, #tpu.memory_space<hbm>>, %arg3: memref<2x32768xf32, #tpu.memory_space<hbm>>, %arg4: memref<2x32768xi32, #tpu.memory_space<hbm>>, %arg5: memref<32x64x16xf32, #tpu.memory_space<hbm>>, %arg6: memref<64x1024xf32, #tpu.memory_space<vmem>>, %arg7: memref<2x1024xf32, #tpu.memory_space<vmem>>, %arg8: memref<2x1024xi32, #tpu.memory_space<vmem>>, %arg9: memref<64x16xf32, #tpu.memory_space<vmem>>, %arg10: memref<!tpu.dma_semaphore, #tpu.memory_space<semaphore_mem>>) attributes {dimension_semantics = [#tpu.dimension_semantics<core_parallel>, #tpu.dimension_semantics<subcore_parallel>], iteration_bounds = array<i64: 2, 16>, scalar_prefetch = 0 : i64, scratch_operands = 5 : i64, tpu.core_type = #tpu.core_type<sc_vector_subcore>, window_params = [{transform_indices = #map}, {transform_indices = #map1}, {transform_indices = #map1}, {transform_indices = #map}]} {
    %mul3A = arith.constant 2 : i32
    %mul3A_0 = arith.muli %arg1, %mul3A : i32
    %add3A = arith.addi %mul3A_0, %arg0 : i32
    %dma_start3A = arith.constant 0 : i32
    %dma_start3A_1 = arith.constant 0 : i32
    %dma_start3A_2 = tpu.memref_slice %arg2[%add3A, %dma_start3A, %dma_start3A_1] : memref<32x64x1024xf32, #tpu.memory_space<hbm>> -> memref<1x64x1024xf32, #tpu.memory_space<hbm>>
    %dma_start3A_3 = tpu.memref_squeeze %dma_start3A_2 : memref<1x64x1024xf32, #tpu.memory_space<hbm>> -> memref<64x1024xf32, #tpu.memory_space<hbm>>
    %dma_start3A_4 = arith.constant 0 : i32
    %dma_start3A_5 = arith.constant 0 : i32
    %dma_start3A_6 = tpu.memref_slice %arg2[%add3A, %dma_start3A_4, %dma_start3A_5] : memref<32x64x1024xf32, #tpu.memory_space<hbm>> -> memref<1x64x1024xf32, #tpu.memory_space<hbm>>
    %dma_start3A_7 = tpu.memref_squeeze %dma_start3A_6 : memref<1x64x1024xf32, #tpu.memory_space<hbm>> -> memref<64x1024xf32, #tpu.memory_space<hbm>>
    tpu.enqueue_dma source(%dma_start3A_7 : memref<64x1024xf32, #tpu.memory_space<hbm>>) target(%arg6 : memref<64x1024xf32, #tpu.memory_space<vmem>>) target_semaphore(%arg10 : memref<!tpu.dma_semaphore, #tpu.memory_space<semaphore_mem>>)
    %broadcast_in_dim3A = arith.constant 0.000000e+00 : f32
    %broadcast_in_dim3A_8 = vector.broadcast %broadcast_in_dim3A : f32 to vector<16xf32>
    %scan3A = arith.constant 0 : i32
    %scan3A_9 = arith.constant 0 : i32
    %scan3A_10 = arith.constant 64 : i32
    %scan3A_11 = arith.addi %scan3A_9, %scan3A_10 : i32
    %scan3A_12 = arith.constant 1 : i32
    %scan3A_13 = scf.for %scan3A_38 = %scan3A_9 to %scan3A_11 step %scan3A_12 iter_args(%scan3A_39 = %scan3A) -> (i32)  : i32 {
      %swap3A = arith.index_cast %scan3A_38 : i32 to index
      %swap3A_40 = arith.constant 0 : index
      %swap3A_41 = tpu.vector_load %arg9[%swap3A, %swap3A_40] {strides = array<i32>} : memref<64x16xf32, #tpu.memory_space<vmem>>, vector<1x16xf32>,
      %swap3A_42 = vector.shape_cast %swap3A_41 : vector<1x16xf32> to vector<16xf32>
      %swap3A_43 = vector.shape_cast %broadcast_in_dim3A_8 : vector<16xf32> to vector<1x16xf32>
      tpu.vector_store %arg9[%swap3A, %swap3A_40], %swap3A_43 {strides = array<i32>} : memref<64x16xf32, #tpu.memory_space<vmem>>, vector<1x16xf32>,
      %scan3A_44 = arith.constant 0 : i32
      scf.yield %scan3A_44 : i32
    }
    %scan3A_14 = arith.constant 64 : i32
    %dma_wait3A = arith.constant 0 : i32
    %dma_wait3A_15 = arith.constant 0 : i32
    %dma_wait3A_16 = tpu.memref_slice %arg2[%add3A, %dma_wait3A, %dma_wait3A_15] : memref<32x64x1024xf32, #tpu.memory_space<hbm>> -> memref<1x64x1024xf32, #tpu.memory_space<hbm>>
    %dma_wait3A_17 = tpu.memref_squeeze %dma_wait3A_16 : memref<1x64x1024xf32, #tpu.memory_space<hbm>> -> memref<64x1024xf32, #tpu.memory_space<hbm>>
    %dma_wait3A_18 = arith.constant 0 : i32
    %dma_wait3A_19 = arith.constant 0 : i32
    %dma_wait3A_20 = tpu.memref_slice %arg2[%add3A, %dma_wait3A_18, %dma_wait3A_19] : memref<32x64x1024xf32, #tpu.memory_space<hbm>> -> memref<1x64x1024xf32, #tpu.memory_space<hbm>>
    %dma_wait3A_21 = tpu.memref_squeeze %dma_wait3A_20 : memref<1x64x1024xf32, #tpu.memory_space<hbm>> -> memref<64x1024xf32, #tpu.memory_space<hbm>>
    tpu.wait_dma2 semaphore(%arg10 : memref<!tpu.dma_semaphore, #tpu.memory_space<semaphore_mem>>) src(%dma_wait3A_21 : memref<64x1024xf32, #tpu.memory_space<hbm>>) dst(%arg6 : memref<64x1024xf32, #tpu.memory_space<vmem>>)
    %scan3A_22 = arith.constant 0 : i32
    %scan3A_23 = arith.constant 0 : i32
    %scan3A_24 = arith.constant 64 : i32
    %scan3A_25 = arith.addi %scan3A_23, %scan3A_24 : i32
    %scan3A_26 = arith.constant 1 : i32
    %scan3A_27 = scf.for %scan3A_38 = %scan3A_23 to %scan3A_25 step %scan3A_26 iter_args(%scan3A_39 = %scan3A_22) -> (i32)  : i32 {
      %mul3A_40 = arith.constant 16 : i32
      %mul3A_41 = arith.muli %scan3A_38, %mul3A_40 : i32
      %get3A = arith.constant 0 : i32
      %get3A_42 = arith.index_cast %get3A : i32 to index
      %get3A_43 = arith.index_cast %mul3A_41 : i32 to index
      %get3A_44 = tpu.vector_load %arg6[%get3A_42, %get3A_43] {strides = array<i32>} : memref<64x1024xf32, #tpu.memory_space<vmem>>, vector<1x16xf32>,
      %get3A_45 = vector.shape_cast %get3A_44 : vector<1x16xf32> to vector<16xf32>
      %broadcast_in_dim3A_46 = arith.constant 0 : i32
      %broadcast_in_dim3A_47 = vector.broadcast %broadcast_in_dim3A_46 : i32 to vector<16xi32>
      %broadcast_in_dim3A_48 = arith.constant 0xFF800000 : f32
      %broadcast_in_dim3A_49 = vector.broadcast %broadcast_in_dim3A_48 : f32 to vector<16xf32>
      %broadcast_in_dim3A_50 = arith.constant 0 : i32
      %broadcast_in_dim3A_51 = vector.broadcast %broadcast_in_dim3A_50 : i32 to vector<16xi32>
      %get3A_52 = arith.constant 1 : i32
      %get3A_53 = arith.index_cast %get3A_52 : i32 to index
      %get3A_54 = arith.index_cast %mul3A_41 : i32 to index
      %get3A_55 = tpu.vector_load %arg6[%get3A_53, %get3A_54] {strides = array<i32>} : memref<64x1024xf32, #tpu.memory_space<vmem>>, vector<1x16xf32>,
      %get3A_56 = vector.shape_cast %get3A_55 : vector<1x16xf32> to vector<16xf32>
      %broadcast_in_dim3A_57 = arith.constant 1 : i32
      %broadcast_in_dim3A_58 = vector.broadcast %broadcast_in_dim3A_57 : i32 to vector<16xi32>
      %gt3A = arith.cmpf ogt, %get3A_56, %get3A_45 : vector<16xf32>
      %gt3A_59 = arith.cmpf ogt, %get3A_56, %broadcast_in_dim3A_49 : vector<16xf32>
      %select_n3A = arith.select %gt3A_59, %get3A_56, %broadcast_in_dim3A_49 : vector<16xi1>, vector<16xf32>
      %select_n3A_60 = arith.select %gt3A, %get3A_45, %select_n3A : vector<16xi1>, vector<16xf32>
      %select_n3A_61 = arith.select %gt3A_59, %broadcast_in_dim3A_58, %broadcast_in_dim3A_51 : vector<16xi1>, vector<16xi32>
      %select_n3A_62 = arith.select %gt3A, %broadcast_in_dim3A_47, %select_n3A_61 : vector<16xi1>, vector<16xi32>
      %select_n3A_63 = arith.select %gt3A, %get3A_56, %get3A_45 : vector<16xi1>, vector<16xf32>
      %select_n3A_64 = arith.select %gt3A, %broadcast_in_dim3A_58, %broadcast_in_dim3A_47 : vector<16xi1>, vector<16xi32>
      %get3A_65 = arith.constant 2 : i32
      %get3A_66 = arith.index_cast %get3A_65 : i32 to index
      %get3A_67 = arith.index_cast %mul3A_41 : i32 to index
      %get3A_68 = tpu.vector_load %arg6[%get3A_66, %get3A_67] {strides = array<i32>} : memref<64x1024xf32, #tpu.memory_space<vmem>>, vector<1x16xf32>,
      %get3A_69 = vector.shape_cast %get3A_68 : vector<1x16xf32> to vector<16xf32>
      %broadcast_in_dim3A_70 = arith.constant 2 : i32
      %broadcast_in_dim3A_71 = vector.broadcast %broadcast_in_dim3A_70 : i32 to vector<16xi32>
      %gt3A_72 = arith.cmpf ogt, %get3A_69, %select_n3A_63 : vector<16xf32>
      %gt3A_73 = arith.cmpf ogt, %get3A_69, %select_n3A_60 : vector<16xf32>
      %select_n3A_74 = arith.select %gt3A_73, %get3A_69, %select_n3A_60 : vector<16xi1>, vector<16xf32>
      %select_n3A_75 = arith.select %gt3A_72, %select_n3A_63, %select_n3A_74 : vector<16xi1>, vector<16xf32>
      %select_n3A_76 = arith.select %gt3A_73, %broadcast_in_dim3A_71, %select_n3A_62 : vector<16xi1>, vector<16xi32>
      %select_n3A_77 = arith.select %gt3A_72, %select_n3A_64, %select_n3A_76 : vector<16xi1>, vector<16xi32>
      %select_n3A_78 = arith.select %gt3A_72, %get3A_69, %select_n3A_63 : vector<16xi1>, vector<16xf32>
      %select_n3A_79 = arith.select %gt3A_72, %broadcast_in_dim3A_71, %select_n3A_64 : vector<16xi1>, vector<16xi32>
      %get3A_80 = arith.constant 3 : i32
      %get3A_81 = arith.index_cast %get3A_80 : i32 to index
      %get3A_82 = arith.index_cast %mul3A_41 : i32 to index
      %get3A_83 = tpu.vector_load %arg6[%get3A_81, %get3A_82] {strides = array<i32>} : memref<64x1024xf32, #tpu.memory_space<vmem>>, vector<1x16xf32>,
      %get3A_84 = vector.shape_cast %get3A_83 : vector<1x16xf32> to vector<16xf32>
      %broadcast_in_dim3A_85 = arith.constant 3 : i32
      %broadcast_in_dim3A_86 = vector.broadcast %broadcast_in_dim3A_85 : i32 to vector<16xi32>
      %gt3A_87 = arith.cmpf ogt, %get3A_84, %select_n3A_78 : vector<16xf32>
      %gt3A_88 = arith.cmpf ogt, %get3A_84, %select_n3A_75 : vector<16xf32>
      %select_n3A_89 = arith.select %gt3A_88, %get3A_84, %select_n3A_75 : vector<16xi1>, vector<16xf32>
      %select_n3A_90 = arith.select %gt3A_87, %select_n3A_78, %select_n3A_89 : vector<16xi1>, vector<16xf32>
      %select_n3A_91 = arith.select %gt3A_88, %broadcast_in_dim3A_86, %select_n3A_77 : vector<16xi1>, vector<16xi32>
      %select_n3A_92 = arith.select %gt3A_87, %select_n3A_79, %select_n3A_91 : vector<16xi1>, vector<16xi32>
      %select_n3A_93 = arith.select %gt3A_87, %get3A_84, %select_n3A_78 : vector<16xi1>, vector<16xf32>
      %select_n3A_94 = arith.select %gt3A_87, %broadcast_in_dim3A_86, %select_n3A_79 : vector<16xi1>, vector<16xi32>
      %get3A_95 = arith.constant 4 : i32
      %get3A_96 = arith.index_cast %get3A_95 : i32 to index
      %get3A_97 = arith.index_cast %mul3A_41 : i32 to index
      %get3A_98 = tpu.vector_load %arg6[%get3A_96, %get3A_97] {strides = array<i32>} : memref<64x1024xf32, #tpu.memory_space<vmem>>, vector<1x16xf32>,
      %get3A_99 = vector.shape_cast %get3A_98 : vector<1x16xf32> to vector<16xf32>
      %broadcast_in_dim3A_100 = arith.constant 4 : i32
      %broadcast_in_dim3A_101 = vector.broadcast %broadcast_in_dim3A_100 : i32 to vector<16xi32>
      %gt3A_102 = arith.cmpf ogt, %get3A_99, %select_n3A_93 : vector<16xf32>
      %gt3A_103 = arith.cmpf ogt, %get3A_99, %select_n3A_90 : vector<16xf32>
      %select_n3A_104 = arith.select %gt3A_103, %get3A_99, %select_n3A_90 : vector<16xi1>, vector<16xf32>
      %select_n3A_105 = arith.select %gt3A_102, %select_n3A_93, %select_n3A_104 : vector<16xi1>, vector<16xf32>
      %select_n3A_106 = arith.select %gt3A_103, %broadcast_in_dim3A_101, %select_n3A_92 : vector<16xi1>, vector<16xi32>
      %select_n3A_107 = arith.select %gt3A_102, %select_n3A_94, %select_n3A_106 : vector<16xi1>, vector<16xi32>
      %select_n3A_108 = arith.select %gt3A_102, %get3A_99, %select_n3A_93 : vector<16xi1>, vector<16xf32>
      %select_n3A_109 = arith.select %gt3A_102, %broadcast_in_dim3A_101, %select_n3A_94 : vector<16xi1>, vector<16xi32>
      %get3A_110 = arith.constant 5 : i32
      %get3A_111 = arith.index_cast %get3A_110 : i32 to index
      %get3A_112 = arith.index_cast %mul3A_41 : i32 to index
      %get3A_113 = tpu.vector_load %arg6[%get3A_111, %get3A_112] {strides = array<i32>} : memref<64x1024xf32, #tpu.memory_space<vmem>>, vector<1x16xf32>,
      %get3A_114 = vector.shape_cast %get3A_113 : vector<1x16xf32> to vector<16xf32>
      %broadcast_in_dim3A_115 = arith.constant 5 : i32
      %broadcast_in_dim3A_116 = vector.broadcast %broadcast_in_dim3A_115 : i32 to vector<16xi32>
      %gt3A_117 = arith.cmpf ogt, %get3A_114, %select_n3A_108 : vector<16xf32>
      %gt3A_118 = arith.cmpf ogt, %get3A_114, %select_n3A_105 : vector<16xf32>
      %select_n3A_119 = arith.select %gt3A_118, %get3A_114, %select_n3A_105 : vector<16xi1>, vector<16xf32>
      %select_n3A_120 = arith.select %gt3A_117, %select_n3A_108, %select_n3A_119 : vector<16xi1>, vector<16xf32>
      %select_n3A_121 = arith.select %gt3A_118, %broadcast_in_dim3A_116, %select_n3A_107 : vector<16xi1>, vector<16xi32>
      %select_n3A_122 = arith.select %gt3A_117, %select_n3A_109, %select_n3A_121 : vector<16xi1>, vector<16xi32>
      %select_n3A_123 = arith.select %gt3A_117, %get3A_114, %select_n3A_108 : vector<16xi1>, vector<16xf32>
      %select_n3A_124 = arith.select %gt3A_117, %broadcast_in_dim3A_116, %select_n3A_109 : vector<16xi1>, vector<16xi32>
      %get3A_125 = arith.constant 6 : i32
      %get3A_126 = arith.index_cast %get3A_125 : i32 to index
      %get3A_127 = arith.index_cast %mul3A_41 : i32 to index
      %get3A_128 = tpu.vector_load %arg6[%get3A_126, %get3A_127] {strides = array<i32>} : memref<64x1024xf32, #tpu.memory_space<vmem>>, vector<1x16xf32>,
      %get3A_129 = vector.shape_cast %get3A_128 : vector<1x16xf32> to vector<16xf32>
      %broadcast_in_dim3A_130 = arith.constant 6 : i32
      %broadcast_in_dim3A_131 = vector.broadcast %broadcast_in_dim3A_130 : i32 to vector<16xi32>
      %gt3A_132 = arith.cmpf ogt, %get3A_129, %select_n3A_123 : vector<16xf32>
      %gt3A_133 = arith.cmpf ogt, %get3A_129, %select_n3A_120 : vector<16xf32>
      %select_n3A_134 = arith.select %gt3A_133, %get3A_129, %select_n3A_120 : vector<16xi1>, vector<16xf32>
      %select_n3A_135 = arith.select %gt3A_132, %select_n3A_123, %select_n3A_134 : vector<16xi1>, vector<16xf32>
      %select_n3A_136 = arith.select %gt3A_133, %broadcast_in_dim3A_131, %select_n3A_122 : vector<16xi1>, vector<16xi32>
      %select_n3A_137 = arith.select %gt3A_132, %select_n3A_124, %select_n3A_136 : vector<16xi1>, vector<16xi32>
      %select_n3A_138 = arith.select %gt3A_132, %get3A_129, %select_n3A_123 : vector<16xi1>, vector<16xf32>
      %select_n3A_139 = arith.select %gt3A_132, %broadcast_in_dim3A_131, %select_n3A_124 : vector<16xi1>, vector<16xi32>
      %get3A_140 = arith.constant 7 : i32
      %get3A_141 = arith.index_cast %get3A_140 : i32 to index
      %get3A_142 = arith.index_cast %mul3A_41 : i32 to index
      %get3A_143 = tpu.vector_load %arg6[%get3A_141, %get3A_142] {strides = array<i32>} : memref<64x1024xf32, #tpu.memory_space<vmem>>, vector<1x16xf32>,
      %get3A_144 = vector.shape_cast %get3A_143 : vector<1x16xf32> to vector<16xf32>
      %broadcast_in_dim3A_145 = arith.constant 7 : i32
      %broadcast_in_dim3A_146 = vector.broadcast %broadcast_in_dim3A_145 : i32 to vector<16xi32>
      %gt3A_147 = arith.cmpf ogt, %get3A_144, %select_n3A_138 : vector<16xf32>
      %gt3A_148 = arith.cmpf ogt, %get3A_144, %select_n3A_135 : vector<16xf32>
      %select_n3A_149 = arith.select %gt3A_148, %get3A_144, %select_n3A_135 : vector<16xi1>, vector<16xf32>
      %select_n3A_150 = arith.select %gt3A_147, %select_n3A_138, %select_n3A_149 : vector<16xi1>, vector<16xf32>
      %select_n3A_151 = arith.select %gt3A_148, %broadcast_in_dim3A_146, %select_n3A_137 : vector<16xi1>, vector<16xi32>
      %select_n3A_152 = arith.select %gt3A_147, %select_n3A_139, %select_n3A_151 : vector<16xi1>, vector<16xi32>
      %select_n3A_153 = arith.select %gt3A_147, %get3A_144, %select_n3A_138 : vector<16xi1>, vector<16xf32>
      %select_n3A_154 = arith.select %gt3A_147, %broadcast_in_dim3A_146, %select_n3A_139 : vector<16xi1>, vector<16xi32>
      %get3A_155 = arith.constant 8 : i32
      %get3A_156 = arith.index_cast %get3A_155 : i32 to index
      %get3A_157 = arith.index_cast %mul3A_41 : i32 to index
      %get3A_158 = tpu.vector_load %arg6[%get3A_156, %get3A_157] {strides = array<i32>} : memref<64x1024xf32, #tpu.memory_space<vmem>>, vector<1x16xf32>,
      %get3A_159 = vector.shape_cast %get3A_158 : vector<1x16xf32> to vector<16xf32>
      %broadcast_in_dim3A_160 = arith.constant 8 : i32
      %broadcast_in_dim3A_161 = vector.broadcast %broadcast_in_dim3A_160 : i32 to vector<16xi32>
      %gt3A_162 = arith.cmpf ogt, %get3A_159, %select_n3A_153 : vector<16xf32>
      %gt3A_163 = arith.cmpf ogt, %get3A_159, %select_n3A_150 : vector<16xf32>
      %select_n3A_164 = arith.select %gt3A_163, %get3A_159, %select_n3A_150 : vector<16xi1>, vector<16xf32>
      %select_n3A_165 = arith.select %gt3A_162, %select_n3A_153, %select_n3A_164 : vector<16xi1>, vector<16xf32>
      %select_n3A_166 = arith.select %gt3A_163, %broadcast_in_dim3A_161, %select_n3A_152 : vector<16xi1>, vector<16xi32>
      %select_n3A_167 = arith.select %gt3A_162, %select_n3A_154, %select_n3A_166 : vector<16xi1>, vector<16xi32>
      %select_n3A_168 = arith.select %gt3A_162, %get3A_159, %select_n3A_153 : vector<16xi1>, vector<16xf32>
      %select_n3A_169 = arith.select %gt3A_162, %broadcast_in_dim3A_161, %select_n3A_154 : vector<16xi1>, vector<16xi32>
      %get3A_170 = arith.constant 9 : i32
      %get3A_171 = arith.index_cast %get3A_170 : i32 to index
      %get3A_172 = arith.index_cast %mul3A_41 : i32 to index
      %get3A_173 = tpu.vector_load %arg6[%get3A_171, %get3A_172] {strides = array<i32>} : memref<64x1024xf32, #tpu.memory_space<vmem>>, vector<1x16xf32>,
      %get3A_174 = vector.shape_cast %get3A_173 : vector<1x16xf32> to vector<16xf32>
      %broadcast_in_dim3A_175 = arith.constant 9 : i32
      %broadcast_in_dim3A_176 = vector.broadcast %broadcast_in_dim3A_175 : i32 to vector<16xi32>
      %gt3A_177 = arith.cmpf ogt, %get3A_174, %select_n3A_168 : vector<16xf32>
      %gt3A_178 = arith.cmpf ogt, %get3A_174, %select_n3A_165 : vector<16xf32>
      %select_n3A_179 = arith.select %gt3A_178, %get3A_174, %select_n3A_165 : vector<16xi1>, vector<16xf32>
      %select_n3A_180 = arith.select %gt3A_177, %select_n3A_168, %select_n3A_179 : vector<16xi1>, vector<16xf32>
      %select_n3A_181 = arith.select %gt3A_178, %broadcast_in_dim3A_176, %select_n3A_167 : vector<16xi1>, vector<16xi32>
      %select_n3A_182 = arith.select %gt3A_177, %select_n3A_169, %select_n3A_181 : vector<16xi1>, vector<16xi32>
      %select_n3A_183 = arith.select %gt3A_177, %get3A_174, %select_n3A_168 : vector<16xi1>, vector<16xf32>
      %select_n3A_184 = arith.select %gt3A_177, %broadcast_in_dim3A_176, %select_n3A_169 : vector<16xi1>, vector<16xi32>
      %get3A_185 = arith.constant 10 : i32
      %get3A_186 = arith.index_cast %get3A_185 : i32 to index
      %get3A_187 = arith.index_cast %mul3A_41 : i32 to index
      %get3A_188 = tpu.vector_load %arg6[%get3A_186, %get3A_187] {strides = array<i32>} : memref<64x1024xf32, #tpu.memory_space<vmem>>, vector<1x16xf32>,
      %get3A_189 = vector.shape_cast %get3A_188 : vector<1x16xf32> to vector<16xf32>
      %broadcast_in_dim3A_190 = arith.constant 10 : i32
      %broadcast_in_dim3A_191 = vector.broadcast %broadcast_in_dim3A_190 : i32 to vector<16xi32>
      %gt3A_192 = arith.cmpf ogt, %get3A_189, %select_n3A_183 : vector<16xf32>
      %gt3A_193 = arith.cmpf ogt, %get3A_189, %select_n3A_180 : vector<16xf32>
      %select_n3A_194 = arith.select %gt3A_193, %get3A_189, %select_n3A_180 : vector<16xi1>, vector<16xf32>
      %select_n3A_195 = arith.select %gt3A_192, %select_n3A_183, %select_n3A_194 : vector<16xi1>, vector<16xf32>
      %select_n3A_196 = arith.select %gt3A_193, %broadcast_in_dim3A_191, %select_n3A_182 : vector<16xi1>, vector<16xi32>
      %select_n3A_197 = arith.select %gt3A_192, %select_n3A_184, %select_n3A_196 : vector<16xi1>, vector<16xi32>
      %select_n3A_198 = arith.select %gt3A_192, %get3A_189, %select_n3A_183 : vector<16xi1>, vector<16xf32>
      %select_n3A_199 = arith.select %gt3A_192, %broadcast_in_dim3A_191, %select_n3A_184 : vector<16xi1>, vector<16xi32>
      %get3A_200 = arith.constant 11 : i32
      %get3A_201 = arith.index_cast %get3A_200 : i32 to index
      %get3A_202 = arith.index_cast %mul3A_41 : i32 to index
      %get3A_203 = tpu.vector_load %arg6[%get3A_201, %get3A_202] {strides = array<i32>} : memref<64x1024xf32, #tpu.memory_space<vmem>>, vector<1x16xf32>,
      %get3A_204 = vector.shape_cast %get3A_203 : vector<1x16xf32> to vector<16xf32>
      %broadcast_in_dim3A_205 = arith.constant 11 : i32
      %broadcast_in_dim3A_206 = vector.broadcast %broadcast_in_dim3A_205 : i32 to vector<16xi32>
      %gt3A_207 = arith.cmpf ogt, %get3A_204, %select_n3A_198 : vector<16xf32>
      %gt3A_208 = arith.cmpf ogt, %get3A_204, %select_n3A_195 : vector<16xf32>
      %select_n3A_209 = arith.select %gt3A_208, %get3A_204, %select_n3A_195 : vector<16xi1>, vector<16xf32>
      %select_n3A_210 = arith.select %gt3A_207, %select_n3A_198, %select_n3A_209 : vector<16xi1>, vector<16xf32>
      %select_n3A_211 = arith.select %gt3A_208, %broadcast_in_dim3A_206, %select_n3A_197 : vector<16xi1>, vector<16xi32>
      %select_n3A_212 = arith.select %gt3A_207, %select_n3A_199, %select_n3A_211 : vector<16xi1>, vector<16xi32>
      %select_n3A_213 = arith.select %gt3A_207, %get3A_204, %select_n3A_198 : vector<16xi1>, vector<16xf32>
      %select_n3A_214 = arith.select %gt3A_207, %broadcast_in_dim3A_206, %select_n3A_199 : vector<16xi1>, vector<16xi32>
      %get3A_215 = arith.constant 12 : i32
      %get3A_216 = arith.index_cast %get3A_215 : i32 to index
      %get3A_217 = arith.index_cast %mul3A_41 : i32 to index
      %get3A_218 = tpu.vector_load %arg6[%get3A_216, %get3A_217] {strides = array<i32>} : memref<64x1024xf32, #tpu.memory_space<vmem>>, vector<1x16xf32>,
      %get3A_219 = vector.shape_cast %get3A_218 : vector<1x16xf32> to vector<16xf32>
      %broadcast_in_dim3A_220 = arith.constant 12 : i32
      %broadcast_in_dim3A_221 = vector.broadcast %broadcast_in_dim3A_220 : i32 to vector<16xi32>
      %gt3A_222 = arith.cmpf ogt, %get3A_219, %select_n3A_213 : vector<16xf32>
      %gt3A_223 = arith.cmpf ogt, %get3A_219, %select_n3A_210 : vector<16xf32>
      %select_n3A_224 = arith.select %gt3A_223, %get3A_219, %select_n3A_210 : vector<16xi1>, vector<16xf32>
      %select_n3A_225 = arith.select %gt3A_222, %select_n3A_213, %select_n3A_224 : vector<16xi1>, vector<16xf32>
      %select_n3A_226 = arith.select %gt3A_223, %broadcast_in_dim3A_221, %select_n3A_212 : vector<16xi1>, vector<16xi32>
      %select_n3A_227 = arith.select %gt3A_222, %select_n3A_214, %select_n3A_226 : vector<16xi1>, vector<16xi32>
      %select_n3A_228 = arith.select %gt3A_222, %get3A_219, %select_n3A_213 : vector<16xi1>, vector<16xf32>
      %select_n3A_229 = arith.select %gt3A_222, %broadcast_in_dim3A_221, %select_n3A_214 : vector<16xi1>, vector<16xi32>
      %get3A_230 = arith.constant 13 : i32
      %get3A_231 = arith.index_cast %get3A_230 : i32 to index
      %get3A_232 = arith.index_cast %mul3A_41 : i32 to index
      %get3A_233 = tpu.vector_load %arg6[%get3A_231, %get3A_232] {strides = array<i32>} : memref<64x1024xf32, #tpu.memory_space<vmem>>, vector<1x16xf32>,
      %get3A_234 = vector.shape_cast %get3A_233 : vector<1x16xf32> to vector<16xf32>
      %broadcast_in_dim3A_235 = arith.constant 13 : i32
      %broadcast_in_dim3A_236 = vector.broadcast %broadcast_in_dim3A_235 : i32 to vector<16xi32>
      %gt3A_237 = arith.cmpf ogt, %get3A_234, %select_n3A_228 : vector<16xf32>
      %gt3A_238 = arith.cmpf ogt, %get3A_234, %select_n3A_225 : vector<16xf32>
      %select_n3A_239 = arith.select %gt3A_238, %get3A_234, %select_n3A_225 : vector<16xi1>, vector<16xf32>
      %select_n3A_240 = arith.select %gt3A_237, %select_n3A_228, %select_n3A_239 : vector<16xi1>, vector<16xf32>
      %select_n3A_241 = arith.select %gt3A_238, %broadcast_in_dim3A_236, %select_n3A_227 : vector<16xi1>, vector<16xi32>
      %select_n3A_242 = arith.select %gt3A_237, %select_n3A_229, %select_n3A_241 : vector<16xi1>, vector<16xi32>
      %select_n3A_243 = arith.select %gt3A_237, %get3A_234, %select_n3A_228 : vector<16xi1>, vector<16xf32>
      %select_n3A_244 = arith.select %gt3A_237, %broadcast_in_dim3A_236, %select_n3A_229 : vector<16xi1>, vector<16xi32>
      %get3A_245 = arith.constant 14 : i32
      %get3A_246 = arith.index_cast %get3A_245 : i32 to index
      %get3A_247 = arith.index_cast %mul3A_41 : i32 to index
      %get3A_248 = tpu.vector_load %arg6[%get3A_246, %get3A_247] {strides = array<i32>} : memref<64x1024xf32, #tpu.memory_space<vmem>>, vector<1x16xf32>,
      %get3A_249 = vector.shape_cast %get3A_248 : vector<1x16xf32> to vector<16xf32>
      %broadcast_in_dim3A_250 = arith.constant 14 : i32
      %broadcast_in_dim3A_251 = vector.broadcast %broadcast_in_dim3A_250 : i32 to vector<16xi32>
      %gt3A_252 = arith.cmpf ogt, %get3A_249, %select_n3A_243 : vector<16xf32>
      %gt3A_253 = arith.cmpf ogt, %get3A_249, %select_n3A_240 : vector<16xf32>
      %select_n3A_254 = arith.select %gt3A_253, %get3A_249, %select_n3A_240 : vector<16xi1>, vector<16xf32>
      %select_n3A_255 = arith.select %gt3A_252, %select_n3A_243, %select_n3A_254 : vector<16xi1>, vector<16xf32>
      %select_n3A_256 = arith.select %gt3A_253, %broadcast_in_dim3A_251, %select_n3A_242 : vector<16xi1>, vector<16xi32>
      %select_n3A_257 = arith.select %gt3A_252, %select_n3A_244, %select_n3A_256 : vector<16xi1>, vector<16xi32>
      %select_n3A_258 = arith.select %gt3A_252, %get3A_249, %select_n3A_243 : vector<16xi1>, vector<16xf32>
      %select_n3A_259 = arith.select %gt3A_252, %broadcast_in_dim3A_251, %select_n3A_244 : vector<16xi1>, vector<16xi32>
      %get3A_260 = arith.constant 15 : i32
      %get3A_261 = arith.index_cast %get3A_260 : i32 to index
      %get3A_262 = arith.index_cast %mul3A_41 : i32 to index
      %get3A_263 = tpu.vector_load %arg6[%get3A_261, %get3A_262] {strides = array<i32>} : memref<64x1024xf32, #tpu.memory_space<vmem>>, vector<1x16xf32>,
      %get3A_264 = vector.shape_cast %get3A_263 : vector<1x16xf32> to vector<16xf32>
      %broadcast_in_dim3A_265 = arith.constant 15 : i32
      %broadcast_in_dim3A_266 = vector.broadcast %broadcast_in_dim3A_265 : i32 to vector<16xi32>
      %gt3A_267 = arith.cmpf ogt, %get3A_264, %select_n3A_258 : vector<16xf32>
      %gt3A_268 = arith.cmpf ogt, %get3A_264, %select_n3A_255 : vector<16xf32>
      %select_n3A_269 = arith.select %gt3A_268, %get3A_264, %select_n3A_255 : vector<16xi1>, vector<16xf32>
      %select_n3A_270 = arith.select %gt3A_267, %select_n3A_258, %select_n3A_269 : vector<16xi1>, vector<16xf32>
      %select_n3A_271 = arith.select %gt3A_268, %broadcast_in_dim3A_266, %select_n3A_257 : vector<16xi1>, vector<16xi32>
      %select_n3A_272 = arith.select %gt3A_267, %select_n3A_259, %select_n3A_271 : vector<16xi1>, vector<16xi32>
      %select_n3A_273 = arith.select %gt3A_267, %get3A_264, %select_n3A_258 : vector<16xi1>, vector<16xf32>
      %select_n3A_274 = arith.select %gt3A_267, %broadcast_in_dim3A_266, %select_n3A_259 : vector<16xi1>, vector<16xi32>
      %get3A_275 = arith.constant 16 : i32
      %get3A_276 = arith.index_cast %get3A_275 : i32 to index
      %get3A_277 = arith.index_cast %mul3A_41 : i32 to index
      %get3A_278 = tpu.vector_load %arg6[%get3A_276, %get3A_277] {strides = array<i32>} : memref<64x1024xf32, #tpu.memory_space<vmem>>, vector<1x16xf32>,
      %get3A_279 = vector.shape_cast %get3A_278 : vector<1x16xf32> to vector<16xf32>
      %broadcast_in_dim3A_280 = arith.constant 16 : i32
      %broadcast_in_dim3A_281 = vector.broadcast %broadcast_in_dim3A_280 : i32 to vector<16xi32>
      %gt3A_282 = arith.cmpf ogt, %get3A_279, %select_n3A_273 : vector<16xf32>
      %gt3A_283 = arith.cmpf ogt, %get3A_279, %select_n3A_270 : vector<16xf32>
      %select_n3A_284 = arith.select %gt3A_283, %get3A_279, %select_n3A_270 : vector<16xi1>, vector<16xf32>
      %select_n3A_285 = arith.select %gt3A_282, %select_n3A_273, %select_n3A_284 : vector<16xi1>, vector<16xf32>
      %select_n3A_286 = arith.select %gt3A_283, %broadcast_in_dim3A_281, %select_n3A_272 : vector<16xi1>, vector<16xi32>
      %select_n3A_287 = arith.select %gt3A_282, %select_n3A_274, %select_n3A_286 : vector<16xi1>, vector<16xi32>
      %select_n3A_288 = arith.select %gt3A_282, %get3A_279, %select_n3A_273 : vector<16xi1>, vector<16xf32>
      %select_n3A_289 = arith.select %gt3A_282, %broadcast_in_dim3A_281, %select_n3A_274 : vector<16xi1>, vector<16xi32>
      %get3A_290 = arith.constant 17 : i32
      %get3A_291 = arith.index_cast %get3A_290 : i32 to index
      %get3A_292 = arith.index_cast %mul3A_41 : i32 to index
      %get3A_293 = tpu.vector_load %arg6[%get3A_291, %get3A_292] {strides = array<i32>} : memref<64x1024xf32, #tpu.memory_space<vmem>>, vector<1x16xf32>,
      %get3A_294 = vector.shape_cast %get3A_293 : vector<1x16xf32> to vector<16xf32>
      %broadcast_in_dim3A_295 = arith.constant 17 : i32
      %broadcast_in_dim3A_296 = vector.broadcast %broadcast_in_dim3A_295 : i32 to vector<16xi32>
      %gt3A_297 = arith.cmpf ogt, %get3A_294, %select_n3A_288 : vector<16xf32>
      %gt3A_298 = arith.cmpf ogt, %get3A_294, %select_n3A_285 : vector<16xf32>
      %select_n3A_299 = arith.select %gt3A_298, %get3A_294, %select_n3A_285 : vector<16xi1>, vector<16xf32>
      %select_n3A_300 = arith.select %gt3A_297, %select_n3A_288, %select_n3A_299 : vector<16xi1>, vector<16xf32>
      %select_n3A_301 = arith.select %gt3A_298, %broadcast_in_dim3A_296, %select_n3A_287 : vector<16xi1>, vector<16xi32>
      %select_n3A_302 = arith.select %gt3A_297, %select_n3A_289, %select_n3A_301 : vector<16xi1>, vector<16xi32>
      %select_n3A_303 = arith.select %gt3A_297, %get3A_294, %select_n3A_288 : vector<16xi1>, vector<16xf32>
      %select_n3A_304 = arith.select %gt3A_297, %broadcast_in_dim3A_296, %select_n3A_289 : vector<16xi1>, vector<16xi32>
      %get3A_305 = arith.constant 18 : i32
      %get3A_306 = arith.index_cast %get3A_305 : i32 to index
      %get3A_307 = arith.index_cast %mul3A_41 : i32 to index
      %get3A_308 = tpu.vector_load %arg6[%get3A_306, %get3A_307] {strides = array<i32>} : memref<64x1024xf32, #tpu.memory_space<vmem>>, vector<1x16xf32>,
      %get3A_309 = vector.shape_cast %get3A_308 : vector<1x16xf32> to vector<16xf32>
      %broadcast_in_dim3A_310 = arith.constant 18 : i32
      %broadcast_in_dim3A_311 = vector.broadcast %broadcast_in_dim3A_310 : i32 to vector<16xi32>
      %gt3A_312 = arith.cmpf ogt, %get3A_309, %select_n3A_303 : vector<16xf32>
      %gt3A_313 = arith.cmpf ogt, %get3A_309, %select_n3A_300 : vector<16xf32>
      %select_n3A_314 = arith.select %gt3A_313, %get3A_309, %select_n3A_300 : vector<16xi1>, vector<16xf32>
      %select_n3A_315 = arith.select %gt3A_312, %select_n3A_303, %select_n3A_314 : vector<16xi1>, vector<16xf32>
      %select_n3A_316 = arith.select %gt3A_313, %broadcast_in_dim3A_311, %select_n3A_302 : vector<16xi1>, vector<16xi32>
      %select_n3A_317 = arith.select %gt3A_312, %select_n3A_304, %select_n3A_316 : vector<16xi1>, vector<16xi32>
      %select_n3A_318 = arith.select %gt3A_312, %get3A_309, %select_n3A_303 : vector<16xi1>, vector<16xf32>
      %select_n3A_319 = arith.select %gt3A_312, %broadcast_in_dim3A_311, %select_n3A_304 : vector<16xi1>, vector<16xi32>
      %get3A_320 = arith.constant 19 : i32
      %get3A_321 = arith.index_cast %get3A_320 : i32 to index
      %get3A_322 = arith.index_cast %mul3A_41 : i32 to index
      %get3A_323 = tpu.vector_load %arg6[%get3A_321, %get3A_322] {strides = array<i32>} : memref<64x1024xf32, #tpu.memory_space<vmem>>, vector<1x16xf32>,
      %get3A_324 = vector.shape_cast %get3A_323 : vector<1x16xf32> to vector<16xf32>
      %broadcast_in_dim3A_325 = arith.constant 19 : i32
      %broadcast_in_dim3A_326 = vector.broadcast %broadcast_in_dim3A_325 : i32 to vector<16xi32>
      %gt3A_327 = arith.cmpf ogt, %get3A_324, %select_n3A_318 : vector<16xf32>
      %gt3A_328 = arith.cmpf ogt, %get3A_324, %select_n3A_315 : vector<16xf32>
      %select_n3A_329 = arith.select %gt3A_328, %get3A_324, %select_n3A_315 : vector<16xi1>, vector<16xf32>
      %select_n3A_330 = arith.select %gt3A_327, %select_n3A_318, %select_n3A_329 : vector<16xi1>, vector<16xf32>
      %select_n3A_331 = arith.select %gt3A_328, %broadcast_in_dim3A_326, %select_n3A_317 : vector<16xi1>, vector<16xi32>
      %select_n3A_332 = arith.select %gt3A_327, %select_n3A_319, %select_n3A_331 : vector<16xi1>, vector<16xi32>
      %select_n3A_333 = arith.select %gt3A_327, %get3A_324, %select_n3A_318 : vector<16xi1>, vector<16xf32>
      %select_n3A_334 = arith.select %gt3A_327, %broadcast_in_dim3A_326, %select_n3A_319 : vector<16xi1>, vector<16xi32>
      %get3A_335 = arith.constant 20 : i32
      %get3A_336 = arith.index_cast %get3A_335 : i32 to index
      %get3A_337 = arith.index_cast %mul3A_41 : i32 to index
      %get3A_338 = tpu.vector_load %arg6[%get3A_336, %get3A_337] {strides = array<i32>} : memref<64x1024xf32, #tpu.memory_space<vmem>>, vector<1x16xf32>,
      %get3A_339 = vector.shape_cast %get3A_338 : vector<1x16xf32> to vector<16xf32>
      %broadcast_in_dim3A_340 = arith.constant 20 : i32
      %broadcast_in_dim3A_341 = vector.broadcast %broadcast_in_dim3A_340 : i32 to vector<16xi32>
      %gt3A_342 = arith.cmpf ogt, %get3A_339, %select_n3A_333 : vector<16xf32>
      %gt3A_343 = arith.cmpf ogt, %get3A_339, %select_n3A_330 : vector<16xf32>
      %select_n3A_344 = arith.select %gt3A_343, %get3A_339, %select_n3A_330 : vector<16xi1>, vector<16xf32>
      %select_n3A_345 = arith.select %gt3A_342, %select_n3A_333, %select_n3A_344 : vector<16xi1>, vector<16xf32>
      %select_n3A_346 = arith.select %gt3A_343, %broadcast_in_dim3A_341, %select_n3A_332 : vector<16xi1>, vector<16xi32>
      %select_n3A_347 = arith.select %gt3A_342, %select_n3A_334, %select_n3A_346 : vector<16xi1>, vector<16xi32>
      %select_n3A_348 = arith.select %gt3A_342, %get3A_339, %select_n3A_333 : vector<16xi1>, vector<16xf32>
      %select_n3A_349 = arith.select %gt3A_342, %broadcast_in_dim3A_341, %select_n3A_334 : vector<16xi1>, vector<16xi32>
      %get3A_350 = arith.constant 21 : i32
      %get3A_351 = arith.index_cast %get3A_350 : i32 to index
      %get3A_352 = arith.index_cast %mul3A_41 : i32 to index
      %get3A_353 = tpu.vector_load %arg6[%get3A_351, %get3A_352] {strides = array<i32>} : memref<64x1024xf32, #tpu.memory_space<vmem>>, vector<1x16xf32>,
      %get3A_354 = vector.shape_cast %get3A_353 : vector<1x16xf32> to vector<16xf32>
      %broadcast_in_dim3A_355 = arith.constant 21 : i32
      %broadcast_in_dim3A_356 = vector.broadcast %broadcast_in_dim3A_355 : i32 to vector<16xi32>
      %gt3A_357 = arith.cmpf ogt, %get3A_354, %select_n3A_348 : vector<16xf32>
      %gt3A_358 = arith.cmpf ogt, %get3A_354, %select_n3A_345 : vector<16xf32>
      %select_n3A_359 = arith.select %gt3A_358, %get3A_354, %select_n3A_345 : vector<16xi1>, vector<16xf32>
      %select_n3A_360 = arith.select %gt3A_357, %select_n3A_348, %select_n3A_359 : vector<16xi1>, vector<16xf32>
      %select_n3A_361 = arith.select %gt3A_358, %broadcast_in_dim3A_356, %select_n3A_347 : vector<16xi1>, vector<16xi32>
      %select_n3A_362 = arith.select %gt3A_357, %select_n3A_349, %select_n3A_361 : vector<16xi1>, vector<16xi32>
      %select_n3A_363 = arith.select %gt3A_357, %get3A_354, %select_n3A_348 : vector<16xi1>, vector<16xf32>
      %select_n3A_364 = arith.select %gt3A_357, %broadcast_in_dim3A_356, %select_n3A_349 : vector<16xi1>, vector<16xi32>
      %get3A_365 = arith.constant 22 : i32
      %get3A_366 = arith.index_cast %get3A_365 : i32 to index
      %get3A_367 = arith.index_cast %mul3A_41 : i32 to index
      %get3A_368 = tpu.vector_load %arg6[%get3A_366, %get3A_367] {strides = array<i32>} : memref<64x1024xf32, #tpu.memory_space<vmem>>, vector<1x16xf32>,
      %get3A_369 = vector.shape_cast %get3A_368 : vector<1x16xf32> to vector<16xf32>
      %broadcast_in_dim3A_370 = arith.constant 22 : i32
      %broadcast_in_dim3A_371 = vector.broadcast %broadcast_in_dim3A_370 : i32 to vector<16xi32>
      %gt3A_372 = arith.cmpf ogt, %get3A_369, %select_n3A_363 : vector<16xf32>
      %gt3A_373 = arith.cmpf ogt, %get3A_369, %select_n3A_360 : vector<16xf32>
      %select_n3A_374 = arith.select %gt3A_373, %get3A_369, %select_n3A_360 : vector<16xi1>, vector<16xf32>
      %select_n3A_375 = arith.select %gt3A_372, %select_n3A_363, %select_n3A_374 : vector<16xi1>, vector<16xf32>
      %select_n3A_376 = arith.select %gt3A_373, %broadcast_in_dim3A_371, %select_n3A_362 : vector<16xi1>, vector<16xi32>
      %select_n3A_377 = arith.select %gt3A_372, %select_n3A_364, %select_n3A_376 : vector<16xi1>, vector<16xi32>
      %select_n3A_378 = arith.select %gt3A_372, %get3A_369, %select_n3A_363 : vector<16xi1>, vector<16xf32>
      %select_n3A_379 = arith.select %gt3A_372, %broadcast_in_dim3A_371, %select_n3A_364 : vector<16xi1>, vector<16xi32>
      %get3A_380 = arith.constant 23 : i32
      %get3A_381 = arith.index_cast %get3A_380 : i32 to index
      %get3A_382 = arith.index_cast %mul3A_41 : i32 to index
      %get3A_383 = tpu.vector_load %arg6[%get3A_381, %get3A_382] {strides = array<i32>} : memref<64x1024xf32, #tpu.memory_space<vmem>>, vector<1x16xf32>,
      %get3A_384 = vector.shape_cast %get3A_383 : vector<1x16xf32> to vector<16xf32>
      %broadcast_in_dim3A_385 = arith.constant 23 : i32
      %broadcast_in_dim3A_386 = vector.broadcast %broadcast_in_dim3A_385 : i32 to vector<16xi32>
      %gt3A_387 = arith.cmpf ogt, %get3A_384, %select_n3A_378 : vector<16xf32>
      %gt3A_388 = arith.cmpf ogt, %get3A_384, %select_n3A_375 : vector<16xf32>
      %select_n3A_389 = arith.select %gt3A_388, %get3A_384, %select_n3A_375 : vector<16xi1>, vector<16xf32>
      %select_n3A_390 = arith.select %gt3A_387, %select_n3A_378, %select_n3A_389 : vector<16xi1>, vector<16xf32>
      %select_n3A_391 = arith.select %gt3A_388, %broadcast_in_dim3A_386, %select_n3A_377 : vector<16xi1>, vector<16xi32>
      %select_n3A_392 = arith.select %gt3A_387, %select_n3A_379, %select_n3A_391 : vector<16xi1>, vector<16xi32>
      %select_n3A_393 = arith.select %gt3A_387, %get3A_384, %select_n3A_378 : vector<16xi1>, vector<16xf32>
      %select_n3A_394 = arith.select %gt3A_387, %broadcast_in_dim3A_386, %select_n3A_379 : vector<16xi1>, vector<16xi32>
      %get3A_395 = arith.constant 24 : i32
      %get3A_396 = arith.index_cast %get3A_395 : i32 to index
      %get3A_397 = arith.index_cast %mul3A_41 : i32 to index
      %get3A_398 = tpu.vector_load %arg6[%get3A_396, %get3A_397] {strides = array<i32>} : memref<64x1024xf32, #tpu.memory_space<vmem>>, vector<1x16xf32>,
      %get3A_399 = vector.shape_cast %get3A_398 : vector<1x16xf32> to vector<16xf32>
      %broadcast_in_dim3A_400 = arith.constant 24 : i32
      %broadcast_in_dim3A_401 = vector.broadcast %broadcast_in_dim3A_400 : i32 to vector<16xi32>
      %gt3A_402 = arith.cmpf ogt, %get3A_399, %select_n3A_393 : vector<16xf32>
      %gt3A_403 = arith.cmpf ogt, %get3A_399, %select_n3A_390 : vector<16xf32>
      %select_n3A_404 = arith.select %gt3A_403, %get3A_399, %select_n3A_390 : vector<16xi1>, vector<16xf32>
      %select_n3A_405 = arith.select %gt3A_402, %select_n3A_393, %select_n3A_404 : vector<16xi1>, vector<16xf32>
      %select_n3A_406 = arith.select %gt3A_403, %broadcast_in_dim3A_401, %select_n3A_392 : vector<16xi1>, vector<16xi32>
      %select_n3A_407 = arith.select %gt3A_402, %select_n3A_394, %select_n3A_406 : vector<16xi1>, vector<16xi32>
      %select_n3A_408 = arith.select %gt3A_402, %get3A_399, %select_n3A_393 : vector<16xi1>, vector<16xf32>
      %select_n3A_409 = arith.select %gt3A_402, %broadcast_in_dim3A_401, %select_n3A_394 : vector<16xi1>, vector<16xi32>
      %get3A_410 = arith.constant 25 : i32
      %get3A_411 = arith.index_cast %get3A_410 : i32 to index
      %get3A_412 = arith.index_cast %mul3A_41 : i32 to index
      %get3A_413 = tpu.vector_load %arg6[%get3A_411, %get3A_412] {strides = array<i32>} : memref<64x1024xf32, #tpu.memory_space<vmem>>, vector<1x16xf32>,
      %get3A_414 = vector.shape_cast %get3A_413 : vector<1x16xf32> to vector<16xf32>
      %broadcast_in_dim3A_415 = arith.constant 25 : i32
      %broadcast_in_dim3A_416 = vector.broadcast %broadcast_in_dim3A_415 : i32 to vector<16xi32>
      %gt3A_417 = arith.cmpf ogt, %get3A_414, %select_n3A_408 : vector<16xf32>
      %gt3A_418 = arith.cmpf ogt, %get3A_414, %select_n3A_405 : vector<16xf32>
      %select_n3A_419 = arith.select %gt3A_418, %get3A_414, %select_n3A_405 : vector<16xi1>, vector<16xf32>
      %select_n3A_420 = arith.select %gt3A_417, %select_n3A_408, %select_n3A_419 : vector<16xi1>, vector<16xf32>
      %select_n3A_421 = arith.select %gt3A_418, %broadcast_in_dim3A_416, %select_n3A_407 : vector<16xi1>, vector<16xi32>
      %select_n3A_422 = arith.select %gt3A_417, %select_n3A_409, %select_n3A_421 : vector<16xi1>, vector<16xi32>
      %select_n3A_423 = arith.select %gt3A_417, %get3A_414, %select_n3A_408 : vector<16xi1>, vector<16xf32>
      %select_n3A_424 = arith.select %gt3A_417, %broadcast_in_dim3A_416, %select_n3A_409 : vector<16xi1>, vector<16xi32>
      %get3A_425 = arith.constant 26 : i32
      %get3A_426 = arith.index_cast %get3A_425 : i32 to index
      %get3A_427 = arith.index_cast %mul3A_41 : i32 to index
      %get3A_428 = tpu.vector_load %arg6[%get3A_426, %get3A_427] {strides = array<i32>} : memref<64x1024xf32, #tpu.memory_space<vmem>>, vector<1x16xf32>,
      %get3A_429 = vector.shape_cast %get3A_428 : vector<1x16xf32> to vector<16xf32>
      %broadcast_in_dim3A_430 = arith.constant 26 : i32
      %broadcast_in_dim3A_431 = vector.broadcast %broadcast_in_dim3A_430 : i32 to vector<16xi32>
      %gt3A_432 = arith.cmpf ogt, %get3A_429, %select_n3A_423 : vector<16xf32>
      %gt3A_433 = arith.cmpf ogt, %get3A_429, %select_n3A_420 : vector<16xf32>
      %select_n3A_434 = arith.select %gt3A_433, %get3A_429, %select_n3A_420 : vector<16xi1>, vector<16xf32>
      %select_n3A_435 = arith.select %gt3A_432, %select_n3A_423, %select_n3A_434 : vector<16xi1>, vector<16xf32>
      %select_n3A_436 = arith.select %gt3A_433, %broadcast_in_dim3A_431, %select_n3A_422 : vector<16xi1>, vector<16xi32>
      %select_n3A_437 = arith.select %gt3A_432, %select_n3A_424, %select_n3A_436 : vector<16xi1>, vector<16xi32>
      %select_n3A_438 = arith.select %gt3A_432, %get3A_429, %select_n3A_423 : vector<16xi1>, vector<16xf32>
      %select_n3A_439 = arith.select %gt3A_432, %broadcast_in_dim3A_431, %select_n3A_424 : vector<16xi1>, vector<16xi32>
      %get3A_440 = arith.constant 27 : i32
      %get3A_441 = arith.index_cast %get3A_440 : i32 to index
      %get3A_442 = arith.index_cast %mul3A_41 : i32 to index
      %get3A_443 = tpu.vector_load %arg6[%get3A_441, %get3A_442] {strides = array<i32>} : memref<64x1024xf32, #tpu.memory_space<vmem>>, vector<1x16xf32>,
      %get3A_444 = vector.shape_cast %get3A_443 : vector<1x16xf32> to vector<16xf32>
      %broadcast_in_dim3A_445 = arith.constant 27 : i32
      %broadcast_in_dim3A_446 = vector.broadcast %broadcast_in_dim3A_445 : i32 to vector<16xi32>
      %gt3A_447 = arith.cmpf ogt, %get3A_444, %select_n3A_438 : vector<16xf32>
      %gt3A_448 = arith.cmpf ogt, %get3A_444, %select_n3A_435 : vector<16xf32>
      %select_n3A_449 = arith.select %gt3A_448, %get3A_444, %select_n3A_435 : vector<16xi1>, vector<16xf32>
      %select_n3A_450 = arith.select %gt3A_447, %select_n3A_438, %select_n3A_449 : vector<16xi1>, vector<16xf32>
      %select_n3A_451 = arith.select %gt3A_448, %broadcast_in_dim3A_446, %select_n3A_437 : vector<16xi1>, vector<16xi32>
      %select_n3A_452 = arith.select %gt3A_447, %select_n3A_439, %select_n3A_451 : vector<16xi1>, vector<16xi32>
      %select_n3A_453 = arith.select %gt3A_447, %get3A_444, %select_n3A_438 : vector<16xi1>, vector<16xf32>
      %select_n3A_454 = arith.select %gt3A_447, %broadcast_in_dim3A_446, %select_n3A_439 : vector<16xi1>, vector<16xi32>
      %get3A_455 = arith.constant 28 : i32
      %get3A_456 = arith.index_cast %get3A_455 : i32 to index
      %get3A_457 = arith.index_cast %mul3A_41 : i32 to index
      %get3A_458 = tpu.vector_load %arg6[%get3A_456, %get3A_457] {strides = array<i32>} : memref<64x1024xf32, #tpu.memory_space<vmem>>, vector<1x16xf32>,
      %get3A_459 = vector.shape_cast %get3A_458 : vector<1x16xf32> to vector<16xf32>
      %broadcast_in_dim3A_460 = arith.constant 28 : i32
      %broadcast_in_dim3A_461 = vector.broadcast %broadcast_in_dim3A_460 : i32 to vector<16xi32>
      %gt3A_462 = arith.cmpf ogt, %get3A_459, %select_n3A_453 : vector<16xf32>
      %gt3A_463 = arith.cmpf ogt, %get3A_459, %select_n3A_450 : vector<16xf32>
      %select_n3A_464 = arith.select %gt3A_463, %get3A_459, %select_n3A_450 : vector<16xi1>, vector<16xf32>
      %select_n3A_465 = arith.select %gt3A_462, %select_n3A_453, %select_n3A_464 : vector<16xi1>, vector<16xf32>
      %select_n3A_466 = arith.select %gt3A_463, %broadcast_in_dim3A_461, %select_n3A_452 : vector<16xi1>, vector<16xi32>
      %select_n3A_467 = arith.select %gt3A_462, %select_n3A_454, %select_n3A_466 : vector<16xi1>, vector<16xi32>
      %select_n3A_468 = arith.select %gt3A_462, %get3A_459, %select_n3A_453 : vector<16xi1>, vector<16xf32>
      %select_n3A_469 = arith.select %gt3A_462, %broadcast_in_dim3A_461, %select_n3A_454 : vector<16xi1>, vector<16xi32>
      %get3A_470 = arith.constant 29 : i32
      %get3A_471 = arith.index_cast %get3A_470 : i32 to index
      %get3A_472 = arith.index_cast %mul3A_41 : i32 to index
      %get3A_473 = tpu.vector_load %arg6[%get3A_471, %get3A_472] {strides = array<i32>} : memref<64x1024xf32, #tpu.memory_space<vmem>>, vector<1x16xf32>,
      %get3A_474 = vector.shape_cast %get3A_473 : vector<1x16xf32> to vector<16xf32>
      %broadcast_in_dim3A_475 = arith.constant 29 : i32
      %broadcast_in_dim3A_476 = vector.broadcast %broadcast_in_dim3A_475 : i32 to vector<16xi32>
      %gt3A_477 = arith.cmpf ogt, %get3A_474, %select_n3A_468 : vector<16xf32>
      %gt3A_478 = arith.cmpf ogt, %get3A_474, %select_n3A_465 : vector<16xf32>
      %select_n3A_479 = arith.select %gt3A_478, %get3A_474, %select_n3A_465 : vector<16xi1>, vector<16xf32>
      %select_n3A_480 = arith.select %gt3A_477, %select_n3A_468, %select_n3A_479 : vector<16xi1>, vector<16xf32>
      %select_n3A_481 = arith.select %gt3A_478, %broadcast_in_dim3A_476, %select_n3A_467 : vector<16xi1>, vector<16xi32>
      %select_n3A_482 = arith.select %gt3A_477, %select_n3A_469, %select_n3A_481 : vector<16xi1>, vector<16xi32>
      %select_n3A_483 = arith.select %gt3A_477, %get3A_474, %select_n3A_468 : vector<16xi1>, vector<16xf32>
      %select_n3A_484 = arith.select %gt3A_477, %broadcast_in_dim3A_476, %select_n3A_469 : vector<16xi1>, vector<16xi32>
      %get3A_485 = arith.constant 30 : i32
      %get3A_486 = arith.index_cast %get3A_485 : i32 to index
      %get3A_487 = arith.index_cast %mul3A_41 : i32 to index
      %get3A_488 = tpu.vector_load %arg6[%get3A_486, %get3A_487] {strides = array<i32>} : memref<64x1024xf32, #tpu.memory_space<vmem>>, vector<1x16xf32>,
      %get3A_489 = vector.shape_cast %get3A_488 : vector<1x16xf32> to vector<16xf32>
      %broadcast_in_dim3A_490 = arith.constant 30 : i32
      %broadcast_in_dim3A_491 = vector.broadcast %broadcast_in_dim3A_490 : i32 to vector<16xi32>
      %gt3A_492 = arith.cmpf ogt, %get3A_489, %select_n3A_483 : vector<16xf32>
      %gt3A_493 = arith.cmpf ogt, %get3A_489, %select_n3A_480 : vector<16xf32>
      %select_n3A_494 = arith.select %gt3A_493, %get3A_489, %select_n3A_480 : vector<16xi1>, vector<16xf32>
      %select_n3A_495 = arith.select %gt3A_492, %select_n3A_483, %select_n3A_494 : vector<16xi1>, vector<16xf32>
      %select_n3A_496 = arith.select %gt3A_493, %broadcast_in_dim3A_491, %select_n3A_482 : vector<16xi1>, vector<16xi32>
      %select_n3A_497 = arith.select %gt3A_492, %select_n3A_484, %select_n3A_496 : vector<16xi1>, vector<16xi32>
      %select_n3A_498 = arith.select %gt3A_492, %get3A_489, %select_n3A_483 : vector<16xi1>, vector<16xf32>
      %select_n3A_499 = arith.select %gt3A_492, %broadcast_in_dim3A_491, %select_n3A_484 : vector<16xi1>, vector<16xi32>
      %get3A_500 = arith.constant 31 : i32
      %get3A_501 = arith.index_cast %get3A_500 : i32 to index
      %get3A_502 = arith.index_cast %mul3A_41 : i32 to index
      %get3A_503 = tpu.vector_load %arg6[%get3A_501, %get3A_502] {strides = array<i32>} : memref<64x1024xf32, #tpu.memory_space<vmem>>, vector<1x16xf32>,
      %get3A_504 = vector.shape_cast %get3A_503 : vector<1x16xf32> to vector<16xf32>
      %broadcast_in_dim3A_505 = arith.constant 31 : i32
      %broadcast_in_dim3A_506 = vector.broadcast %broadcast_in_dim3A_505 : i32 to vector<16xi32>
      %gt3A_507 = arith.cmpf ogt, %get3A_504, %select_n3A_498 : vector<16xf32>
      %gt3A_508 = arith.cmpf ogt, %get3A_504, %select_n3A_495 : vector<16xf32>
      %select_n3A_509 = arith.select %gt3A_508, %get3A_504, %select_n3A_495 : vector<16xi1>, vector<16xf32>
      %select_n3A_510 = arith.select %gt3A_507, %select_n3A_498, %select_n3A_509 : vector<16xi1>, vector<16xf32>
      %select_n3A_511 = arith.select %gt3A_508, %broadcast_in_dim3A_506, %select_n3A_497 : vector<16xi1>, vector<16xi32>
      %select_n3A_512 = arith.select %gt3A_507, %select_n3A_499, %select_n3A_511 : vector<16xi1>, vector<16xi32>
      %select_n3A_513 = arith.select %gt3A_507, %get3A_504, %select_n3A_498 : vector<16xi1>, vector<16xf32>
      %select_n3A_514 = arith.select %gt3A_507, %broadcast_in_dim3A_506, %select_n3A_499 : vector<16xi1>, vector<16xi32>
      %get3A_515 = arith.constant 32 : i32
      %get3A_516 = arith.index_cast %get3A_515 : i32 to index
      %get3A_517 = arith.index_cast %mul3A_41 : i32 to index
      %get3A_518 = tpu.vector_load %arg6[%get3A_516, %get3A_517] {strides = array<i32>} : memref<64x1024xf32, #tpu.memory_space<vmem>>, vector<1x16xf32>,
      %get3A_519 = vector.shape_cast %get3A_518 : vector<1x16xf32> to vector<16xf32>
      %broadcast_in_dim3A_520 = arith.constant 32 : i32
      %broadcast_in_dim3A_521 = vector.broadcast %broadcast_in_dim3A_520 : i32 to vector<16xi32>
      %gt3A_522 = arith.cmpf ogt, %get3A_519, %select_n3A_513 : vector<16xf32>
      %gt3A_523 = arith.cmpf ogt, %get3A_519, %select_n3A_510 : vector<16xf32>
      %select_n3A_524 = arith.select %gt3A_523, %get3A_519, %select_n3A_510 : vector<16xi1>, vector<16xf32>
      %select_n3A_525 = arith.select %gt3A_522, %select_n3A_513, %select_n3A_524 : vector<16xi1>, vector<16xf32>
      %select_n3A_526 = arith.select %gt3A_523, %broadcast_in_dim3A_521, %select_n3A_512 : vector<16xi1>, vector<16xi32>
      %select_n3A_527 = arith.select %gt3A_522, %select_n3A_514, %select_n3A_526 : vector<16xi1>, vector<16xi32>
      %select_n3A_528 = arith.select %gt3A_522, %get3A_519, %select_n3A_513 : vector<16xi1>, vector<16xf32>
      %select_n3A_529 = arith.select %gt3A_522, %broadcast_in_dim3A_521, %select_n3A_514 : vector<16xi1>, vector<16xi32>
      %get3A_530 = arith.constant 33 : i32
      %get3A_531 = arith.index_cast %get3A_530 : i32 to index
      %get3A_532 = arith.index_cast %mul3A_41 : i32 to index
      %get3A_533 = tpu.vector_load %arg6[%get3A_531, %get3A_532] {strides = array<i32>} : memref<64x1024xf32, #tpu.memory_space<vmem>>, vector<1x16xf32>,
      %get3A_534 = vector.shape_cast %get3A_533 : vector<1x16xf32> to vector<16xf32>
      %broadcast_in_dim3A_535 = arith.constant 33 : i32
      %broadcast_in_dim3A_536 = vector.broadcast %broadcast_in_dim3A_535 : i32 to vector<16xi32>
      %gt3A_537 = arith.cmpf ogt, %get3A_534, %select_n3A_528 : vector<16xf32>
      %gt3A_538 = arith.cmpf ogt, %get3A_534, %select_n3A_525 : vector<16xf32>
      %select_n3A_539 = arith.select %gt3A_538, %get3A_534, %select_n3A_525 : vector<16xi1>, vector<16xf32>
      %select_n3A_540 = arith.select %gt3A_537, %select_n3A_528, %select_n3A_539 : vector<16xi1>, vector<16xf32>
      %select_n3A_541 = arith.select %gt3A_538, %broadcast_in_dim3A_536, %select_n3A_527 : vector<16xi1>, vector<16xi32>
      %select_n3A_542 = arith.select %gt3A_537, %select_n3A_529, %select_n3A_541 : vector<16xi1>, vector<16xi32>
      %select_n3A_543 = arith.select %gt3A_537, %get3A_534, %select_n3A_528 : vector<16xi1>, vector<16xf32>
      %select_n3A_544 = arith.select %gt3A_537, %broadcast_in_dim3A_536, %select_n3A_529 : vector<16xi1>, vector<16xi32>
      %get3A_545 = arith.constant 34 : i32
      %get3A_546 = arith.index_cast %get3A_545 : i32 to index
      %get3A_547 = arith.index_cast %mul3A_41 : i32 to index
      %get3A_548 = tpu.vector_load %arg6[%get3A_546, %get3A_547] {strides = array<i32>} : memref<64x1024xf32, #tpu.memory_space<vmem>>, vector<1x16xf32>,
      %get3A_549 = vector.shape_cast %get3A_548 : vector<1x16xf32> to vector<16xf32>
      %broadcast_in_dim3A_550 = arith.constant 34 : i32
      %broadcast_in_dim3A_551 = vector.broadcast %broadcast_in_dim3A_550 : i32 to vector<16xi32>
      %gt3A_552 = arith.cmpf ogt, %get3A_549, %select_n3A_543 : vector<16xf32>
      %gt3A_553 = arith.cmpf ogt, %get3A_549, %select_n3A_540 : vector<16xf32>
      %select_n3A_554 = arith.select %gt3A_553, %get3A_549, %select_n3A_540 : vector<16xi1>, vector<16xf32>
      %select_n3A_555 = arith.select %gt3A_552, %select_n3A_543, %select_n3A_554 : vector<16xi1>, vector<16xf32>
      %select_n3A_556 = arith.select %gt3A_553, %broadcast_in_dim3A_551, %select_n3A_542 : vector<16xi1>, vector<16xi32>
      %select_n3A_557 = arith.select %gt3A_552, %select_n3A_544, %select_n3A_556 : vector<16xi1>, vector<16xi32>
      %select_n3A_558 = arith.select %gt3A_552, %get3A_549, %select_n3A_543 : vector<16xi1>, vector<16xf32>
      %select_n3A_559 = arith.select %gt3A_552, %broadcast_in_dim3A_551, %select_n3A_544 : vector<16xi1>, vector<16xi32>
      %get3A_560 = arith.constant 35 : i32
      %get3A_561 = arith.index_cast %get3A_560 : i32 to index
      %get3A_562 = arith.index_cast %mul3A_41 : i32 to index
      %get3A_563 = tpu.vector_load %arg6[%get3A_561, %get3A_562] {strides = array<i32>} : memref<64x1024xf32, #tpu.memory_space<vmem>>, vector<1x16xf32>,
      %get3A_564 = vector.shape_cast %get3A_563 : vector<1x16xf32> to vector<16xf32>
      %broadcast_in_dim3A_565 = arith.constant 35 : i32
      %broadcast_in_dim3A_566 = vector.broadcast %broadcast_in_dim3A_565 : i32 to vector<16xi32>
      %gt3A_567 = arith.cmpf ogt, %get3A_564, %select_n3A_558 : vector<16xf32>
      %gt3A_568 = arith.cmpf ogt, %get3A_564, %select_n3A_555 : vector<16xf32>
      %select_n3A_569 = arith.select %gt3A_568, %get3A_564, %select_n3A_555 : vector<16xi1>, vector<16xf32>
      %select_n3A_570 = arith.select %gt3A_567, %select_n3A_558, %select_n3A_569 : vector<16xi1>, vector<16xf32>
      %select_n3A_571 = arith.select %gt3A_568, %broadcast_in_dim3A_566, %select_n3A_557 : vector<16xi1>, vector<16xi32>
      %select_n3A_572 = arith.select %gt3A_567, %select_n3A_559, %select_n3A_571 : vector<16xi1>, vector<16xi32>
      %select_n3A_573 = arith.select %gt3A_567, %get3A_564, %select_n3A_558 : vector<16xi1>, vector<16xf32>
      %select_n3A_574 = arith.select %gt3A_567, %broadcast_in_dim3A_566, %select_n3A_559 : vector<16xi1>, vector<16xi32>
      %get3A_575 = arith.constant 36 : i32
      %get3A_576 = arith.index_cast %get3A_575 : i32 to index
      %get3A_577 = arith.index_cast %mul3A_41 : i32 to index
      %get3A_578 = tpu.vector_load %arg6[%get3A_576, %get3A_577] {strides = array<i32>} : memref<64x1024xf32, #tpu.memory_space<vmem>>, vector<1x16xf32>,
      %get3A_579 = vector.shape_cast %get3A_578 : vector<1x16xf32> to vector<16xf32>
      %broadcast_in_dim3A_580 = arith.constant 36 : i32
      %broadcast_in_dim3A_581 = vector.broadcast %broadcast_in_dim3A_580 : i32 to vector<16xi32>
      %gt3A_582 = arith.cmpf ogt, %get3A_579, %select_n3A_573 : vector<16xf32>
      %gt3A_583 = arith.cmpf ogt, %get3A_579, %select_n3A_570 : vector<16xf32>
      %select_n3A_584 = arith.select %gt3A_583, %get3A_579, %select_n3A_570 : vector<16xi1>, vector<16xf32>
      %select_n3A_585 = arith.select %gt3A_582, %select_n3A_573, %select_n3A_584 : vector<16xi1>, vector<16xf32>
      %select_n3A_586 = arith.select %gt3A_583, %broadcast_in_dim3A_581, %select_n3A_572 : vector<16xi1>, vector<16xi32>
      %select_n3A_587 = arith.select %gt3A_582, %select_n3A_574, %select_n3A_586 : vector<16xi1>, vector<16xi32>
      %select_n3A_588 = arith.select %gt3A_582, %get3A_579, %select_n3A_573 : vector<16xi1>, vector<16xf32>
      %select_n3A_589 = arith.select %gt3A_582, %broadcast_in_dim3A_581, %select_n3A_574 : vector<16xi1>, vector<16xi32>
      %get3A_590 = arith.constant 37 : i32
      %get3A_591 = arith.index_cast %get3A_590 : i32 to index
      %get3A_592 = arith.index_cast %mul3A_41 : i32 to index
      %get3A_593 = tpu.vector_load %arg6[%get3A_591, %get3A_592] {strides = array<i32>} : memref<64x1024xf32, #tpu.memory_space<vmem>>, vector<1x16xf32>,
      %get3A_594 = vector.shape_cast %get3A_593 : vector<1x16xf32> to vector<16xf32>
      %broadcast_in_dim3A_595 = arith.constant 37 : i32
      %broadcast_in_dim3A_596 = vector.broadcast %broadcast_in_dim3A_595 : i32 to vector<16xi32>
      %gt3A_597 = arith.cmpf ogt, %get3A_594, %select_n3A_588 : vector<16xf32>
      %gt3A_598 = arith.cmpf ogt, %get3A_594, %select_n3A_585 : vector<16xf32>
      %select_n3A_599 = arith.select %gt3A_598, %get3A_594, %select_n3A_585 : vector<16xi1>, vector<16xf32>
      %select_n3A_600 = arith.select %gt3A_597, %select_n3A_588, %select_n3A_599 : vector<16xi1>, vector<16xf32>
      %select_n3A_601 = arith.select %gt3A_598, %broadcast_in_dim3A_596, %select_n3A_587 : vector<16xi1>, vector<16xi32>
      %select_n3A_602 = arith.select %gt3A_597, %select_n3A_589, %select_n3A_601 : vector<16xi1>, vector<16xi32>
      %select_n3A_603 = arith.select %gt3A_597, %get3A_594, %select_n3A_588 : vector<16xi1>, vector<16xf32>
      %select_n3A_604 = arith.select %gt3A_597, %broadcast_in_dim3A_596, %select_n3A_589 : vector<16xi1>, vector<16xi32>
      %get3A_605 = arith.constant 38 : i32
      %get3A_606 = arith.index_cast %get3A_605 : i32 to index
      %get3A_607 = arith.index_cast %mul3A_41 : i32 to index
      %get3A_608 = tpu.vector_load %arg6[%get3A_606, %get3A_607] {strides = array<i32>} : memref<64x1024xf32, #tpu.memory_space<vmem>>, vector<1x16xf32>,
      %get3A_609 = vector.shape_cast %get3A_608 : vector<1x16xf32> to vector<16xf32>
      %broadcast_in_dim3A_610 = arith.constant 38 : i32
      %broadcast_in_dim3A_611 = vector.broadcast %broadcast_in_dim3A_610 : i32 to vector<16xi32>
      %gt3A_612 = arith.cmpf ogt, %get3A_609, %select_n3A_603 : vector<16xf32>
      %gt3A_613 = arith.cmpf ogt, %get3A_609, %select_n3A_600 : vector<16xf32>
      %select_n3A_614 = arith.select %gt3A_613, %get3A_609, %select_n3A_600 : vector<16xi1>, vector<16xf32>
      %select_n3A_615 = arith.select %gt3A_612, %select_n3A_603, %select_n3A_614 : vector<16xi1>, vector<16xf32>
      %select_n3A_616 = arith.select %gt3A_613, %broadcast_in_dim3A_611, %select_n3A_602 : vector<16xi1>, vector<16xi32>
      %select_n3A_617 = arith.select %gt3A_612, %select_n3A_604, %select_n3A_616 : vector<16xi1>, vector<16xi32>
      %select_n3A_618 = arith.select %gt3A_612, %get3A_609, %select_n3A_603 : vector<16xi1>, vector<16xf32>
      %select_n3A_619 = arith.select %gt3A_612, %broadcast_in_dim3A_611, %select_n3A_604 : vector<16xi1>, vector<16xi32>
      %get3A_620 = arith.constant 39 : i32
      %get3A_621 = arith.index_cast %get3A_620 : i32 to index
      %get3A_622 = arith.index_cast %mul3A_41 : i32 to index
      %get3A_623 = tpu.vector_load %arg6[%get3A_621, %get3A_622] {strides = array<i32>} : memref<64x1024xf32, #tpu.memory_space<vmem>>, vector<1x16xf32>,
      %get3A_624 = vector.shape_cast %get3A_623 : vector<1x16xf32> to vector<16xf32>
      %broadcast_in_dim3A_625 = arith.constant 39 : i32
      %broadcast_in_dim3A_626 = vector.broadcast %broadcast_in_dim3A_625 : i32 to vector<16xi32>
      %gt3A_627 = arith.cmpf ogt, %get3A_624, %select_n3A_618 : vector<16xf32>
      %gt3A_628 = arith.cmpf ogt, %get3A_624, %select_n3A_615 : vector<16xf32>
      %select_n3A_629 = arith.select %gt3A_628, %get3A_624, %select_n3A_615 : vector<16xi1>, vector<16xf32>
      %select_n3A_630 = arith.select %gt3A_627, %select_n3A_618, %select_n3A_629 : vector<16xi1>, vector<16xf32>
      %select_n3A_631 = arith.select %gt3A_628, %broadcast_in_dim3A_626, %select_n3A_617 : vector<16xi1>, vector<16xi32>
      %select_n3A_632 = arith.select %gt3A_627, %select_n3A_619, %select_n3A_631 : vector<16xi1>, vector<16xi32>
      %select_n3A_633 = arith.select %gt3A_627, %get3A_624, %select_n3A_618 : vector<16xi1>, vector<16xf32>
      %select_n3A_634 = arith.select %gt3A_627, %broadcast_in_dim3A_626, %select_n3A_619 : vector<16xi1>, vector<16xi32>
      %get3A_635 = arith.constant 40 : i32
      %get3A_636 = arith.index_cast %get3A_635 : i32 to index
      %get3A_637 = arith.index_cast %mul3A_41 : i32 to index
      %get3A_638 = tpu.vector_load %arg6[%get3A_636, %get3A_637] {strides = array<i32>} : memref<64x1024xf32, #tpu.memory_space<vmem>>, vector<1x16xf32>,
      %get3A_639 = vector.shape_cast %get3A_638 : vector<1x16xf32> to vector<16xf32>
      %broadcast_in_dim3A_640 = arith.constant 40 : i32
      %broadcast_in_dim3A_641 = vector.broadcast %broadcast_in_dim3A_640 : i32 to vector<16xi32>
      %gt3A_642 = arith.cmpf ogt, %get3A_639, %select_n3A_633 : vector<16xf32>
      %gt3A_643 = arith.cmpf ogt, %get3A_639, %select_n3A_630 : vector<16xf32>
      %select_n3A_644 = arith.select %gt3A_643, %get3A_639, %select_n3A_630 : vector<16xi1>, vector<16xf32>
      %select_n3A_645 = arith.select %gt3A_642, %select_n3A_633, %select_n3A_644 : vector<16xi1>, vector<16xf32>
      %select_n3A_646 = arith.select %gt3A_643, %broadcast_in_dim3A_641, %select_n3A_632 : vector<16xi1>, vector<16xi32>
      %select_n3A_647 = arith.select %gt3A_642, %select_n3A_634, %select_n3A_646 : vector<16xi1>, vector<16xi32>
      %select_n3A_648 = arith.select %gt3A_642, %get3A_639, %select_n3A_633 : vector<16xi1>, vector<16xf32>
      %select_n3A_649 = arith.select %gt3A_642, %broadcast_in_dim3A_641, %select_n3A_634 : vector<16xi1>, vector<16xi32>
      %get3A_650 = arith.constant 41 : i32
      %get3A_651 = arith.index_cast %get3A_650 : i32 to index
      %get3A_652 = arith.index_cast %mul3A_41 : i32 to index
      %get3A_653 = tpu.vector_load %arg6[%get3A_651, %get3A_652] {strides = array<i32>} : memref<64x1024xf32, #tpu.memory_space<vmem>>, vector<1x16xf32>,
      %get3A_654 = vector.shape_cast %get3A_653 : vector<1x16xf32> to vector<16xf32>
      %broadcast_in_dim3A_655 = arith.constant 41 : i32
      %broadcast_in_dim3A_656 = vector.broadcast %broadcast_in_dim3A_655 : i32 to vector<16xi32>
      %gt3A_657 = arith.cmpf ogt, %get3A_654, %select_n3A_648 : vector<16xf32>
      %gt3A_658 = arith.cmpf ogt, %get3A_654, %select_n3A_645 : vector<16xf32>
      %select_n3A_659 = arith.select %gt3A_658, %get3A_654, %select_n3A_645 : vector<16xi1>, vector<16xf32>
      %select_n3A_660 = arith.select %gt3A_657, %select_n3A_648, %select_n3A_659 : vector<16xi1>, vector<16xf32>
      %select_n3A_661 = arith.select %gt3A_658, %broadcast_in_dim3A_656, %select_n3A_647 : vector<16xi1>, vector<16xi32>
      %select_n3A_662 = arith.select %gt3A_657, %select_n3A_649, %select_n3A_661 : vector<16xi1>, vector<16xi32>
      %select_n3A_663 = arith.select %gt3A_657, %get3A_654, %select_n3A_648 : vector<16xi1>, vector<16xf32>
      %select_n3A_664 = arith.select %gt3A_657, %broadcast_in_dim3A_656, %select_n3A_649 : vector<16xi1>, vector<16xi32>
      %get3A_665 = arith.constant 42 : i32
      %get3A_666 = arith.index_cast %get3A_665 : i32 to index
      %get3A_667 = arith.index_cast %mul3A_41 : i32 to index
      %get3A_668 = tpu.vector_load %arg6[%get3A_666, %get3A_667] {strides = array<i32>} : memref<64x1024xf32, #tpu.memory_space<vmem>>, vector<1x16xf32>,
      %get3A_669 = vector.shape_cast %get3A_668 : vector<1x16xf32> to vector<16xf32>
      %broadcast_in_dim3A_670 = arith.constant 42 : i32
      %broadcast_in_dim3A_671 = vector.broadcast %broadcast_in_dim3A_670 : i32 to vector<16xi32>
      %gt3A_672 = arith.cmpf ogt, %get3A_669, %select_n3A_663 : vector<16xf32>
      %gt3A_673 = arith.cmpf ogt, %get3A_669, %select_n3A_660 : vector<16xf32>
      %select_n3A_674 = arith.select %gt3A_673, %get3A_669, %select_n3A_660 : vector<16xi1>, vector<16xf32>
      %select_n3A_675 = arith.select %gt3A_672, %select_n3A_663, %select_n3A_674 : vector<16xi1>, vector<16xf32>
      %select_n3A_676 = arith.select %gt3A_673, %broadcast_in_dim3A_671, %select_n3A_662 : vector<16xi1>, vector<16xi32>
      %select_n3A_677 = arith.select %gt3A_672, %select_n3A_664, %select_n3A_676 : vector<16xi1>, vector<16xi32>
      %select_n3A_678 = arith.select %gt3A_672, %get3A_669, %select_n3A_663 : vector<16xi1>, vector<16xf32>
      %select_n3A_679 = arith.select %gt3A_672, %broadcast_in_dim3A_671, %select_n3A_664 : vector<16xi1>, vector<16xi32>
      %get3A_680 = arith.constant 43 : i32
      %get3A_681 = arith.index_cast %get3A_680 : i32 to index
      %get3A_682 = arith.index_cast %mul3A_41 : i32 to index
      %get3A_683 = tpu.vector_load %arg6[%get3A_681, %get3A_682] {strides = array<i32>} : memref<64x1024xf32, #tpu.memory_space<vmem>>, vector<1x16xf32>,
      %get3A_684 = vector.shape_cast %get3A_683 : vector<1x16xf32> to vector<16xf32>
      %broadcast_in_dim3A_685 = arith.constant 43 : i32
      %broadcast_in_dim3A_686 = vector.broadcast %broadcast_in_dim3A_685 : i32 to vector<16xi32>
      %gt3A_687 = arith.cmpf ogt, %get3A_684, %select_n3A_678 : vector<16xf32>
      %gt3A_688 = arith.cmpf ogt, %get3A_684, %select_n3A_675 : vector<16xf32>
      %select_n3A_689 = arith.select %gt3A_688, %get3A_684, %select_n3A_675 : vector<16xi1>, vector<16xf32>
      %select_n3A_690 = arith.select %gt3A_687, %select_n3A_678, %select_n3A_689 : vector<16xi1>, vector<16xf32>
      %select_n3A_691 = arith.select %gt3A_688, %broadcast_in_dim3A_686, %select_n3A_677 : vector<16xi1>, vector<16xi32>
      %select_n3A_692 = arith.select %gt3A_687, %select_n3A_679, %select_n3A_691 : vector<16xi1>, vector<16xi32>
      %select_n3A_693 = arith.select %gt3A_687, %get3A_684, %select_n3A_678 : vector<16xi1>, vector<16xf32>
      %select_n3A_694 = arith.select %gt3A_687, %broadcast_in_dim3A_686, %select_n3A_679 : vector<16xi1>, vector<16xi32>
      %get3A_695 = arith.constant 44 : i32
      %get3A_696 = arith.index_cast %get3A_695 : i32 to index
      %get3A_697 = arith.index_cast %mul3A_41 : i32 to index
      %get3A_698 = tpu.vector_load %arg6[%get3A_696, %get3A_697] {strides = array<i32>} : memref<64x1024xf32, #tpu.memory_space<vmem>>, vector<1x16xf32>,
      %get3A_699 = vector.shape_cast %get3A_698 : vector<1x16xf32> to vector<16xf32>
      %broadcast_in_dim3A_700 = arith.constant 44 : i32
      %broadcast_in_dim3A_701 = vector.broadcast %broadcast_in_dim3A_700 : i32 to vector<16xi32>
      %gt3A_702 = arith.cmpf ogt, %get3A_699, %select_n3A_693 : vector<16xf32>
      %gt3A_703 = arith.cmpf ogt, %get3A_699, %select_n3A_690 : vector<16xf32>
      %select_n3A_704 = arith.select %gt3A_703, %get3A_699, %select_n3A_690 : vector<16xi1>, vector<16xf32>
      %select_n3A_705 = arith.select %gt3A_702, %select_n3A_693, %select_n3A_704 : vector<16xi1>, vector<16xf32>
      %select_n3A_706 = arith.select %gt3A_703, %broadcast_in_dim3A_701, %select_n3A_692 : vector<16xi1>, vector<16xi32>
      %select_n3A_707 = arith.select %gt3A_702, %select_n3A_694, %select_n3A_706 : vector<16xi1>, vector<16xi32>
      %select_n3A_708 = arith.select %gt3A_702, %get3A_699, %select_n3A_693 : vector<16xi1>, vector<16xf32>
      %select_n3A_709 = arith.select %gt3A_702, %broadcast_in_dim3A_701, %select_n3A_694 : vector<16xi1>, vector<16xi32>
      %get3A_710 = arith.constant 45 : i32
      %get3A_711 = arith.index_cast %get3A_710 : i32 to index
      %get3A_712 = arith.index_cast %mul3A_41 : i32 to index
      %get3A_713 = tpu.vector_load %arg6[%get3A_711, %get3A_712] {strides = array<i32>} : memref<64x1024xf32, #tpu.memory_space<vmem>>, vector<1x16xf32>,
      %get3A_714 = vector.shape_cast %get3A_713 : vector<1x16xf32> to vector<16xf32>
      %broadcast_in_dim3A_715 = arith.constant 45 : i32
      %broadcast_in_dim3A_716 = vector.broadcast %broadcast_in_dim3A_715 : i32 to vector<16xi32>
      %gt3A_717 = arith.cmpf ogt, %get3A_714, %select_n3A_708 : vector<16xf32>
      %gt3A_718 = arith.cmpf ogt, %get3A_714, %select_n3A_705 : vector<16xf32>
      %select_n3A_719 = arith.select %gt3A_718, %get3A_714, %select_n3A_705 : vector<16xi1>, vector<16xf32>
      %select_n3A_720 = arith.select %gt3A_717, %select_n3A_708, %select_n3A_719 : vector<16xi1>, vector<16xf32>
      %select_n3A_721 = arith.select %gt3A_718, %broadcast_in_dim3A_716, %select_n3A_707 : vector<16xi1>, vector<16xi32>
      %select_n3A_722 = arith.select %gt3A_717, %select_n3A_709, %select_n3A_721 : vector<16xi1>, vector<16xi32>
      %select_n3A_723 = arith.select %gt3A_717, %get3A_714, %select_n3A_708 : vector<16xi1>, vector<16xf32>
      %select_n3A_724 = arith.select %gt3A_717, %broadcast_in_dim3A_716, %select_n3A_709 : vector<16xi1>, vector<16xi32>
      %get3A_725 = arith.constant 46 : i32
      %get3A_726 = arith.index_cast %get3A_725 : i32 to index
      %get3A_727 = arith.index_cast %mul3A_41 : i32 to index
      %get3A_728 = tpu.vector_load %arg6[%get3A_726, %get3A_727] {strides = array<i32>} : memref<64x1024xf32, #tpu.memory_space<vmem>>, vector<1x16xf32>,
      %get3A_729 = vector.shape_cast %get3A_728 : vector<1x16xf32> to vector<16xf32>
      %broadcast_in_dim3A_730 = arith.constant 46 : i32
      %broadcast_in_dim3A_731 = vector.broadcast %broadcast_in_dim3A_730 : i32 to vector<16xi32>
      %gt3A_732 = arith.cmpf ogt, %get3A_729, %select_n3A_723 : vector<16xf32>
      %gt3A_733 = arith.cmpf ogt, %get3A_729, %select_n3A_720 : vector<16xf32>
      %select_n3A_734 = arith.select %gt3A_733, %get3A_729, %select_n3A_720 : vector<16xi1>, vector<16xf32>
      %select_n3A_735 = arith.select %gt3A_732, %select_n3A_723, %select_n3A_734 : vector<16xi1>, vector<16xf32>
      %select_n3A_736 = arith.select %gt3A_733, %broadcast_in_dim3A_731, %select_n3A_722 : vector<16xi1>, vector<16xi32>
      %select_n3A_737 = arith.select %gt3A_732, %select_n3A_724, %select_n3A_736 : vector<16xi1>, vector<16xi32>
      %select_n3A_738 = arith.select %gt3A_732, %get3A_729, %select_n3A_723 : vector<16xi1>, vector<16xf32>
      %select_n3A_739 = arith.select %gt3A_732, %broadcast_in_dim3A_731, %select_n3A_724 : vector<16xi1>, vector<16xi32>
      %get3A_740 = arith.constant 47 : i32
      %get3A_741 = arith.index_cast %get3A_740 : i32 to index
      %get3A_742 = arith.index_cast %mul3A_41 : i32 to index
      %get3A_743 = tpu.vector_load %arg6[%get3A_741, %get3A_742] {strides = array<i32>} : memref<64x1024xf32, #tpu.memory_space<vmem>>, vector<1x16xf32>,
      %get3A_744 = vector.shape_cast %get3A_743 : vector<1x16xf32> to vector<16xf32>
      %broadcast_in_dim3A_745 = arith.constant 47 : i32
      %broadcast_in_dim3A_746 = vector.broadcast %broadcast_in_dim3A_745 : i32 to vector<16xi32>
      %gt3A_747 = arith.cmpf ogt, %get3A_744, %select_n3A_738 : vector<16xf32>
      %gt3A_748 = arith.cmpf ogt, %get3A_744, %select_n3A_735 : vector<16xf32>
      %select_n3A_749 = arith.select %gt3A_748, %get3A_744, %select_n3A_735 : vector<16xi1>, vector<16xf32>
      %select_n3A_750 = arith.select %gt3A_747, %select_n3A_738, %select_n3A_749 : vector<16xi1>, vector<16xf32>
      %select_n3A_751 = arith.select %gt3A_748, %broadcast_in_dim3A_746, %select_n3A_737 : vector<16xi1>, vector<16xi32>
      %select_n3A_752 = arith.select %gt3A_747, %select_n3A_739, %select_n3A_751 : vector<16xi1>, vector<16xi32>
      %select_n3A_753 = arith.select %gt3A_747, %get3A_744, %select_n3A_738 : vector<16xi1>, vector<16xf32>
      %select_n3A_754 = arith.select %gt3A_747, %broadcast_in_dim3A_746, %select_n3A_739 : vector<16xi1>, vector<16xi32>
      %get3A_755 = arith.constant 48 : i32
      %get3A_756 = arith.index_cast %get3A_755 : i32 to index
      %get3A_757 = arith.index_cast %mul3A_41 : i32 to index
      %get3A_758 = tpu.vector_load %arg6[%get3A_756, %get3A_757] {strides = array<i32>} : memref<64x1024xf32, #tpu.memory_space<vmem>>, vector<1x16xf32>,
      %get3A_759 = vector.shape_cast %get3A_758 : vector<1x16xf32> to vector<16xf32>
      %broadcast_in_dim3A_760 = arith.constant 48 : i32
      %broadcast_in_dim3A_761 = vector.broadcast %broadcast_in_dim3A_760 : i32 to vector<16xi32>
      %gt3A_762 = arith.cmpf ogt, %get3A_759, %select_n3A_753 : vector<16xf32>
      %gt3A_763 = arith.cmpf ogt, %get3A_759, %select_n3A_750 : vector<16xf32>
      %select_n3A_764 = arith.select %gt3A_763, %get3A_759, %select_n3A_750 : vector<16xi1>, vector<16xf32>
      %select_n3A_765 = arith.select %gt3A_762, %select_n3A_753, %select_n3A_764 : vector<16xi1>, vector<16xf32>
      %select_n3A_766 = arith.select %gt3A_763, %broadcast_in_dim3A_761, %select_n3A_752 : vector<16xi1>, vector<16xi32>
      %select_n3A_767 = arith.select %gt3A_762, %select_n3A_754, %select_n3A_766 : vector<16xi1>, vector<16xi32>
      %select_n3A_768 = arith.select %gt3A_762, %get3A_759, %select_n3A_753 : vector<16xi1>, vector<16xf32>
      %select_n3A_769 = arith.select %gt3A_762, %broadcast_in_dim3A_761, %select_n3A_754 : vector<16xi1>, vector<16xi32>
      %get3A_770 = arith.constant 49 : i32
      %get3A_771 = arith.index_cast %get3A_770 : i32 to index
      %get3A_772 = arith.index_cast %mul3A_41 : i32 to index
      %get3A_773 = tpu.vector_load %arg6[%get3A_771, %get3A_772] {strides = array<i32>} : memref<64x1024xf32, #tpu.memory_space<vmem>>, vector<1x16xf32>,
      %get3A_774 = vector.shape_cast %get3A_773 : vector<1x16xf32> to vector<16xf32>
      %broadcast_in_dim3A_775 = arith.constant 49 : i32
      %broadcast_in_dim3A_776 = vector.broadcast %broadcast_in_dim3A_775 : i32 to vector<16xi32>
      %gt3A_777 = arith.cmpf ogt, %get3A_774, %select_n3A_768 : vector<16xf32>
      %gt3A_778 = arith.cmpf ogt, %get3A_774, %select_n3A_765 : vector<16xf32>
      %select_n3A_779 = arith.select %gt3A_778, %get3A_774, %select_n3A_765 : vector<16xi1>, vector<16xf32>
      %select_n3A_780 = arith.select %gt3A_777, %select_n3A_768, %select_n3A_779 : vector<16xi1>, vector<16xf32>
      %select_n3A_781 = arith.select %gt3A_778, %broadcast_in_dim3A_776, %select_n3A_767 : vector<16xi1>, vector<16xi32>
      %select_n3A_782 = arith.select %gt3A_777, %select_n3A_769, %select_n3A_781 : vector<16xi1>, vector<16xi32>
      %select_n3A_783 = arith.select %gt3A_777, %get3A_774, %select_n3A_768 : vector<16xi1>, vector<16xf32>
      %select_n3A_784 = arith.select %gt3A_777, %broadcast_in_dim3A_776, %select_n3A_769 : vector<16xi1>, vector<16xi32>
      %get3A_785 = arith.constant 50 : i32
      %get3A_786 = arith.index_cast %get3A_785 : i32 to index
      %get3A_787 = arith.index_cast %mul3A_41 : i32 to index
      %get3A_788 = tpu.vector_load %arg6[%get3A_786, %get3A_787] {strides = array<i32>} : memref<64x1024xf32, #tpu.memory_space<vmem>>, vector<1x16xf32>,
      %get3A_789 = vector.shape_cast %get3A_788 : vector<1x16xf32> to vector<16xf32>
      %broadcast_in_dim3A_790 = arith.constant 50 : i32
      %broadcast_in_dim3A_791 = vector.broadcast %broadcast_in_dim3A_790 : i32 to vector<16xi32>
      %gt3A_792 = arith.cmpf ogt, %get3A_789, %select_n3A_783 : vector<16xf32>
      %gt3A_793 = arith.cmpf ogt, %get3A_789, %select_n3A_780 : vector<16xf32>
      %select_n3A_794 = arith.select %gt3A_793, %get3A_789, %select_n3A_780 : vector<16xi1>, vector<16xf32>
      %select_n3A_795 = arith.select %gt3A_792, %select_n3A_783, %select_n3A_794 : vector<16xi1>, vector<16xf32>
      %select_n3A_796 = arith.select %gt3A_793, %broadcast_in_dim3A_791, %select_n3A_782 : vector<16xi1>, vector<16xi32>
      %select_n3A_797 = arith.select %gt3A_792, %select_n3A_784, %select_n3A_796 : vector<16xi1>, vector<16xi32>
      %select_n3A_798 = arith.select %gt3A_792, %get3A_789, %select_n3A_783 : vector<16xi1>, vector<16xf32>
      %select_n3A_799 = arith.select %gt3A_792, %broadcast_in_dim3A_791, %select_n3A_784 : vector<16xi1>, vector<16xi32>
      %get3A_800 = arith.constant 51 : i32
      %get3A_801 = arith.index_cast %get3A_800 : i32 to index
      %get3A_802 = arith.index_cast %mul3A_41 : i32 to index
      %get3A_803 = tpu.vector_load %arg6[%get3A_801, %get3A_802] {strides = array<i32>} : memref<64x1024xf32, #tpu.memory_space<vmem>>, vector<1x16xf32>,
      %get3A_804 = vector.shape_cast %get3A_803 : vector<1x16xf32> to vector<16xf32>
      %broadcast_in_dim3A_805 = arith.constant 51 : i32
      %broadcast_in_dim3A_806 = vector.broadcast %broadcast_in_dim3A_805 : i32 to vector<16xi32>
      %gt3A_807 = arith.cmpf ogt, %get3A_804, %select_n3A_798 : vector<16xf32>
      %gt3A_808 = arith.cmpf ogt, %get3A_804, %select_n3A_795 : vector<16xf32>
      %select_n3A_809 = arith.select %gt3A_808, %get3A_804, %select_n3A_795 : vector<16xi1>, vector<16xf32>
      %select_n3A_810 = arith.select %gt3A_807, %select_n3A_798, %select_n3A_809 : vector<16xi1>, vector<16xf32>
      %select_n3A_811 = arith.select %gt3A_808, %broadcast_in_dim3A_806, %select_n3A_797 : vector<16xi1>, vector<16xi32>
      %select_n3A_812 = arith.select %gt3A_807, %select_n3A_799, %select_n3A_811 : vector<16xi1>, vector<16xi32>
      %select_n3A_813 = arith.select %gt3A_807, %get3A_804, %select_n3A_798 : vector<16xi1>, vector<16xf32>
      %select_n3A_814 = arith.select %gt3A_807, %broadcast_in_dim3A_806, %select_n3A_799 : vector<16xi1>, vector<16xi32>
      %get3A_815 = arith.constant 52 : i32
      %get3A_816 = arith.index_cast %get3A_815 : i32 to index
      %get3A_817 = arith.index_cast %mul3A_41 : i32 to index
      %get3A_818 = tpu.vector_load %arg6[%get3A_816, %get3A_817] {strides = array<i32>} : memref<64x1024xf32, #tpu.memory_space<vmem>>, vector<1x16xf32>,
      %get3A_819 = vector.shape_cast %get3A_818 : vector<1x16xf32> to vector<16xf32>
      %broadcast_in_dim3A_820 = arith.constant 52 : i32
      %broadcast_in_dim3A_821 = vector.broadcast %broadcast_in_dim3A_820 : i32 to vector<16xi32>
      %gt3A_822 = arith.cmpf ogt, %get3A_819, %select_n3A_813 : vector<16xf32>
      %gt3A_823 = arith.cmpf ogt, %get3A_819, %select_n3A_810 : vector<16xf32>
      %select_n3A_824 = arith.select %gt3A_823, %get3A_819, %select_n3A_810 : vector<16xi1>, vector<16xf32>
      %select_n3A_825 = arith.select %gt3A_822, %select_n3A_813, %select_n3A_824 : vector<16xi1>, vector<16xf32>
      %select_n3A_826 = arith.select %gt3A_823, %broadcast_in_dim3A_821, %select_n3A_812 : vector<16xi1>, vector<16xi32>
      %select_n3A_827 = arith.select %gt3A_822, %select_n3A_814, %select_n3A_826 : vector<16xi1>, vector<16xi32>
      %select_n3A_828 = arith.select %gt3A_822, %get3A_819, %select_n3A_813 : vector<16xi1>, vector<16xf32>
      %select_n3A_829 = arith.select %gt3A_822, %broadcast_in_dim3A_821, %select_n3A_814 : vector<16xi1>, vector<16xi32>
      %get3A_830 = arith.constant 53 : i32
      %get3A_831 = arith.index_cast %get3A_830 : i32 to index
      %get3A_832 = arith.index_cast %mul3A_41 : i32 to index
      %get3A_833 = tpu.vector_load %arg6[%get3A_831, %get3A_832] {strides = array<i32>} : memref<64x1024xf32, #tpu.memory_space<vmem>>, vector<1x16xf32>,
      %get3A_834 = vector.shape_cast %get3A_833 : vector<1x16xf32> to vector<16xf32>
      %broadcast_in_dim3A_835 = arith.constant 53 : i32
      %broadcast_in_dim3A_836 = vector.broadcast %broadcast_in_dim3A_835 : i32 to vector<16xi32>
      %gt3A_837 = arith.cmpf ogt, %get3A_834, %select_n3A_828 : vector<16xf32>
      %gt3A_838 = arith.cmpf ogt, %get3A_834, %select_n3A_825 : vector<16xf32>
      %select_n3A_839 = arith.select %gt3A_838, %get3A_834, %select_n3A_825 : vector<16xi1>, vector<16xf32>
      %select_n3A_840 = arith.select %gt3A_837, %select_n3A_828, %select_n3A_839 : vector<16xi1>, vector<16xf32>
      %select_n3A_841 = arith.select %gt3A_838, %broadcast_in_dim3A_836, %select_n3A_827 : vector<16xi1>, vector<16xi32>
      %select_n3A_842 = arith.select %gt3A_837, %select_n3A_829, %select_n3A_841 : vector<16xi1>, vector<16xi32>
      %select_n3A_843 = arith.select %gt3A_837, %get3A_834, %select_n3A_828 : vector<16xi1>, vector<16xf32>
      %select_n3A_844 = arith.select %gt3A_837, %broadcast_in_dim3A_836, %select_n3A_829 : vector<16xi1>, vector<16xi32>
      %get3A_845 = arith.constant 54 : i32
      %get3A_846 = arith.index_cast %get3A_845 : i32 to index
      %get3A_847 = arith.index_cast %mul3A_41 : i32 to index
      %get3A_848 = tpu.vector_load %arg6[%get3A_846, %get3A_847] {strides = array<i32>} : memref<64x1024xf32, #tpu.memory_space<vmem>>, vector<1x16xf32>,
      %get3A_849 = vector.shape_cast %get3A_848 : vector<1x16xf32> to vector<16xf32>
      %broadcast_in_dim3A_850 = arith.constant 54 : i32
      %broadcast_in_dim3A_851 = vector.broadcast %broadcast_in_dim3A_850 : i32 to vector<16xi32>
      %gt3A_852 = arith.cmpf ogt, %get3A_849, %select_n3A_843 : vector<16xf32>
      %gt3A_853 = arith.cmpf ogt, %get3A_849, %select_n3A_840 : vector<16xf32>
      %select_n3A_854 = arith.select %gt3A_853, %get3A_849, %select_n3A_840 : vector<16xi1>, vector<16xf32>
      %select_n3A_855 = arith.select %gt3A_852, %select_n3A_843, %select_n3A_854 : vector<16xi1>, vector<16xf32>
      %select_n3A_856 = arith.select %gt3A_853, %broadcast_in_dim3A_851, %select_n3A_842 : vector<16xi1>, vector<16xi32>
      %select_n3A_857 = arith.select %gt3A_852, %select_n3A_844, %select_n3A_856 : vector<16xi1>, vector<16xi32>
      %select_n3A_858 = arith.select %gt3A_852, %get3A_849, %select_n3A_843 : vector<16xi1>, vector<16xf32>
      %select_n3A_859 = arith.select %gt3A_852, %broadcast_in_dim3A_851, %select_n3A_844 : vector<16xi1>, vector<16xi32>
      %get3A_860 = arith.constant 55 : i32
      %get3A_861 = arith.index_cast %get3A_860 : i32 to index
      %get3A_862 = arith.index_cast %mul3A_41 : i32 to index
      %get3A_863 = tpu.vector_load %arg6[%get3A_861, %get3A_862] {strides = array<i32>} : memref<64x1024xf32, #tpu.memory_space<vmem>>, vector<1x16xf32>,
      %get3A_864 = vector.shape_cast %get3A_863 : vector<1x16xf32> to vector<16xf32>
      %broadcast_in_dim3A_865 = arith.constant 55 : i32
      %broadcast_in_dim3A_866 = vector.broadcast %broadcast_in_dim3A_865 : i32 to vector<16xi32>
      %gt3A_867 = arith.cmpf ogt, %get3A_864, %select_n3A_858 : vector<16xf32>
      %gt3A_868 = arith.cmpf ogt, %get3A_864, %select_n3A_855 : vector<16xf32>
      %select_n3A_869 = arith.select %gt3A_868, %get3A_864, %select_n3A_855 : vector<16xi1>, vector<16xf32>
      %select_n3A_870 = arith.select %gt3A_867, %select_n3A_858, %select_n3A_869 : vector<16xi1>, vector<16xf32>
      %select_n3A_871 = arith.select %gt3A_868, %broadcast_in_dim3A_866, %select_n3A_857 : vector<16xi1>, vector<16xi32>
      %select_n3A_872 = arith.select %gt3A_867, %select_n3A_859, %select_n3A_871 : vector<16xi1>, vector<16xi32>
      %select_n3A_873 = arith.select %gt3A_867, %get3A_864, %select_n3A_858 : vector<16xi1>, vector<16xf32>
      %select_n3A_874 = arith.select %gt3A_867, %broadcast_in_dim3A_866, %select_n3A_859 : vector<16xi1>, vector<16xi32>
      %get3A_875 = arith.constant 56 : i32
      %get3A_876 = arith.index_cast %get3A_875 : i32 to index
      %get3A_877 = arith.index_cast %mul3A_41 : i32 to index
      %get3A_878 = tpu.vector_load %arg6[%get3A_876, %get3A_877] {strides = array<i32>} : memref<64x1024xf32, #tpu.memory_space<vmem>>, vector<1x16xf32>,
      %get3A_879 = vector.shape_cast %get3A_878 : vector<1x16xf32> to vector<16xf32>
      %broadcast_in_dim3A_880 = arith.constant 56 : i32
      %broadcast_in_dim3A_881 = vector.broadcast %broadcast_in_dim3A_880 : i32 to vector<16xi32>
      %gt3A_882 = arith.cmpf ogt, %get3A_879, %select_n3A_873 : vector<16xf32>
      %gt3A_883 = arith.cmpf ogt, %get3A_879, %select_n3A_870 : vector<16xf32>
      %select_n3A_884 = arith.select %gt3A_883, %get3A_879, %select_n3A_870 : vector<16xi1>, vector<16xf32>
      %select_n3A_885 = arith.select %gt3A_882, %select_n3A_873, %select_n3A_884 : vector<16xi1>, vector<16xf32>
      %select_n3A_886 = arith.select %gt3A_883, %broadcast_in_dim3A_881, %select_n3A_872 : vector<16xi1>, vector<16xi32>
      %select_n3A_887 = arith.select %gt3A_882, %select_n3A_874, %select_n3A_886 : vector<16xi1>, vector<16xi32>
      %select_n3A_888 = arith.select %gt3A_882, %get3A_879, %select_n3A_873 : vector<16xi1>, vector<16xf32>
      %select_n3A_889 = arith.select %gt3A_882, %broadcast_in_dim3A_881, %select_n3A_874 : vector<16xi1>, vector<16xi32>
      %get3A_890 = arith.constant 57 : i32
      %get3A_891 = arith.index_cast %get3A_890 : i32 to index
      %get3A_892 = arith.index_cast %mul3A_41 : i32 to index
      %get3A_893 = tpu.vector_load %arg6[%get3A_891, %get3A_892] {strides = array<i32>} : memref<64x1024xf32, #tpu.memory_space<vmem>>, vector<1x16xf32>,
      %get3A_894 = vector.shape_cast %get3A_893 : vector<1x16xf32> to vector<16xf32>
      %broadcast_in_dim3A_895 = arith.constant 57 : i32
      %broadcast_in_dim3A_896 = vector.broadcast %broadcast_in_dim3A_895 : i32 to vector<16xi32>
      %gt3A_897 = arith.cmpf ogt, %get3A_894, %select_n3A_888 : vector<16xf32>
      %gt3A_898 = arith.cmpf ogt, %get3A_894, %select_n3A_885 : vector<16xf32>
      %select_n3A_899 = arith.select %gt3A_898, %get3A_894, %select_n3A_885 : vector<16xi1>, vector<16xf32>
      %select_n3A_900 = arith.select %gt3A_897, %select_n3A_888, %select_n3A_899 : vector<16xi1>, vector<16xf32>
      %select_n3A_901 = arith.select %gt3A_898, %broadcast_in_dim3A_896, %select_n3A_887 : vector<16xi1>, vector<16xi32>
      %select_n3A_902 = arith.select %gt3A_897, %select_n3A_889, %select_n3A_901 : vector<16xi1>, vector<16xi32>
      %select_n3A_903 = arith.select %gt3A_897, %get3A_894, %select_n3A_888 : vector<16xi1>, vector<16xf32>
      %select_n3A_904 = arith.select %gt3A_897, %broadcast_in_dim3A_896, %select_n3A_889 : vector<16xi1>, vector<16xi32>
      %get3A_905 = arith.constant 58 : i32
      %get3A_906 = arith.index_cast %get3A_905 : i32 to index
      %get3A_907 = arith.index_cast %mul3A_41 : i32 to index
      %get3A_908 = tpu.vector_load %arg6[%get3A_906, %get3A_907] {strides = array<i32>} : memref<64x1024xf32, #tpu.memory_space<vmem>>, vector<1x16xf32>,
      %get3A_909 = vector.shape_cast %get3A_908 : vector<1x16xf32> to vector<16xf32>
      %broadcast_in_dim3A_910 = arith.constant 58 : i32
      %broadcast_in_dim3A_911 = vector.broadcast %broadcast_in_dim3A_910 : i32 to vector<16xi32>
      %gt3A_912 = arith.cmpf ogt, %get3A_909, %select_n3A_903 : vector<16xf32>
      %gt3A_913 = arith.cmpf ogt, %get3A_909, %select_n3A_900 : vector<16xf32>
      %select_n3A_914 = arith.select %gt3A_913, %get3A_909, %select_n3A_900 : vector<16xi1>, vector<16xf32>
      %select_n3A_915 = arith.select %gt3A_912, %select_n3A_903, %select_n3A_914 : vector<16xi1>, vector<16xf32>
      %select_n3A_916 = arith.select %gt3A_913, %broadcast_in_dim3A_911, %select_n3A_902 : vector<16xi1>, vector<16xi32>
      %select_n3A_917 = arith.select %gt3A_912, %select_n3A_904, %select_n3A_916 : vector<16xi1>, vector<16xi32>
      %select_n3A_918 = arith.select %gt3A_912, %get3A_909, %select_n3A_903 : vector<16xi1>, vector<16xf32>
      %select_n3A_919 = arith.select %gt3A_912, %broadcast_in_dim3A_911, %select_n3A_904 : vector<16xi1>, vector<16xi32>
      %get3A_920 = arith.constant 59 : i32
      %get3A_921 = arith.index_cast %get3A_920 : i32 to index
      %get3A_922 = arith.index_cast %mul3A_41 : i32 to index
      %get3A_923 = tpu.vector_load %arg6[%get3A_921, %get3A_922] {strides = array<i32>} : memref<64x1024xf32, #tpu.memory_space<vmem>>, vector<1x16xf32>,
      %get3A_924 = vector.shape_cast %get3A_923 : vector<1x16xf32> to vector<16xf32>
      %broadcast_in_dim3A_925 = arith.constant 59 : i32
      %broadcast_in_dim3A_926 = vector.broadcast %broadcast_in_dim3A_925 : i32 to vector<16xi32>
      %gt3A_927 = arith.cmpf ogt, %get3A_924, %select_n3A_918 : vector<16xf32>
      %gt3A_928 = arith.cmpf ogt, %get3A_924, %select_n3A_915 : vector<16xf32>
      %select_n3A_929 = arith.select %gt3A_928, %get3A_924, %select_n3A_915 : vector<16xi1>, vector<16xf32>
      %select_n3A_930 = arith.select %gt3A_927, %select_n3A_918, %select_n3A_929 : vector<16xi1>, vector<16xf32>
      %select_n3A_931 = arith.select %gt3A_928, %broadcast_in_dim3A_926, %select_n3A_917 : vector<16xi1>, vector<16xi32>
      %select_n3A_932 = arith.select %gt3A_927, %select_n3A_919, %select_n3A_931 : vector<16xi1>, vector<16xi32>
      %select_n3A_933 = arith.select %gt3A_927, %get3A_924, %select_n3A_918 : vector<16xi1>, vector<16xf32>
      %select_n3A_934 = arith.select %gt3A_927, %broadcast_in_dim3A_926, %select_n3A_919 : vector<16xi1>, vector<16xi32>
      %get3A_935 = arith.constant 60 : i32
      %get3A_936 = arith.index_cast %get3A_935 : i32 to index
      %get3A_937 = arith.index_cast %mul3A_41 : i32 to index
      %get3A_938 = tpu.vector_load %arg6[%get3A_936, %get3A_937] {strides = array<i32>} : memref<64x1024xf32, #tpu.memory_space<vmem>>, vector<1x16xf32>,
      %get3A_939 = vector.shape_cast %get3A_938 : vector<1x16xf32> to vector<16xf32>
      %broadcast_in_dim3A_940 = arith.constant 60 : i32
      %broadcast_in_dim3A_941 = vector.broadcast %broadcast_in_dim3A_940 : i32 to vector<16xi32>
      %gt3A_942 = arith.cmpf ogt, %get3A_939, %select_n3A_933 : vector<16xf32>
      %gt3A_943 = arith.cmpf ogt, %get3A_939, %select_n3A_930 : vector<16xf32>
      %select_n3A_944 = arith.select %gt3A_943, %get3A_939, %select_n3A_930 : vector<16xi1>, vector<16xf32>
      %select_n3A_945 = arith.select %gt3A_942, %select_n3A_933, %select_n3A_944 : vector<16xi1>, vector<16xf32>
      %select_n3A_946 = arith.select %gt3A_943, %broadcast_in_dim3A_941, %select_n3A_932 : vector<16xi1>, vector<16xi32>
      %select_n3A_947 = arith.select %gt3A_942, %select_n3A_934, %select_n3A_946 : vector<16xi1>, vector<16xi32>
      %select_n3A_948 = arith.select %gt3A_942, %get3A_939, %select_n3A_933 : vector<16xi1>, vector<16xf32>
      %select_n3A_949 = arith.select %gt3A_942, %broadcast_in_dim3A_941, %select_n3A_934 : vector<16xi1>, vector<16xi32>
      %get3A_950 = arith.constant 61 : i32
      %get3A_951 = arith.index_cast %get3A_950 : i32 to index
      %get3A_952 = arith.index_cast %mul3A_41 : i32 to index
      %get3A_953 = tpu.vector_load %arg6[%get3A_951, %get3A_952] {strides = array<i32>} : memref<64x1024xf32, #tpu.memory_space<vmem>>, vector<1x16xf32>,
      %get3A_954 = vector.shape_cast %get3A_953 : vector<1x16xf32> to vector<16xf32>
      %broadcast_in_dim3A_955 = arith.constant 61 : i32
      %broadcast_in_dim3A_956 = vector.broadcast %broadcast_in_dim3A_955 : i32 to vector<16xi32>
      %gt3A_957 = arith.cmpf ogt, %get3A_954, %select_n3A_948 : vector<16xf32>
      %gt3A_958 = arith.cmpf ogt, %get3A_954, %select_n3A_945 : vector<16xf32>
      %select_n3A_959 = arith.select %gt3A_958, %get3A_954, %select_n3A_945 : vector<16xi1>, vector<16xf32>
      %select_n3A_960 = arith.select %gt3A_957, %select_n3A_948, %select_n3A_959 : vector<16xi1>, vector<16xf32>
      %select_n3A_961 = arith.select %gt3A_958, %broadcast_in_dim3A_956, %select_n3A_947 : vector<16xi1>, vector<16xi32>
      %select_n3A_962 = arith.select %gt3A_957, %select_n3A_949, %select_n3A_961 : vector<16xi1>, vector<16xi32>
      %select_n3A_963 = arith.select %gt3A_957, %get3A_954, %select_n3A_948 : vector<16xi1>, vector<16xf32>
      %select_n3A_964 = arith.select %gt3A_957, %broadcast_in_dim3A_956, %select_n3A_949 : vector<16xi1>, vector<16xi32>
      %get3A_965 = arith.constant 62 : i32
      %get3A_966 = arith.index_cast %get3A_965 : i32 to index
      %get3A_967 = arith.index_cast %mul3A_41 : i32 to index
      %get3A_968 = tpu.vector_load %arg6[%get3A_966, %get3A_967] {strides = array<i32>} : memref<64x1024xf32, #tpu.memory_space<vmem>>, vector<1x16xf32>,
      %get3A_969 = vector.shape_cast %get3A_968 : vector<1x16xf32> to vector<16xf32>
      %broadcast_in_dim3A_970 = arith.constant 62 : i32
      %broadcast_in_dim3A_971 = vector.broadcast %broadcast_in_dim3A_970 : i32 to vector<16xi32>
      %gt3A_972 = arith.cmpf ogt, %get3A_969, %select_n3A_963 : vector<16xf32>
      %gt3A_973 = arith.cmpf ogt, %get3A_969, %select_n3A_960 : vector<16xf32>
      %select_n3A_974 = arith.select %gt3A_973, %get3A_969, %select_n3A_960 : vector<16xi1>, vector<16xf32>
      %select_n3A_975 = arith.select %gt3A_972, %select_n3A_963, %select_n3A_974 : vector<16xi1>, vector<16xf32>
      %select_n3A_976 = arith.select %gt3A_973, %broadcast_in_dim3A_971, %select_n3A_962 : vector<16xi1>, vector<16xi32>
      %select_n3A_977 = arith.select %gt3A_972, %select_n3A_964, %select_n3A_976 : vector<16xi1>, vector<16xi32>
      %select_n3A_978 = arith.select %gt3A_972, %get3A_969, %select_n3A_963 : vector<16xi1>, vector<16xf32>
      %select_n3A_979 = arith.select %gt3A_972, %broadcast_in_dim3A_971, %select_n3A_964 : vector<16xi1>, vector<16xi32>
      %get3A_980 = arith.constant 63 : i32
      %get3A_981 = arith.index_cast %get3A_980 : i32 to index
      %get3A_982 = arith.index_cast %mul3A_41 : i32 to index
      %get3A_983 = tpu.vector_load %arg6[%get3A_981, %get3A_982] {strides = array<i32>} : memref<64x1024xf32, #tpu.memory_space<vmem>>, vector<1x16xf32>,
      %get3A_984 = vector.shape_cast %get3A_983 : vector<1x16xf32> to vector<16xf32>
      %broadcast_in_dim3A_985 = arith.constant 63 : i32
      %broadcast_in_dim3A_986 = vector.broadcast %broadcast_in_dim3A_985 : i32 to vector<16xi32>
      %gt3A_987 = arith.cmpf ogt, %get3A_984, %select_n3A_978 : vector<16xf32>
      %gt3A_988 = arith.cmpf ogt, %get3A_984, %select_n3A_975 : vector<16xf32>
      %select_n3A_989 = arith.select %gt3A_988, %get3A_984, %select_n3A_975 : vector<16xi1>, vector<16xf32>
      %select_n3A_990 = arith.select %gt3A_987, %select_n3A_978, %select_n3A_989 : vector<16xi1>, vector<16xf32>
      %select_n3A_991 = arith.select %gt3A_988, %broadcast_in_dim3A_986, %select_n3A_977 : vector<16xi1>, vector<16xi32>
      %select_n3A_992 = arith.select %gt3A_987, %select_n3A_979, %select_n3A_991 : vector<16xi1>, vector<16xi32>
      %select_n3A_993 = arith.select %gt3A_987, %get3A_984, %select_n3A_978 : vector<16xi1>, vector<16xf32>
      %select_n3A_994 = arith.select %gt3A_987, %broadcast_in_dim3A_986, %select_n3A_979 : vector<16xi1>, vector<16xi32>
      %broadcast_in_dim3A_995 = arith.constant 1.000000e+00 : f32
      %broadcast_in_dim3A_996 = vector.broadcast %broadcast_in_dim3A_995 : f32 to vector<16xf32>
      %eq3A = arith.constant 0 : i32
      %eq3A_997 = vector.broadcast %eq3A : i32 to vector<16xi32>
      %eq3A_998 = arith.cmpi eq, %select_n3A_994, %eq3A_997 : vector<16xi32>
      %jit3A = arith.constant 0.000000e+00 : f32
      %broadcast_in_dim3A_999 = vector.broadcast %jit3A : f32 to vector<16xf32>
      %select_n3A_1000 = arith.select %eq3A_998, %broadcast_in_dim3A_996, %broadcast_in_dim3A_999 : vector<16xi1>, vector<16xf32>
      %eq3A_1001 = arith.constant 0 : i32
      %eq3A_1002 = vector.broadcast %eq3A_1001 : i32 to vector<16xi32>
      %eq3A_1003 = arith.cmpi eq, %select_n3A_992, %eq3A_1002 : vector<16xi32>
      %jit3A_1004 = arith.constant 0.000000e+00 : f32
      %broadcast_in_dim3A_1005 = vector.broadcast %jit3A_1004 : f32 to vector<16xf32>
      %select_n3A_1006 = arith.select %eq3A_1003, %broadcast_in_dim3A_996, %broadcast_in_dim3A_1005 : vector<16xi1>, vector<16xf32>
      %add3A_1007 = arith.addf %select_n3A_1000, %select_n3A_1006 : vector<16xf32>
      %get3A_1008 = arith.constant 0 : i32
      %get3A_1009 = arith.index_cast %get3A_1008 : i32 to index
      %get3A_1010 = arith.constant 0 : index
      %get3A_1011 = tpu.vector_load %arg9[%get3A_1009, %get3A_1010] {strides = array<i32>} : memref<64x16xf32, #tpu.memory_space<vmem>>, vector<1x16xf32>,
      %get3A_1012 = vector.shape_cast %get3A_1011 : vector<1x16xf32> to vector<16xf32>
      %add3A_1013 = arith.addf %get3A_1012, %add3A_1007 : vector<16xf32>
      %swap3A = arith.constant 0 : i32
      %swap3A_1014 = arith.index_cast %swap3A : i32 to index
      %swap3A_1015 = arith.constant 0 : index
      %swap3A_1016 = tpu.vector_load %arg9[%swap3A_1014, %swap3A_1015] {strides = array<i32>} : memref<64x16xf32, #tpu.memory_space<vmem>>, vector<1x16xf32>,
      %swap3A_1017 = vector.shape_cast %swap3A_1016 : vector<1x16xf32> to vector<16xf32>
      %swap3A_1018 = vector.shape_cast %add3A_1013 : vector<16xf32> to vector<1x16xf32>
      tpu.vector_store %arg9[%swap3A_1014, %swap3A_1015], %swap3A_1018 {strides = array<i32>} : memref<64x16xf32, #tpu.memory_space<vmem>>, vector<1x16xf32>,
      %eq3A_1019 = arith.constant 1 : i32
      %eq3A_1020 = vector.broadcast %eq3A_1019 : i32 to vector<16xi32>
      %eq3A_1021 = arith.cmpi eq, %select_n3A_994, %eq3A_1020 : vector<16xi32>
      %jit3A_1022 = arith.constant 0.000000e+00 : f32
      %broadcast_in_dim3A_1023 = vector.broadcast %jit3A_1022 : f32 to vector<16xf32>
      %select_n3A_1024 = arith.select %eq3A_1021, %broadcast_in_dim3A_996, %broadcast_in_dim3A_1023 : vector<16xi1>, vector<16xf32>
      %eq3A_1025 = arith.constant 1 : i32
      %eq3A_1026 = vector.broadcast %eq3A_1025 : i32 to vector<16xi32>
      %eq3A_1027 = arith.cmpi eq, %select_n3A_992, %eq3A_1026 : vector<16xi32>
      %jit3A_1028 = arith.constant 0.000000e+00 : f32
      %broadcast_in_dim3A_1029 = vector.broadcast %jit3A_1028 : f32 to vector<16xf32>
      %select_n3A_1030 = arith.select %eq3A_1027, %broadcast_in_dim3A_996, %broadcast_in_dim3A_1029 : vector<16xi1>, vector<16xf32>
      %add3A_1031 = arith.addf %select_n3A_1024, %select_n3A_1030 : vector<16xf32>
      %get3A_1032 = arith.constant 1 : i32
      %get3A_1033 = arith.index_cast %get3A_1032 : i32 to index
      %get3A_1034 = arith.constant 0 : index
      %get3A_1035 = tpu.vector_load %arg9[%get3A_1033, %get3A_1034] {strides = array<i32>} : memref<64x16xf32, #tpu.memory_space<vmem>>, vector<1x16xf32>,
      %get3A_1036 = vector.shape_cast %get3A_1035 : vector<1x16xf32> to vector<16xf32>
      %add3A_1037 = arith.addf %get3A_1036, %add3A_1031 : vector<16xf32>
      %swap3A_1038 = arith.constant 1 : i32
      %swap3A_1039 = arith.index_cast %swap3A_1038 : i32 to index
      %swap3A_1040 = arith.constant 0 : index
      %swap3A_1041 = tpu.vector_load %arg9[%swap3A_1039, %swap3A_1040] {strides = array<i32>} : memref<64x16xf32, #tpu.memory_space<vmem>>, vector<1x16xf32>,
      %swap3A_1042 = vector.shape_cast %swap3A_1041 : vector<1x16xf32> to vector<16xf32>
      %swap3A_1043 = vector.shape_cast %add3A_1037 : vector<16xf32> to vector<1x16xf32>
      tpu.vector_store %arg9[%swap3A_1039, %swap3A_1040], %swap3A_1043 {strides = array<i32>} : memref<64x16xf32, #tpu.memory_space<vmem>>, vector<1x16xf32>,
      %eq3A_1044 = arith.constant 2 : i32
      %eq3A_1045 = vector.broadcast %eq3A_1044 : i32 to vector<16xi32>
      %eq3A_1046 = arith.cmpi eq, %select_n3A_994, %eq3A_1045 : vector<16xi32>
      %jit3A_1047 = arith.constant 0.000000e+00 : f32
      %broadcast_in_dim3A_1048 = vector.broadcast %jit3A_1047 : f32 to vector<16xf32>
      %select_n3A_1049 = arith.select %eq3A_1046, %broadcast_in_dim3A_996, %broadcast_in_dim3A_1048 : vector<16xi1>, vector<16xf32>
      %eq3A_1050 = arith.constant 2 : i32
      %eq3A_1051 = vector.broadcast %eq3A_1050 : i32 to vector<16xi32>
      %eq3A_1052 = arith.cmpi eq, %select_n3A_992, %eq3A_1051 : vector<16xi32>
      %jit3A_1053 = arith.constant 0.000000e+00 : f32
      %broadcast_in_dim3A_1054 = vector.broadcast %jit3A_1053 : f32 to vector<16xf32>
      %select_n3A_1055 = arith.select %eq3A_1052, %broadcast_in_dim3A_996, %broadcast_in_dim3A_1054 : vector<16xi1>, vector<16xf32>
      %add3A_1056 = arith.addf %select_n3A_1049, %select_n3A_1055 : vector<16xf32>
      %get3A_1057 = arith.constant 2 : i32
      %get3A_1058 = arith.index_cast %get3A_1057 : i32 to index
      %get3A_1059 = arith.constant 0 : index
      %get3A_1060 = tpu.vector_load %arg9[%get3A_1058, %get3A_1059] {strides = array<i32>} : memref<64x16xf32, #tpu.memory_space<vmem>>, vector<1x16xf32>,
      %get3A_1061 = vector.shape_cast %get3A_1060 : vector<1x16xf32> to vector<16xf32>
      %add3A_1062 = arith.addf %get3A_1061, %add3A_1056 : vector<16xf32>
      %swap3A_1063 = arith.constant 2 : i32
      %swap3A_1064 = arith.index_cast %swap3A_1063 : i32 to index
      %swap3A_1065 = arith.constant 0 : index
      %swap3A_1066 = tpu.vector_load %arg9[%swap3A_1064, %swap3A_1065] {strides = array<i32>} : memref<64x16xf32, #tpu.memory_space<vmem>>, vector<1x16xf32>,
      %swap3A_1067 = vector.shape_cast %swap3A_1066 : vector<1x16xf32> to vector<16xf32>
      %swap3A_1068 = vector.shape_cast %add3A_1062 : vector<16xf32> to vector<1x16xf32>
      tpu.vector_store %arg9[%swap3A_1064, %swap3A_1065], %swap3A_1068 {strides = array<i32>} : memref<64x16xf32, #tpu.memory_space<vmem>>, vector<1x16xf32>,
      %eq3A_1069 = arith.constant 3 : i32
      %eq3A_1070 = vector.broadcast %eq3A_1069 : i32 to vector<16xi32>
      %eq3A_1071 = arith.cmpi eq, %select_n3A_994, %eq3A_1070 : vector<16xi32>
      %jit3A_1072 = arith.constant 0.000000e+00 : f32
      %broadcast_in_dim3A_1073 = vector.broadcast %jit3A_1072 : f32 to vector<16xf32>
      %select_n3A_1074 = arith.select %eq3A_1071, %broadcast_in_dim3A_996, %broadcast_in_dim3A_1073 : vector<16xi1>, vector<16xf32>
      %eq3A_1075 = arith.constant 3 : i32
      %eq3A_1076 = vector.broadcast %eq3A_1075 : i32 to vector<16xi32>
      %eq3A_1077 = arith.cmpi eq, %select_n3A_992, %eq3A_1076 : vector<16xi32>
      %jit3A_1078 = arith.constant 0.000000e+00 : f32
      %broadcast_in_dim3A_1079 = vector.broadcast %jit3A_1078 : f32 to vector<16xf32>
      %select_n3A_1080 = arith.select %eq3A_1077, %broadcast_in_dim3A_996, %broadcast_in_dim3A_1079 : vector<16xi1>, vector<16xf32>
      %add3A_1081 = arith.addf %select_n3A_1074, %select_n3A_1080 : vector<16xf32>
      %get3A_1082 = arith.constant 3 : i32
      %get3A_1083 = arith.index_cast %get3A_1082 : i32 to index
      %get3A_1084 = arith.constant 0 : index
      %get3A_1085 = tpu.vector_load %arg9[%get3A_1083, %get3A_1084] {strides = array<i32>} : memref<64x16xf32, #tpu.memory_space<vmem>>, vector<1x16xf32>,
      %get3A_1086 = vector.shape_cast %get3A_1085 : vector<1x16xf32> to vector<16xf32>
      %add3A_1087 = arith.addf %get3A_1086, %add3A_1081 : vector<16xf32>
      %swap3A_1088 = arith.constant 3 : i32
      %swap3A_1089 = arith.index_cast %swap3A_1088 : i32 to index
      %swap3A_1090 = arith.constant 0 : index
      %swap3A_1091 = tpu.vector_load %arg9[%swap3A_1089, %swap3A_1090] {strides = array<i32>} : memref<64x16xf32, #tpu.memory_space<vmem>>, vector<1x16xf32>,
      %swap3A_1092 = vector.shape_cast %swap3A_1091 : vector<1x16xf32> to vector<16xf32>
      %swap3A_1093 = vector.shape_cast %add3A_1087 : vector<16xf32> to vector<1x16xf32>
      tpu.vector_store %arg9[%swap3A_1089, %swap3A_1090], %swap3A_1093 {strides = array<i32>} : memref<64x16xf32, #tpu.memory_space<vmem>>, vector<1x16xf32>,
      %eq3A_1094 = arith.constant 4 : i32
      %eq3A_1095 = vector.broadcast %eq3A_1094 : i32 to vector<16xi32>
      %eq3A_1096 = arith.cmpi eq, %select_n3A_994, %eq3A_1095 : vector<16xi32>
      %jit3A_1097 = arith.constant 0.000000e+00 : f32
      %broadcast_in_dim3A_1098 = vector.broadcast %jit3A_1097 : f32 to vector<16xf32>
      %select_n3A_1099 = arith.select %eq3A_1096, %broadcast_in_dim3A_996, %broadcast_in_dim3A_1098 : vector<16xi1>, vector<16xf32>
      %eq3A_1100 = arith.constant 4 : i32
      %eq3A_1101 = vector.broadcast %eq3A_1100 : i32 to vector<16xi32>
      %eq3A_1102 = arith.cmpi eq, %select_n3A_992, %eq3A_1101 : vector<16xi32>
      %jit3A_1103 = arith.constant 0.000000e+00 : f32
      %broadcast_in_dim3A_1104 = vector.broadcast %jit3A_1103 : f32 to vector<16xf32>
      %select_n3A_1105 = arith.select %eq3A_1102, %broadcast_in_dim3A_996, %broadcast_in_dim3A_1104 : vector<16xi1>, vector<16xf32>
      %add3A_1106 = arith.addf %select_n3A_1099, %select_n3A_1105 : vector<16xf32>
      %get3A_1107 = arith.constant 4 : i32
      %get3A_1108 = arith.index_cast %get3A_1107 : i32 to index
      %get3A_1109 = arith.constant 0 : index
      %get3A_1110 = tpu.vector_load %arg9[%get3A_1108, %get3A_1109] {strides = array<i32>} : memref<64x16xf32, #tpu.memory_space<vmem>>, vector<1x16xf32>,
      %get3A_1111 = vector.shape_cast %get3A_1110 : vector<1x16xf32> to vector<16xf32>
      %add3A_1112 = arith.addf %get3A_1111, %add3A_1106 : vector<16xf32>
      %swap3A_1113 = arith.constant 4 : i32
      %swap3A_1114 = arith.index_cast %swap3A_1113 : i32 to index
      %swap3A_1115 = arith.constant 0 : index
      %swap3A_1116 = tpu.vector_load %arg9[%swap3A_1114, %swap3A_1115] {strides = array<i32>} : memref<64x16xf32, #tpu.memory_space<vmem>>, vector<1x16xf32>,
      %swap3A_1117 = vector.shape_cast %swap3A_1116 : vector<1x16xf32> to vector<16xf32>
      %swap3A_1118 = vector.shape_cast %add3A_1112 : vector<16xf32> to vector<1x16xf32>
      tpu.vector_store %arg9[%swap3A_1114, %swap3A_1115], %swap3A_1118 {strides = array<i32>} : memref<64x16xf32, #tpu.memory_space<vmem>>, vector<1x16xf32>,
      %eq3A_1119 = arith.constant 5 : i32
      %eq3A_1120 = vector.broadcast %eq3A_1119 : i32 to vector<16xi32>
      %eq3A_1121 = arith.cmpi eq, %select_n3A_994, %eq3A_1120 : vector<16xi32>
      %jit3A_1122 = arith.constant 0.000000e+00 : f32
      %broadcast_in_dim3A_1123 = vector.broadcast %jit3A_1122 : f32 to vector<16xf32>
      %select_n3A_1124 = arith.select %eq3A_1121, %broadcast_in_dim3A_996, %broadcast_in_dim3A_1123 : vector<16xi1>, vector<16xf32>
      %eq3A_1125 = arith.constant 5 : i32
      %eq3A_1126 = vector.broadcast %eq3A_1125 : i32 to vector<16xi32>
      %eq3A_1127 = arith.cmpi eq, %select_n3A_992, %eq3A_1126 : vector<16xi32>
      %jit3A_1128 = arith.constant 0.000000e+00 : f32
      %broadcast_in_dim3A_1129 = vector.broadcast %jit3A_1128 : f32 to vector<16xf32>
      %select_n3A_1130 = arith.select %eq3A_1127, %broadcast_in_dim3A_996, %broadcast_in_dim3A_1129 : vector<16xi1>, vector<16xf32>
      %add3A_1131 = arith.addf %select_n3A_1124, %select_n3A_1130 : vector<16xf32>
      %get3A_1132 = arith.constant 5 : i32
      %get3A_1133 = arith.index_cast %get3A_1132 : i32 to index
      %get3A_1134 = arith.constant 0 : index
      %get3A_1135 = tpu.vector_load %arg9[%get3A_1133, %get3A_1134] {strides = array<i32>} : memref<64x16xf32, #tpu.memory_space<vmem>>, vector<1x16xf32>,
      %get3A_1136 = vector.shape_cast %get3A_1135 : vector<1x16xf32> to vector<16xf32>
      %add3A_1137 = arith.addf %get3A_1136, %add3A_1131 : vector<16xf32>
      %swap3A_1138 = arith.constant 5 : i32
      %swap3A_1139 = arith.index_cast %swap3A_1138 : i32 to index
      %swap3A_1140 = arith.constant 0 : index
      %swap3A_1141 = tpu.vector_load %arg9[%swap3A_1139, %swap3A_1140] {strides = array<i32>} : memref<64x16xf32, #tpu.memory_space<vmem>>, vector<1x16xf32>,
      %swap3A_1142 = vector.shape_cast %swap3A_1141 : vector<1x16xf32> to vector<16xf32>
      %swap3A_1143 = vector.shape_cast %add3A_1137 : vector<16xf32> to vector<1x16xf32>
      tpu.vector_store %arg9[%swap3A_1139, %swap3A_1140], %swap3A_1143 {strides = array<i32>} : memref<64x16xf32, #tpu.memory_space<vmem>>, vector<1x16xf32>,
      %eq3A_1144 = arith.constant 6 : i32
      %eq3A_1145 = vector.broadcast %eq3A_1144 : i32 to vector<16xi32>
      %eq3A_1146 = arith.cmpi eq, %select_n3A_994, %eq3A_1145 : vector<16xi32>
      %jit3A_1147 = arith.constant 0.000000e+00 : f32
      %broadcast_in_dim3A_1148 = vector.broadcast %jit3A_1147 : f32 to vector<16xf32>
      %select_n3A_1149 = arith.select %eq3A_1146, %broadcast_in_dim3A_996, %broadcast_in_dim3A_1148 : vector<16xi1>, vector<16xf32>
      %eq3A_1150 = arith.constant 6 : i32
      %eq3A_1151 = vector.broadcast %eq3A_1150 : i32 to vector<16xi32>
      %eq3A_1152 = arith.cmpi eq, %select_n3A_992, %eq3A_1151 : vector<16xi32>
      %jit3A_1153 = arith.constant 0.000000e+00 : f32
      %broadcast_in_dim3A_1154 = vector.broadcast %jit3A_1153 : f32 to vector<16xf32>
      %select_n3A_1155 = arith.select %eq3A_1152, %broadcast_in_dim3A_996, %broadcast_in_dim3A_1154 : vector<16xi1>, vector<16xf32>
      %add3A_1156 = arith.addf %select_n3A_1149, %select_n3A_1155 : vector<16xf32>
      %get3A_1157 = arith.constant 6 : i32
      %get3A_1158 = arith.index_cast %get3A_1157 : i32 to index
      %get3A_1159 = arith.constant 0 : index
      %get3A_1160 = tpu.vector_load %arg9[%get3A_1158, %get3A_1159] {strides = array<i32>} : memref<64x16xf32, #tpu.memory_space<vmem>>, vector<1x16xf32>,
      %get3A_1161 = vector.shape_cast %get3A_1160 : vector<1x16xf32> to vector<16xf32>
      %add3A_1162 = arith.addf %get3A_1161, %add3A_1156 : vector<16xf32>
      %swap3A_1163 = arith.constant 6 : i32
      %swap3A_1164 = arith.index_cast %swap3A_1163 : i32 to index
      %swap3A_1165 = arith.constant 0 : index
      %swap3A_1166 = tpu.vector_load %arg9[%swap3A_1164, %swap3A_1165] {strides = array<i32>} : memref<64x16xf32, #tpu.memory_space<vmem>>, vector<1x16xf32>,
      %swap3A_1167 = vector.shape_cast %swap3A_1166 : vector<1x16xf32> to vector<16xf32>
      %swap3A_1168 = vector.shape_cast %add3A_1162 : vector<16xf32> to vector<1x16xf32>
      tpu.vector_store %arg9[%swap3A_1164, %swap3A_1165], %swap3A_1168 {strides = array<i32>} : memref<64x16xf32, #tpu.memory_space<vmem>>, vector<1x16xf32>,
      %eq3A_1169 = arith.constant 7 : i32
      %eq3A_1170 = vector.broadcast %eq3A_1169 : i32 to vector<16xi32>
      %eq3A_1171 = arith.cmpi eq, %select_n3A_994, %eq3A_1170 : vector<16xi32>
      %jit3A_1172 = arith.constant 0.000000e+00 : f32
      %broadcast_in_dim3A_1173 = vector.broadcast %jit3A_1172 : f32 to vector<16xf32>
      %select_n3A_1174 = arith.select %eq3A_1171, %broadcast_in_dim3A_996, %broadcast_in_dim3A_1173 : vector<16xi1>, vector<16xf32>
      %eq3A_1175 = arith.constant 7 : i32
      %eq3A_1176 = vector.broadcast %eq3A_1175 : i32 to vector<16xi32>
      %eq3A_1177 = arith.cmpi eq, %select_n3A_992, %eq3A_1176 : vector<16xi32>
      %jit3A_1178 = arith.constant 0.000000e+00 : f32
      %broadcast_in_dim3A_1179 = vector.broadcast %jit3A_1178 : f32 to vector<16xf32>
      %select_n3A_1180 = arith.select %eq3A_1177, %broadcast_in_dim3A_996, %broadcast_in_dim3A_1179 : vector<16xi1>, vector<16xf32>
      %add3A_1181 = arith.addf %select_n3A_1174, %select_n3A_1180 : vector<16xf32>
      %get3A_1182 = arith.constant 7 : i32
      %get3A_1183 = arith.index_cast %get3A_1182 : i32 to index
      %get3A_1184 = arith.constant 0 : index
      %get3A_1185 = tpu.vector_load %arg9[%get3A_1183, %get3A_1184] {strides = array<i32>} : memref<64x16xf32, #tpu.memory_space<vmem>>, vector<1x16xf32>,
      %get3A_1186 = vector.shape_cast %get3A_1185 : vector<1x16xf32> to vector<16xf32>
      %add3A_1187 = arith.addf %get3A_1186, %add3A_1181 : vector<16xf32>
      %swap3A_1188 = arith.constant 7 : i32
      %swap3A_1189 = arith.index_cast %swap3A_1188 : i32 to index
      %swap3A_1190 = arith.constant 0 : index
      %swap3A_1191 = tpu.vector_load %arg9[%swap3A_1189, %swap3A_1190] {strides = array<i32>} : memref<64x16xf32, #tpu.memory_space<vmem>>, vector<1x16xf32>,
      %swap3A_1192 = vector.shape_cast %swap3A_1191 : vector<1x16xf32> to vector<16xf32>
      %swap3A_1193 = vector.shape_cast %add3A_1187 : vector<16xf32> to vector<1x16xf32>
      tpu.vector_store %arg9[%swap3A_1189, %swap3A_1190], %swap3A_1193 {strides = array<i32>} : memref<64x16xf32, #tpu.memory_space<vmem>>, vector<1x16xf32>,
      %eq3A_1194 = arith.constant 8 : i32
      %eq3A_1195 = vector.broadcast %eq3A_1194 : i32 to vector<16xi32>
      %eq3A_1196 = arith.cmpi eq, %select_n3A_994, %eq3A_1195 : vector<16xi32>
      %jit3A_1197 = arith.constant 0.000000e+00 : f32
      %broadcast_in_dim3A_1198 = vector.broadcast %jit3A_1197 : f32 to vector<16xf32>
      %select_n3A_1199 = arith.select %eq3A_1196, %broadcast_in_dim3A_996, %broadcast_in_dim3A_1198 : vector<16xi1>, vector<16xf32>
      %eq3A_1200 = arith.constant 8 : i32
      %eq3A_1201 = vector.broadcast %eq3A_1200 : i32 to vector<16xi32>
      %eq3A_1202 = arith.cmpi eq, %select_n3A_992, %eq3A_1201 : vector<16xi32>
      %jit3A_1203 = arith.constant 0.000000e+00 : f32
      %broadcast_in_dim3A_1204 = vector.broadcast %jit3A_1203 : f32 to vector<16xf32>
      %select_n3A_1205 = arith.select %eq3A_1202, %broadcast_in_dim3A_996, %broadcast_in_dim3A_1204 : vector<16xi1>, vector<16xf32>
      %add3A_1206 = arith.addf %select_n3A_1199, %select_n3A_1205 : vector<16xf32>
      %get3A_1207 = arith.constant 8 : i32
      %get3A_1208 = arith.index_cast %get3A_1207 : i32 to index
      %get3A_1209 = arith.constant 0 : index
      %get3A_1210 = tpu.vector_load %arg9[%get3A_1208, %get3A_1209] {strides = array<i32>} : memref<64x16xf32, #tpu.memory_space<vmem>>, vector<1x16xf32>,
      %get3A_1211 = vector.shape_cast %get3A_1210 : vector<1x16xf32> to vector<16xf32>
      %add3A_1212 = arith.addf %get3A_1211, %add3A_1206 : vector<16xf32>
      %swap3A_1213 = arith.constant 8 : i32
      %swap3A_1214 = arith.index_cast %swap3A_1213 : i32 to index
      %swap3A_1215 = arith.constant 0 : index
      %swap3A_1216 = tpu.vector_load %arg9[%swap3A_1214, %swap3A_1215] {strides = array<i32>} : memref<64x16xf32, #tpu.memory_space<vmem>>, vector<1x16xf32>,
      %swap3A_1217 = vector.shape_cast %swap3A_1216 : vector<1x16xf32> to vector<16xf32>
      %swap3A_1218 = vector.shape_cast %add3A_1212 : vector<16xf32> to vector<1x16xf32>
      tpu.vector_store %arg9[%swap3A_1214, %swap3A_1215], %swap3A_1218 {strides = array<i32>} : memref<64x16xf32, #tpu.memory_space<vmem>>, vector<1x16xf32>,
      %eq3A_1219 = arith.constant 9 : i32
      %eq3A_1220 = vector.broadcast %eq3A_1219 : i32 to vector<16xi32>
      %eq3A_1221 = arith.cmpi eq, %select_n3A_994, %eq3A_1220 : vector<16xi32>
      %jit3A_1222 = arith.constant 0.000000e+00 : f32
      %broadcast_in_dim3A_1223 = vector.broadcast %jit3A_1222 : f32 to vector<16xf32>
      %select_n3A_1224 = arith.select %eq3A_1221, %broadcast_in_dim3A_996, %broadcast_in_dim3A_1223 : vector<16xi1>, vector<16xf32>
      %eq3A_1225 = arith.constant 9 : i32
      %eq3A_1226 = vector.broadcast %eq3A_1225 : i32 to vector<16xi32>
      %eq3A_1227 = arith.cmpi eq, %select_n3A_992, %eq3A_1226 : vector<16xi32>
      %jit3A_1228 = arith.constant 0.000000e+00 : f32
      %broadcast_in_dim3A_1229 = vector.broadcast %jit3A_1228 : f32 to vector<16xf32>
      %select_n3A_1230 = arith.select %eq3A_1227, %broadcast_in_dim3A_996, %broadcast_in_dim3A_1229 : vector<16xi1>, vector<16xf32>
      %add3A_1231 = arith.addf %select_n3A_1224, %select_n3A_1230 : vector<16xf32>
      %get3A_1232 = arith.constant 9 : i32
      %get3A_1233 = arith.index_cast %get3A_1232 : i32 to index
      %get3A_1234 = arith.constant 0 : index
      %get3A_1235 = tpu.vector_load %arg9[%get3A_1233, %get3A_1234] {strides = array<i32>} : memref<64x16xf32, #tpu.memory_space<vmem>>, vector<1x16xf32>,
      %get3A_1236 = vector.shape_cast %get3A_1235 : vector<1x16xf32> to vector<16xf32>
      %add3A_1237 = arith.addf %get3A_1236, %add3A_1231 : vector<16xf32>
      %swap3A_1238 = arith.constant 9 : i32
      %swap3A_1239 = arith.index_cast %swap3A_1238 : i32 to index
      %swap3A_1240 = arith.constant 0 : index
      %swap3A_1241 = tpu.vector_load %arg9[%swap3A_1239, %swap3A_1240] {strides = array<i32>} : memref<64x16xf32, #tpu.memory_space<vmem>>, vector<1x16xf32>,
      %swap3A_1242 = vector.shape_cast %swap3A_1241 : vector<1x16xf32> to vector<16xf32>
      %swap3A_1243 = vector.shape_cast %add3A_1237 : vector<16xf32> to vector<1x16xf32>
      tpu.vector_store %arg9[%swap3A_1239, %swap3A_1240], %swap3A_1243 {strides = array<i32>} : memref<64x16xf32, #tpu.memory_space<vmem>>, vector<1x16xf32>,
      %eq3A_1244 = arith.constant 10 : i32
      %eq3A_1245 = vector.broadcast %eq3A_1244 : i32 to vector<16xi32>
      %eq3A_1246 = arith.cmpi eq, %select_n3A_994, %eq3A_1245 : vector<16xi32>
      %jit3A_1247 = arith.constant 0.000000e+00 : f32
      %broadcast_in_dim3A_1248 = vector.broadcast %jit3A_1247 : f32 to vector<16xf32>
      %select_n3A_1249 = arith.select %eq3A_1246, %broadcast_in_dim3A_996, %broadcast_in_dim3A_1248 : vector<16xi1>, vector<16xf32>
      %eq3A_1250 = arith.constant 10 : i32
      %eq3A_1251 = vector.broadcast %eq3A_1250 : i32 to vector<16xi32>
      %eq3A_1252 = arith.cmpi eq, %select_n3A_992, %eq3A_1251 : vector<16xi32>
      %jit3A_1253 = arith.constant 0.000000e+00 : f32
      %broadcast_in_dim3A_1254 = vector.broadcast %jit3A_1253 : f32 to vector<16xf32>
      %select_n3A_1255 = arith.select %eq3A_1252, %broadcast_in_dim3A_996, %broadcast_in_dim3A_1254 : vector<16xi1>, vector<16xf32>
      %add3A_1256 = arith.addf %select_n3A_1249, %select_n3A_1255 : vector<16xf32>
      %get3A_1257 = arith.constant 10 : i32
      %get3A_1258 = arith.index_cast %get3A_1257 : i32 to index
      %get3A_1259 = arith.constant 0 : index
      %get3A_1260 = tpu.vector_load %arg9[%get3A_1258, %get3A_1259] {strides = array<i32>} : memref<64x16xf32, #tpu.memory_space<vmem>>, vector<1x16xf32>,
      %get3A_1261 = vector.shape_cast %get3A_1260 : vector<1x16xf32> to vector<16xf32>
      %add3A_1262 = arith.addf %get3A_1261, %add3A_1256 : vector<16xf32>
      %swap3A_1263 = arith.constant 10 : i32
      %swap3A_1264 = arith.index_cast %swap3A_1263 : i32 to index
      %swap3A_1265 = arith.constant 0 : index
      %swap3A_1266 = tpu.vector_load %arg9[%swap3A_1264, %swap3A_1265] {strides = array<i32>} : memref<64x16xf32, #tpu.memory_space<vmem>>, vector<1x16xf32>,
      %swap3A_1267 = vector.shape_cast %swap3A_1266 : vector<1x16xf32> to vector<16xf32>
      %swap3A_1268 = vector.shape_cast %add3A_1262 : vector<16xf32> to vector<1x16xf32>
      tpu.vector_store %arg9[%swap3A_1264, %swap3A_1265], %swap3A_1268 {strides = array<i32>} : memref<64x16xf32, #tpu.memory_space<vmem>>, vector<1x16xf32>,
      %eq3A_1269 = arith.constant 11 : i32
      %eq3A_1270 = vector.broadcast %eq3A_1269 : i32 to vector<16xi32>
      %eq3A_1271 = arith.cmpi eq, %select_n3A_994, %eq3A_1270 : vector<16xi32>
      %jit3A_1272 = arith.constant 0.000000e+00 : f32
      %broadcast_in_dim3A_1273 = vector.broadcast %jit3A_1272 : f32 to vector<16xf32>
      %select_n3A_1274 = arith.select %eq3A_1271, %broadcast_in_dim3A_996, %broadcast_in_dim3A_1273 : vector<16xi1>, vector<16xf32>
      %eq3A_1275 = arith.constant 11 : i32
      %eq3A_1276 = vector.broadcast %eq3A_1275 : i32 to vector<16xi32>
      %eq3A_1277 = arith.cmpi eq, %select_n3A_992, %eq3A_1276 : vector<16xi32>
      %jit3A_1278 = arith.constant 0.000000e+00 : f32
      %broadcast_in_dim3A_1279 = vector.broadcast %jit3A_1278 : f32 to vector<16xf32>
      %select_n3A_1280 = arith.select %eq3A_1277, %broadcast_in_dim3A_996, %broadcast_in_dim3A_1279 : vector<16xi1>, vector<16xf32>
      %add3A_1281 = arith.addf %select_n3A_1274, %select_n3A_1280 : vector<16xf32>
      %get3A_1282 = arith.constant 11 : i32
      %get3A_1283 = arith.index_cast %get3A_1282 : i32 to index
      %get3A_1284 = arith.constant 0 : index
      %get3A_1285 = tpu.vector_load %arg9[%get3A_1283, %get3A_1284] {strides = array<i32>} : memref<64x16xf32, #tpu.memory_space<vmem>>, vector<1x16xf32>,
      %get3A_1286 = vector.shape_cast %get3A_1285 : vector<1x16xf32> to vector<16xf32>
      %add3A_1287 = arith.addf %get3A_1286, %add3A_1281 : vector<16xf32>
      %swap3A_1288 = arith.constant 11 : i32
      %swap3A_1289 = arith.index_cast %swap3A_1288 : i32 to index
      %swap3A_1290 = arith.constant 0 : index
      %swap3A_1291 = tpu.vector_load %arg9[%swap3A_1289, %swap3A_1290] {strides = array<i32>} : memref<64x16xf32, #tpu.memory_space<vmem>>, vector<1x16xf32>,
      %swap3A_1292 = vector.shape_cast %swap3A_1291 : vector<1x16xf32> to vector<16xf32>
      %swap3A_1293 = vector.shape_cast %add3A_1287 : vector<16xf32> to vector<1x16xf32>
      tpu.vector_store %arg9[%swap3A_1289, %swap3A_1290], %swap3A_1293 {strides = array<i32>} : memref<64x16xf32, #tpu.memory_space<vmem>>, vector<1x16xf32>,
      %eq3A_1294 = arith.constant 12 : i32
      %eq3A_1295 = vector.broadcast %eq3A_1294 : i32 to vector<16xi32>
      %eq3A_1296 = arith.cmpi eq, %select_n3A_994, %eq3A_1295 : vector<16xi32>
      %jit3A_1297 = arith.constant 0.000000e+00 : f32
      %broadcast_in_dim3A_1298 = vector.broadcast %jit3A_1297 : f32 to vector<16xf32>
      %select_n3A_1299 = arith.select %eq3A_1296, %broadcast_in_dim3A_996, %broadcast_in_dim3A_1298 : vector<16xi1>, vector<16xf32>
      %eq3A_1300 = arith.constant 12 : i32
      %eq3A_1301 = vector.broadcast %eq3A_1300 : i32 to vector<16xi32>
      %eq3A_1302 = arith.cmpi eq, %select_n3A_992, %eq3A_1301 : vector<16xi32>
      %jit3A_1303 = arith.constant 0.000000e+00 : f32
      %broadcast_in_dim3A_1304 = vector.broadcast %jit3A_1303 : f32 to vector<16xf32>
      %select_n3A_1305 = arith.select %eq3A_1302, %broadcast_in_dim3A_996, %broadcast_in_dim3A_1304 : vector<16xi1>, vector<16xf32>
      %add3A_1306 = arith.addf %select_n3A_1299, %select_n3A_1305 : vector<16xf32>
      %get3A_1307 = arith.constant 12 : i32
      %get3A_1308 = arith.index_cast %get3A_1307 : i32 to index
      %get3A_1309 = arith.constant 0 : index
      %get3A_1310 = tpu.vector_load %arg9[%get3A_1308, %get3A_1309] {strides = array<i32>} : memref<64x16xf32, #tpu.memory_space<vmem>>, vector<1x16xf32>,
      %get3A_1311 = vector.shape_cast %get3A_1310 : vector<1x16xf32> to vector<16xf32>
      %add3A_1312 = arith.addf %get3A_1311, %add3A_1306 : vector<16xf32>
      %swap3A_1313 = arith.constant 12 : i32
      %swap3A_1314 = arith.index_cast %swap3A_1313 : i32 to index
      %swap3A_1315 = arith.constant 0 : index
      %swap3A_1316 = tpu.vector_load %arg9[%swap3A_1314, %swap3A_1315] {strides = array<i32>} : memref<64x16xf32, #tpu.memory_space<vmem>>, vector<1x16xf32>,
      %swap3A_1317 = vector.shape_cast %swap3A_1316 : vector<1x16xf32> to vector<16xf32>
      %swap3A_1318 = vector.shape_cast %add3A_1312 : vector<16xf32> to vector<1x16xf32>
      tpu.vector_store %arg9[%swap3A_1314, %swap3A_1315], %swap3A_1318 {strides = array<i32>} : memref<64x16xf32, #tpu.memory_space<vmem>>, vector<1x16xf32>,
      %eq3A_1319 = arith.constant 13 : i32
      %eq3A_1320 = vector.broadcast %eq3A_1319 : i32 to vector<16xi32>
      %eq3A_1321 = arith.cmpi eq, %select_n3A_994, %eq3A_1320 : vector<16xi32>
      %jit3A_1322 = arith.constant 0.000000e+00 : f32
      %broadcast_in_dim3A_1323 = vector.broadcast %jit3A_1322 : f32 to vector<16xf32>
      %select_n3A_1324 = arith.select %eq3A_1321, %broadcast_in_dim3A_996, %broadcast_in_dim3A_1323 : vector<16xi1>, vector<16xf32>
      %eq3A_1325 = arith.constant 13 : i32
      %eq3A_1326 = vector.broadcast %eq3A_1325 : i32 to vector<16xi32>
      %eq3A_1327 = arith.cmpi eq, %select_n3A_992, %eq3A_1326 : vector<16xi32>
      %jit3A_1328 = arith.constant 0.000000e+00 : f32
      %broadcast_in_dim3A_1329 = vector.broadcast %jit3A_1328 : f32 to vector<16xf32>
      %select_n3A_1330 = arith.select %eq3A_1327, %broadcast_in_dim3A_996, %broadcast_in_dim3A_1329 : vector<16xi1>, vector<16xf32>
      %add3A_1331 = arith.addf %select_n3A_1324, %select_n3A_1330 : vector<16xf32>
      %get3A_1332 = arith.constant 13 : i32
      %get3A_1333 = arith.index_cast %get3A_1332 : i32 to index
      %get3A_1334 = arith.constant 0 : index
      %get3A_1335 = tpu.vector_load %arg9[%get3A_1333, %get3A_1334] {strides = array<i32>} : memref<64x16xf32, #tpu.memory_space<vmem>>, vector<1x16xf32>,
      %get3A_1336 = vector.shape_cast %get3A_1335 : vector<1x16xf32> to vector<16xf32>
      %add3A_1337 = arith.addf %get3A_1336, %add3A_1331 : vector<16xf32>
      %swap3A_1338 = arith.constant 13 : i32
      %swap3A_1339 = arith.index_cast %swap3A_1338 : i32 to index
      %swap3A_1340 = arith.constant 0 : index
      %swap3A_1341 = tpu.vector_load %arg9[%swap3A_1339, %swap3A_1340] {strides = array<i32>} : memref<64x16xf32, #tpu.memory_space<vmem>>, vector<1x16xf32>,
      %swap3A_1342 = vector.shape_cast %swap3A_1341 : vector<1x16xf32> to vector<16xf32>
      %swap3A_1343 = vector.shape_cast %add3A_1337 : vector<16xf32> to vector<1x16xf32>
      tpu.vector_store %arg9[%swap3A_1339, %swap3A_1340], %swap3A_1343 {strides = array<i32>} : memref<64x16xf32, #tpu.memory_space<vmem>>, vector<1x16xf32>,
      %eq3A_1344 = arith.constant 14 : i32
      %eq3A_1345 = vector.broadcast %eq3A_1344 : i32 to vector<16xi32>
      %eq3A_1346 = arith.cmpi eq, %select_n3A_994, %eq3A_1345 : vector<16xi32>
      %jit3A_1347 = arith.constant 0.000000e+00 : f32
      %broadcast_in_dim3A_1348 = vector.broadcast %jit3A_1347 : f32 to vector<16xf32>
      %select_n3A_1349 = arith.select %eq3A_1346, %broadcast_in_dim3A_996, %broadcast_in_dim3A_1348 : vector<16xi1>, vector<16xf32>
      %eq3A_1350 = arith.constant 14 : i32
      %eq3A_1351 = vector.broadcast %eq3A_1350 : i32 to vector<16xi32>
      %eq3A_1352 = arith.cmpi eq, %select_n3A_992, %eq3A_1351 : vector<16xi32>
      %jit3A_1353 = arith.constant 0.000000e+00 : f32
      %broadcast_in_dim3A_1354 = vector.broadcast %jit3A_1353 : f32 to vector<16xf32>
      %select_n3A_1355 = arith.select %eq3A_1352, %broadcast_in_dim3A_996, %broadcast_in_dim3A_1354 : vector<16xi1>, vector<16xf32>
      %add3A_1356 = arith.addf %select_n3A_1349, %select_n3A_1355 : vector<16xf32>
      %get3A_1357 = arith.constant 14 : i32
      %get3A_1358 = arith.index_cast %get3A_1357 : i32 to index
      %get3A_1359 = arith.constant 0 : index
      %get3A_1360 = tpu.vector_load %arg9[%get3A_1358, %get3A_1359] {strides = array<i32>} : memref<64x16xf32, #tpu.memory_space<vmem>>, vector<1x16xf32>,
      %get3A_1361 = vector.shape_cast %get3A_1360 : vector<1x16xf32> to vector<16xf32>
      %add3A_1362 = arith.addf %get3A_1361, %add3A_1356 : vector<16xf32>
      %swap3A_1363 = arith.constant 14 : i32
      %swap3A_1364 = arith.index_cast %swap3A_1363 : i32 to index
      %swap3A_1365 = arith.constant 0 : index
      %swap3A_1366 = tpu.vector_load %arg9[%swap3A_1364, %swap3A_1365] {strides = array<i32>} : memref<64x16xf32, #tpu.memory_space<vmem>>, vector<1x16xf32>,
      %swap3A_1367 = vector.shape_cast %swap3A_1366 : vector<1x16xf32> to vector<16xf32>
      %swap3A_1368 = vector.shape_cast %add3A_1362 : vector<16xf32> to vector<1x16xf32>
      tpu.vector_store %arg9[%swap3A_1364, %swap3A_1365], %swap3A_1368 {strides = array<i32>} : memref<64x16xf32, #tpu.memory_space<vmem>>, vector<1x16xf32>,
      %eq3A_1369 = arith.constant 15 : i32
      %eq3A_1370 = vector.broadcast %eq3A_1369 : i32 to vector<16xi32>
      %eq3A_1371 = arith.cmpi eq, %select_n3A_994, %eq3A_1370 : vector<16xi32>
      %jit3A_1372 = arith.constant 0.000000e+00 : f32
      %broadcast_in_dim3A_1373 = vector.broadcast %jit3A_1372 : f32 to vector<16xf32>
      %select_n3A_1374 = arith.select %eq3A_1371, %broadcast_in_dim3A_996, %broadcast_in_dim3A_1373 : vector<16xi1>, vector<16xf32>
      %eq3A_1375 = arith.constant 15 : i32
      %eq3A_1376 = vector.broadcast %eq3A_1375 : i32 to vector<16xi32>
      %eq3A_1377 = arith.cmpi eq, %select_n3A_992, %eq3A_1376 : vector<16xi32>
      %jit3A_1378 = arith.constant 0.000000e+00 : f32
      %broadcast_in_dim3A_1379 = vector.broadcast %jit3A_1378 : f32 to vector<16xf32>
      %select_n3A_1380 = arith.select %eq3A_1377, %broadcast_in_dim3A_996, %broadcast_in_dim3A_1379 : vector<16xi1>, vector<16xf32>
      %add3A_1381 = arith.addf %select_n3A_1374, %select_n3A_1380 : vector<16xf32>
      %get3A_1382 = arith.constant 15 : i32
      %get3A_1383 = arith.index_cast %get3A_1382 : i32 to index
      %get3A_1384 = arith.constant 0 : index
      %get3A_1385 = tpu.vector_load %arg9[%get3A_1383, %get3A_1384] {strides = array<i32>} : memref<64x16xf32, #tpu.memory_space<vmem>>, vector<1x16xf32>,
      %get3A_1386 = vector.shape_cast %get3A_1385 : vector<1x16xf32> to vector<16xf32>
      %add3A_1387 = arith.addf %get3A_1386, %add3A_1381 : vector<16xf32>
      %swap3A_1388 = arith.constant 15 : i32
      %swap3A_1389 = arith.index_cast %swap3A_1388 : i32 to index
      %swap3A_1390 = arith.constant 0 : index
      %swap3A_1391 = tpu.vector_load %arg9[%swap3A_1389, %swap3A_1390] {strides = array<i32>} : memref<64x16xf32, #tpu.memory_space<vmem>>, vector<1x16xf32>,
      %swap3A_1392 = vector.shape_cast %swap3A_1391 : vector<1x16xf32> to vector<16xf32>
      %swap3A_1393 = vector.shape_cast %add3A_1387 : vector<16xf32> to vector<1x16xf32>
      tpu.vector_store %arg9[%swap3A_1389, %swap3A_1390], %swap3A_1393 {strides = array<i32>} : memref<64x16xf32, #tpu.memory_space<vmem>>, vector<1x16xf32>,
      %eq3A_1394 = arith.constant 16 : i32
      %eq3A_1395 = vector.broadcast %eq3A_1394 : i32 to vector<16xi32>
      %eq3A_1396 = arith.cmpi eq, %select_n3A_994, %eq3A_1395 : vector<16xi32>
      %jit3A_1397 = arith.constant 0.000000e+00 : f32
      %broadcast_in_dim3A_1398 = vector.broadcast %jit3A_1397 : f32 to vector<16xf32>
      %select_n3A_1399 = arith.select %eq3A_1396, %broadcast_in_dim3A_996, %broadcast_in_dim3A_1398 : vector<16xi1>, vector<16xf32>
      %eq3A_1400 = arith.constant 16 : i32
      %eq3A_1401 = vector.broadcast %eq3A_1400 : i32 to vector<16xi32>
      %eq3A_1402 = arith.cmpi eq, %select_n3A_992, %eq3A_1401 : vector<16xi32>
      %jit3A_1403 = arith.constant 0.000000e+00 : f32
      %broadcast_in_dim3A_1404 = vector.broadcast %jit3A_1403 : f32 to vector<16xf32>
      %select_n3A_1405 = arith.select %eq3A_1402, %broadcast_in_dim3A_996, %broadcast_in_dim3A_1404 : vector<16xi1>, vector<16xf32>
      %add3A_1406 = arith.addf %select_n3A_1399, %select_n3A_1405 : vector<16xf32>
      %get3A_1407 = arith.constant 16 : i32
      %get3A_1408 = arith.index_cast %get3A_1407 : i32 to index
      %get3A_1409 = arith.constant 0 : index
      %get3A_1410 = tpu.vector_load %arg9[%get3A_1408, %get3A_1409] {strides = array<i32>} : memref<64x16xf32, #tpu.memory_space<vmem>>, vector<1x16xf32>,
      %get3A_1411 = vector.shape_cast %get3A_1410 : vector<1x16xf32> to vector<16xf32>
      %add3A_1412 = arith.addf %get3A_1411, %add3A_1406 : vector<16xf32>
      %swap3A_1413 = arith.constant 16 : i32
      %swap3A_1414 = arith.index_cast %swap3A_1413 : i32 to index
      %swap3A_1415 = arith.constant 0 : index
      %swap3A_1416 = tpu.vector_load %arg9[%swap3A_1414, %swap3A_1415] {strides = array<i32>} : memref<64x16xf32, #tpu.memory_space<vmem>>, vector<1x16xf32>,
      %swap3A_1417 = vector.shape_cast %swap3A_1416 : vector<1x16xf32> to vector<16xf32>
      %swap3A_1418 = vector.shape_cast %add3A_1412 : vector<16xf32> to vector<1x16xf32>
      tpu.vector_store %arg9[%swap3A_1414, %swap3A_1415], %swap3A_1418 {strides = array<i32>} : memref<64x16xf32, #tpu.memory_space<vmem>>, vector<1x16xf32>,
      %eq3A_1419 = arith.constant 17 : i32
      %eq3A_1420 = vector.broadcast %eq3A_1419 : i32 to vector<16xi32>
      %eq3A_1421 = arith.cmpi eq, %select_n3A_994, %eq3A_1420 : vector<16xi32>
      %jit3A_1422 = arith.constant 0.000000e+00 : f32
      %broadcast_in_dim3A_1423 = vector.broadcast %jit3A_1422 : f32 to vector<16xf32>
      %select_n3A_1424 = arith.select %eq3A_1421, %broadcast_in_dim3A_996, %broadcast_in_dim3A_1423 : vector<16xi1>, vector<16xf32>
      %eq3A_1425 = arith.constant 17 : i32
      %eq3A_1426 = vector.broadcast %eq3A_1425 : i32 to vector<16xi32>
      %eq3A_1427 = arith.cmpi eq, %select_n3A_992, %eq3A_1426 : vector<16xi32>
      %jit3A_1428 = arith.constant 0.000000e+00 : f32
      %broadcast_in_dim3A_1429 = vector.broadcast %jit3A_1428 : f32 to vector<16xf32>
      %select_n3A_1430 = arith.select %eq3A_1427, %broadcast_in_dim3A_996, %broadcast_in_dim3A_1429 : vector<16xi1>, vector<16xf32>
      %add3A_1431 = arith.addf %select_n3A_1424, %select_n3A_1430 : vector<16xf32>
      %get3A_1432 = arith.constant 17 : i32
      %get3A_1433 = arith.index_cast %get3A_1432 : i32 to index
      %get3A_1434 = arith.constant 0 : index
      %get3A_1435 = tpu.vector_load %arg9[%get3A_1433, %get3A_1434] {strides = array<i32>} : memref<64x16xf32, #tpu.memory_space<vmem>>, vector<1x16xf32>,
      %get3A_1436 = vector.shape_cast %get3A_1435 : vector<1x16xf32> to vector<16xf32>
      %add3A_1437 = arith.addf %get3A_1436, %add3A_1431 : vector<16xf32>
      %swap3A_1438 = arith.constant 17 : i32
      %swap3A_1439 = arith.index_cast %swap3A_1438 : i32 to index
      %swap3A_1440 = arith.constant 0 : index
      %swap3A_1441 = tpu.vector_load %arg9[%swap3A_1439, %swap3A_1440] {strides = array<i32>} : memref<64x16xf32, #tpu.memory_space<vmem>>, vector<1x16xf32>,
      %swap3A_1442 = vector.shape_cast %swap3A_1441 : vector<1x16xf32> to vector<16xf32>
      %swap3A_1443 = vector.shape_cast %add3A_1437 : vector<16xf32> to vector<1x16xf32>
      tpu.vector_store %arg9[%swap3A_1439, %swap3A_1440], %swap3A_1443 {strides = array<i32>} : memref<64x16xf32, #tpu.memory_space<vmem>>, vector<1x16xf32>,
      %eq3A_1444 = arith.constant 18 : i32
      %eq3A_1445 = vector.broadcast %eq3A_1444 : i32 to vector<16xi32>
      %eq3A_1446 = arith.cmpi eq, %select_n3A_994, %eq3A_1445 : vector<16xi32>
      %jit3A_1447 = arith.constant 0.000000e+00 : f32
      %broadcast_in_dim3A_1448 = vector.broadcast %jit3A_1447 : f32 to vector<16xf32>
      %select_n3A_1449 = arith.select %eq3A_1446, %broadcast_in_dim3A_996, %broadcast_in_dim3A_1448 : vector<16xi1>, vector<16xf32>
      %eq3A_1450 = arith.constant 18 : i32
      %eq3A_1451 = vector.broadcast %eq3A_1450 : i32 to vector<16xi32>
      %eq3A_1452 = arith.cmpi eq, %select_n3A_992, %eq3A_1451 : vector<16xi32>
      %jit3A_1453 = arith.constant 0.000000e+00 : f32
      %broadcast_in_dim3A_1454 = vector.broadcast %jit3A_1453 : f32 to vector<16xf32>
      %select_n3A_1455 = arith.select %eq3A_1452, %broadcast_in_dim3A_996, %broadcast_in_dim3A_1454 : vector<16xi1>, vector<16xf32>
      %add3A_1456 = arith.addf %select_n3A_1449, %select_n3A_1455 : vector<16xf32>
      %get3A_1457 = arith.constant 18 : i32
      %get3A_1458 = arith.index_cast %get3A_1457 : i32 to index
      %get3A_1459 = arith.constant 0 : index
      %get3A_1460 = tpu.vector_load %arg9[%get3A_1458, %get3A_1459] {strides = array<i32>} : memref<64x16xf32, #tpu.memory_space<vmem>>, vector<1x16xf32>,
      %get3A_1461 = vector.shape_cast %get3A_1460 : vector<1x16xf32> to vector<16xf32>
      %add3A_1462 = arith.addf %get3A_1461, %add3A_1456 : vector<16xf32>
      %swap3A_1463 = arith.constant 18 : i32
      %swap3A_1464 = arith.index_cast %swap3A_1463 : i32 to index
      %swap3A_1465 = arith.constant 0 : index
      %swap3A_1466 = tpu.vector_load %arg9[%swap3A_1464, %swap3A_1465] {strides = array<i32>} : memref<64x16xf32, #tpu.memory_space<vmem>>, vector<1x16xf32>,
      %swap3A_1467 = vector.shape_cast %swap3A_1466 : vector<1x16xf32> to vector<16xf32>
      %swap3A_1468 = vector.shape_cast %add3A_1462 : vector<16xf32> to vector<1x16xf32>
      tpu.vector_store %arg9[%swap3A_1464, %swap3A_1465], %swap3A_1468 {strides = array<i32>} : memref<64x16xf32, #tpu.memory_space<vmem>>, vector<1x16xf32>,
      %eq3A_1469 = arith.constant 19 : i32
      %eq3A_1470 = vector.broadcast %eq3A_1469 : i32 to vector<16xi32>
      %eq3A_1471 = arith.cmpi eq, %select_n3A_994, %eq3A_1470 : vector<16xi32>
      %jit3A_1472 = arith.constant 0.000000e+00 : f32
      %broadcast_in_dim3A_1473 = vector.broadcast %jit3A_1472 : f32 to vector<16xf32>
      %select_n3A_1474 = arith.select %eq3A_1471, %broadcast_in_dim3A_996, %broadcast_in_dim3A_1473 : vector<16xi1>, vector<16xf32>
      %eq3A_1475 = arith.constant 19 : i32
      %eq3A_1476 = vector.broadcast %eq3A_1475 : i32 to vector<16xi32>
      %eq3A_1477 = arith.cmpi eq, %select_n3A_992, %eq3A_1476 : vector<16xi32>
      %jit3A_1478 = arith.constant 0.000000e+00 : f32
      %broadcast_in_dim3A_1479 = vector.broadcast %jit3A_1478 : f32 to vector<16xf32>
      %select_n3A_1480 = arith.select %eq3A_1477, %broadcast_in_dim3A_996, %broadcast_in_dim3A_1479 : vector<16xi1>, vector<16xf32>
      %add3A_1481 = arith.addf %select_n3A_1474, %select_n3A_1480 : vector<16xf32>
      %get3A_1482 = arith.constant 19 : i32
      %get3A_1483 = arith.index_cast %get3A_1482 : i32 to index
      %get3A_1484 = arith.constant 0 : index
      %get3A_1485 = tpu.vector_load %arg9[%get3A_1483, %get3A_1484] {strides = array<i32>} : memref<64x16xf32, #tpu.memory_space<vmem>>, vector<1x16xf32>,
      %get3A_1486 = vector.shape_cast %get3A_1485 : vector<1x16xf32> to vector<16xf32>
      %add3A_1487 = arith.addf %get3A_1486, %add3A_1481 : vector<16xf32>
      %swap3A_1488 = arith.constant 19 : i32
      %swap3A_1489 = arith.index_cast %swap3A_1488 : i32 to index
      %swap3A_1490 = arith.constant 0 : index
      %swap3A_1491 = tpu.vector_load %arg9[%swap3A_1489, %swap3A_1490] {strides = array<i32>} : memref<64x16xf32, #tpu.memory_space<vmem>>, vector<1x16xf32>,
      %swap3A_1492 = vector.shape_cast %swap3A_1491 : vector<1x16xf32> to vector<16xf32>
      %swap3A_1493 = vector.shape_cast %add3A_1487 : vector<16xf32> to vector<1x16xf32>
      tpu.vector_store %arg9[%swap3A_1489, %swap3A_1490], %swap3A_1493 {strides = array<i32>} : memref<64x16xf32, #tpu.memory_space<vmem>>, vector<1x16xf32>,
      %eq3A_1494 = arith.constant 20 : i32
      %eq3A_1495 = vector.broadcast %eq3A_1494 : i32 to vector<16xi32>
      %eq3A_1496 = arith.cmpi eq, %select_n3A_994, %eq3A_1495 : vector<16xi32>
      %jit3A_1497 = arith.constant 0.000000e+00 : f32
      %broadcast_in_dim3A_1498 = vector.broadcast %jit3A_1497 : f32 to vector<16xf32>
      %select_n3A_1499 = arith.select %eq3A_1496, %broadcast_in_dim3A_996, %broadcast_in_dim3A_1498 : vector<16xi1>, vector<16xf32>
      %eq3A_1500 = arith.constant 20 : i32
      %eq3A_1501 = vector.broadcast %eq3A_1500 : i32 to vector<16xi32>
      %eq3A_1502 = arith.cmpi eq, %select_n3A_992, %eq3A_1501 : vector<16xi32>
      %jit3A_1503 = arith.constant 0.000000e+00 : f32
      %broadcast_in_dim3A_1504 = vector.broadcast %jit3A_1503 : f32 to vector<16xf32>
      %select_n3A_1505 = arith.select %eq3A_1502, %broadcast_in_dim3A_996, %broadcast_in_dim3A_1504 : vector<16xi1>, vector<16xf32>
      %add3A_1506 = arith.addf %select_n3A_1499, %select_n3A_1505 : vector<16xf32>
      %get3A_1507 = arith.constant 20 : i32
      %get3A_1508 = arith.index_cast %get3A_1507 : i32 to index
      %get3A_1509 = arith.constant 0 : index
      %get3A_1510 = tpu.vector_load %arg9[%get3A_1508, %get3A_1509] {strides = array<i32>} : memref<64x16xf32, #tpu.memory_space<vmem>>, vector<1x16xf32>,
      %get3A_1511 = vector.shape_cast %get3A_1510 : vector<1x16xf32> to vector<16xf32>
      %add3A_1512 = arith.addf %get3A_1511, %add3A_1506 : vector<16xf32>
      %swap3A_1513 = arith.constant 20 : i32
      %swap3A_1514 = arith.index_cast %swap3A_1513 : i32 to index
      %swap3A_1515 = arith.constant 0 : index
      %swap3A_1516 = tpu.vector_load %arg9[%swap3A_1514, %swap3A_1515] {strides = array<i32>} : memref<64x16xf32, #tpu.memory_space<vmem>>, vector<1x16xf32>,
      %swap3A_1517 = vector.shape_cast %swap3A_1516 : vector<1x16xf32> to vector<16xf32>
      %swap3A_1518 = vector.shape_cast %add3A_1512 : vector<16xf32> to vector<1x16xf32>
      tpu.vector_store %arg9[%swap3A_1514, %swap3A_1515], %swap3A_1518 {strides = array<i32>} : memref<64x16xf32, #tpu.memory_space<vmem>>, vector<1x16xf32>,
      %eq3A_1519 = arith.constant 21 : i32
      %eq3A_1520 = vector.broadcast %eq3A_1519 : i32 to vector<16xi32>
      %eq3A_1521 = arith.cmpi eq, %select_n3A_994, %eq3A_1520 : vector<16xi32>
      %jit3A_1522 = arith.constant 0.000000e+00 : f32
      %broadcast_in_dim3A_1523 = vector.broadcast %jit3A_1522 : f32 to vector<16xf32>
      %select_n3A_1524 = arith.select %eq3A_1521, %broadcast_in_dim3A_996, %broadcast_in_dim3A_1523 : vector<16xi1>, vector<16xf32>
      %eq3A_1525 = arith.constant 21 : i32
      %eq3A_1526 = vector.broadcast %eq3A_1525 : i32 to vector<16xi32>
      %eq3A_1527 = arith.cmpi eq, %select_n3A_992, %eq3A_1526 : vector<16xi32>
      %jit3A_1528 = arith.constant 0.000000e+00 : f32
      %broadcast_in_dim3A_1529 = vector.broadcast %jit3A_1528 : f32 to vector<16xf32>
      %select_n3A_1530 = arith.select %eq3A_1527, %broadcast_in_dim3A_996, %broadcast_in_dim3A_1529 : vector<16xi1>, vector<16xf32>
      %add3A_1531 = arith.addf %select_n3A_1524, %select_n3A_1530 : vector<16xf32>
      %get3A_1532 = arith.constant 21 : i32
      %get3A_1533 = arith.index_cast %get3A_1532 : i32 to index
      %get3A_1534 = arith.constant 0 : index
      %get3A_1535 = tpu.vector_load %arg9[%get3A_1533, %get3A_1534] {strides = array<i32>} : memref<64x16xf32, #tpu.memory_space<vmem>>, vector<1x16xf32>,
      %get3A_1536 = vector.shape_cast %get3A_1535 : vector<1x16xf32> to vector<16xf32>
      %add3A_1537 = arith.addf %get3A_1536, %add3A_1531 : vector<16xf32>
      %swap3A_1538 = arith.constant 21 : i32
      %swap3A_1539 = arith.index_cast %swap3A_1538 : i32 to index
      %swap3A_1540 = arith.constant 0 : index
      %swap3A_1541 = tpu.vector_load %arg9[%swap3A_1539, %swap3A_1540] {strides = array<i32>} : memref<64x16xf32, #tpu.memory_space<vmem>>, vector<1x16xf32>,
      %swap3A_1542 = vector.shape_cast %swap3A_1541 : vector<1x16xf32> to vector<16xf32>
      %swap3A_1543 = vector.shape_cast %add3A_1537 : vector<16xf32> to vector<1x16xf32>
      tpu.vector_store %arg9[%swap3A_1539, %swap3A_1540], %swap3A_1543 {strides = array<i32>} : memref<64x16xf32, #tpu.memory_space<vmem>>, vector<1x16xf32>,
      %eq3A_1544 = arith.constant 22 : i32
      %eq3A_1545 = vector.broadcast %eq3A_1544 : i32 to vector<16xi32>
      %eq3A_1546 = arith.cmpi eq, %select_n3A_994, %eq3A_1545 : vector<16xi32>
      %jit3A_1547 = arith.constant 0.000000e+00 : f32
      %broadcast_in_dim3A_1548 = vector.broadcast %jit3A_1547 : f32 to vector<16xf32>
      %select_n3A_1549 = arith.select %eq3A_1546, %broadcast_in_dim3A_996, %broadcast_in_dim3A_1548 : vector<16xi1>, vector<16xf32>
      %eq3A_1550 = arith.constant 22 : i32
      %eq3A_1551 = vector.broadcast %eq3A_1550 : i32 to vector<16xi32>
      %eq3A_1552 = arith.cmpi eq, %select_n3A_992, %eq3A_1551 : vector<16xi32>
      %jit3A_1553 = arith.constant 0.000000e+00 : f32
      %broadcast_in_dim3A_1554 = vector.broadcast %jit3A_1553 : f32 to vector<16xf32>
      %select_n3A_1555 = arith.select %eq3A_1552, %broadcast_in_dim3A_996, %broadcast_in_dim3A_1554 : vector<16xi1>, vector<16xf32>
      %add3A_1556 = arith.addf %select_n3A_1549, %select_n3A_1555 : vector<16xf32>
      %get3A_1557 = arith.constant 22 : i32
      %get3A_1558 = arith.index_cast %get3A_1557 : i32 to index
      %get3A_1559 = arith.constant 0 : index
      %get3A_1560 = tpu.vector_load %arg9[%get3A_1558, %get3A_1559] {strides = array<i32>} : memref<64x16xf32, #tpu.memory_space<vmem>>, vector<1x16xf32>,
      %get3A_1561 = vector.shape_cast %get3A_1560 : vector<1x16xf32> to vector<16xf32>
      %add3A_1562 = arith.addf %get3A_1561, %add3A_1556 : vector<16xf32>
      %swap3A_1563 = arith.constant 22 : i32
      %swap3A_1564 = arith.index_cast %swap3A_1563 : i32 to index
      %swap3A_1565 = arith.constant 0 : index
      %swap3A_1566 = tpu.vector_load %arg9[%swap3A_1564, %swap3A_1565] {strides = array<i32>} : memref<64x16xf32, #tpu.memory_space<vmem>>, vector<1x16xf32>,
      %swap3A_1567 = vector.shape_cast %swap3A_1566 : vector<1x16xf32> to vector<16xf32>
      %swap3A_1568 = vector.shape_cast %add3A_1562 : vector<16xf32> to vector<1x16xf32>
      tpu.vector_store %arg9[%swap3A_1564, %swap3A_1565], %swap3A_1568 {strides = array<i32>} : memref<64x16xf32, #tpu.memory_space<vmem>>, vector<1x16xf32>,
      %eq3A_1569 = arith.constant 23 : i32
      %eq3A_1570 = vector.broadcast %eq3A_1569 : i32 to vector<16xi32>
      %eq3A_1571 = arith.cmpi eq, %select_n3A_994, %eq3A_1570 : vector<16xi32>
      %jit3A_1572 = arith.constant 0.000000e+00 : f32
      %broadcast_in_dim3A_1573 = vector.broadcast %jit3A_1572 : f32 to vector<16xf32>
      %select_n3A_1574 = arith.select %eq3A_1571, %broadcast_in_dim3A_996, %broadcast_in_dim3A_1573 : vector<16xi1>, vector<16xf32>
      %eq3A_1575 = arith.constant 23 : i32
      %eq3A_1576 = vector.broadcast %eq3A_1575 : i32 to vector<16xi32>
      %eq3A_1577 = arith.cmpi eq, %select_n3A_992, %eq3A_1576 : vector<16xi32>
      %jit3A_1578 = arith.constant 0.000000e+00 : f32
      %broadcast_in_dim3A_1579 = vector.broadcast %jit3A_1578 : f32 to vector<16xf32>
      %select_n3A_1580 = arith.select %eq3A_1577, %broadcast_in_dim3A_996, %broadcast_in_dim3A_1579 : vector<16xi1>, vector<16xf32>
      %add3A_1581 = arith.addf %select_n3A_1574, %select_n3A_1580 : vector<16xf32>
      %get3A_1582 = arith.constant 23 : i32
      %get3A_1583 = arith.index_cast %get3A_1582 : i32 to index
      %get3A_1584 = arith.constant 0 : index
      %get3A_1585 = tpu.vector_load %arg9[%get3A_1583, %get3A_1584] {strides = array<i32>} : memref<64x16xf32, #tpu.memory_space<vmem>>, vector<1x16xf32>,
      %get3A_1586 = vector.shape_cast %get3A_1585 : vector<1x16xf32> to vector<16xf32>
      %add3A_1587 = arith.addf %get3A_1586, %add3A_1581 : vector<16xf32>
      %swap3A_1588 = arith.constant 23 : i32
      %swap3A_1589 = arith.index_cast %swap3A_1588 : i32 to index
      %swap3A_1590 = arith.constant 0 : index
      %swap3A_1591 = tpu.vector_load %arg9[%swap3A_1589, %swap3A_1590] {strides = array<i32>} : memref<64x16xf32, #tpu.memory_space<vmem>>, vector<1x16xf32>,
      %swap3A_1592 = vector.shape_cast %swap3A_1591 : vector<1x16xf32> to vector<16xf32>
      %swap3A_1593 = vector.shape_cast %add3A_1587 : vector<16xf32> to vector<1x16xf32>
      tpu.vector_store %arg9[%swap3A_1589, %swap3A_1590], %swap3A_1593 {strides = array<i32>} : memref<64x16xf32, #tpu.memory_space<vmem>>, vector<1x16xf32>,
      %eq3A_1594 = arith.constant 24 : i32
      %eq3A_1595 = vector.broadcast %eq3A_1594 : i32 to vector<16xi32>
      %eq3A_1596 = arith.cmpi eq, %select_n3A_994, %eq3A_1595 : vector<16xi32>
      %jit3A_1597 = arith.constant 0.000000e+00 : f32
      %broadcast_in_dim3A_1598 = vector.broadcast %jit3A_1597 : f32 to vector<16xf32>
      %select_n3A_1599 = arith.select %eq3A_1596, %broadcast_in_dim3A_996, %broadcast_in_dim3A_1598 : vector<16xi1>, vector<16xf32>
      %eq3A_1600 = arith.constant 24 : i32
      %eq3A_1601 = vector.broadcast %eq3A_1600 : i32 to vector<16xi32>
      %eq3A_1602 = arith.cmpi eq, %select_n3A_992, %eq3A_1601 : vector<16xi32>
      %jit3A_1603 = arith.constant 0.000000e+00 : f32
      %broadcast_in_dim3A_1604 = vector.broadcast %jit3A_1603 : f32 to vector<16xf32>
      %select_n3A_1605 = arith.select %eq3A_1602, %broadcast_in_dim3A_996, %broadcast_in_dim3A_1604 : vector<16xi1>, vector<16xf32>
      %add3A_1606 = arith.addf %select_n3A_1599, %select_n3A_1605 : vector<16xf32>
      %get3A_1607 = arith.constant 24 : i32
      %get3A_1608 = arith.index_cast %get3A_1607 : i32 to index
      %get3A_1609 = arith.constant 0 : index
      %get3A_1610 = tpu.vector_load %arg9[%get3A_1608, %get3A_1609] {strides = array<i32>} : memref<64x16xf32, #tpu.memory_space<vmem>>, vector<1x16xf32>,
      %get3A_1611 = vector.shape_cast %get3A_1610 : vector<1x16xf32> to vector<16xf32>
      %add3A_1612 = arith.addf %get3A_1611, %add3A_1606 : vector<16xf32>
      %swap3A_1613 = arith.constant 24 : i32
      %swap3A_1614 = arith.index_cast %swap3A_1613 : i32 to index
      %swap3A_1615 = arith.constant 0 : index
      %swap3A_1616 = tpu.vector_load %arg9[%swap3A_1614, %swap3A_1615] {strides = array<i32>} : memref<64x16xf32, #tpu.memory_space<vmem>>, vector<1x16xf32>,
      %swap3A_1617 = vector.shape_cast %swap3A_1616 : vector<1x16xf32> to vector<16xf32>
      %swap3A_1618 = vector.shape_cast %add3A_1612 : vector<16xf32> to vector<1x16xf32>
      tpu.vector_store %arg9[%swap3A_1614, %swap3A_1615], %swap3A_1618 {strides = array<i32>} : memref<64x16xf32, #tpu.memory_space<vmem>>, vector<1x16xf32>,
      %eq3A_1619 = arith.constant 25 : i32
      %eq3A_1620 = vector.broadcast %eq3A_1619 : i32 to vector<16xi32>
      %eq3A_1621 = arith.cmpi eq, %select_n3A_994, %eq3A_1620 : vector<16xi32>
      %jit3A_1622 = arith.constant 0.000000e+00 : f32
      %broadcast_in_dim3A_1623 = vector.broadcast %jit3A_1622 : f32 to vector<16xf32>
      %select_n3A_1624 = arith.select %eq3A_1621, %broadcast_in_dim3A_996, %broadcast_in_dim3A_1623 : vector<16xi1>, vector<16xf32>
      %eq3A_1625 = arith.constant 25 : i32
      %eq3A_1626 = vector.broadcast %eq3A_1625 : i32 to vector<16xi32>
      %eq3A_1627 = arith.cmpi eq, %select_n3A_992, %eq3A_1626 : vector<16xi32>
      %jit3A_1628 = arith.constant 0.000000e+00 : f32
      %broadcast_in_dim3A_1629 = vector.broadcast %jit3A_1628 : f32 to vector<16xf32>
      %select_n3A_1630 = arith.select %eq3A_1627, %broadcast_in_dim3A_996, %broadcast_in_dim3A_1629 : vector<16xi1>, vector<16xf32>
      %add3A_1631 = arith.addf %select_n3A_1624, %select_n3A_1630 : vector<16xf32>
      %get3A_1632 = arith.constant 25 : i32
      %get3A_1633 = arith.index_cast %get3A_1632 : i32 to index
      %get3A_1634 = arith.constant 0 : index
      %get3A_1635 = tpu.vector_load %arg9[%get3A_1633, %get3A_1634] {strides = array<i32>} : memref<64x16xf32, #tpu.memory_space<vmem>>, vector<1x16xf32>,
      %get3A_1636 = vector.shape_cast %get3A_1635 : vector<1x16xf32> to vector<16xf32>
      %add3A_1637 = arith.addf %get3A_1636, %add3A_1631 : vector<16xf32>
      %swap3A_1638 = arith.constant 25 : i32
      %swap3A_1639 = arith.index_cast %swap3A_1638 : i32 to index
      %swap3A_1640 = arith.constant 0 : index
      %swap3A_1641 = tpu.vector_load %arg9[%swap3A_1639, %swap3A_1640] {strides = array<i32>} : memref<64x16xf32, #tpu.memory_space<vmem>>, vector<1x16xf32>,
      %swap3A_1642 = vector.shape_cast %swap3A_1641 : vector<1x16xf32> to vector<16xf32>
      %swap3A_1643 = vector.shape_cast %add3A_1637 : vector<16xf32> to vector<1x16xf32>
      tpu.vector_store %arg9[%swap3A_1639, %swap3A_1640], %swap3A_1643 {strides = array<i32>} : memref<64x16xf32, #tpu.memory_space<vmem>>, vector<1x16xf32>,
      %eq3A_1644 = arith.constant 26 : i32
      %eq3A_1645 = vector.broadcast %eq3A_1644 : i32 to vector<16xi32>
      %eq3A_1646 = arith.cmpi eq, %select_n3A_994, %eq3A_1645 : vector<16xi32>
      %jit3A_1647 = arith.constant 0.000000e+00 : f32
      %broadcast_in_dim3A_1648 = vector.broadcast %jit3A_1647 : f32 to vector<16xf32>
      %select_n3A_1649 = arith.select %eq3A_1646, %broadcast_in_dim3A_996, %broadcast_in_dim3A_1648 : vector<16xi1>, vector<16xf32>
      %eq3A_1650 = arith.constant 26 : i32
      %eq3A_1651 = vector.broadcast %eq3A_1650 : i32 to vector<16xi32>
      %eq3A_1652 = arith.cmpi eq, %select_n3A_992, %eq3A_1651 : vector<16xi32>
      %jit3A_1653 = arith.constant 0.000000e+00 : f32
      %broadcast_in_dim3A_1654 = vector.broadcast %jit3A_1653 : f32 to vector<16xf32>
      %select_n3A_1655 = arith.select %eq3A_1652, %broadcast_in_dim3A_996, %broadcast_in_dim3A_1654 : vector<16xi1>, vector<16xf32>
      %add3A_1656 = arith.addf %select_n3A_1649, %select_n3A_1655 : vector<16xf32>
      %get3A_1657 = arith.constant 26 : i32
      %get3A_1658 = arith.index_cast %get3A_1657 : i32 to index
      %get3A_1659 = arith.constant 0 : index
      %get3A_1660 = tpu.vector_load %arg9[%get3A_1658, %get3A_1659] {strides = array<i32>} : memref<64x16xf32, #tpu.memory_space<vmem>>, vector<1x16xf32>,
      %get3A_1661 = vector.shape_cast %get3A_1660 : vector<1x16xf32> to vector<16xf32>
      %add3A_1662 = arith.addf %get3A_1661, %add3A_1656 : vector<16xf32>
      %swap3A_1663 = arith.constant 26 : i32
      %swap3A_1664 = arith.index_cast %swap3A_1663 : i32 to index
      %swap3A_1665 = arith.constant 0 : index
      %swap3A_1666 = tpu.vector_load %arg9[%swap3A_1664, %swap3A_1665] {strides = array<i32>} : memref<64x16xf32, #tpu.memory_space<vmem>>, vector<1x16xf32>,
      %swap3A_1667 = vector.shape_cast %swap3A_1666 : vector<1x16xf32> to vector<16xf32>
      %swap3A_1668 = vector.shape_cast %add3A_1662 : vector<16xf32> to vector<1x16xf32>
      tpu.vector_store %arg9[%swap3A_1664, %swap3A_1665], %swap3A_1668 {strides = array<i32>} : memref<64x16xf32, #tpu.memory_space<vmem>>, vector<1x16xf32>,
      %eq3A_1669 = arith.constant 27 : i32
      %eq3A_1670 = vector.broadcast %eq3A_1669 : i32 to vector<16xi32>
      %eq3A_1671 = arith.cmpi eq, %select_n3A_994, %eq3A_1670 : vector<16xi32>
      %jit3A_1672 = arith.constant 0.000000e+00 : f32
      %broadcast_in_dim3A_1673 = vector.broadcast %jit3A_1672 : f32 to vector<16xf32>
      %select_n3A_1674 = arith.select %eq3A_1671, %broadcast_in_dim3A_996, %broadcast_in_dim3A_1673 : vector<16xi1>, vector<16xf32>
      %eq3A_1675 = arith.constant 27 : i32
      %eq3A_1676 = vector.broadcast %eq3A_1675 : i32 to vector<16xi32>
      %eq3A_1677 = arith.cmpi eq, %select_n3A_992, %eq3A_1676 : vector<16xi32>
      %jit3A_1678 = arith.constant 0.000000e+00 : f32
      %broadcast_in_dim3A_1679 = vector.broadcast %jit3A_1678 : f32 to vector<16xf32>
      %select_n3A_1680 = arith.select %eq3A_1677, %broadcast_in_dim3A_996, %broadcast_in_dim3A_1679 : vector<16xi1>, vector<16xf32>
      %add3A_1681 = arith.addf %select_n3A_1674, %select_n3A_1680 : vector<16xf32>
      %get3A_1682 = arith.constant 27 : i32
      %get3A_1683 = arith.index_cast %get3A_1682 : i32 to index
      %get3A_1684 = arith.constant 0 : index
      %get3A_1685 = tpu.vector_load %arg9[%get3A_1683, %get3A_1684] {strides = array<i32>} : memref<64x16xf32, #tpu.memory_space<vmem>>, vector<1x16xf32>,
      %get3A_1686 = vector.shape_cast %get3A_1685 : vector<1x16xf32> to vector<16xf32>
      %add3A_1687 = arith.addf %get3A_1686, %add3A_1681 : vector<16xf32>
      %swap3A_1688 = arith.constant 27 : i32
      %swap3A_1689 = arith.index_cast %swap3A_1688 : i32 to index
      %swap3A_1690 = arith.constant 0 : index
      %swap3A_1691 = tpu.vector_load %arg9[%swap3A_1689, %swap3A_1690] {strides = array<i32>} : memref<64x16xf32, #tpu.memory_space<vmem>>, vector<1x16xf32>,
      %swap3A_1692 = vector.shape_cast %swap3A_1691 : vector<1x16xf32> to vector<16xf32>
      %swap3A_1693 = vector.shape_cast %add3A_1687 : vector<16xf32> to vector<1x16xf32>
      tpu.vector_store %arg9[%swap3A_1689, %swap3A_1690], %swap3A_1693 {strides = array<i32>} : memref<64x16xf32, #tpu.memory_space<vmem>>, vector<1x16xf32>,
      %eq3A_1694 = arith.constant 28 : i32
      %eq3A_1695 = vector.broadcast %eq3A_1694 : i32 to vector<16xi32>
      %eq3A_1696 = arith.cmpi eq, %select_n3A_994, %eq3A_1695 : vector<16xi32>
      %jit3A_1697 = arith.constant 0.000000e+00 : f32
      %broadcast_in_dim3A_1698 = vector.broadcast %jit3A_1697 : f32 to vector<16xf32>
      %select_n3A_1699 = arith.select %eq3A_1696, %broadcast_in_dim3A_996, %broadcast_in_dim3A_1698 : vector<16xi1>, vector<16xf32>
      %eq3A_1700 = arith.constant 28 : i32
      %eq3A_1701 = vector.broadcast %eq3A_1700 : i32 to vector<16xi32>
      %eq3A_1702 = arith.cmpi eq, %select_n3A_992, %eq3A_1701 : vector<16xi32>
      %jit3A_1703 = arith.constant 0.000000e+00 : f32
      %broadcast_in_dim3A_1704 = vector.broadcast %jit3A_1703 : f32 to vector<16xf32>
      %select_n3A_1705 = arith.select %eq3A_1702, %broadcast_in_dim3A_996, %broadcast_in_dim3A_1704 : vector<16xi1>, vector<16xf32>
      %add3A_1706 = arith.addf %select_n3A_1699, %select_n3A_1705 : vector<16xf32>
      %get3A_1707 = arith.constant 28 : i32
      %get3A_1708 = arith.index_cast %get3A_1707 : i32 to index
      %get3A_1709 = arith.constant 0 : index
      %get3A_1710 = tpu.vector_load %arg9[%get3A_1708, %get3A_1709] {strides = array<i32>} : memref<64x16xf32, #tpu.memory_space<vmem>>, vector<1x16xf32>,
      %get3A_1711 = vector.shape_cast %get3A_1710 : vector<1x16xf32> to vector<16xf32>
      %add3A_1712 = arith.addf %get3A_1711, %add3A_1706 : vector<16xf32>
      %swap3A_1713 = arith.constant 28 : i32
      %swap3A_1714 = arith.index_cast %swap3A_1713 : i32 to index
      %swap3A_1715 = arith.constant 0 : index
      %swap3A_1716 = tpu.vector_load %arg9[%swap3A_1714, %swap3A_1715] {strides = array<i32>} : memref<64x16xf32, #tpu.memory_space<vmem>>, vector<1x16xf32>,
      %swap3A_1717 = vector.shape_cast %swap3A_1716 : vector<1x16xf32> to vector<16xf32>
      %swap3A_1718 = vector.shape_cast %add3A_1712 : vector<16xf32> to vector<1x16xf32>
      tpu.vector_store %arg9[%swap3A_1714, %swap3A_1715], %swap3A_1718 {strides = array<i32>} : memref<64x16xf32, #tpu.memory_space<vmem>>, vector<1x16xf32>,
      %eq3A_1719 = arith.constant 29 : i32
      %eq3A_1720 = vector.broadcast %eq3A_1719 : i32 to vector<16xi32>
      %eq3A_1721 = arith.cmpi eq, %select_n3A_994, %eq3A_1720 : vector<16xi32>
      %jit3A_1722 = arith.constant 0.000000e+00 : f32
      %broadcast_in_dim3A_1723 = vector.broadcast %jit3A_1722 : f32 to vector<16xf32>
      %select_n3A_1724 = arith.select %eq3A_1721, %broadcast_in_dim3A_996, %broadcast_in_dim3A_1723 : vector<16xi1>, vector<16xf32>
      %eq3A_1725 = arith.constant 29 : i32
      %eq3A_1726 = vector.broadcast %eq3A_1725 : i32 to vector<16xi32>
      %eq3A_1727 = arith.cmpi eq, %select_n3A_992, %eq3A_1726 : vector<16xi32>
      %jit3A_1728 = arith.constant 0.000000e+00 : f32
      %broadcast_in_dim3A_1729 = vector.broadcast %jit3A_1728 : f32 to vector<16xf32>
      %select_n3A_1730 = arith.select %eq3A_1727, %broadcast_in_dim3A_996, %broadcast_in_dim3A_1729 : vector<16xi1>, vector<16xf32>
      %add3A_1731 = arith.addf %select_n3A_1724, %select_n3A_1730 : vector<16xf32>
      %get3A_1732 = arith.constant 29 : i32
      %get3A_1733 = arith.index_cast %get3A_1732 : i32 to index
      %get3A_1734 = arith.constant 0 : index
      %get3A_1735 = tpu.vector_load %arg9[%get3A_1733, %get3A_1734] {strides = array<i32>} : memref<64x16xf32, #tpu.memory_space<vmem>>, vector<1x16xf32>,
      %get3A_1736 = vector.shape_cast %get3A_1735 : vector<1x16xf32> to vector<16xf32>
      %add3A_1737 = arith.addf %get3A_1736, %add3A_1731 : vector<16xf32>
      %swap3A_1738 = arith.constant 29 : i32
      %swap3A_1739 = arith.index_cast %swap3A_1738 : i32 to index
      %swap3A_1740 = arith.constant 0 : index
      %swap3A_1741 = tpu.vector_load %arg9[%swap3A_1739, %swap3A_1740] {strides = array<i32>} : memref<64x16xf32, #tpu.memory_space<vmem>>, vector<1x16xf32>,
      %swap3A_1742 = vector.shape_cast %swap3A_1741 : vector<1x16xf32> to vector<16xf32>
      %swap3A_1743 = vector.shape_cast %add3A_1737 : vector<16xf32> to vector<1x16xf32>
      tpu.vector_store %arg9[%swap3A_1739, %swap3A_1740], %swap3A_1743 {strides = array<i32>} : memref<64x16xf32, #tpu.memory_space<vmem>>, vector<1x16xf32>,
      %eq3A_1744 = arith.constant 30 : i32
      %eq3A_1745 = vector.broadcast %eq3A_1744 : i32 to vector<16xi32>
      %eq3A_1746 = arith.cmpi eq, %select_n3A_994, %eq3A_1745 : vector<16xi32>
      %jit3A_1747 = arith.constant 0.000000e+00 : f32
      %broadcast_in_dim3A_1748 = vector.broadcast %jit3A_1747 : f32 to vector<16xf32>
      %select_n3A_1749 = arith.select %eq3A_1746, %broadcast_in_dim3A_996, %broadcast_in_dim3A_1748 : vector<16xi1>, vector<16xf32>
      %eq3A_1750 = arith.constant 30 : i32
      %eq3A_1751 = vector.broadcast %eq3A_1750 : i32 to vector<16xi32>
      %eq3A_1752 = arith.cmpi eq, %select_n3A_992, %eq3A_1751 : vector<16xi32>
      %jit3A_1753 = arith.constant 0.000000e+00 : f32
      %broadcast_in_dim3A_1754 = vector.broadcast %jit3A_1753 : f32 to vector<16xf32>
      %select_n3A_1755 = arith.select %eq3A_1752, %broadcast_in_dim3A_996, %broadcast_in_dim3A_1754 : vector<16xi1>, vector<16xf32>
      %add3A_1756 = arith.addf %select_n3A_1749, %select_n3A_1755 : vector<16xf32>
      %get3A_1757 = arith.constant 30 : i32
      %get3A_1758 = arith.index_cast %get3A_1757 : i32 to index
      %get3A_1759 = arith.constant 0 : index
      %get3A_1760 = tpu.vector_load %arg9[%get3A_1758, %get3A_1759] {strides = array<i32>} : memref<64x16xf32, #tpu.memory_space<vmem>>, vector<1x16xf32>,
      %get3A_1761 = vector.shape_cast %get3A_1760 : vector<1x16xf32> to vector<16xf32>
      %add3A_1762 = arith.addf %get3A_1761, %add3A_1756 : vector<16xf32>
      %swap3A_1763 = arith.constant 30 : i32
      %swap3A_1764 = arith.index_cast %swap3A_1763 : i32 to index
      %swap3A_1765 = arith.constant 0 : index
      %swap3A_1766 = tpu.vector_load %arg9[%swap3A_1764, %swap3A_1765] {strides = array<i32>} : memref<64x16xf32, #tpu.memory_space<vmem>>, vector<1x16xf32>,
      %swap3A_1767 = vector.shape_cast %swap3A_1766 : vector<1x16xf32> to vector<16xf32>
      %swap3A_1768 = vector.shape_cast %add3A_1762 : vector<16xf32> to vector<1x16xf32>
      tpu.vector_store %arg9[%swap3A_1764, %swap3A_1765], %swap3A_1768 {strides = array<i32>} : memref<64x16xf32, #tpu.memory_space<vmem>>, vector<1x16xf32>,
      %eq3A_1769 = arith.constant 31 : i32
      %eq3A_1770 = vector.broadcast %eq3A_1769 : i32 to vector<16xi32>
      %eq3A_1771 = arith.cmpi eq, %select_n3A_994, %eq3A_1770 : vector<16xi32>
      %jit3A_1772 = arith.constant 0.000000e+00 : f32
      %broadcast_in_dim3A_1773 = vector.broadcast %jit3A_1772 : f32 to vector<16xf32>
      %select_n3A_1774 = arith.select %eq3A_1771, %broadcast_in_dim3A_996, %broadcast_in_dim3A_1773 : vector<16xi1>, vector<16xf32>
      %eq3A_1775 = arith.constant 31 : i32
      %eq3A_1776 = vector.broadcast %eq3A_1775 : i32 to vector<16xi32>
      %eq3A_1777 = arith.cmpi eq, %select_n3A_992, %eq3A_1776 : vector<16xi32>
      %jit3A_1778 = arith.constant 0.000000e+00 : f32
      %broadcast_in_dim3A_1779 = vector.broadcast %jit3A_1778 : f32 to vector<16xf32>
      %select_n3A_1780 = arith.select %eq3A_1777, %broadcast_in_dim3A_996, %broadcast_in_dim3A_1779 : vector<16xi1>, vector<16xf32>
      %add3A_1781 = arith.addf %select_n3A_1774, %select_n3A_1780 : vector<16xf32>
      %get3A_1782 = arith.constant 31 : i32
      %get3A_1783 = arith.index_cast %get3A_1782 : i32 to index
      %get3A_1784 = arith.constant 0 : index
      %get3A_1785 = tpu.vector_load %arg9[%get3A_1783, %get3A_1784] {strides = array<i32>} : memref<64x16xf32, #tpu.memory_space<vmem>>, vector<1x16xf32>,
      %get3A_1786 = vector.shape_cast %get3A_1785 : vector<1x16xf32> to vector<16xf32>
      %add3A_1787 = arith.addf %get3A_1786, %add3A_1781 : vector<16xf32>
      %swap3A_1788 = arith.constant 31 : i32
      %swap3A_1789 = arith.index_cast %swap3A_1788 : i32 to index
      %swap3A_1790 = arith.constant 0 : index
      %swap3A_1791 = tpu.vector_load %arg9[%swap3A_1789, %swap3A_1790] {strides = array<i32>} : memref<64x16xf32, #tpu.memory_space<vmem>>, vector<1x16xf32>,
      %swap3A_1792 = vector.shape_cast %swap3A_1791 : vector<1x16xf32> to vector<16xf32>
      %swap3A_1793 = vector.shape_cast %add3A_1787 : vector<16xf32> to vector<1x16xf32>
      tpu.vector_store %arg9[%swap3A_1789, %swap3A_1790], %swap3A_1793 {strides = array<i32>} : memref<64x16xf32, #tpu.memory_space<vmem>>, vector<1x16xf32>,
      %eq3A_1794 = arith.constant 32 : i32
      %eq3A_1795 = vector.broadcast %eq3A_1794 : i32 to vector<16xi32>
      %eq3A_1796 = arith.cmpi eq, %select_n3A_994, %eq3A_1795 : vector<16xi32>
      %jit3A_1797 = arith.constant 0.000000e+00 : f32
      %broadcast_in_dim3A_1798 = vector.broadcast %jit3A_1797 : f32 to vector<16xf32>
      %select_n3A_1799 = arith.select %eq3A_1796, %broadcast_in_dim3A_996, %broadcast_in_dim3A_1798 : vector<16xi1>, vector<16xf32>
      %eq3A_1800 = arith.constant 32 : i32
      %eq3A_1801 = vector.broadcast %eq3A_1800 : i32 to vector<16xi32>
      %eq3A_1802 = arith.cmpi eq, %select_n3A_992, %eq3A_1801 : vector<16xi32>
      %jit3A_1803 = arith.constant 0.000000e+00 : f32
      %broadcast_in_dim3A_1804 = vector.broadcast %jit3A_1803 : f32 to vector<16xf32>
      %select_n3A_1805 = arith.select %eq3A_1802, %broadcast_in_dim3A_996, %broadcast_in_dim3A_1804 : vector<16xi1>, vector<16xf32>
      %add3A_1806 = arith.addf %select_n3A_1799, %select_n3A_1805 : vector<16xf32>
      %get3A_1807 = arith.constant 32 : i32
      %get3A_1808 = arith.index_cast %get3A_1807 : i32 to index
      %get3A_1809 = arith.constant 0 : index
      %get3A_1810 = tpu.vector_load %arg9[%get3A_1808, %get3A_1809] {strides = array<i32>} : memref<64x16xf32, #tpu.memory_space<vmem>>, vector<1x16xf32>,
      %get3A_1811 = vector.shape_cast %get3A_1810 : vector<1x16xf32> to vector<16xf32>
      %add3A_1812 = arith.addf %get3A_1811, %add3A_1806 : vector<16xf32>
      %swap3A_1813 = arith.constant 32 : i32
      %swap3A_1814 = arith.index_cast %swap3A_1813 : i32 to index
      %swap3A_1815 = arith.constant 0 : index
      %swap3A_1816 = tpu.vector_load %arg9[%swap3A_1814, %swap3A_1815] {strides = array<i32>} : memref<64x16xf32, #tpu.memory_space<vmem>>, vector<1x16xf32>,
      %swap3A_1817 = vector.shape_cast %swap3A_1816 : vector<1x16xf32> to vector<16xf32>
      %swap3A_1818 = vector.shape_cast %add3A_1812 : vector<16xf32> to vector<1x16xf32>
      tpu.vector_store %arg9[%swap3A_1814, %swap3A_1815], %swap3A_1818 {strides = array<i32>} : memref<64x16xf32, #tpu.memory_space<vmem>>, vector<1x16xf32>,
      %eq3A_1819 = arith.constant 33 : i32
      %eq3A_1820 = vector.broadcast %eq3A_1819 : i32 to vector<16xi32>
      %eq3A_1821 = arith.cmpi eq, %select_n3A_994, %eq3A_1820 : vector<16xi32>
      %jit3A_1822 = arith.constant 0.000000e+00 : f32
      %broadcast_in_dim3A_1823 = vector.broadcast %jit3A_1822 : f32 to vector<16xf32>
      %select_n3A_1824 = arith.select %eq3A_1821, %broadcast_in_dim3A_996, %broadcast_in_dim3A_1823 : vector<16xi1>, vector<16xf32>
      %eq3A_1825 = arith.constant 33 : i32
      %eq3A_1826 = vector.broadcast %eq3A_1825 : i32 to vector<16xi32>
      %eq3A_1827 = arith.cmpi eq, %select_n3A_992, %eq3A_1826 : vector<16xi32>
      %jit3A_1828 = arith.constant 0.000000e+00 : f32
      %broadcast_in_dim3A_1829 = vector.broadcast %jit3A_1828 : f32 to vector<16xf32>
      %select_n3A_1830 = arith.select %eq3A_1827, %broadcast_in_dim3A_996, %broadcast_in_dim3A_1829 : vector<16xi1>, vector<16xf32>
      %add3A_1831 = arith.addf %select_n3A_1824, %select_n3A_1830 : vector<16xf32>
      %get3A_1832 = arith.constant 33 : i32
      %get3A_1833 = arith.index_cast %get3A_1832 : i32 to index
      %get3A_1834 = arith.constant 0 : index
      %get3A_1835 = tpu.vector_load %arg9[%get3A_1833, %get3A_1834] {strides = array<i32>} : memref<64x16xf32, #tpu.memory_space<vmem>>, vector<1x16xf32>,
      %get3A_1836 = vector.shape_cast %get3A_1835 : vector<1x16xf32> to vector<16xf32>
      %add3A_1837 = arith.addf %get3A_1836, %add3A_1831 : vector<16xf32>
      %swap3A_1838 = arith.constant 33 : i32
      %swap3A_1839 = arith.index_cast %swap3A_1838 : i32 to index
      %swap3A_1840 = arith.constant 0 : index
      %swap3A_1841 = tpu.vector_load %arg9[%swap3A_1839, %swap3A_1840] {strides = array<i32>} : memref<64x16xf32, #tpu.memory_space<vmem>>, vector<1x16xf32>,
      %swap3A_1842 = vector.shape_cast %swap3A_1841 : vector<1x16xf32> to vector<16xf32>
      %swap3A_1843 = vector.shape_cast %add3A_1837 : vector<16xf32> to vector<1x16xf32>
      tpu.vector_store %arg9[%swap3A_1839, %swap3A_1840], %swap3A_1843 {strides = array<i32>} : memref<64x16xf32, #tpu.memory_space<vmem>>, vector<1x16xf32>,
      %eq3A_1844 = arith.constant 34 : i32
      %eq3A_1845 = vector.broadcast %eq3A_1844 : i32 to vector<16xi32>
      %eq3A_1846 = arith.cmpi eq, %select_n3A_994, %eq3A_1845 : vector<16xi32>
      %jit3A_1847 = arith.constant 0.000000e+00 : f32
      %broadcast_in_dim3A_1848 = vector.broadcast %jit3A_1847 : f32 to vector<16xf32>
      %select_n3A_1849 = arith.select %eq3A_1846, %broadcast_in_dim3A_996, %broadcast_in_dim3A_1848 : vector<16xi1>, vector<16xf32>
      %eq3A_1850 = arith.constant 34 : i32
      %eq3A_1851 = vector.broadcast %eq3A_1850 : i32 to vector<16xi32>
      %eq3A_1852 = arith.cmpi eq, %select_n3A_992, %eq3A_1851 : vector<16xi32>
      %jit3A_1853 = arith.constant 0.000000e+00 : f32
      %broadcast_in_dim3A_1854 = vector.broadcast %jit3A_1853 : f32 to vector<16xf32>
      %select_n3A_1855 = arith.select %eq3A_1852, %broadcast_in_dim3A_996, %broadcast_in_dim3A_1854 : vector<16xi1>, vector<16xf32>
      %add3A_1856 = arith.addf %select_n3A_1849, %select_n3A_1855 : vector<16xf32>
      %get3A_1857 = arith.constant 34 : i32
      %get3A_1858 = arith.index_cast %get3A_1857 : i32 to index
      %get3A_1859 = arith.constant 0 : index
      %get3A_1860 = tpu.vector_load %arg9[%get3A_1858, %get3A_1859] {strides = array<i32>} : memref<64x16xf32, #tpu.memory_space<vmem>>, vector<1x16xf32>,
      %get3A_1861 = vector.shape_cast %get3A_1860 : vector<1x16xf32> to vector<16xf32>
      %add3A_1862 = arith.addf %get3A_1861, %add3A_1856 : vector<16xf32>
      %swap3A_1863 = arith.constant 34 : i32
      %swap3A_1864 = arith.index_cast %swap3A_1863 : i32 to index
      %swap3A_1865 = arith.constant 0 : index
      %swap3A_1866 = tpu.vector_load %arg9[%swap3A_1864, %swap3A_1865] {strides = array<i32>} : memref<64x16xf32, #tpu.memory_space<vmem>>, vector<1x16xf32>,
      %swap3A_1867 = vector.shape_cast %swap3A_1866 : vector<1x16xf32> to vector<16xf32>
      %swap3A_1868 = vector.shape_cast %add3A_1862 : vector<16xf32> to vector<1x16xf32>
      tpu.vector_store %arg9[%swap3A_1864, %swap3A_1865], %swap3A_1868 {strides = array<i32>} : memref<64x16xf32, #tpu.memory_space<vmem>>, vector<1x16xf32>,
      %eq3A_1869 = arith.constant 35 : i32
      %eq3A_1870 = vector.broadcast %eq3A_1869 : i32 to vector<16xi32>
      %eq3A_1871 = arith.cmpi eq, %select_n3A_994, %eq3A_1870 : vector<16xi32>
      %jit3A_1872 = arith.constant 0.000000e+00 : f32
      %broadcast_in_dim3A_1873 = vector.broadcast %jit3A_1872 : f32 to vector<16xf32>
      %select_n3A_1874 = arith.select %eq3A_1871, %broadcast_in_dim3A_996, %broadcast_in_dim3A_1873 : vector<16xi1>, vector<16xf32>
      %eq3A_1875 = arith.constant 35 : i32
      %eq3A_1876 = vector.broadcast %eq3A_1875 : i32 to vector<16xi32>
      %eq3A_1877 = arith.cmpi eq, %select_n3A_992, %eq3A_1876 : vector<16xi32>
      %jit3A_1878 = arith.constant 0.000000e+00 : f32
      %broadcast_in_dim3A_1879 = vector.broadcast %jit3A_1878 : f32 to vector<16xf32>
      %select_n3A_1880 = arith.select %eq3A_1877, %broadcast_in_dim3A_996, %broadcast_in_dim3A_1879 : vector<16xi1>, vector<16xf32>
      %add3A_1881 = arith.addf %select_n3A_1874, %select_n3A_1880 : vector<16xf32>
      %get3A_1882 = arith.constant 35 : i32
      %get3A_1883 = arith.index_cast %get3A_1882 : i32 to index
      %get3A_1884 = arith.constant 0 : index
      %get3A_1885 = tpu.vector_load %arg9[%get3A_1883, %get3A_1884] {strides = array<i32>} : memref<64x16xf32, #tpu.memory_space<vmem>>, vector<1x16xf32>,
      %get3A_1886 = vector.shape_cast %get3A_1885 : vector<1x16xf32> to vector<16xf32>
      %add3A_1887 = arith.addf %get3A_1886, %add3A_1881 : vector<16xf32>
      %swap3A_1888 = arith.constant 35 : i32
      %swap3A_1889 = arith.index_cast %swap3A_1888 : i32 to index
      %swap3A_1890 = arith.constant 0 : index
      %swap3A_1891 = tpu.vector_load %arg9[%swap3A_1889, %swap3A_1890] {strides = array<i32>} : memref<64x16xf32, #tpu.memory_space<vmem>>, vector<1x16xf32>,
      %swap3A_1892 = vector.shape_cast %swap3A_1891 : vector<1x16xf32> to vector<16xf32>
      %swap3A_1893 = vector.shape_cast %add3A_1887 : vector<16xf32> to vector<1x16xf32>
      tpu.vector_store %arg9[%swap3A_1889, %swap3A_1890], %swap3A_1893 {strides = array<i32>} : memref<64x16xf32, #tpu.memory_space<vmem>>, vector<1x16xf32>,
      %eq3A_1894 = arith.constant 36 : i32
      %eq3A_1895 = vector.broadcast %eq3A_1894 : i32 to vector<16xi32>
      %eq3A_1896 = arith.cmpi eq, %select_n3A_994, %eq3A_1895 : vector<16xi32>
      %jit3A_1897 = arith.constant 0.000000e+00 : f32
      %broadcast_in_dim3A_1898 = vector.broadcast %jit3A_1897 : f32 to vector<16xf32>
      %select_n3A_1899 = arith.select %eq3A_1896, %broadcast_in_dim3A_996, %broadcast_in_dim3A_1898 : vector<16xi1>, vector<16xf32>
      %eq3A_1900 = arith.constant 36 : i32
      %eq3A_1901 = vector.broadcast %eq3A_1900 : i32 to vector<16xi32>
      %eq3A_1902 = arith.cmpi eq, %select_n3A_992, %eq3A_1901 : vector<16xi32>
      %jit3A_1903 = arith.constant 0.000000e+00 : f32
      %broadcast_in_dim3A_1904 = vector.broadcast %jit3A_1903 : f32 to vector<16xf32>
      %select_n3A_1905 = arith.select %eq3A_1902, %broadcast_in_dim3A_996, %broadcast_in_dim3A_1904 : vector<16xi1>, vector<16xf32>
      %add3A_1906 = arith.addf %select_n3A_1899, %select_n3A_1905 : vector<16xf32>
      %get3A_1907 = arith.constant 36 : i32
      %get3A_1908 = arith.index_cast %get3A_1907 : i32 to index
      %get3A_1909 = arith.constant 0 : index
      %get3A_1910 = tpu.vector_load %arg9[%get3A_1908, %get3A_1909] {strides = array<i32>} : memref<64x16xf32, #tpu.memory_space<vmem>>, vector<1x16xf32>,
      %get3A_1911 = vector.shape_cast %get3A_1910 : vector<1x16xf32> to vector<16xf32>
      %add3A_1912 = arith.addf %get3A_1911, %add3A_1906 : vector<16xf32>
      %swap3A_1913 = arith.constant 36 : i32
      %swap3A_1914 = arith.index_cast %swap3A_1913 : i32 to index
      %swap3A_1915 = arith.constant 0 : index
      %swap3A_1916 = tpu.vector_load %arg9[%swap3A_1914, %swap3A_1915] {strides = array<i32>} : memref<64x16xf32, #tpu.memory_space<vmem>>, vector<1x16xf32>,
      %swap3A_1917 = vector.shape_cast %swap3A_1916 : vector<1x16xf32> to vector<16xf32>
      %swap3A_1918 = vector.shape_cast %add3A_1912 : vector<16xf32> to vector<1x16xf32>
      tpu.vector_store %arg9[%swap3A_1914, %swap3A_1915], %swap3A_1918 {strides = array<i32>} : memref<64x16xf32, #tpu.memory_space<vmem>>, vector<1x16xf32>,
      %eq3A_1919 = arith.constant 37 : i32
      %eq3A_1920 = vector.broadcast %eq3A_1919 : i32 to vector<16xi32>
      %eq3A_1921 = arith.cmpi eq, %select_n3A_994, %eq3A_1920 : vector<16xi32>
      %jit3A_1922 = arith.constant 0.000000e+00 : f32
      %broadcast_in_dim3A_1923 = vector.broadcast %jit3A_1922 : f32 to vector<16xf32>
      %select_n3A_1924 = arith.select %eq3A_1921, %broadcast_in_dim3A_996, %broadcast_in_dim3A_1923 : vector<16xi1>, vector<16xf32>
      %eq3A_1925 = arith.constant 37 : i32
      %eq3A_1926 = vector.broadcast %eq3A_1925 : i32 to vector<16xi32>
      %eq3A_1927 = arith.cmpi eq, %select_n3A_992, %eq3A_1926 : vector<16xi32>
      %jit3A_1928 = arith.constant 0.000000e+00 : f32
      %broadcast_in_dim3A_1929 = vector.broadcast %jit3A_1928 : f32 to vector<16xf32>
      %select_n3A_1930 = arith.select %eq3A_1927, %broadcast_in_dim3A_996, %broadcast_in_dim3A_1929 : vector<16xi1>, vector<16xf32>
      %add3A_1931 = arith.addf %select_n3A_1924, %select_n3A_1930 : vector<16xf32>
      %get3A_1932 = arith.constant 37 : i32
      %get3A_1933 = arith.index_cast %get3A_1932 : i32 to index
      %get3A_1934 = arith.constant 0 : index
      %get3A_1935 = tpu.vector_load %arg9[%get3A_1933, %get3A_1934] {strides = array<i32>} : memref<64x16xf32, #tpu.memory_space<vmem>>, vector<1x16xf32>,
      %get3A_1936 = vector.shape_cast %get3A_1935 : vector<1x16xf32> to vector<16xf32>
      %add3A_1937 = arith.addf %get3A_1936, %add3A_1931 : vector<16xf32>
      %swap3A_1938 = arith.constant 37 : i32
      %swap3A_1939 = arith.index_cast %swap3A_1938 : i32 to index
      %swap3A_1940 = arith.constant 0 : index
      %swap3A_1941 = tpu.vector_load %arg9[%swap3A_1939, %swap3A_1940] {strides = array<i32>} : memref<64x16xf32, #tpu.memory_space<vmem>>, vector<1x16xf32>,
      %swap3A_1942 = vector.shape_cast %swap3A_1941 : vector<1x16xf32> to vector<16xf32>
      %swap3A_1943 = vector.shape_cast %add3A_1937 : vector<16xf32> to vector<1x16xf32>
      tpu.vector_store %arg9[%swap3A_1939, %swap3A_1940], %swap3A_1943 {strides = array<i32>} : memref<64x16xf32, #tpu.memory_space<vmem>>, vector<1x16xf32>,
      %eq3A_1944 = arith.constant 38 : i32
      %eq3A_1945 = vector.broadcast %eq3A_1944 : i32 to vector<16xi32>
      %eq3A_1946 = arith.cmpi eq, %select_n3A_994, %eq3A_1945 : vector<16xi32>
      %jit3A_1947 = arith.constant 0.000000e+00 : f32
      %broadcast_in_dim3A_1948 = vector.broadcast %jit3A_1947 : f32 to vector<16xf32>
      %select_n3A_1949 = arith.select %eq3A_1946, %broadcast_in_dim3A_996, %broadcast_in_dim3A_1948 : vector<16xi1>, vector<16xf32>
      %eq3A_1950 = arith.constant 38 : i32
      %eq3A_1951 = vector.broadcast %eq3A_1950 : i32 to vector<16xi32>
      %eq3A_1952 = arith.cmpi eq, %select_n3A_992, %eq3A_1951 : vector<16xi32>
      %jit3A_1953 = arith.constant 0.000000e+00 : f32
      %broadcast_in_dim3A_1954 = vector.broadcast %jit3A_1953 : f32 to vector<16xf32>
      %select_n3A_1955 = arith.select %eq3A_1952, %broadcast_in_dim3A_996, %broadcast_in_dim3A_1954 : vector<16xi1>, vector<16xf32>
      %add3A_1956 = arith.addf %select_n3A_1949, %select_n3A_1955 : vector<16xf32>
      %get3A_1957 = arith.constant 38 : i32
      %get3A_1958 = arith.index_cast %get3A_1957 : i32 to index
      %get3A_1959 = arith.constant 0 : index
      %get3A_1960 = tpu.vector_load %arg9[%get3A_1958, %get3A_1959] {strides = array<i32>} : memref<64x16xf32, #tpu.memory_space<vmem>>, vector<1x16xf32>,
      %get3A_1961 = vector.shape_cast %get3A_1960 : vector<1x16xf32> to vector<16xf32>
      %add3A_1962 = arith.addf %get3A_1961, %add3A_1956 : vector<16xf32>
      %swap3A_1963 = arith.constant 38 : i32
      %swap3A_1964 = arith.index_cast %swap3A_1963 : i32 to index
      %swap3A_1965 = arith.constant 0 : index
      %swap3A_1966 = tpu.vector_load %arg9[%swap3A_1964, %swap3A_1965] {strides = array<i32>} : memref<64x16xf32, #tpu.memory_space<vmem>>, vector<1x16xf32>,
      %swap3A_1967 = vector.shape_cast %swap3A_1966 : vector<1x16xf32> to vector<16xf32>
      %swap3A_1968 = vector.shape_cast %add3A_1962 : vector<16xf32> to vector<1x16xf32>
      tpu.vector_store %arg9[%swap3A_1964, %swap3A_1965], %swap3A_1968 {strides = array<i32>} : memref<64x16xf32, #tpu.memory_space<vmem>>, vector<1x16xf32>,
      %eq3A_1969 = arith.constant 39 : i32
      %eq3A_1970 = vector.broadcast %eq3A_1969 : i32 to vector<16xi32>
      %eq3A_1971 = arith.cmpi eq, %select_n3A_994, %eq3A_1970 : vector<16xi32>
      %jit3A_1972 = arith.constant 0.000000e+00 : f32
      %broadcast_in_dim3A_1973 = vector.broadcast %jit3A_1972 : f32 to vector<16xf32>
      %select_n3A_1974 = arith.select %eq3A_1971, %broadcast_in_dim3A_996, %broadcast_in_dim3A_1973 : vector<16xi1>, vector<16xf32>
      %eq3A_1975 = arith.constant 39 : i32
      %eq3A_1976 = vector.broadcast %eq3A_1975 : i32 to vector<16xi32>
      %eq3A_1977 = arith.cmpi eq, %select_n3A_992, %eq3A_1976 : vector<16xi32>
      %jit3A_1978 = arith.constant 0.000000e+00 : f32
      %broadcast_in_dim3A_1979 = vector.broadcast %jit3A_1978 : f32 to vector<16xf32>
      %select_n3A_1980 = arith.select %eq3A_1977, %broadcast_in_dim3A_996, %broadcast_in_dim3A_1979 : vector<16xi1>, vector<16xf32>
      %add3A_1981 = arith.addf %select_n3A_1974, %select_n3A_1980 : vector<16xf32>
      %get3A_1982 = arith.constant 39 : i32
      %get3A_1983 = arith.index_cast %get3A_1982 : i32 to index
      %get3A_1984 = arith.constant 0 : index
      %get3A_1985 = tpu.vector_load %arg9[%get3A_1983, %get3A_1984] {strides = array<i32>} : memref<64x16xf32, #tpu.memory_space<vmem>>, vector<1x16xf32>,
      %get3A_1986 = vector.shape_cast %get3A_1985 : vector<1x16xf32> to vector<16xf32>
      %add3A_1987 = arith.addf %get3A_1986, %add3A_1981 : vector<16xf32>
      %swap3A_1988 = arith.constant 39 : i32
      %swap3A_1989 = arith.index_cast %swap3A_1988 : i32 to index
      %swap3A_1990 = arith.constant 0 : index
      %swap3A_1991 = tpu.vector_load %arg9[%swap3A_1989, %swap3A_1990] {strides = array<i32>} : memref<64x16xf32, #tpu.memory_space<vmem>>, vector<1x16xf32>,
      %swap3A_1992 = vector.shape_cast %swap3A_1991 : vector<1x16xf32> to vector<16xf32>
      %swap3A_1993 = vector.shape_cast %add3A_1987 : vector<16xf32> to vector<1x16xf32>
      tpu.vector_store %arg9[%swap3A_1989, %swap3A_1990], %swap3A_1993 {strides = array<i32>} : memref<64x16xf32, #tpu.memory_space<vmem>>, vector<1x16xf32>,
      %eq3A_1994 = arith.constant 40 : i32
      %eq3A_1995 = vector.broadcast %eq3A_1994 : i32 to vector<16xi32>
      %eq3A_1996 = arith.cmpi eq, %select_n3A_994, %eq3A_1995 : vector<16xi32>
      %jit3A_1997 = arith.constant 0.000000e+00 : f32
      %broadcast_in_dim3A_1998 = vector.broadcast %jit3A_1997 : f32 to vector<16xf32>
      %select_n3A_1999 = arith.select %eq3A_1996, %broadcast_in_dim3A_996, %broadcast_in_dim3A_1998 : vector<16xi1>, vector<16xf32>
      %eq3A_2000 = arith.constant 40 : i32
      %eq3A_2001 = vector.broadcast %eq3A_2000 : i32 to vector<16xi32>
      %eq3A_2002 = arith.cmpi eq, %select_n3A_992, %eq3A_2001 : vector<16xi32>
      %jit3A_2003 = arith.constant 0.000000e+00 : f32
      %broadcast_in_dim3A_2004 = vector.broadcast %jit3A_2003 : f32 to vector<16xf32>
      %select_n3A_2005 = arith.select %eq3A_2002, %broadcast_in_dim3A_996, %broadcast_in_dim3A_2004 : vector<16xi1>, vector<16xf32>
      %add3A_2006 = arith.addf %select_n3A_1999, %select_n3A_2005 : vector<16xf32>
      %get3A_2007 = arith.constant 40 : i32
      %get3A_2008 = arith.index_cast %get3A_2007 : i32 to index
      %get3A_2009 = arith.constant 0 : index
      %get3A_2010 = tpu.vector_load %arg9[%get3A_2008, %get3A_2009] {strides = array<i32>} : memref<64x16xf32, #tpu.memory_space<vmem>>, vector<1x16xf32>,
      %get3A_2011 = vector.shape_cast %get3A_2010 : vector<1x16xf32> to vector<16xf32>
      %add3A_2012 = arith.addf %get3A_2011, %add3A_2006 : vector<16xf32>
      %swap3A_2013 = arith.constant 40 : i32
      %swap3A_2014 = arith.index_cast %swap3A_2013 : i32 to index
      %swap3A_2015 = arith.constant 0 : index
      %swap3A_2016 = tpu.vector_load %arg9[%swap3A_2014, %swap3A_2015] {strides = array<i32>} : memref<64x16xf32, #tpu.memory_space<vmem>>, vector<1x16xf32>,
      %swap3A_2017 = vector.shape_cast %swap3A_2016 : vector<1x16xf32> to vector<16xf32>
      %swap3A_2018 = vector.shape_cast %add3A_2012 : vector<16xf32> to vector<1x16xf32>
      tpu.vector_store %arg9[%swap3A_2014, %swap3A_2015], %swap3A_2018 {strides = array<i32>} : memref<64x16xf32, #tpu.memory_space<vmem>>, vector<1x16xf32>,
      %eq3A_2019 = arith.constant 41 : i32
      %eq3A_2020 = vector.broadcast %eq3A_2019 : i32 to vector<16xi32>
      %eq3A_2021 = arith.cmpi eq, %select_n3A_994, %eq3A_2020 : vector<16xi32>
      %jit3A_2022 = arith.constant 0.000000e+00 : f32
      %broadcast_in_dim3A_2023 = vector.broadcast %jit3A_2022 : f32 to vector<16xf32>
      %select_n3A_2024 = arith.select %eq3A_2021, %broadcast_in_dim3A_996, %broadcast_in_dim3A_2023 : vector<16xi1>, vector<16xf32>
      %eq3A_2025 = arith.constant 41 : i32
      %eq3A_2026 = vector.broadcast %eq3A_2025 : i32 to vector<16xi32>
      %eq3A_2027 = arith.cmpi eq, %select_n3A_992, %eq3A_2026 : vector<16xi32>
      %jit3A_2028 = arith.constant 0.000000e+00 : f32
      %broadcast_in_dim3A_2029 = vector.broadcast %jit3A_2028 : f32 to vector<16xf32>
      %select_n3A_2030 = arith.select %eq3A_2027, %broadcast_in_dim3A_996, %broadcast_in_dim3A_2029 : vector<16xi1>, vector<16xf32>
      %add3A_2031 = arith.addf %select_n3A_2024, %select_n3A_2030 : vector<16xf32>
      %get3A_2032 = arith.constant 41 : i32
      %get3A_2033 = arith.index_cast %get3A_2032 : i32 to index
      %get3A_2034 = arith.constant 0 : index
      %get3A_2035 = tpu.vector_load %arg9[%get3A_2033, %get3A_2034] {strides = array<i32>} : memref<64x16xf32, #tpu.memory_space<vmem>>, vector<1x16xf32>,
      %get3A_2036 = vector.shape_cast %get3A_2035 : vector<1x16xf32> to vector<16xf32>
      %add3A_2037 = arith.addf %get3A_2036, %add3A_2031 : vector<16xf32>
      %swap3A_2038 = arith.constant 41 : i32
      %swap3A_2039 = arith.index_cast %swap3A_2038 : i32 to index
      %swap3A_2040 = arith.constant 0 : index
      %swap3A_2041 = tpu.vector_load %arg9[%swap3A_2039, %swap3A_2040] {strides = array<i32>} : memref<64x16xf32, #tpu.memory_space<vmem>>, vector<1x16xf32>,
      %swap3A_2042 = vector.shape_cast %swap3A_2041 : vector<1x16xf32> to vector<16xf32>
      %swap3A_2043 = vector.shape_cast %add3A_2037 : vector<16xf32> to vector<1x16xf32>
      tpu.vector_store %arg9[%swap3A_2039, %swap3A_2040], %swap3A_2043 {strides = array<i32>} : memref<64x16xf32, #tpu.memory_space<vmem>>, vector<1x16xf32>,
      %eq3A_2044 = arith.constant 42 : i32
      %eq3A_2045 = vector.broadcast %eq3A_2044 : i32 to vector<16xi32>
      %eq3A_2046 = arith.cmpi eq, %select_n3A_994, %eq3A_2045 : vector<16xi32>
      %jit3A_2047 = arith.constant 0.000000e+00 : f32
      %broadcast_in_dim3A_2048 = vector.broadcast %jit3A_2047 : f32 to vector<16xf32>
      %select_n3A_2049 = arith.select %eq3A_2046, %broadcast_in_dim3A_996, %broadcast_in_dim3A_2048 : vector<16xi1>, vector<16xf32>
      %eq3A_2050 = arith.constant 42 : i32
      %eq3A_2051 = vector.broadcast %eq3A_2050 : i32 to vector<16xi32>
      %eq3A_2052 = arith.cmpi eq, %select_n3A_992, %eq3A_2051 : vector<16xi32>
      %jit3A_2053 = arith.constant 0.000000e+00 : f32
      %broadcast_in_dim3A_2054 = vector.broadcast %jit3A_2053 : f32 to vector<16xf32>
      %select_n3A_2055 = arith.select %eq3A_2052, %broadcast_in_dim3A_996, %broadcast_in_dim3A_2054 : vector<16xi1>, vector<16xf32>
      %add3A_2056 = arith.addf %select_n3A_2049, %select_n3A_2055 : vector<16xf32>
      %get3A_2057 = arith.constant 42 : i32
      %get3A_2058 = arith.index_cast %get3A_2057 : i32 to index
      %get3A_2059 = arith.constant 0 : index
      %get3A_2060 = tpu.vector_load %arg9[%get3A_2058, %get3A_2059] {strides = array<i32>} : memref<64x16xf32, #tpu.memory_space<vmem>>, vector<1x16xf32>,
      %get3A_2061 = vector.shape_cast %get3A_2060 : vector<1x16xf32> to vector<16xf32>
      %add3A_2062 = arith.addf %get3A_2061, %add3A_2056 : vector<16xf32>
      %swap3A_2063 = arith.constant 42 : i32
      %swap3A_2064 = arith.index_cast %swap3A_2063 : i32 to index
      %swap3A_2065 = arith.constant 0 : index
      %swap3A_2066 = tpu.vector_load %arg9[%swap3A_2064, %swap3A_2065] {strides = array<i32>} : memref<64x16xf32, #tpu.memory_space<vmem>>, vector<1x16xf32>,
      %swap3A_2067 = vector.shape_cast %swap3A_2066 : vector<1x16xf32> to vector<16xf32>
      %swap3A_2068 = vector.shape_cast %add3A_2062 : vector<16xf32> to vector<1x16xf32>
      tpu.vector_store %arg9[%swap3A_2064, %swap3A_2065], %swap3A_2068 {strides = array<i32>} : memref<64x16xf32, #tpu.memory_space<vmem>>, vector<1x16xf32>,
      %eq3A_2069 = arith.constant 43 : i32
      %eq3A_2070 = vector.broadcast %eq3A_2069 : i32 to vector<16xi32>
      %eq3A_2071 = arith.cmpi eq, %select_n3A_994, %eq3A_2070 : vector<16xi32>
      %jit3A_2072 = arith.constant 0.000000e+00 : f32
      %broadcast_in_dim3A_2073 = vector.broadcast %jit3A_2072 : f32 to vector<16xf32>
      %select_n3A_2074 = arith.select %eq3A_2071, %broadcast_in_dim3A_996, %broadcast_in_dim3A_2073 : vector<16xi1>, vector<16xf32>
      %eq3A_2075 = arith.constant 43 : i32
      %eq3A_2076 = vector.broadcast %eq3A_2075 : i32 to vector<16xi32>
      %eq3A_2077 = arith.cmpi eq, %select_n3A_992, %eq3A_2076 : vector<16xi32>
      %jit3A_2078 = arith.constant 0.000000e+00 : f32
      %broadcast_in_dim3A_2079 = vector.broadcast %jit3A_2078 : f32 to vector<16xf32>
      %select_n3A_2080 = arith.select %eq3A_2077, %broadcast_in_dim3A_996, %broadcast_in_dim3A_2079 : vector<16xi1>, vector<16xf32>
      %add3A_2081 = arith.addf %select_n3A_2074, %select_n3A_2080 : vector<16xf32>
      %get3A_2082 = arith.constant 43 : i32
      %get3A_2083 = arith.index_cast %get3A_2082 : i32 to index
      %get3A_2084 = arith.constant 0 : index
      %get3A_2085 = tpu.vector_load %arg9[%get3A_2083, %get3A_2084] {strides = array<i32>} : memref<64x16xf32, #tpu.memory_space<vmem>>, vector<1x16xf32>,
      %get3A_2086 = vector.shape_cast %get3A_2085 : vector<1x16xf32> to vector<16xf32>
      %add3A_2087 = arith.addf %get3A_2086, %add3A_2081 : vector<16xf32>
      %swap3A_2088 = arith.constant 43 : i32
      %swap3A_2089 = arith.index_cast %swap3A_2088 : i32 to index
      %swap3A_2090 = arith.constant 0 : index
      %swap3A_2091 = tpu.vector_load %arg9[%swap3A_2089, %swap3A_2090] {strides = array<i32>} : memref<64x16xf32, #tpu.memory_space<vmem>>, vector<1x16xf32>,
      %swap3A_2092 = vector.shape_cast %swap3A_2091 : vector<1x16xf32> to vector<16xf32>
      %swap3A_2093 = vector.shape_cast %add3A_2087 : vector<16xf32> to vector<1x16xf32>
      tpu.vector_store %arg9[%swap3A_2089, %swap3A_2090], %swap3A_2093 {strides = array<i32>} : memref<64x16xf32, #tpu.memory_space<vmem>>, vector<1x16xf32>,
      %eq3A_2094 = arith.constant 44 : i32
      %eq3A_2095 = vector.broadcast %eq3A_2094 : i32 to vector<16xi32>
      %eq3A_2096 = arith.cmpi eq, %select_n3A_994, %eq3A_2095 : vector<16xi32>
      %jit3A_2097 = arith.constant 0.000000e+00 : f32
      %broadcast_in_dim3A_2098 = vector.broadcast %jit3A_2097 : f32 to vector<16xf32>
      %select_n3A_2099 = arith.select %eq3A_2096, %broadcast_in_dim3A_996, %broadcast_in_dim3A_2098 : vector<16xi1>, vector<16xf32>
      %eq3A_2100 = arith.constant 44 : i32
      %eq3A_2101 = vector.broadcast %eq3A_2100 : i32 to vector<16xi32>
      %eq3A_2102 = arith.cmpi eq, %select_n3A_992, %eq3A_2101 : vector<16xi32>
      %jit3A_2103 = arith.constant 0.000000e+00 : f32
      %broadcast_in_dim3A_2104 = vector.broadcast %jit3A_2103 : f32 to vector<16xf32>
      %select_n3A_2105 = arith.select %eq3A_2102, %broadcast_in_dim3A_996, %broadcast_in_dim3A_2104 : vector<16xi1>, vector<16xf32>
      %add3A_2106 = arith.addf %select_n3A_2099, %select_n3A_2105 : vector<16xf32>
      %get3A_2107 = arith.constant 44 : i32
      %get3A_2108 = arith.index_cast %get3A_2107 : i32 to index
      %get3A_2109 = arith.constant 0 : index
      %get3A_2110 = tpu.vector_load %arg9[%get3A_2108, %get3A_2109] {strides = array<i32>} : memref<64x16xf32, #tpu.memory_space<vmem>>, vector<1x16xf32>,
      %get3A_2111 = vector.shape_cast %get3A_2110 : vector<1x16xf32> to vector<16xf32>
      %add3A_2112 = arith.addf %get3A_2111, %add3A_2106 : vector<16xf32>
      %swap3A_2113 = arith.constant 44 : i32
      %swap3A_2114 = arith.index_cast %swap3A_2113 : i32 to index
      %swap3A_2115 = arith.constant 0 : index
      %swap3A_2116 = tpu.vector_load %arg9[%swap3A_2114, %swap3A_2115] {strides = array<i32>} : memref<64x16xf32, #tpu.memory_space<vmem>>, vector<1x16xf32>,
      %swap3A_2117 = vector.shape_cast %swap3A_2116 : vector<1x16xf32> to vector<16xf32>
      %swap3A_2118 = vector.shape_cast %add3A_2112 : vector<16xf32> to vector<1x16xf32>
      tpu.vector_store %arg9[%swap3A_2114, %swap3A_2115], %swap3A_2118 {strides = array<i32>} : memref<64x16xf32, #tpu.memory_space<vmem>>, vector<1x16xf32>,
      %eq3A_2119 = arith.constant 45 : i32
      %eq3A_2120 = vector.broadcast %eq3A_2119 : i32 to vector<16xi32>
      %eq3A_2121 = arith.cmpi eq, %select_n3A_994, %eq3A_2120 : vector<16xi32>
      %jit3A_2122 = arith.constant 0.000000e+00 : f32
      %broadcast_in_dim3A_2123 = vector.broadcast %jit3A_2122 : f32 to vector<16xf32>
      %select_n3A_2124 = arith.select %eq3A_2121, %broadcast_in_dim3A_996, %broadcast_in_dim3A_2123 : vector<16xi1>, vector<16xf32>
      %eq3A_2125 = arith.constant 45 : i32
      %eq3A_2126 = vector.broadcast %eq3A_2125 : i32 to vector<16xi32>
      %eq3A_2127 = arith.cmpi eq, %select_n3A_992, %eq3A_2126 : vector<16xi32>
      %jit3A_2128 = arith.constant 0.000000e+00 : f32
      %broadcast_in_dim3A_2129 = vector.broadcast %jit3A_2128 : f32 to vector<16xf32>
      %select_n3A_2130 = arith.select %eq3A_2127, %broadcast_in_dim3A_996, %broadcast_in_dim3A_2129 : vector<16xi1>, vector<16xf32>
      %add3A_2131 = arith.addf %select_n3A_2124, %select_n3A_2130 : vector<16xf32>
      %get3A_2132 = arith.constant 45 : i32
      %get3A_2133 = arith.index_cast %get3A_2132 : i32 to index
      %get3A_2134 = arith.constant 0 : index
      %get3A_2135 = tpu.vector_load %arg9[%get3A_2133, %get3A_2134] {strides = array<i32>} : memref<64x16xf32, #tpu.memory_space<vmem>>, vector<1x16xf32>,
      %get3A_2136 = vector.shape_cast %get3A_2135 : vector<1x16xf32> to vector<16xf32>
      %add3A_2137 = arith.addf %get3A_2136, %add3A_2131 : vector<16xf32>
      %swap3A_2138 = arith.constant 45 : i32
      %swap3A_2139 = arith.index_cast %swap3A_2138 : i32 to index
      %swap3A_2140 = arith.constant 0 : index
      %swap3A_2141 = tpu.vector_load %arg9[%swap3A_2139, %swap3A_2140] {strides = array<i32>} : memref<64x16xf32, #tpu.memory_space<vmem>>, vector<1x16xf32>,
      %swap3A_2142 = vector.shape_cast %swap3A_2141 : vector<1x16xf32> to vector<16xf32>
      %swap3A_2143 = vector.shape_cast %add3A_2137 : vector<16xf32> to vector<1x16xf32>
      tpu.vector_store %arg9[%swap3A_2139, %swap3A_2140], %swap3A_2143 {strides = array<i32>} : memref<64x16xf32, #tpu.memory_space<vmem>>, vector<1x16xf32>,
      %eq3A_2144 = arith.constant 46 : i32
      %eq3A_2145 = vector.broadcast %eq3A_2144 : i32 to vector<16xi32>
      %eq3A_2146 = arith.cmpi eq, %select_n3A_994, %eq3A_2145 : vector<16xi32>
      %jit3A_2147 = arith.constant 0.000000e+00 : f32
      %broadcast_in_dim3A_2148 = vector.broadcast %jit3A_2147 : f32 to vector<16xf32>
      %select_n3A_2149 = arith.select %eq3A_2146, %broadcast_in_dim3A_996, %broadcast_in_dim3A_2148 : vector<16xi1>, vector<16xf32>
      %eq3A_2150 = arith.constant 46 : i32
      %eq3A_2151 = vector.broadcast %eq3A_2150 : i32 to vector<16xi32>
      %eq3A_2152 = arith.cmpi eq, %select_n3A_992, %eq3A_2151 : vector<16xi32>
      %jit3A_2153 = arith.constant 0.000000e+00 : f32
      %broadcast_in_dim3A_2154 = vector.broadcast %jit3A_2153 : f32 to vector<16xf32>
      %select_n3A_2155 = arith.select %eq3A_2152, %broadcast_in_dim3A_996, %broadcast_in_dim3A_2154 : vector<16xi1>, vector<16xf32>
      %add3A_2156 = arith.addf %select_n3A_2149, %select_n3A_2155 : vector<16xf32>
      %get3A_2157 = arith.constant 46 : i32
      %get3A_2158 = arith.index_cast %get3A_2157 : i32 to index
      %get3A_2159 = arith.constant 0 : index
      %get3A_2160 = tpu.vector_load %arg9[%get3A_2158, %get3A_2159] {strides = array<i32>} : memref<64x16xf32, #tpu.memory_space<vmem>>, vector<1x16xf32>,
      %get3A_2161 = vector.shape_cast %get3A_2160 : vector<1x16xf32> to vector<16xf32>
      %add3A_2162 = arith.addf %get3A_2161, %add3A_2156 : vector<16xf32>
      %swap3A_2163 = arith.constant 46 : i32
      %swap3A_2164 = arith.index_cast %swap3A_2163 : i32 to index
      %swap3A_2165 = arith.constant 0 : index
      %swap3A_2166 = tpu.vector_load %arg9[%swap3A_2164, %swap3A_2165] {strides = array<i32>} : memref<64x16xf32, #tpu.memory_space<vmem>>, vector<1x16xf32>,
      %swap3A_2167 = vector.shape_cast %swap3A_2166 : vector<1x16xf32> to vector<16xf32>
      %swap3A_2168 = vector.shape_cast %add3A_2162 : vector<16xf32> to vector<1x16xf32>
      tpu.vector_store %arg9[%swap3A_2164, %swap3A_2165], %swap3A_2168 {strides = array<i32>} : memref<64x16xf32, #tpu.memory_space<vmem>>, vector<1x16xf32>,
      %eq3A_2169 = arith.constant 47 : i32
      %eq3A_2170 = vector.broadcast %eq3A_2169 : i32 to vector<16xi32>
      %eq3A_2171 = arith.cmpi eq, %select_n3A_994, %eq3A_2170 : vector<16xi32>
      %jit3A_2172 = arith.constant 0.000000e+00 : f32
      %broadcast_in_dim3A_2173 = vector.broadcast %jit3A_2172 : f32 to vector<16xf32>
      %select_n3A_2174 = arith.select %eq3A_2171, %broadcast_in_dim3A_996, %broadcast_in_dim3A_2173 : vector<16xi1>, vector<16xf32>
      %eq3A_2175 = arith.constant 47 : i32
      %eq3A_2176 = vector.broadcast %eq3A_2175 : i32 to vector<16xi32>
      %eq3A_2177 = arith.cmpi eq, %select_n3A_992, %eq3A_2176 : vector<16xi32>
      %jit3A_2178 = arith.constant 0.000000e+00 : f32
      %broadcast_in_dim3A_2179 = vector.broadcast %jit3A_2178 : f32 to vector<16xf32>
      %select_n3A_2180 = arith.select %eq3A_2177, %broadcast_in_dim3A_996, %broadcast_in_dim3A_2179 : vector<16xi1>, vector<16xf32>
      %add3A_2181 = arith.addf %select_n3A_2174, %select_n3A_2180 : vector<16xf32>
      %get3A_2182 = arith.constant 47 : i32
      %get3A_2183 = arith.index_cast %get3A_2182 : i32 to index
      %get3A_2184 = arith.constant 0 : index
      %get3A_2185 = tpu.vector_load %arg9[%get3A_2183, %get3A_2184] {strides = array<i32>} : memref<64x16xf32, #tpu.memory_space<vmem>>, vector<1x16xf32>,
      %get3A_2186 = vector.shape_cast %get3A_2185 : vector<1x16xf32> to vector<16xf32>
      %add3A_2187 = arith.addf %get3A_2186, %add3A_2181 : vector<16xf32>
      %swap3A_2188 = arith.constant 47 : i32
      %swap3A_2189 = arith.index_cast %swap3A_2188 : i32 to index
      %swap3A_2190 = arith.constant 0 : index
      %swap3A_2191 = tpu.vector_load %arg9[%swap3A_2189, %swap3A_2190] {strides = array<i32>} : memref<64x16xf32, #tpu.memory_space<vmem>>, vector<1x16xf32>,
      %swap3A_2192 = vector.shape_cast %swap3A_2191 : vector<1x16xf32> to vector<16xf32>
      %swap3A_2193 = vector.shape_cast %add3A_2187 : vector<16xf32> to vector<1x16xf32>
      tpu.vector_store %arg9[%swap3A_2189, %swap3A_2190], %swap3A_2193 {strides = array<i32>} : memref<64x16xf32, #tpu.memory_space<vmem>>, vector<1x16xf32>,
      %eq3A_2194 = arith.constant 48 : i32
      %eq3A_2195 = vector.broadcast %eq3A_2194 : i32 to vector<16xi32>
      %eq3A_2196 = arith.cmpi eq, %select_n3A_994, %eq3A_2195 : vector<16xi32>
      %jit3A_2197 = arith.constant 0.000000e+00 : f32
      %broadcast_in_dim3A_2198 = vector.broadcast %jit3A_2197 : f32 to vector<16xf32>
      %select_n3A_2199 = arith.select %eq3A_2196, %broadcast_in_dim3A_996, %broadcast_in_dim3A_2198 : vector<16xi1>, vector<16xf32>
      %eq3A_2200 = arith.constant 48 : i32
      %eq3A_2201 = vector.broadcast %eq3A_2200 : i32 to vector<16xi32>
      %eq3A_2202 = arith.cmpi eq, %select_n3A_992, %eq3A_2201 : vector<16xi32>
      %jit3A_2203 = arith.constant 0.000000e+00 : f32
      %broadcast_in_dim3A_2204 = vector.broadcast %jit3A_2203 : f32 to vector<16xf32>
      %select_n3A_2205 = arith.select %eq3A_2202, %broadcast_in_dim3A_996, %broadcast_in_dim3A_2204 : vector<16xi1>, vector<16xf32>
      %add3A_2206 = arith.addf %select_n3A_2199, %select_n3A_2205 : vector<16xf32>
      %get3A_2207 = arith.constant 48 : i32
      %get3A_2208 = arith.index_cast %get3A_2207 : i32 to index
      %get3A_2209 = arith.constant 0 : index
      %get3A_2210 = tpu.vector_load %arg9[%get3A_2208, %get3A_2209] {strides = array<i32>} : memref<64x16xf32, #tpu.memory_space<vmem>>, vector<1x16xf32>,
      %get3A_2211 = vector.shape_cast %get3A_2210 : vector<1x16xf32> to vector<16xf32>
      %add3A_2212 = arith.addf %get3A_2211, %add3A_2206 : vector<16xf32>
      %swap3A_2213 = arith.constant 48 : i32
      %swap3A_2214 = arith.index_cast %swap3A_2213 : i32 to index
      %swap3A_2215 = arith.constant 0 : index
      %swap3A_2216 = tpu.vector_load %arg9[%swap3A_2214, %swap3A_2215] {strides = array<i32>} : memref<64x16xf32, #tpu.memory_space<vmem>>, vector<1x16xf32>,
      %swap3A_2217 = vector.shape_cast %swap3A_2216 : vector<1x16xf32> to vector<16xf32>
      %swap3A_2218 = vector.shape_cast %add3A_2212 : vector<16xf32> to vector<1x16xf32>
      tpu.vector_store %arg9[%swap3A_2214, %swap3A_2215], %swap3A_2218 {strides = array<i32>} : memref<64x16xf32, #tpu.memory_space<vmem>>, vector<1x16xf32>,
      %eq3A_2219 = arith.constant 49 : i32
      %eq3A_2220 = vector.broadcast %eq3A_2219 : i32 to vector<16xi32>
      %eq3A_2221 = arith.cmpi eq, %select_n3A_994, %eq3A_2220 : vector<16xi32>
      %jit3A_2222 = arith.constant 0.000000e+00 : f32
      %broadcast_in_dim3A_2223 = vector.broadcast %jit3A_2222 : f32 to vector<16xf32>
      %select_n3A_2224 = arith.select %eq3A_2221, %broadcast_in_dim3A_996, %broadcast_in_dim3A_2223 : vector<16xi1>, vector<16xf32>
      %eq3A_2225 = arith.constant 49 : i32
      %eq3A_2226 = vector.broadcast %eq3A_2225 : i32 to vector<16xi32>
      %eq3A_2227 = arith.cmpi eq, %select_n3A_992, %eq3A_2226 : vector<16xi32>
      %jit3A_2228 = arith.constant 0.000000e+00 : f32
      %broadcast_in_dim3A_2229 = vector.broadcast %jit3A_2228 : f32 to vector<16xf32>
      %select_n3A_2230 = arith.select %eq3A_2227, %broadcast_in_dim3A_996, %broadcast_in_dim3A_2229 : vector<16xi1>, vector<16xf32>
      %add3A_2231 = arith.addf %select_n3A_2224, %select_n3A_2230 : vector<16xf32>
      %get3A_2232 = arith.constant 49 : i32
      %get3A_2233 = arith.index_cast %get3A_2232 : i32 to index
      %get3A_2234 = arith.constant 0 : index
      %get3A_2235 = tpu.vector_load %arg9[%get3A_2233, %get3A_2234] {strides = array<i32>} : memref<64x16xf32, #tpu.memory_space<vmem>>, vector<1x16xf32>,
      %get3A_2236 = vector.shape_cast %get3A_2235 : vector<1x16xf32> to vector<16xf32>
      %add3A_2237 = arith.addf %get3A_2236, %add3A_2231 : vector<16xf32>
      %swap3A_2238 = arith.constant 49 : i32
      %swap3A_2239 = arith.index_cast %swap3A_2238 : i32 to index
      %swap3A_2240 = arith.constant 0 : index
      %swap3A_2241 = tpu.vector_load %arg9[%swap3A_2239, %swap3A_2240] {strides = array<i32>} : memref<64x16xf32, #tpu.memory_space<vmem>>, vector<1x16xf32>,
      %swap3A_2242 = vector.shape_cast %swap3A_2241 : vector<1x16xf32> to vector<16xf32>
      %swap3A_2243 = vector.shape_cast %add3A_2237 : vector<16xf32> to vector<1x16xf32>
      tpu.vector_store %arg9[%swap3A_2239, %swap3A_2240], %swap3A_2243 {strides = array<i32>} : memref<64x16xf32, #tpu.memory_space<vmem>>, vector<1x16xf32>,
      %eq3A_2244 = arith.constant 50 : i32
      %eq3A_2245 = vector.broadcast %eq3A_2244 : i32 to vector<16xi32>
      %eq3A_2246 = arith.cmpi eq, %select_n3A_994, %eq3A_2245 : vector<16xi32>
      %jit3A_2247 = arith.constant 0.000000e+00 : f32
      %broadcast_in_dim3A_2248 = vector.broadcast %jit3A_2247 : f32 to vector<16xf32>
      %select_n3A_2249 = arith.select %eq3A_2246, %broadcast_in_dim3A_996, %broadcast_in_dim3A_2248 : vector<16xi1>, vector<16xf32>
      %eq3A_2250 = arith.constant 50 : i32
      %eq3A_2251 = vector.broadcast %eq3A_2250 : i32 to vector<16xi32>
      %eq3A_2252 = arith.cmpi eq, %select_n3A_992, %eq3A_2251 : vector<16xi32>
      %jit3A_2253 = arith.constant 0.000000e+00 : f32
      %broadcast_in_dim3A_2254 = vector.broadcast %jit3A_2253 : f32 to vector<16xf32>
      %select_n3A_2255 = arith.select %eq3A_2252, %broadcast_in_dim3A_996, %broadcast_in_dim3A_2254 : vector<16xi1>, vector<16xf32>
      %add3A_2256 = arith.addf %select_n3A_2249, %select_n3A_2255 : vector<16xf32>
      %get3A_2257 = arith.constant 50 : i32
      %get3A_2258 = arith.index_cast %get3A_2257 : i32 to index
      %get3A_2259 = arith.constant 0 : index
      %get3A_2260 = tpu.vector_load %arg9[%get3A_2258, %get3A_2259] {strides = array<i32>} : memref<64x16xf32, #tpu.memory_space<vmem>>, vector<1x16xf32>,
      %get3A_2261 = vector.shape_cast %get3A_2260 : vector<1x16xf32> to vector<16xf32>
      %add3A_2262 = arith.addf %get3A_2261, %add3A_2256 : vector<16xf32>
      %swap3A_2263 = arith.constant 50 : i32
      %swap3A_2264 = arith.index_cast %swap3A_2263 : i32 to index
      %swap3A_2265 = arith.constant 0 : index
      %swap3A_2266 = tpu.vector_load %arg9[%swap3A_2264, %swap3A_2265] {strides = array<i32>} : memref<64x16xf32, #tpu.memory_space<vmem>>, vector<1x16xf32>,
      %swap3A_2267 = vector.shape_cast %swap3A_2266 : vector<1x16xf32> to vector<16xf32>
      %swap3A_2268 = vector.shape_cast %add3A_2262 : vector<16xf32> to vector<1x16xf32>
      tpu.vector_store %arg9[%swap3A_2264, %swap3A_2265], %swap3A_2268 {strides = array<i32>} : memref<64x16xf32, #tpu.memory_space<vmem>>, vector<1x16xf32>,
      %eq3A_2269 = arith.constant 51 : i32
      %eq3A_2270 = vector.broadcast %eq3A_2269 : i32 to vector<16xi32>
      %eq3A_2271 = arith.cmpi eq, %select_n3A_994, %eq3A_2270 : vector<16xi32>
      %jit3A_2272 = arith.constant 0.000000e+00 : f32
      %broadcast_in_dim3A_2273 = vector.broadcast %jit3A_2272 : f32 to vector<16xf32>
      %select_n3A_2274 = arith.select %eq3A_2271, %broadcast_in_dim3A_996, %broadcast_in_dim3A_2273 : vector<16xi1>, vector<16xf32>
      %eq3A_2275 = arith.constant 51 : i32
      %eq3A_2276 = vector.broadcast %eq3A_2275 : i32 to vector<16xi32>
      %eq3A_2277 = arith.cmpi eq, %select_n3A_992, %eq3A_2276 : vector<16xi32>
      %jit3A_2278 = arith.constant 0.000000e+00 : f32
      %broadcast_in_dim3A_2279 = vector.broadcast %jit3A_2278 : f32 to vector<16xf32>
      %select_n3A_2280 = arith.select %eq3A_2277, %broadcast_in_dim3A_996, %broadcast_in_dim3A_2279 : vector<16xi1>, vector<16xf32>
      %add3A_2281 = arith.addf %select_n3A_2274, %select_n3A_2280 : vector<16xf32>
      %get3A_2282 = arith.constant 51 : i32
      %get3A_2283 = arith.index_cast %get3A_2282 : i32 to index
      %get3A_2284 = arith.constant 0 : index
      %get3A_2285 = tpu.vector_load %arg9[%get3A_2283, %get3A_2284] {strides = array<i32>} : memref<64x16xf32, #tpu.memory_space<vmem>>, vector<1x16xf32>,
      %get3A_2286 = vector.shape_cast %get3A_2285 : vector<1x16xf32> to vector<16xf32>
      %add3A_2287 = arith.addf %get3A_2286, %add3A_2281 : vector<16xf32>
      %swap3A_2288 = arith.constant 51 : i32
      %swap3A_2289 = arith.index_cast %swap3A_2288 : i32 to index
      %swap3A_2290 = arith.constant 0 : index
      %swap3A_2291 = tpu.vector_load %arg9[%swap3A_2289, %swap3A_2290] {strides = array<i32>} : memref<64x16xf32, #tpu.memory_space<vmem>>, vector<1x16xf32>,
      %swap3A_2292 = vector.shape_cast %swap3A_2291 : vector<1x16xf32> to vector<16xf32>
      %swap3A_2293 = vector.shape_cast %add3A_2287 : vector<16xf32> to vector<1x16xf32>
      tpu.vector_store %arg9[%swap3A_2289, %swap3A_2290], %swap3A_2293 {strides = array<i32>} : memref<64x16xf32, #tpu.memory_space<vmem>>, vector<1x16xf32>,
      %eq3A_2294 = arith.constant 52 : i32
      %eq3A_2295 = vector.broadcast %eq3A_2294 : i32 to vector<16xi32>
      %eq3A_2296 = arith.cmpi eq, %select_n3A_994, %eq3A_2295 : vector<16xi32>
      %jit3A_2297 = arith.constant 0.000000e+00 : f32
      %broadcast_in_dim3A_2298 = vector.broadcast %jit3A_2297 : f32 to vector<16xf32>
      %select_n3A_2299 = arith.select %eq3A_2296, %broadcast_in_dim3A_996, %broadcast_in_dim3A_2298 : vector<16xi1>, vector<16xf32>
      %eq3A_2300 = arith.constant 52 : i32
      %eq3A_2301 = vector.broadcast %eq3A_2300 : i32 to vector<16xi32>
      %eq3A_2302 = arith.cmpi eq, %select_n3A_992, %eq3A_2301 : vector<16xi32>
      %jit3A_2303 = arith.constant 0.000000e+00 : f32
      %broadcast_in_dim3A_2304 = vector.broadcast %jit3A_2303 : f32 to vector<16xf32>
      %select_n3A_2305 = arith.select %eq3A_2302, %broadcast_in_dim3A_996, %broadcast_in_dim3A_2304 : vector<16xi1>, vector<16xf32>
      %add3A_2306 = arith.addf %select_n3A_2299, %select_n3A_2305 : vector<16xf32>
      %get3A_2307 = arith.constant 52 : i32
      %get3A_2308 = arith.index_cast %get3A_2307 : i32 to index
      %get3A_2309 = arith.constant 0 : index
      %get3A_2310 = tpu.vector_load %arg9[%get3A_2308, %get3A_2309] {strides = array<i32>} : memref<64x16xf32, #tpu.memory_space<vmem>>, vector<1x16xf32>,
      %get3A_2311 = vector.shape_cast %get3A_2310 : vector<1x16xf32> to vector<16xf32>
      %add3A_2312 = arith.addf %get3A_2311, %add3A_2306 : vector<16xf32>
      %swap3A_2313 = arith.constant 52 : i32
      %swap3A_2314 = arith.index_cast %swap3A_2313 : i32 to index
      %swap3A_2315 = arith.constant 0 : index
      %swap3A_2316 = tpu.vector_load %arg9[%swap3A_2314, %swap3A_2315] {strides = array<i32>} : memref<64x16xf32, #tpu.memory_space<vmem>>, vector<1x16xf32>,
      %swap3A_2317 = vector.shape_cast %swap3A_2316 : vector<1x16xf32> to vector<16xf32>
      %swap3A_2318 = vector.shape_cast %add3A_2312 : vector<16xf32> to vector<1x16xf32>
      tpu.vector_store %arg9[%swap3A_2314, %swap3A_2315], %swap3A_2318 {strides = array<i32>} : memref<64x16xf32, #tpu.memory_space<vmem>>, vector<1x16xf32>,
      %eq3A_2319 = arith.constant 53 : i32
      %eq3A_2320 = vector.broadcast %eq3A_2319 : i32 to vector<16xi32>
      %eq3A_2321 = arith.cmpi eq, %select_n3A_994, %eq3A_2320 : vector<16xi32>
      %jit3A_2322 = arith.constant 0.000000e+00 : f32
      %broadcast_in_dim3A_2323 = vector.broadcast %jit3A_2322 : f32 to vector<16xf32>
      %select_n3A_2324 = arith.select %eq3A_2321, %broadcast_in_dim3A_996, %broadcast_in_dim3A_2323 : vector<16xi1>, vector<16xf32>
      %eq3A_2325 = arith.constant 53 : i32
      %eq3A_2326 = vector.broadcast %eq3A_2325 : i32 to vector<16xi32>
      %eq3A_2327 = arith.cmpi eq, %select_n3A_992, %eq3A_2326 : vector<16xi32>
      %jit3A_2328 = arith.constant 0.000000e+00 : f32
      %broadcast_in_dim3A_2329 = vector.broadcast %jit3A_2328 : f32 to vector<16xf32>
      %select_n3A_2330 = arith.select %eq3A_2327, %broadcast_in_dim3A_996, %broadcast_in_dim3A_2329 : vector<16xi1>, vector<16xf32>
      %add3A_2331 = arith.addf %select_n3A_2324, %select_n3A_2330 : vector<16xf32>
      %get3A_2332 = arith.constant 53 : i32
      %get3A_2333 = arith.index_cast %get3A_2332 : i32 to index
      %get3A_2334 = arith.constant 0 : index
      %get3A_2335 = tpu.vector_load %arg9[%get3A_2333, %get3A_2334] {strides = array<i32>} : memref<64x16xf32, #tpu.memory_space<vmem>>, vector<1x16xf32>,
      %get3A_2336 = vector.shape_cast %get3A_2335 : vector<1x16xf32> to vector<16xf32>
      %add3A_2337 = arith.addf %get3A_2336, %add3A_2331 : vector<16xf32>
      %swap3A_2338 = arith.constant 53 : i32
      %swap3A_2339 = arith.index_cast %swap3A_2338 : i32 to index
      %swap3A_2340 = arith.constant 0 : index
      %swap3A_2341 = tpu.vector_load %arg9[%swap3A_2339, %swap3A_2340] {strides = array<i32>} : memref<64x16xf32, #tpu.memory_space<vmem>>, vector<1x16xf32>,
      %swap3A_2342 = vector.shape_cast %swap3A_2341 : vector<1x16xf32> to vector<16xf32>
      %swap3A_2343 = vector.shape_cast %add3A_2337 : vector<16xf32> to vector<1x16xf32>
      tpu.vector_store %arg9[%swap3A_2339, %swap3A_2340], %swap3A_2343 {strides = array<i32>} : memref<64x16xf32, #tpu.memory_space<vmem>>, vector<1x16xf32>,
      %eq3A_2344 = arith.constant 54 : i32
      %eq3A_2345 = vector.broadcast %eq3A_2344 : i32 to vector<16xi32>
      %eq3A_2346 = arith.cmpi eq, %select_n3A_994, %eq3A_2345 : vector<16xi32>
      %jit3A_2347 = arith.constant 0.000000e+00 : f32
      %broadcast_in_dim3A_2348 = vector.broadcast %jit3A_2347 : f32 to vector<16xf32>
      %select_n3A_2349 = arith.select %eq3A_2346, %broadcast_in_dim3A_996, %broadcast_in_dim3A_2348 : vector<16xi1>, vector<16xf32>
      %eq3A_2350 = arith.constant 54 : i32
      %eq3A_2351 = vector.broadcast %eq3A_2350 : i32 to vector<16xi32>
      %eq3A_2352 = arith.cmpi eq, %select_n3A_992, %eq3A_2351 : vector<16xi32>
      %jit3A_2353 = arith.constant 0.000000e+00 : f32
      %broadcast_in_dim3A_2354 = vector.broadcast %jit3A_2353 : f32 to vector<16xf32>
      %select_n3A_2355 = arith.select %eq3A_2352, %broadcast_in_dim3A_996, %broadcast_in_dim3A_2354 : vector<16xi1>, vector<16xf32>
      %add3A_2356 = arith.addf %select_n3A_2349, %select_n3A_2355 : vector<16xf32>
      %get3A_2357 = arith.constant 54 : i32
      %get3A_2358 = arith.index_cast %get3A_2357 : i32 to index
      %get3A_2359 = arith.constant 0 : index
      %get3A_2360 = tpu.vector_load %arg9[%get3A_2358, %get3A_2359] {strides = array<i32>} : memref<64x16xf32, #tpu.memory_space<vmem>>, vector<1x16xf32>,
      %get3A_2361 = vector.shape_cast %get3A_2360 : vector<1x16xf32> to vector<16xf32>
      %add3A_2362 = arith.addf %get3A_2361, %add3A_2356 : vector<16xf32>
      %swap3A_2363 = arith.constant 54 : i32
      %swap3A_2364 = arith.index_cast %swap3A_2363 : i32 to index
      %swap3A_2365 = arith.constant 0 : index
      %swap3A_2366 = tpu.vector_load %arg9[%swap3A_2364, %swap3A_2365] {strides = array<i32>} : memref<64x16xf32, #tpu.memory_space<vmem>>, vector<1x16xf32>,
      %swap3A_2367 = vector.shape_cast %swap3A_2366 : vector<1x16xf32> to vector<16xf32>
      %swap3A_2368 = vector.shape_cast %add3A_2362 : vector<16xf32> to vector<1x16xf32>
      tpu.vector_store %arg9[%swap3A_2364, %swap3A_2365], %swap3A_2368 {strides = array<i32>} : memref<64x16xf32, #tpu.memory_space<vmem>>, vector<1x16xf32>,
      %eq3A_2369 = arith.constant 55 : i32
      %eq3A_2370 = vector.broadcast %eq3A_2369 : i32 to vector<16xi32>
      %eq3A_2371 = arith.cmpi eq, %select_n3A_994, %eq3A_2370 : vector<16xi32>
      %jit3A_2372 = arith.constant 0.000000e+00 : f32
      %broadcast_in_dim3A_2373 = vector.broadcast %jit3A_2372 : f32 to vector<16xf32>
      %select_n3A_2374 = arith.select %eq3A_2371, %broadcast_in_dim3A_996, %broadcast_in_dim3A_2373 : vector<16xi1>, vector<16xf32>
      %eq3A_2375 = arith.constant 55 : i32
      %eq3A_2376 = vector.broadcast %eq3A_2375 : i32 to vector<16xi32>
      %eq3A_2377 = arith.cmpi eq, %select_n3A_992, %eq3A_2376 : vector<16xi32>
      %jit3A_2378 = arith.constant 0.000000e+00 : f32
      %broadcast_in_dim3A_2379 = vector.broadcast %jit3A_2378 : f32 to vector<16xf32>
      %select_n3A_2380 = arith.select %eq3A_2377, %broadcast_in_dim3A_996, %broadcast_in_dim3A_2379 : vector<16xi1>, vector<16xf32>
      %add3A_2381 = arith.addf %select_n3A_2374, %select_n3A_2380 : vector<16xf32>
      %get3A_2382 = arith.constant 55 : i32
      %get3A_2383 = arith.index_cast %get3A_2382 : i32 to index
      %get3A_2384 = arith.constant 0 : index
      %get3A_2385 = tpu.vector_load %arg9[%get3A_2383, %get3A_2384] {strides = array<i32>} : memref<64x16xf32, #tpu.memory_space<vmem>>, vector<1x16xf32>,
      %get3A_2386 = vector.shape_cast %get3A_2385 : vector<1x16xf32> to vector<16xf32>
      %add3A_2387 = arith.addf %get3A_2386, %add3A_2381 : vector<16xf32>
      %swap3A_2388 = arith.constant 55 : i32
      %swap3A_2389 = arith.index_cast %swap3A_2388 : i32 to index
      %swap3A_2390 = arith.constant 0 : index
      %swap3A_2391 = tpu.vector_load %arg9[%swap3A_2389, %swap3A_2390] {strides = array<i32>} : memref<64x16xf32, #tpu.memory_space<vmem>>, vector<1x16xf32>,
      %swap3A_2392 = vector.shape_cast %swap3A_2391 : vector<1x16xf32> to vector<16xf32>
      %swap3A_2393 = vector.shape_cast %add3A_2387 : vector<16xf32> to vector<1x16xf32>
      tpu.vector_store %arg9[%swap3A_2389, %swap3A_2390], %swap3A_2393 {strides = array<i32>} : memref<64x16xf32, #tpu.memory_space<vmem>>, vector<1x16xf32>,
      %eq3A_2394 = arith.constant 56 : i32
      %eq3A_2395 = vector.broadcast %eq3A_2394 : i32 to vector<16xi32>
      %eq3A_2396 = arith.cmpi eq, %select_n3A_994, %eq3A_2395 : vector<16xi32>
      %jit3A_2397 = arith.constant 0.000000e+00 : f32
      %broadcast_in_dim3A_2398 = vector.broadcast %jit3A_2397 : f32 to vector<16xf32>
      %select_n3A_2399 = arith.select %eq3A_2396, %broadcast_in_dim3A_996, %broadcast_in_dim3A_2398 : vector<16xi1>, vector<16xf32>
      %eq3A_2400 = arith.constant 56 : i32
      %eq3A_2401 = vector.broadcast %eq3A_2400 : i32 to vector<16xi32>
      %eq3A_2402 = arith.cmpi eq, %select_n3A_992, %eq3A_2401 : vector<16xi32>
      %jit3A_2403 = arith.constant 0.000000e+00 : f32
      %broadcast_in_dim3A_2404 = vector.broadcast %jit3A_2403 : f32 to vector<16xf32>
      %select_n3A_2405 = arith.select %eq3A_2402, %broadcast_in_dim3A_996, %broadcast_in_dim3A_2404 : vector<16xi1>, vector<16xf32>
      %add3A_2406 = arith.addf %select_n3A_2399, %select_n3A_2405 : vector<16xf32>
      %get3A_2407 = arith.constant 56 : i32
      %get3A_2408 = arith.index_cast %get3A_2407 : i32 to index
      %get3A_2409 = arith.constant 0 : index
      %get3A_2410 = tpu.vector_load %arg9[%get3A_2408, %get3A_2409] {strides = array<i32>} : memref<64x16xf32, #tpu.memory_space<vmem>>, vector<1x16xf32>,
      %get3A_2411 = vector.shape_cast %get3A_2410 : vector<1x16xf32> to vector<16xf32>
      %add3A_2412 = arith.addf %get3A_2411, %add3A_2406 : vector<16xf32>
      %swap3A_2413 = arith.constant 56 : i32
      %swap3A_2414 = arith.index_cast %swap3A_2413 : i32 to index
      %swap3A_2415 = arith.constant 0 : index
      %swap3A_2416 = tpu.vector_load %arg9[%swap3A_2414, %swap3A_2415] {strides = array<i32>} : memref<64x16xf32, #tpu.memory_space<vmem>>, vector<1x16xf32>,
      %swap3A_2417 = vector.shape_cast %swap3A_2416 : vector<1x16xf32> to vector<16xf32>
      %swap3A_2418 = vector.shape_cast %add3A_2412 : vector<16xf32> to vector<1x16xf32>
      tpu.vector_store %arg9[%swap3A_2414, %swap3A_2415], %swap3A_2418 {strides = array<i32>} : memref<64x16xf32, #tpu.memory_space<vmem>>, vector<1x16xf32>,
      %eq3A_2419 = arith.constant 57 : i32
      %eq3A_2420 = vector.broadcast %eq3A_2419 : i32 to vector<16xi32>
      %eq3A_2421 = arith.cmpi eq, %select_n3A_994, %eq3A_2420 : vector<16xi32>
      %jit3A_2422 = arith.constant 0.000000e+00 : f32
      %broadcast_in_dim3A_2423 = vector.broadcast %jit3A_2422 : f32 to vector<16xf32>
      %select_n3A_2424 = arith.select %eq3A_2421, %broadcast_in_dim3A_996, %broadcast_in_dim3A_2423 : vector<16xi1>, vector<16xf32>
      %eq3A_2425 = arith.constant 57 : i32
      %eq3A_2426 = vector.broadcast %eq3A_2425 : i32 to vector<16xi32>
      %eq3A_2427 = arith.cmpi eq, %select_n3A_992, %eq3A_2426 : vector<16xi32>
      %jit3A_2428 = arith.constant 0.000000e+00 : f32
      %broadcast_in_dim3A_2429 = vector.broadcast %jit3A_2428 : f32 to vector<16xf32>
      %select_n3A_2430 = arith.select %eq3A_2427, %broadcast_in_dim3A_996, %broadcast_in_dim3A_2429 : vector<16xi1>, vector<16xf32>
      %add3A_2431 = arith.addf %select_n3A_2424, %select_n3A_2430 : vector<16xf32>
      %get3A_2432 = arith.constant 57 : i32
      %get3A_2433 = arith.index_cast %get3A_2432 : i32 to index
      %get3A_2434 = arith.constant 0 : index
      %get3A_2435 = tpu.vector_load %arg9[%get3A_2433, %get3A_2434] {strides = array<i32>} : memref<64x16xf32, #tpu.memory_space<vmem>>, vector<1x16xf32>,
      %get3A_2436 = vector.shape_cast %get3A_2435 : vector<1x16xf32> to vector<16xf32>
      %add3A_2437 = arith.addf %get3A_2436, %add3A_2431 : vector<16xf32>
      %swap3A_2438 = arith.constant 57 : i32
      %swap3A_2439 = arith.index_cast %swap3A_2438 : i32 to index
      %swap3A_2440 = arith.constant 0 : index
      %swap3A_2441 = tpu.vector_load %arg9[%swap3A_2439, %swap3A_2440] {strides = array<i32>} : memref<64x16xf32, #tpu.memory_space<vmem>>, vector<1x16xf32>,
      %swap3A_2442 = vector.shape_cast %swap3A_2441 : vector<1x16xf32> to vector<16xf32>
      %swap3A_2443 = vector.shape_cast %add3A_2437 : vector<16xf32> to vector<1x16xf32>
      tpu.vector_store %arg9[%swap3A_2439, %swap3A_2440], %swap3A_2443 {strides = array<i32>} : memref<64x16xf32, #tpu.memory_space<vmem>>, vector<1x16xf32>,
      %eq3A_2444 = arith.constant 58 : i32
      %eq3A_2445 = vector.broadcast %eq3A_2444 : i32 to vector<16xi32>
      %eq3A_2446 = arith.cmpi eq, %select_n3A_994, %eq3A_2445 : vector<16xi32>
      %jit3A_2447 = arith.constant 0.000000e+00 : f32
      %broadcast_in_dim3A_2448 = vector.broadcast %jit3A_2447 : f32 to vector<16xf32>
      %select_n3A_2449 = arith.select %eq3A_2446, %broadcast_in_dim3A_996, %broadcast_in_dim3A_2448 : vector<16xi1>, vector<16xf32>
      %eq3A_2450 = arith.constant 58 : i32
      %eq3A_2451 = vector.broadcast %eq3A_2450 : i32 to vector<16xi32>
      %eq3A_2452 = arith.cmpi eq, %select_n3A_992, %eq3A_2451 : vector<16xi32>
      %jit3A_2453 = arith.constant 0.000000e+00 : f32
      %broadcast_in_dim3A_2454 = vector.broadcast %jit3A_2453 : f32 to vector<16xf32>
      %select_n3A_2455 = arith.select %eq3A_2452, %broadcast_in_dim3A_996, %broadcast_in_dim3A_2454 : vector<16xi1>, vector<16xf32>
      %add3A_2456 = arith.addf %select_n3A_2449, %select_n3A_2455 : vector<16xf32>
      %get3A_2457 = arith.constant 58 : i32
      %get3A_2458 = arith.index_cast %get3A_2457 : i32 to index
      %get3A_2459 = arith.constant 0 : index
      %get3A_2460 = tpu.vector_load %arg9[%get3A_2458, %get3A_2459] {strides = array<i32>} : memref<64x16xf32, #tpu.memory_space<vmem>>, vector<1x16xf32>,
      %get3A_2461 = vector.shape_cast %get3A_2460 : vector<1x16xf32> to vector<16xf32>
      %add3A_2462 = arith.addf %get3A_2461, %add3A_2456 : vector<16xf32>
      %swap3A_2463 = arith.constant 58 : i32
      %swap3A_2464 = arith.index_cast %swap3A_2463 : i32 to index
      %swap3A_2465 = arith.constant 0 : index
      %swap3A_2466 = tpu.vector_load %arg9[%swap3A_2464, %swap3A_2465] {strides = array<i32>} : memref<64x16xf32, #tpu.memory_space<vmem>>, vector<1x16xf32>,
      %swap3A_2467 = vector.shape_cast %swap3A_2466 : vector<1x16xf32> to vector<16xf32>
      %swap3A_2468 = vector.shape_cast %add3A_2462 : vector<16xf32> to vector<1x16xf32>
      tpu.vector_store %arg9[%swap3A_2464, %swap3A_2465], %swap3A_2468 {strides = array<i32>} : memref<64x16xf32, #tpu.memory_space<vmem>>, vector<1x16xf32>,
      %eq3A_2469 = arith.constant 59 : i32
      %eq3A_2470 = vector.broadcast %eq3A_2469 : i32 to vector<16xi32>
      %eq3A_2471 = arith.cmpi eq, %select_n3A_994, %eq3A_2470 : vector<16xi32>
      %jit3A_2472 = arith.constant 0.000000e+00 : f32
      %broadcast_in_dim3A_2473 = vector.broadcast %jit3A_2472 : f32 to vector<16xf32>
      %select_n3A_2474 = arith.select %eq3A_2471, %broadcast_in_dim3A_996, %broadcast_in_dim3A_2473 : vector<16xi1>, vector<16xf32>
      %eq3A_2475 = arith.constant 59 : i32
      %eq3A_2476 = vector.broadcast %eq3A_2475 : i32 to vector<16xi32>
      %eq3A_2477 = arith.cmpi eq, %select_n3A_992, %eq3A_2476 : vector<16xi32>
      %jit3A_2478 = arith.constant 0.000000e+00 : f32
      %broadcast_in_dim3A_2479 = vector.broadcast %jit3A_2478 : f32 to vector<16xf32>
      %select_n3A_2480 = arith.select %eq3A_2477, %broadcast_in_dim3A_996, %broadcast_in_dim3A_2479 : vector<16xi1>, vector<16xf32>
      %add3A_2481 = arith.addf %select_n3A_2474, %select_n3A_2480 : vector<16xf32>
      %get3A_2482 = arith.constant 59 : i32
      %get3A_2483 = arith.index_cast %get3A_2482 : i32 to index
      %get3A_2484 = arith.constant 0 : index
      %get3A_2485 = tpu.vector_load %arg9[%get3A_2483, %get3A_2484] {strides = array<i32>} : memref<64x16xf32, #tpu.memory_space<vmem>>, vector<1x16xf32>,
      %get3A_2486 = vector.shape_cast %get3A_2485 : vector<1x16xf32> to vector<16xf32>
      %add3A_2487 = arith.addf %get3A_2486, %add3A_2481 : vector<16xf32>
      %swap3A_2488 = arith.constant 59 : i32
      %swap3A_2489 = arith.index_cast %swap3A_2488 : i32 to index
      %swap3A_2490 = arith.constant 0 : index
      %swap3A_2491 = tpu.vector_load %arg9[%swap3A_2489, %swap3A_2490] {strides = array<i32>} : memref<64x16xf32, #tpu.memory_space<vmem>>, vector<1x16xf32>,
      %swap3A_2492 = vector.shape_cast %swap3A_2491 : vector<1x16xf32> to vector<16xf32>
      %swap3A_2493 = vector.shape_cast %add3A_2487 : vector<16xf32> to vector<1x16xf32>
      tpu.vector_store %arg9[%swap3A_2489, %swap3A_2490], %swap3A_2493 {strides = array<i32>} : memref<64x16xf32, #tpu.memory_space<vmem>>, vector<1x16xf32>,
      %eq3A_2494 = arith.constant 60 : i32
      %eq3A_2495 = vector.broadcast %eq3A_2494 : i32 to vector<16xi32>
      %eq3A_2496 = arith.cmpi eq, %select_n3A_994, %eq3A_2495 : vector<16xi32>
      %jit3A_2497 = arith.constant 0.000000e+00 : f32
      %broadcast_in_dim3A_2498 = vector.broadcast %jit3A_2497 : f32 to vector<16xf32>
      %select_n3A_2499 = arith.select %eq3A_2496, %broadcast_in_dim3A_996, %broadcast_in_dim3A_2498 : vector<16xi1>, vector<16xf32>
      %eq3A_2500 = arith.constant 60 : i32
      %eq3A_2501 = vector.broadcast %eq3A_2500 : i32 to vector<16xi32>
      %eq3A_2502 = arith.cmpi eq, %select_n3A_992, %eq3A_2501 : vector<16xi32>
      %jit3A_2503 = arith.constant 0.000000e+00 : f32
      %broadcast_in_dim3A_2504 = vector.broadcast %jit3A_2503 : f32 to vector<16xf32>
      %select_n3A_2505 = arith.select %eq3A_2502, %broadcast_in_dim3A_996, %broadcast_in_dim3A_2504 : vector<16xi1>, vector<16xf32>
      %add3A_2506 = arith.addf %select_n3A_2499, %select_n3A_2505 : vector<16xf32>
      %get3A_2507 = arith.constant 60 : i32
      %get3A_2508 = arith.index_cast %get3A_2507 : i32 to index
      %get3A_2509 = arith.constant 0 : index
      %get3A_2510 = tpu.vector_load %arg9[%get3A_2508, %get3A_2509] {strides = array<i32>} : memref<64x16xf32, #tpu.memory_space<vmem>>, vector<1x16xf32>,
      %get3A_2511 = vector.shape_cast %get3A_2510 : vector<1x16xf32> to vector<16xf32>
      %add3A_2512 = arith.addf %get3A_2511, %add3A_2506 : vector<16xf32>
      %swap3A_2513 = arith.constant 60 : i32
      %swap3A_2514 = arith.index_cast %swap3A_2513 : i32 to index
      %swap3A_2515 = arith.constant 0 : index
      %swap3A_2516 = tpu.vector_load %arg9[%swap3A_2514, %swap3A_2515] {strides = array<i32>} : memref<64x16xf32, #tpu.memory_space<vmem>>, vector<1x16xf32>,
      %swap3A_2517 = vector.shape_cast %swap3A_2516 : vector<1x16xf32> to vector<16xf32>
      %swap3A_2518 = vector.shape_cast %add3A_2512 : vector<16xf32> to vector<1x16xf32>
      tpu.vector_store %arg9[%swap3A_2514, %swap3A_2515], %swap3A_2518 {strides = array<i32>} : memref<64x16xf32, #tpu.memory_space<vmem>>, vector<1x16xf32>,
      %eq3A_2519 = arith.constant 61 : i32
      %eq3A_2520 = vector.broadcast %eq3A_2519 : i32 to vector<16xi32>
      %eq3A_2521 = arith.cmpi eq, %select_n3A_994, %eq3A_2520 : vector<16xi32>
      %jit3A_2522 = arith.constant 0.000000e+00 : f32
      %broadcast_in_dim3A_2523 = vector.broadcast %jit3A_2522 : f32 to vector<16xf32>
      %select_n3A_2524 = arith.select %eq3A_2521, %broadcast_in_dim3A_996, %broadcast_in_dim3A_2523 : vector<16xi1>, vector<16xf32>
      %eq3A_2525 = arith.constant 61 : i32
      %eq3A_2526 = vector.broadcast %eq3A_2525 : i32 to vector<16xi32>
      %eq3A_2527 = arith.cmpi eq, %select_n3A_992, %eq3A_2526 : vector<16xi32>
      %jit3A_2528 = arith.constant 0.000000e+00 : f32
      %broadcast_in_dim3A_2529 = vector.broadcast %jit3A_2528 : f32 to vector<16xf32>
      %select_n3A_2530 = arith.select %eq3A_2527, %broadcast_in_dim3A_996, %broadcast_in_dim3A_2529 : vector<16xi1>, vector<16xf32>
      %add3A_2531 = arith.addf %select_n3A_2524, %select_n3A_2530 : vector<16xf32>
      %get3A_2532 = arith.constant 61 : i32
      %get3A_2533 = arith.index_cast %get3A_2532 : i32 to index
      %get3A_2534 = arith.constant 0 : index
      %get3A_2535 = tpu.vector_load %arg9[%get3A_2533, %get3A_2534] {strides = array<i32>} : memref<64x16xf32, #tpu.memory_space<vmem>>, vector<1x16xf32>,
      %get3A_2536 = vector.shape_cast %get3A_2535 : vector<1x16xf32> to vector<16xf32>
      %add3A_2537 = arith.addf %get3A_2536, %add3A_2531 : vector<16xf32>
      %swap3A_2538 = arith.constant 61 : i32
      %swap3A_2539 = arith.index_cast %swap3A_2538 : i32 to index
      %swap3A_2540 = arith.constant 0 : index
      %swap3A_2541 = tpu.vector_load %arg9[%swap3A_2539, %swap3A_2540] {strides = array<i32>} : memref<64x16xf32, #tpu.memory_space<vmem>>, vector<1x16xf32>,
      %swap3A_2542 = vector.shape_cast %swap3A_2541 : vector<1x16xf32> to vector<16xf32>
      %swap3A_2543 = vector.shape_cast %add3A_2537 : vector<16xf32> to vector<1x16xf32>
      tpu.vector_store %arg9[%swap3A_2539, %swap3A_2540], %swap3A_2543 {strides = array<i32>} : memref<64x16xf32, #tpu.memory_space<vmem>>, vector<1x16xf32>,
      %eq3A_2544 = arith.constant 62 : i32
      %eq3A_2545 = vector.broadcast %eq3A_2544 : i32 to vector<16xi32>
      %eq3A_2546 = arith.cmpi eq, %select_n3A_994, %eq3A_2545 : vector<16xi32>
      %jit3A_2547 = arith.constant 0.000000e+00 : f32
      %broadcast_in_dim3A_2548 = vector.broadcast %jit3A_2547 : f32 to vector<16xf32>
      %select_n3A_2549 = arith.select %eq3A_2546, %broadcast_in_dim3A_996, %broadcast_in_dim3A_2548 : vector<16xi1>, vector<16xf32>
      %eq3A_2550 = arith.constant 62 : i32
      %eq3A_2551 = vector.broadcast %eq3A_2550 : i32 to vector<16xi32>
      %eq3A_2552 = arith.cmpi eq, %select_n3A_992, %eq3A_2551 : vector<16xi32>
      %jit3A_2553 = arith.constant 0.000000e+00 : f32
      %broadcast_in_dim3A_2554 = vector.broadcast %jit3A_2553 : f32 to vector<16xf32>
      %select_n3A_2555 = arith.select %eq3A_2552, %broadcast_in_dim3A_996, %broadcast_in_dim3A_2554 : vector<16xi1>, vector<16xf32>
      %add3A_2556 = arith.addf %select_n3A_2549, %select_n3A_2555 : vector<16xf32>
      %get3A_2557 = arith.constant 62 : i32
      %get3A_2558 = arith.index_cast %get3A_2557 : i32 to index
      %get3A_2559 = arith.constant 0 : index
      %get3A_2560 = tpu.vector_load %arg9[%get3A_2558, %get3A_2559] {strides = array<i32>} : memref<64x16xf32, #tpu.memory_space<vmem>>, vector<1x16xf32>,
      %get3A_2561 = vector.shape_cast %get3A_2560 : vector<1x16xf32> to vector<16xf32>
      %add3A_2562 = arith.addf %get3A_2561, %add3A_2556 : vector<16xf32>
      %swap3A_2563 = arith.constant 62 : i32
      %swap3A_2564 = arith.index_cast %swap3A_2563 : i32 to index
      %swap3A_2565 = arith.constant 0 : index
      %swap3A_2566 = tpu.vector_load %arg9[%swap3A_2564, %swap3A_2565] {strides = array<i32>} : memref<64x16xf32, #tpu.memory_space<vmem>>, vector<1x16xf32>,
      %swap3A_2567 = vector.shape_cast %swap3A_2566 : vector<1x16xf32> to vector<16xf32>
      %swap3A_2568 = vector.shape_cast %add3A_2562 : vector<16xf32> to vector<1x16xf32>
      tpu.vector_store %arg9[%swap3A_2564, %swap3A_2565], %swap3A_2568 {strides = array<i32>} : memref<64x16xf32, #tpu.memory_space<vmem>>, vector<1x16xf32>,
      %eq3A_2569 = arith.constant 63 : i32
      %eq3A_2570 = vector.broadcast %eq3A_2569 : i32 to vector<16xi32>
      %eq3A_2571 = arith.cmpi eq, %select_n3A_994, %eq3A_2570 : vector<16xi32>
      %jit3A_2572 = arith.constant 0.000000e+00 : f32
      %broadcast_in_dim3A_2573 = vector.broadcast %jit3A_2572 : f32 to vector<16xf32>
      %select_n3A_2574 = arith.select %eq3A_2571, %broadcast_in_dim3A_996, %broadcast_in_dim3A_2573 : vector<16xi1>, vector<16xf32>
      %eq3A_2575 = arith.constant 63 : i32
      %eq3A_2576 = vector.broadcast %eq3A_2575 : i32 to vector<16xi32>
      %eq3A_2577 = arith.cmpi eq, %select_n3A_992, %eq3A_2576 : vector<16xi32>
      %jit3A_2578 = arith.constant 0.000000e+00 : f32
      %broadcast_in_dim3A_2579 = vector.broadcast %jit3A_2578 : f32 to vector<16xf32>
      %select_n3A_2580 = arith.select %eq3A_2577, %broadcast_in_dim3A_996, %broadcast_in_dim3A_2579 : vector<16xi1>, vector<16xf32>
      %add3A_2581 = arith.addf %select_n3A_2574, %select_n3A_2580 : vector<16xf32>
      %get3A_2582 = arith.constant 63 : i32
      %get3A_2583 = arith.index_cast %get3A_2582 : i32 to index
      %get3A_2584 = arith.constant 0 : index
      %get3A_2585 = tpu.vector_load %arg9[%get3A_2583, %get3A_2584] {strides = array<i32>} : memref<64x16xf32, #tpu.memory_space<vmem>>, vector<1x16xf32>,
      %get3A_2586 = vector.shape_cast %get3A_2585 : vector<1x16xf32> to vector<16xf32>
      %add3A_2587 = arith.addf %get3A_2586, %add3A_2581 : vector<16xf32>
      %swap3A_2588 = arith.constant 63 : i32
      %swap3A_2589 = arith.index_cast %swap3A_2588 : i32 to index
      %swap3A_2590 = arith.constant 0 : index
      %swap3A_2591 = tpu.vector_load %arg9[%swap3A_2589, %swap3A_2590] {strides = array<i32>} : memref<64x16xf32, #tpu.memory_space<vmem>>, vector<1x16xf32>,
      %swap3A_2592 = vector.shape_cast %swap3A_2591 : vector<1x16xf32> to vector<16xf32>
      %swap3A_2593 = vector.shape_cast %add3A_2587 : vector<16xf32> to vector<1x16xf32>
      tpu.vector_store %arg9[%swap3A_2589, %swap3A_2590], %swap3A_2593 {strides = array<i32>} : memref<64x16xf32, #tpu.memory_space<vmem>>, vector<1x16xf32>,
      %sub3A = arith.subf %select_n3A_990, %select_n3A_993 : vector<16xf32>
      %exp3A = math.exp %sub3A : vector<16xf32>
      %add3A_2594 = arith.constant 1.000000e+00 : f32
      %add3A_2595 = vector.broadcast %add3A_2594 : f32 to vector<16xf32>
      %add3A_2596 = arith.addf %add3A_2595, %exp3A : vector<16xf32>
      %div3A = arith.constant 1.000000e+00 : f32
      %div3A_2597 = vector.broadcast %div3A : f32 to vector<16xf32>
      %div3A_2598 = arith.divf %div3A_2597, %add3A_2596 : vector<16xf32>
      %swap3A_2599 = arith.constant 0 : i32
      %swap3A_2600 = arith.index_cast %swap3A_2599 : i32 to index
      %swap3A_2601 = arith.index_cast %mul3A_41 : i32 to index
      %swap3A_2602 = tpu.vector_load %arg7[%swap3A_2600, %swap3A_2601] {strides = array<i32>} : memref<2x1024xf32, #tpu.memory_space<vmem>>, vector<1x16xf32>,
      %swap3A_2603 = vector.shape_cast %swap3A_2602 : vector<1x16xf32> to vector<16xf32>
      %swap3A_2604 = vector.shape_cast %div3A_2598 : vector<16xf32> to vector<1x16xf32>
      tpu.vector_store %arg7[%swap3A_2600, %swap3A_2601], %swap3A_2604 {strides = array<i32>} : memref<2x1024xf32, #tpu.memory_space<vmem>>, vector<1x16xf32>,
      %sub3A_2605 = arith.constant 1.000000e+00 : f32
      %sub3A_2606 = vector.broadcast %sub3A_2605 : f32 to vector<16xf32>
      %sub3A_2607 = arith.subf %sub3A_2606, %div3A_2598 : vector<16xf32>
      %swap3A_2608 = arith.constant 1 : i32
      %swap3A_2609 = arith.index_cast %swap3A_2608 : i32 to index
      %swap3A_2610 = arith.index_cast %mul3A_41 : i32 to index
      %swap3A_2611 = tpu.vector_load %arg7[%swap3A_2609, %swap3A_2610] {strides = array<i32>} : memref<2x1024xf32, #tpu.memory_space<vmem>>, vector<1x16xf32>,
      %swap3A_2612 = vector.shape_cast %swap3A_2611 : vector<1x16xf32> to vector<16xf32>
      %swap3A_2613 = vector.shape_cast %sub3A_2607 : vector<16xf32> to vector<1x16xf32>
      tpu.vector_store %arg7[%swap3A_2609, %swap3A_2610], %swap3A_2613 {strides = array<i32>} : memref<2x1024xf32, #tpu.memory_space<vmem>>, vector<1x16xf32>,
      %swap3A_2614 = arith.constant 0 : i32
      %swap3A_2615 = arith.index_cast %swap3A_2614 : i32 to index
      %swap3A_2616 = arith.index_cast %mul3A_41 : i32 to index
      %swap3A_2617 = tpu.vector_load %arg8[%swap3A_2615, %swap3A_2616] {strides = array<i32>} : memref<2x1024xi32, #tpu.memory_space<vmem>>, vector<1x16xi32>,
      %swap3A_2618 = vector.shape_cast %swap3A_2617 : vector<1x16xi32> to vector<16xi32>
      %swap3A_2619 = vector.shape_cast %select_n3A_994 : vector<16xi32> to vector<1x16xi32>
      tpu.vector_store %arg8[%swap3A_2615, %swap3A_2616], %swap3A_2619 {strides = array<i32>} : memref<2x1024xi32, #tpu.memory_space<vmem>>, vector<1x16xi32>,
      %swap3A_2620 = arith.constant 1 : i32
      %swap3A_2621 = arith.index_cast %swap3A_2620 : i32 to index
      %swap3A_2622 = arith.index_cast %mul3A_41 : i32 to index
      %swap3A_2623 = tpu.vector_load %arg8[%swap3A_2621, %swap3A_2622] {strides = array<i32>} : memref<2x1024xi32, #tpu.memory_space<vmem>>, vector<1x16xi32>,
      %swap3A_2624 = vector.shape_cast %swap3A_2623 : vector<1x16xi32> to vector<16xi32>
      %swap3A_2625 = vector.shape_cast %select_n3A_992 : vector<16xi32> to vector<1x16xi32>
      tpu.vector_store %arg8[%swap3A_2621, %swap3A_2622], %swap3A_2625 {strides = array<i32>} : memref<2x1024xi32, #tpu.memory_space<vmem>>, vector<1x16xi32>,
      %scan3A_2626 = arith.constant 0 : i32
      scf.yield %scan3A_2626 : i32
    }
    %scan3A_28 = arith.constant 64 : i32
    %mul3A_29 = arith.constant 1024 : i32
    %mul3A_30 = arith.muli %add3A, %mul3A_29 : i32
    %run_scoped3A = arith.constant 0 : i32
    %run_scoped3A_31 = arith.constant 0 : i32
    "tpu.region"() ({
      %run_scoped3A_38 = tpu.sem_alloc : memref<!tpu.dma_semaphore, #tpu.memory_space<semaphore_mem>>
      %dma_start3A_39 = arith.constant 0 : i32
      %dma_start3A_40 = tpu.memref_slice %arg7[%run_scoped3A, %dma_start3A_39] : memref<2x1024xf32, #tpu.memory_space<vmem>> -> memref<1x1024xf32, #tpu.memory_space<vmem>>
      %dma_start3A_41 = tpu.memref_squeeze %dma_start3A_40 : memref<1x1024xf32, #tpu.memory_space<vmem>> -> memref<1024xf32, #tpu.memory_space<vmem>>
      %dma_start3A_42 = tpu.memref_slice %arg3[%run_scoped3A_31, %mul3A_30] : memref<2x32768xf32, #tpu.memory_space<hbm>> -> memref<1x1024xf32, #tpu.memory_space<hbm>>
      %dma_start3A_43 = tpu.memref_squeeze %dma_start3A_42 : memref<1x1024xf32, #tpu.memory_space<hbm>> -> memref<1024xf32, #tpu.memory_space<hbm>>
      %dma_start3A_44 = tpu.memref_slice %arg3[%run_scoped3A_31, %mul3A_30] : memref<2x32768xf32, #tpu.memory_space<hbm>> -> memref<1x1024xf32, #tpu.memory_space<hbm>>
      %dma_start3A_45 = tpu.memref_squeeze %dma_start3A_44 : memref<1x1024xf32, #tpu.memory_space<hbm>> -> memref<1024xf32, #tpu.memory_space<hbm>>
      %dma_start3A_46 = arith.constant 0 : i32
      %dma_start3A_47 = tpu.memref_slice %arg7[%run_scoped3A, %dma_start3A_46] : memref<2x1024xf32, #tpu.memory_space<vmem>> -> memref<1x1024xf32, #tpu.memory_space<vmem>>
      %dma_start3A_48 = tpu.memref_squeeze %dma_start3A_47 : memref<1x1024xf32, #tpu.memory_space<vmem>> -> memref<1024xf32, #tpu.memory_space<vmem>>
      tpu.enqueue_dma source(%dma_start3A_48 : memref<1024xf32, #tpu.memory_space<vmem>>) target(%dma_start3A_45 : memref<1024xf32, #tpu.memory_space<hbm>>) target_semaphore(%run_scoped3A_38 : memref<!tpu.dma_semaphore, #tpu.memory_space<semaphore_mem>>)
      %dma_wait3A_49 = arith.constant 0 : i32
      %dma_wait3A_50 = tpu.memref_slice %arg7[%run_scoped3A, %dma_wait3A_49] : memref<2x1024xf32, #tpu.memory_space<vmem>> -> memref<1x1024xf32, #tpu.memory_space<vmem>>
      %dma_wait3A_51 = tpu.memref_squeeze %dma_wait3A_50 : memref<1x1024xf32, #tpu.memory_space<vmem>> -> memref<1024xf32, #tpu.memory_space<vmem>>
      %dma_wait3A_52 = tpu.memref_slice %arg3[%run_scoped3A_31, %mul3A_30] : memref<2x32768xf32, #tpu.memory_space<hbm>> -> memref<1x1024xf32, #tpu.memory_space<hbm>>
      %dma_wait3A_53 = tpu.memref_squeeze %dma_wait3A_52 : memref<1x1024xf32, #tpu.memory_space<hbm>> -> memref<1024xf32, #tpu.memory_space<hbm>>
      %dma_wait3A_54 = tpu.memref_slice %arg3[%run_scoped3A_31, %mul3A_30] : memref<2x32768xf32, #tpu.memory_space<hbm>> -> memref<1x1024xf32, #tpu.memory_space<hbm>>
      %dma_wait3A_55 = tpu.memref_squeeze %dma_wait3A_54 : memref<1x1024xf32, #tpu.memory_space<hbm>> -> memref<1024xf32, #tpu.memory_space<hbm>>
      %dma_wait3A_56 = arith.constant 0 : i32
      %dma_wait3A_57 = tpu.memref_slice %arg7[%run_scoped3A, %dma_wait3A_56] : memref<2x1024xf32, #tpu.memory_space<vmem>> -> memref<1x1024xf32, #tpu.memory_space<vmem>>
      %dma_wait3A_58 = tpu.memref_squeeze %dma_wait3A_57 : memref<1x1024xf32, #tpu.memory_space<vmem>> -> memref<1024xf32, #tpu.memory_space<vmem>>
      tpu.wait_dma2 semaphore(%run_scoped3A_38 : memref<!tpu.dma_semaphore, #tpu.memory_space<semaphore_mem>>) src(%dma_wait3A_58 : memref<1024xf32, #tpu.memory_space<vmem>>) dst(%dma_wait3A_55 : memref<1024xf32, #tpu.memory_space<hbm>>)
      tpu.yield
    }) : () -> ()
    %run_scoped3A_32 = arith.constant 1 : i32
    %run_scoped3A_33 = arith.constant 1 : i32
    "tpu.region"() ({
      %run_scoped3A_38 = tpu.sem_alloc : memref<!tpu.dma_semaphore, #tpu.memory_space<semaphore_mem>>
      %dma_start3A_39 = arith.constant 0 : i32
      %dma_start3A_40 = tpu.memref_slice %arg7[%run_scoped3A_32, %dma_start3A_39] : memref<2x1024xf32, #tpu.memory_space<vmem>> -> memref<1x1024xf32, #tpu.memory_space<vmem>>
      %dma_start3A_41 = tpu.memref_squeeze %dma_start3A_40 : memref<1x1024xf32, #tpu.memory_space<vmem>> -> memref<1024xf32, #tpu.memory_space<vmem>>
      %dma_start3A_42 = tpu.memref_slice %arg3[%run_scoped3A_33, %mul3A_30] : memref<2x32768xf32, #tpu.memory_space<hbm>> -> memref<1x1024xf32, #tpu.memory_space<hbm>>
      %dma_start3A_43 = tpu.memref_squeeze %dma_start3A_42 : memref<1x1024xf32, #tpu.memory_space<hbm>> -> memref<1024xf32, #tpu.memory_space<hbm>>
      %dma_start3A_44 = tpu.memref_slice %arg3[%run_scoped3A_33, %mul3A_30] : memref<2x32768xf32, #tpu.memory_space<hbm>> -> memref<1x1024xf32, #tpu.memory_space<hbm>>
      %dma_start3A_45 = tpu.memref_squeeze %dma_start3A_44 : memref<1x1024xf32, #tpu.memory_space<hbm>> -> memref<1024xf32, #tpu.memory_space<hbm>>
      %dma_start3A_46 = arith.constant 0 : i32
      %dma_start3A_47 = tpu.memref_slice %arg7[%run_scoped3A_32, %dma_start3A_46] : memref<2x1024xf32, #tpu.memory_space<vmem>> -> memref<1x1024xf32, #tpu.memory_space<vmem>>
      %dma_start3A_48 = tpu.memref_squeeze %dma_start3A_47 : memref<1x1024xf32, #tpu.memory_space<vmem>> -> memref<1024xf32, #tpu.memory_space<vmem>>
      tpu.enqueue_dma source(%dma_start3A_48 : memref<1024xf32, #tpu.memory_space<vmem>>) target(%dma_start3A_45 : memref<1024xf32, #tpu.memory_space<hbm>>) target_semaphore(%run_scoped3A_38 : memref<!tpu.dma_semaphore, #tpu.memory_space<semaphore_mem>>)
      %dma_wait3A_49 = arith.constant 0 : i32
      %dma_wait3A_50 = tpu.memref_slice %arg7[%run_scoped3A_32, %dma_wait3A_49] : memref<2x1024xf32, #tpu.memory_space<vmem>> -> memref<1x1024xf32, #tpu.memory_space<vmem>>
      %dma_wait3A_51 = tpu.memref_squeeze %dma_wait3A_50 : memref<1x1024xf32, #tpu.memory_space<vmem>> -> memref<1024xf32, #tpu.memory_space<vmem>>
      %dma_wait3A_52 = tpu.memref_slice %arg3[%run_scoped3A_33, %mul3A_30] : memref<2x32768xf32, #tpu.memory_space<hbm>> -> memref<1x1024xf32, #tpu.memory_space<hbm>>
      %dma_wait3A_53 = tpu.memref_squeeze %dma_wait3A_52 : memref<1x1024xf32, #tpu.memory_space<hbm>> -> memref<1024xf32, #tpu.memory_space<hbm>>
      %dma_wait3A_54 = tpu.memref_slice %arg3[%run_scoped3A_33, %mul3A_30] : memref<2x32768xf32, #tpu.memory_space<hbm>> -> memref<1x1024xf32, #tpu.memory_space<hbm>>
      %dma_wait3A_55 = tpu.memref_squeeze %dma_wait3A_54 : memref<1x1024xf32, #tpu.memory_space<hbm>> -> memref<1024xf32, #tpu.memory_space<hbm>>
      %dma_wait3A_56 = arith.constant 0 : i32
      %dma_wait3A_57 = tpu.memref_slice %arg7[%run_scoped3A_32, %dma_wait3A_56] : memref<2x1024xf32, #tpu.memory_space<vmem>> -> memref<1x1024xf32, #tpu.memory_space<vmem>>
      %dma_wait3A_58 = tpu.memref_squeeze %dma_wait3A_57 : memref<1x1024xf32, #tpu.memory_space<vmem>> -> memref<1024xf32, #tpu.memory_space<vmem>>
      tpu.wait_dma2 semaphore(%run_scoped3A_38 : memref<!tpu.dma_semaphore, #tpu.memory_space<semaphore_mem>>) src(%dma_wait3A_58 : memref<1024xf32, #tpu.memory_space<vmem>>) dst(%dma_wait3A_55 : memref<1024xf32, #tpu.memory_space<hbm>>)
      tpu.yield
    }) : () -> ()
    %run_scoped3A_34 = arith.constant 0 : i32
    %run_scoped3A_35 = arith.constant 0 : i32
    "tpu.region"() ({
      %run_scoped3A_38 = tpu.sem_alloc : memref<!tpu.dma_semaphore, #tpu.memory_space<semaphore_mem>>
      %dma_start3A_39 = arith.constant 0 : i32
      %dma_start3A_40 = tpu.memref_slice %arg8[%run_scoped3A_34, %dma_start3A_39] : memref<2x1024xi32, #tpu.memory_space<vmem>> -> memref<1x1024xi32, #tpu.memory_space<vmem>>
      %dma_start3A_41 = tpu.memref_squeeze %dma_start3A_40 : memref<1x1024xi32, #tpu.memory_space<vmem>> -> memref<1024xi32, #tpu.memory_space<vmem>>
      %dma_start3A_42 = tpu.memref_slice %arg4[%run_scoped3A_35, %mul3A_30] : memref<2x32768xi32, #tpu.memory_space<hbm>> -> memref<1x1024xi32, #tpu.memory_space<hbm>>
      %dma_start3A_43 = tpu.memref_squeeze %dma_start3A_42 : memref<1x1024xi32, #tpu.memory_space<hbm>> -> memref<1024xi32, #tpu.memory_space<hbm>>
      %dma_start3A_44 = tpu.memref_slice %arg4[%run_scoped3A_35, %mul3A_30] : memref<2x32768xi32, #tpu.memory_space<hbm>> -> memref<1x1024xi32, #tpu.memory_space<hbm>>
      %dma_start3A_45 = tpu.memref_squeeze %dma_start3A_44 : memref<1x1024xi32, #tpu.memory_space<hbm>> -> memref<1024xi32, #tpu.memory_space<hbm>>
      %dma_start3A_46 = arith.constant 0 : i32
      %dma_start3A_47 = tpu.memref_slice %arg8[%run_scoped3A_34, %dma_start3A_46] : memref<2x1024xi32, #tpu.memory_space<vmem>> -> memref<1x1024xi32, #tpu.memory_space<vmem>>
      %dma_start3A_48 = tpu.memref_squeeze %dma_start3A_47 : memref<1x1024xi32, #tpu.memory_space<vmem>> -> memref<1024xi32, #tpu.memory_space<vmem>>
      tpu.enqueue_dma source(%dma_start3A_48 : memref<1024xi32, #tpu.memory_space<vmem>>) target(%dma_start3A_45 : memref<1024xi32, #tpu.memory_space<hbm>>) target_semaphore(%run_scoped3A_38 : memref<!tpu.dma_semaphore, #tpu.memory_space<semaphore_mem>>)
      %dma_wait3A_49 = arith.constant 0 : i32
      %dma_wait3A_50 = tpu.memref_slice %arg8[%run_scoped3A_34, %dma_wait3A_49] : memref<2x1024xi32, #tpu.memory_space<vmem>> -> memref<1x1024xi32, #tpu.memory_space<vmem>>
      %dma_wait3A_51 = tpu.memref_squeeze %dma_wait3A_50 : memref<1x1024xi32, #tpu.memory_space<vmem>> -> memref<1024xi32, #tpu.memory_space<vmem>>
      %dma_wait3A_52 = tpu.memref_slice %arg4[%run_scoped3A_35, %mul3A_30] : memref<2x32768xi32, #tpu.memory_space<hbm>> -> memref<1x1024xi32, #tpu.memory_space<hbm>>
      %dma_wait3A_53 = tpu.memref_squeeze %dma_wait3A_52 : memref<1x1024xi32, #tpu.memory_space<hbm>> -> memref<1024xi32, #tpu.memory_space<hbm>>
      %dma_wait3A_54 = tpu.memref_slice %arg4[%run_scoped3A_35, %mul3A_30] : memref<2x32768xi32, #tpu.memory_space<hbm>> -> memref<1x1024xi32, #tpu.memory_space<hbm>>
      %dma_wait3A_55 = tpu.memref_squeeze %dma_wait3A_54 : memref<1x1024xi32, #tpu.memory_space<hbm>> -> memref<1024xi32, #tpu.memory_space<hbm>>
      %dma_wait3A_56 = arith.constant 0 : i32
      %dma_wait3A_57 = tpu.memref_slice %arg8[%run_scoped3A_34, %dma_wait3A_56] : memref<2x1024xi32, #tpu.memory_space<vmem>> -> memref<1x1024xi32, #tpu.memory_space<vmem>>
      %dma_wait3A_58 = tpu.memref_squeeze %dma_wait3A_57 : memref<1x1024xi32, #tpu.memory_space<vmem>> -> memref<1024xi32, #tpu.memory_space<vmem>>
      tpu.wait_dma2 semaphore(%run_scoped3A_38 : memref<!tpu.dma_semaphore, #tpu.memory_space<semaphore_mem>>) src(%dma_wait3A_58 : memref<1024xi32, #tpu.memory_space<vmem>>) dst(%dma_wait3A_55 : memref<1024xi32, #tpu.memory_space<hbm>>)
      tpu.yield
    }) : () -> ()
    %run_scoped3A_36 = arith.constant 1 : i32
    %run_scoped3A_37 = arith.constant 1 : i32
    "tpu.region"() ({
      %run_scoped3A_38 = tpu.sem_alloc : memref<!tpu.dma_semaphore, #tpu.memory_space<semaphore_mem>>
      %dma_start3A_39 = arith.constant 0 : i32
      %dma_start3A_40 = tpu.memref_slice %arg8[%run_scoped3A_36, %dma_start3A_39] : memref<2x1024xi32, #tpu.memory_space<vmem>> -> memref<1x1024xi32, #tpu.memory_space<vmem>>
      %dma_start3A_41 = tpu.memref_squeeze %dma_start3A_40 : memref<1x1024xi32, #tpu.memory_space<vmem>> -> memref<1024xi32, #tpu.memory_space<vmem>>
      %dma_start3A_42 = tpu.memref_slice %arg4[%run_scoped3A_37, %mul3A_30] : memref<2x32768xi32, #tpu.memory_space<hbm>> -> memref<1x1024xi32, #tpu.memory_space<hbm>>
      %dma_start3A_43 = tpu.memref_squeeze %dma_start3A_42 : memref<1x1024xi32, #tpu.memory_space<hbm>> -> memref<1024xi32, #tpu.memory_space<hbm>>
      %dma_start3A_44 = tpu.memref_slice %arg4[%run_scoped3A_37, %mul3A_30] : memref<2x32768xi32, #tpu.memory_space<hbm>> -> memref<1x1024xi32, #tpu.memory_space<hbm>>
      %dma_start3A_45 = tpu.memref_squeeze %dma_start3A_44 : memref<1x1024xi32, #tpu.memory_space<hbm>> -> memref<1024xi32, #tpu.memory_space<hbm>>
      %dma_start3A_46 = arith.constant 0 : i32
      %dma_start3A_47 = tpu.memref_slice %arg8[%run_scoped3A_36, %dma_start3A_46] : memref<2x1024xi32, #tpu.memory_space<vmem>> -> memref<1x1024xi32, #tpu.memory_space<vmem>>
      %dma_start3A_48 = tpu.memref_squeeze %dma_start3A_47 : memref<1x1024xi32, #tpu.memory_space<vmem>> -> memref<1024xi32, #tpu.memory_space<vmem>>
      tpu.enqueue_dma source(%dma_start3A_48 : memref<1024xi32, #tpu.memory_space<vmem>>) target(%dma_start3A_45 : memref<1024xi32, #tpu.memory_space<hbm>>) target_semaphore(%run_scoped3A_38 : memref<!tpu.dma_semaphore, #tpu.memory_space<semaphore_mem>>)
      %dma_wait3A_49 = arith.constant 0 : i32
      %dma_wait3A_50 = tpu.memref_slice %arg8[%run_scoped3A_36, %dma_wait3A_49] : memref<2x1024xi32, #tpu.memory_space<vmem>> -> memref<1x1024xi32, #tpu.memory_space<vmem>>
      %dma_wait3A_51 = tpu.memref_squeeze %dma_wait3A_50 : memref<1x1024xi32, #tpu.memory_space<vmem>> -> memref<1024xi32, #tpu.memory_space<vmem>>
      %dma_wait3A_52 = tpu.memref_slice %arg4[%run_scoped3A_37, %mul3A_30] : memref<2x32768xi32, #tpu.memory_space<hbm>> -> memref<1x1024xi32, #tpu.memory_space<hbm>>
      %dma_wait3A_53 = tpu.memref_squeeze %dma_wait3A_52 : memref<1x1024xi32, #tpu.memory_space<hbm>> -> memref<1024xi32, #tpu.memory_space<hbm>>
      %dma_wait3A_54 = tpu.memref_slice %arg4[%run_scoped3A_37, %mul3A_30] : memref<2x32768xi32, #tpu.memory_space<hbm>> -> memref<1x1024xi32, #tpu.memory_space<hbm>>
      %dma_wait3A_55 = tpu.memref_squeeze %dma_wait3A_54 : memref<1x1024xi32, #tpu.memory_space<hbm>> -> memref<1024xi32, #tpu.memory_space<hbm>>
      %dma_wait3A_56 = arith.constant 0 : i32
      %dma_wait3A_57 = tpu.memref_slice %arg8[%run_scoped3A_36, %dma_wait3A_56] : memref<2x1024xi32, #tpu.memory_space<vmem>> -> memref<1x1024xi32, #tpu.memory_space<vmem>>
      %dma_wait3A_58 = tpu.memref_squeeze %dma_wait3A_57 : memref<1x1024xi32, #tpu.memory_space<vmem>> -> memref<1024xi32, #tpu.memory_space<vmem>>
      tpu.wait_dma2 semaphore(%run_scoped3A_38 : memref<!tpu.dma_semaphore, #tpu.memory_space<semaphore_mem>>) src(%dma_wait3A_58 : memref<1024xi32, #tpu.memory_space<vmem>>) dst(%dma_wait3A_55 : memref<1024xi32, #tpu.memory_space<hbm>>)
      tpu.yield
    }) : () -> ()
    "tpu.region"() ({
      %run_scoped3A_38 = tpu.sem_alloc : memref<!tpu.dma_semaphore, #tpu.memory_space<semaphore_mem>>
      %dma_start3A_39 = arith.constant 0 : i32
      %dma_start3A_40 = arith.constant 0 : i32
      %dma_start3A_41 = tpu.memref_slice %arg5[%add3A, %dma_start3A_39, %dma_start3A_40] : memref<32x64x16xf32, #tpu.memory_space<hbm>> -> memref<1x64x16xf32, #tpu.memory_space<hbm>>
      %dma_start3A_42 = tpu.memref_squeeze %dma_start3A_41 : memref<1x64x16xf32, #tpu.memory_space<hbm>> -> memref<64x16xf32, #tpu.memory_space<hbm>>
      %dma_start3A_43 = arith.constant 0 : i32
      %dma_start3A_44 = arith.constant 0 : i32
      %dma_start3A_45 = tpu.memref_slice %arg5[%add3A, %dma_start3A_43, %dma_start3A_44] : memref<32x64x16xf32, #tpu.memory_space<hbm>> -> memref<1x64x16xf32, #tpu.memory_space<hbm>>
      %dma_start3A_46 = tpu.memref_squeeze %dma_start3A_45 : memref<1x64x16xf32, #tpu.memory_space<hbm>> -> memref<64x16xf32, #tpu.memory_space<hbm>>
      tpu.enqueue_dma source(%arg9 : memref<64x16xf32, #tpu.memory_space<vmem>>) target(%dma_start3A_46 : memref<64x16xf32, #tpu.memory_space<hbm>>) target_semaphore(%run_scoped3A_38 : memref<!tpu.dma_semaphore, #tpu.memory_space<semaphore_mem>>)
      %dma_wait3A_47 = arith.constant 0 : i32
      %dma_wait3A_48 = arith.constant 0 : i32
      %dma_wait3A_49 = tpu.memref_slice %arg5[%add3A, %dma_wait3A_47, %dma_wait3A_48] : memref<32x64x16xf32, #tpu.memory_space<hbm>> -> memref<1x64x16xf32, #tpu.memory_space<hbm>>
      %dma_wait3A_50 = tpu.memref_squeeze %dma_wait3A_49 : memref<1x64x16xf32, #tpu.memory_space<hbm>> -> memref<64x16xf32, #tpu.memory_space<hbm>>
      %dma_wait3A_51 = arith.constant 0 : i32
      %dma_wait3A_52 = arith.constant 0 : i32
      %dma_wait3A_53 = tpu.memref_slice %arg5[%add3A, %dma_wait3A_51, %dma_wait3A_52] : memref<32x64x16xf32, #tpu.memory_space<hbm>> -> memref<1x64x16xf32, #tpu.memory_space<hbm>>
      %dma_wait3A_54 = tpu.memref_squeeze %dma_wait3A_53 : memref<1x64x16xf32, #tpu.memory_space<hbm>> -> memref<64x16xf32, #tpu.memory_space<hbm>>
      tpu.wait_dma2 semaphore(%run_scoped3A_38 : memref<!tpu.dma_semaphore, #tpu.memory_space<semaphore_mem>>) src(%arg9 : memref<64x16xf32, #tpu.memory_space<vmem>>) dst(%dma_wait3A_54 : memref<64x16xf32, #tpu.memory_space<hbm>>)
      tpu.yield
    }) : () -> ()
    return
  }
}

module attributes {stable_mosaic.version = 14 : i64} {
  func.func @_matmul_body(%arg0: i32, %arg1: memref<4096x768xf32, #tpu.memory_space<vmem>>, %arg2: memref<768x64xf32, #tpu.memory_space<vmem>>, %arg3: memref<4x64x1024xf32, #tpu.memory_space<vmem>>, %arg4: memref<1x64xf32, #tpu.memory_space<vmem>>, %arg5: memref<1x64xf32, #tpu.memory_space<vmem>>) attributes {dimension_semantics = [#tpu.dimension_semantics<arbitrary>], iteration_bounds = array<i64: 8>, scalar_prefetch = 0 : i64, scratch_operands = 1 : i64, tpu.core_type = #tpu.core_type<tc>, window_params = [{transform_indices = @transform_0, window_bounds = array<i64: 4096, 768>}, {pipeline_mode = #tpu.pipeline_mode<synchronous>, transform_indices = @transform_1, window_bounds = array<i64: 768, 64>}, {transform_indices = @transform_2, window_bounds = array<i64: 4, 64, 1024>}, {pipeline_mode = #tpu.pipeline_mode<synchronous>, transform_indices = @transform_3, window_bounds = array<i64: 1, 64>}]} {
    %eq3A = arith.constant 0 : i32
    %eq3A_0 = arith.cmpi eq, %arg0, %eq3A : i32
    %convert_element_type3A = arith.extui %eq3A_0 : i1 to i32
    %cond3A = arith.constant 0 : i32
    %cond3A_1 = arith.cmpi ne, %convert_element_type3A, %cond3A : i32
    scf.if %cond3A_1 {
      %broadcast_in_dim3A_30 = arith.constant 0.000000e+00 : f32
      %broadcast_in_dim3A_31 = vector.broadcast %broadcast_in_dim3A_30 : f32 to vector<1x64xf32>
      %swap3A_32 = arith.constant 0 : index
      %swap3A_33 = arith.constant 0 : index
      %swap3A_34 = vector.load %arg5[%swap3A_32, %swap3A_33] : memref<1x64xf32, #tpu.memory_space<vmem>>, vector<1x64xf32>
      tpu.vector_store %arg5[%swap3A_32, %swap3A_33], %broadcast_in_dim3A_31 {strides = array<i32>} : memref<1x64xf32, #tpu.memory_space<vmem>>, vector<1x64xf32>,
    } else {
    }
    %get3A = arith.constant 0 : index
    %get3A_2 = arith.constant 0 : index
    %get3A_3 = vector.load %arg1[%get3A, %get3A_2] : memref<4096x768xf32, #tpu.memory_space<vmem>>, vector<4096x768xf32>
    %get3A_4 = arith.constant 0 : index
    %get3A_5 = arith.constant 0 : index
    %get3A_6 = vector.load %arg2[%get3A_4, %get3A_5] : memref<768x64xf32, #tpu.memory_space<vmem>>, vector<768x64xf32>
    %dot_general3A = arith.constant dense<0.000000e+00> : vector<4096x64xf32>
    %dot_general3A_7 = tpu.matmul %get3A_3, %get3A_6, %dot_general3A {dimension_numbers = #tpu.dot_dimension_numbers<[1], [0], [0], [1], [0, 0, 1, 1], [], []>, transpose_lhs_hint = false} : vector<4096x768xf32>, vector<768x64xf32>, vector<4096x64xf32> -> vector<4096x64xf32>
    %reshape3A = vector.shape_cast %dot_general3A_7 : vector<4096x64xf32> to vector<4x1024x64xf32>
    %transpose3A = tpu.transpose %reshape3A, [0, 2, 1] : vector<4x1024x64xf32> -> vector<4x64x1024xf32>
    %swap3A = arith.constant 0 : index
    %swap3A_8 = arith.constant 0 : index
    %swap3A_9 = arith.constant 0 : index
    %swap3A_10 = vector.load %arg3[%swap3A, %swap3A_8, %swap3A_9] : memref<4x64x1024xf32, #tpu.memory_space<vmem>>, vector<4x64x1024xf32>
    tpu.vector_store %arg3[%swap3A, %swap3A_8, %swap3A_9], %transpose3A {strides = array<i32>} : memref<4x64x1024xf32, #tpu.memory_space<vmem>>, vector<4x64x1024xf32>,
    %reduce_max3A = arith.constant dense<0xFF800000> : vector<4096xf32>
    %reduce_max3A_11 = vector.multi_reduction <maximumf>, %dot_general3A_7, %reduce_max3A [1] : vector<4096x64xf32> to vector<4096xf32>
    %broadcast_in_dim3A = vector.shape_cast %reduce_max3A_11 : vector<4096xf32> to vector<4096x1xf32>
    %sub3A = vector.broadcast %broadcast_in_dim3A : vector<4096x1xf32> to vector<4096x64xf32>
    %sub3A_12 = arith.subf %dot_general3A_7, %sub3A : vector<4096x64xf32>
    %exp3A = math.exp %sub3A_12 : vector<4096x64xf32>
    %reduce_sum3A = arith.constant dense<0.000000e+00> : vector<4096xf32>
    %reduce_sum3A_13 = vector.multi_reduction <add>, %exp3A, %reduce_sum3A [1] : vector<4096x64xf32> to vector<4096xf32>
    %broadcast_in_dim3A_14 = vector.shape_cast %reduce_sum3A_13 : vector<4096xf32> to vector<4096x1xf32>
    %get3A_15 = arith.constant 0 : index
    %get3A_16 = arith.constant 0 : index
    %get3A_17 = vector.load %arg5[%get3A_15, %get3A_16] : memref<1x64xf32, #tpu.memory_space<vmem>>, vector<1x64xf32>
    %div3A = vector.broadcast %broadcast_in_dim3A_14 : vector<4096x1xf32> to vector<4096x64xf32>
    %div3A_18 = arith.divf %exp3A, %div3A : vector<4096x64xf32>
    %reduce_sum3A_19 = arith.constant dense<0.000000e+00> : vector<64xf32>
    %reduce_sum3A_20 = vector.multi_reduction <add>, %div3A_18, %reduce_sum3A_19 [0] : vector<4096x64xf32> to vector<64xf32>
    %broadcast_in_dim3A_21 = vector.shape_cast %reduce_sum3A_20 : vector<64xf32> to vector<1x64xf32>
    %add3A = arith.addf %get3A_17, %broadcast_in_dim3A_21 : vector<1x64xf32>
    %swap3A_22 = arith.constant 0 : index
    %swap3A_23 = arith.constant 0 : index
    %swap3A_24 = vector.load %arg5[%swap3A_22, %swap3A_23] : memref<1x64xf32, #tpu.memory_space<vmem>>, vector<1x64xf32>
    tpu.vector_store %arg5[%swap3A_22, %swap3A_23], %add3A {strides = array<i32>} : memref<1x64xf32, #tpu.memory_space<vmem>>, vector<1x64xf32>,
    %eq3A_25 = arith.constant 7 : i32
    %eq3A_26 = arith.cmpi eq, %arg0, %eq3A_25 : i32
    %convert_element_type3A_27 = arith.extui %eq3A_26 : i1 to i32
    %cond3A_28 = arith.constant 0 : i32
    %cond3A_29 = arith.cmpi ne, %convert_element_type3A_27, %cond3A_28 : i32
    scf.if %cond3A_29 {
      %get3A_30 = arith.constant 0 : index
      %get3A_31 = arith.constant 0 : index
      %get3A_32 = vector.load %arg5[%get3A_30, %get3A_31] : memref<1x64xf32, #tpu.memory_space<vmem>>, vector<1x64xf32>
      %swap3A_33 = arith.constant 0 : index
      %swap3A_34 = arith.constant 0 : index
      %swap3A_35 = vector.load %arg4[%swap3A_33, %swap3A_34] : memref<1x64xf32, #tpu.memory_space<vmem>>, vector<1x64xf32>
      tpu.vector_store %arg4[%swap3A_33, %swap3A_34], %get3A_32 {strides = array<i32>} : memref<1x64xf32, #tpu.memory_space<vmem>>, vector<1x64xf32>,
    } else {
    }
    return
  }
  func.func @transform_0(%arg0: i32) -> (i32, i32) {
    %c0_i32 = arith.constant 0 : i32
    %c0_i32_0 = arith.constant 0 : i32
    return %arg0, %c0_i32 : i32, i32
  }
  func.func @transform_1(%arg0: i32) -> (i32, i32) {
    %c0_i32 = arith.constant 0 : i32
    %c0_i32_0 = arith.constant 0 : i32
    %c0_i32_1 = arith.constant 0 : i32
    return %c0_i32, %c0_i32_0 : i32, i32
  }
  func.func @transform_2(%arg0: i32) -> (i32, i32, i32) {
    %c0_i32 = arith.constant 0 : i32
    %c0_i32_0 = arith.constant 0 : i32
    %c0_i32_1 = arith.constant 0 : i32
    return %arg0, %c0_i32, %c0_i32_0 : i32, i32, i32
  }
  func.func @transform_3(%arg0: i32) -> (i32, i32) {
    %c0_i32 = arith.constant 0 : i32
    %c0_i32_0 = arith.constant 0 : i32
    %c0_i32_1 = arith.constant 0 : i32
    return %c0_i32, %c0_i32_0 : i32, i32
  }
}

module attributes {stable_mosaic.version = 14 : i64} {
  func.func @_loss_body(%arg0: memref<1x64xf32, #tpu.memory_space<vmem>>, %arg1: memref<32x64x16xf32, #tpu.memory_space<vmem>>, %arg2: memref<1x1xf32, #tpu.memory_space<vmem>>) attributes {dimension_semantics = [], scalar_prefetch = 0 : i64, scratch_operands = 0 : i64, tpu.core_type = #tpu.core_type<tc>} {
    %get3A = arith.constant 0 : index
    %get3A_0 = arith.constant 0 : index
    %get3A_1 = arith.constant 0 : index
    %get3A_2 = vector.load %arg1[%get3A, %get3A_0, %get3A_1] : memref<32x64x16xf32, #tpu.memory_space<vmem>>, vector<32x64x16xf32>
    %reduce_sum3A = arith.constant dense<0.000000e+00> : vector<64xf32>
    %reduce_sum3A_3 = vector.multi_reduction <add>, %get3A_2, %reduce_sum3A [0, 2] : vector<32x64x16xf32> to vector<64xf32>
    %get3A_4 = arith.constant 0 : index
    %get3A_5 = arith.constant 0 : index
    %get3A_6 = vector.load %arg0[%get3A_4, %get3A_5] : memref<1x64xf32, #tpu.memory_space<vmem>>, vector<1x64xf32>
    %get3A_7 = vector.shape_cast %get3A_6 : vector<1x64xf32> to vector<64xf32>
    %mul3A = arith.mulf %get3A_7, %reduce_sum3A_3 : vector<64xf32>
    %reduce_sum3A_8 = vector.shape_cast %mul3A : vector<64xf32> to vector<1x64xf32>
    %reduce_sum3A_9 = arith.constant dense<0.000000e+00> : vector<1xf32>
    %reduce_sum3A_10 = vector.multi_reduction <add>, %reduce_sum3A_8, %reduce_sum3A_9 [1] : vector<1x64xf32> to vector<1xf32>
    %reduce_sum3A_11 = vector.shape_cast %reduce_sum3A_10 : vector<1xf32> to vector<1x1xf32>
    %reduce_sum3A_12 = vector.extract %reduce_sum3A_11[0, 0] : f32 from vector<1x1xf32>
    %broadcast_in_dim3A = vector.broadcast %reduce_sum3A_12 : f32 to vector<1xf32>
    %broadcast_in_dim3A_13 = vector.shape_cast %broadcast_in_dim3A : vector<1xf32> to vector<1x1xf32>
    %mul3A_14 = arith.constant 5.96046434E-10 : f32
    %mul3A_15 = vector.broadcast %mul3A_14 : f32 to vector<1x1xf32>
    %mul3A_16 = arith.mulf %mul3A_15, %broadcast_in_dim3A_13 : vector<1x1xf32>
    %swap3A = arith.constant 0 : index
    %swap3A_17 = arith.constant 0 : index
    %swap3A_18 = vector.load %arg2[%swap3A, %swap3A_17] : memref<1x1xf32, #tpu.memory_space<vmem>>, vector<1x1xf32>
    tpu.vector_store %arg2[%swap3A, %swap3A_17], %mul3A_16 {strides = array<i32>} : memref<1x1xf32, #tpu.memory_space<vmem>>, vector<1x1xf32>,
    return
  }
}

</mosaic_0001>

<sc_bundles>
// kernel: kernel.5.cloned.1.call-start
scs
__scs_entry_jumppad:
0x0: {  	(pc) =	sbr.rel $0x88, $3  }
0x1: {  	(tag) =	ssettag $0x0;
	lr =	simm.s32 $0x1  }
0x2: {  	[smem:$0x3F9F] =	sst lr;
	_ =	strace $0xD0000000  }
0x3: {  	_ = 	snop  }
0x4: {  	_ = 	snop  }
0x5: {  	_ = 	snop  }
0x6: {  	_ = 	snop  }
0x7: {  	_ = 	snop  }
__scs_overlays_trampoline_lowered:
0x8: {  	[smem:$0x3FAE] =	sst s0  }
0x9: {  	[smem:$0x3FAF] =	sst s1  }
0xa: {  	[smem:$0x3FB0] =	sst s2  }
0xb: {  	[smem:$0x3FB1] =	sst s3  }
0xc: {  	[smem:$0x3FB2] =	sst s4  }
0xd: {  	[smem:$0x3FB3] =	sst s5  }
0xe: {  	[smem:$0x3FB4] =	sst s6  }
0xf: {  	[smem:$0x3FB5] =	sst s7  }
0x10: {  	[smem:$0x3FB6] =	sst s8  }
0x11: {  	[smem:$0x3FB7] =	sst s9;
	s0 =	simm.s32 @!p0 $0x0  }
0x12: {  	s1 =	sld [smem:$0x3F9D];
	s0 =	simm.s32 @p0 $0x1  }
0x13: {  	[smem:$0x3FB8] =	sst s0;
	s0 =	simm.s32 @!p1 $0x0  }
0x14: {  	s2 =	sld [smem:$0x3F9C];
	s0 =	simm.s32 @p1 $0x1  }
0x15: {  	[smem:$0x3FB9] =	sst s0;
	s0 =	simm.s32 @!p2 $0x0  }
0x16: {  	s3 =	sld [smem:$0x3FDB];
	s0 =	simm.s32 @p2 $0x1  }
0x17: {  	s4 =	simm.s32 $0x1BF5;
	[smem:$0x3FBB] =	sst s0  }
0x18: {  	s0 =	sld [smem:$0x3F9E];
	_ =	swait.ge [sflag:s4], $0x0  }
0x19: {  	s7 =	sld [smem:$0x3F9F]  }
0x1a: {  	s8 =	sadd.s32 $0xFFFFE003, lr  }
0x1b: {  	s9 =	sadd.s32 $0xFFFFFEF7, lr;
	s5 =	simm.s32 $0xFFFFFFFF;
	p2 =	slt.u32 s8, $0xFFFFF086  }
0x1c: {  	p1 =	slt.u32 s9, $0xF7A;
	s5 =	simm.s32 @!p2 $0x0  }
0x1d: {  	s5 =	simm.s32 @p1 $0x1;
	p0 =	seq.s32 s7, s2  }
0x1e: {  	s7 =	smul.u32 @!p0 $0xF7A, s2;
	p2 =	seq.s32 @!p0 s5, $0x0  }
0x1f: {  	s9 =	smul.u32 $0xF7A, s1;
	s8 =	simm.s32 @!p0 $0x1BF5;
	p2 =	por !p2, p0  }
0x20: {  	[sflag:s8] =	ssyncset.s32 @!p0 $0xFFFFF086;
	s6 =	sadd.s32 @!p0 s3, s7;
	s7 =	simm.s32 @!p0 $0x108  }
0x21: {  	s3 =	sadd.s32 s3, s9;
	s6 =	sadd.s32 @!p0 $0x88, s6;
	s7 =	simm.s32 @p2 $0x1082  }
0x22: {  	[simem:s7], [sflag:s8] =	dma.local @!p0 [hbm:s6], $0xF7A  }
0x23: {  	s9 =	sor.u32 $0xD0000000, s2;
	s6 =	simm.s32 $0x108;
	_ =	swait.ge @!p0 [sflag:s8], $0x0  }
0x24: {  	s3 =	sadd.s32 $0x88, s3;
	s6 =	simm.s32 @!p1 $0x1082;
	[sflag:s4] =	ssyncset.s32 $0xFFFFF086  }
0x25: {  	[simem:s6], [sflag:s4] =	dma.local [hbm:s3], $0xF7A  }
0x26: {  	[smem:$0x3F9F] =	sst s1;
	(tag) =	ssettag s2;
	_ =	strace s9  }
0x27: {  	s1 =	sld [smem:$0x3FAF]  }
0x28: {  	s2 =	sld [smem:$0x3FB0]  }
0x29: {  	s4 =	sld [smem:$0x3FB2]  }
0x2a: {  	p0 =	seq.s32 s5, $0x0;
	s5 =	sld [smem:$0x3FB3]  }
0x2b: {  	s6 =	sld [smem:$0x3FB4]  }
0x2c: {  	s7 =	sld [smem:$0x3FB5]  }
0x2d: {  	s3 =	simm.s32 $0x108;
	s8 =	sld [smem:$0x3FB6]  }
0x2e: {  	s3 =	simm.s32 @!p0 $0x1082;
	s9 =	sld [smem:$0x3FB7]  }
0x2f: {  	lr =	sadd.s32 s0, s3;
	s0 =	sld [smem:$0x3FAE]  }
0x30: {  	s3 =	sld [smem:$0x3FB1]  }
0x31: {  	[smem:$0x3FBA] =	sst s10  }
0x32: {  	s10 =	sld [smem:$0x3FB8];
	_ =	sdelay $0x3  }
0x33: {  	p0 =	seq.s32 s10, $0x1;
	s10 =	sld [smem:$0x3FBA];
	_ =	sdelay $0x3  }
0x34: {  	[smem:$0x3FBA] =	sst s10  }
0x35: {  	s10 =	sld [smem:$0x3FB9];
	_ =	sdelay $0x3  }
0x36: {  	p1 =	seq.s32 s10, $0x1;
	s10 =	sld [smem:$0x3FBA];
	_ =	sdelay $0x3  }
0x37: {  	[smem:$0x3FBA] =	sst s10  }
0x38: {  	s10 =	sld [smem:$0x3FBB]  }
0x39: {  	_ = 	snop;
	(pc) =	sbr.ind lr, $3  }
0x3a: {  	_ = 	snop  }
0x3b: {  	_ = 	snop  }
0x3c: {  	p2 =	seq.s32 s10, $0x1;
	s10 =	sld [smem:$0x3FBA]  }
0x3d: {  	_ =	shalt  }
0x3e: {  	_ =	shalt  }
0x3f: {  	_ =	shalt  }
0x40: {  	_ =	shalt  }
0x41: {  	_ =	shalt  }
0x42: {  	_ =	shalt  }
0x43: {  	_ =	shalt  }
0x44: {  	_ =	shalt  }
0x45: {  	_ =	shalt  }
0x46: {  	_ =	shalt  }
0x47: {  	_ =	shalt  }
0x48: {  	_ =	shalt  }
0x49: {  	_ =	shalt  }
0x4a: {  	_ =	shalt  }
0x4b: {  	_ =	shalt  }
0x4c: {  	_ =	shalt  }
0x4d: {  	_ =	shalt  }
0x4e: {  	_ =	shalt  }
0x4f: {  	_ =	shalt  }
0x50: {  	_ =	shalt  }
0x51: {  	_ =	shalt  }
0x52: {  	_ =	shalt  }
0x53: {  	_ =	shalt  }
0x54: {  	_ =	shalt  }
0x55: {  	_ =	shalt  }
0x56: {  	_ =	shalt  }
0x57: {  	_ =	shalt  }
0x58: {  	_ =	shalt  }
0x59: {  	_ =	shalt  }
0x5a: {  	_ =	shalt  }
0x5b: {  	_ =	shalt  }
0x5c: {  	_ =	shalt  }
0x5d: {  	_ =	shalt  }
0x5e: {  	_ =	shalt  }
0x5f: {  	_ =	shalt  }
0x60: {  	_ =	shalt  }
0x61: {  	_ =	shalt  }
0x62: {  	_ =	shalt  }
0x63: {  	_ =	shalt  }
0x64: {  	_ =	shalt  }
0x65: {  	_ =	shalt  }
0x66: {  	_ =	shalt  }
0x67: {  	_ =	shalt  }
0x68: {  	_ =	shalt  }
0x69: {  	_ =	shalt  }
0x6a: {  	_ =	shalt  }
0x6b: {  	_ =	shalt  }
0x6c: {  	_ =	shalt  }
0x6d: {  	_ =	shalt  }
0x6e: {  	_ =	shalt  }
0x6f: {  	_ =	shalt  }
0x70: {  	_ =	shalt  }
0x71: {  	_ =	shalt  }
0x72: {  	_ =	shalt  }
0x73: {  	_ =	shalt  }
0x74: {  	_ =	shalt  }
0x75: {  	_ =	shalt  }
0x76: {  	_ =	shalt  }
0x77: {  	_ =	shalt  }
0x78: {  	_ =	shalt  }
0x79: {  	_ =	shalt  }
0x7a: {  	_ =	shalt  }
0x7b: {  	_ =	shalt  }
0x7c: {  	_ =	shalt  }
0x7d: {  	_ =	shalt  }
0x7e: {  	_ =	shalt  }
0x7f: {  	_ =	shalt  }
0x80: {  	_ =	shalt  }
0x81: {  	_ =	shalt  }
0x82: {  	_ =	shalt  }
0x83: {  	_ =	shalt  }
0x84: {  	_ =	shalt  }
0x85: {  	_ =	shalt  }
0x86: {  	_ =	shalt  }
0x87: {  	_ =	shalt  }
.Lfunc_end0:
.L_simem_size_0:
called_computation_lowered:
.L_overlay_start_0:
0x88: {  	s2 =	sld [smem:$0x3FD9]  }
0x89: {  	s3 =	sld [smem:$0x3FFE];
	_ =	sdelay $0x1  }
0x8a: {  	s1 =	srdreg.scid  }
0x8b: {  	s0 =	sand.u32 $0x1, s1  }
0x8c: {  	s14 =	sshll.u32 s0, $0xA;
	s2 =	sadd.s32 s3, s2  }
0x8d: {  	s2 =	sadd.s32 s2, s14  }
0x8e: {  	[smem:$0x3FC6] =	sst s2  }
0x8f: {  	_ = 	snop  }
0x90: {  	s2 =	sld [smem:$0x3FD0];
	_ =	sdelay $0x2  }
0x91: {  	s15 =	simm.s32 $0xA;
	s4 =	simm.s32 $0x10  }
0x92: {  	[smem:s4], [sflag:s15] =	dma.local [hbm:s2], $0x1  }
0x93: {  	_ =	swait.eq [sflag:s15], $0x1  }
0x94: {  	[sflag:s15] =	ssyncset.done $0x0  }
0x95: {  	s16 =	sld [smem:$0x10];
	[sflag:s15] =	ssyncadd.s32 $0xFFFFFFFF  }
0x96: {  	s17 =	sld [smem:$0x11];
	(tm) =	ssettm $0x1  }
0x97: {  	s18 =	sld [smem:$0x3FFB];
	_ =	sdelay $0x3  }
0x98: {  	_ =	strace s18  }
0x99: {  	s4 =	sld [smem:$0x3FFC];
	_ =	sdelay $0x3  }
0x9a: {  	_ =	strace s4  }
0x9b: {  	s4 =	sld [smem:$0x3FFD];
	_ =	sdelay $0x3  }
0x9c: {  	_ =	strace s4  }
0x9d: {  	_ =	strace $0x8FFFFFFF  }
0x9e: {  	s19 =	sld [smem:$0x3FDB];
	_ =	sdelay $0x1  }
0x9f: {  	s5 =	simm.s32 $_scs_section_size  }
0xa0: {  	s6 =	simm.s32 $_size__tile_overlayer_lowered;
	s7 =	simm.s32 $_tile_overlayer_lowered  }
0xa1: {  	s22 =	simm.s32 $0x1BFF;
	s21 =	sshll.u32 s7, $0x1;
	s4 =	sadd.s32 s5, s19  }
0xa2: {  	s8 =	simm.s32 $0x0;
	s20 =	sshll.u32 s6, $0x1;
	s6 =	sadd.s32 s21, s4  }
0xa3: {  	[timem:s8], [sflag:s22] =	dma.local [hbm:s6], s20  }
0xa4: {  	_ =	swait.ge [sflag:s22], s20  }
0xa5: {  	s5 =	ssub.s32 $0x0, s20;
	[sflag:s22] =	ssyncset.done $0x0  }
0xa6: {  	[sflag:s22] =	ssyncadd.s32 s5;
	_ =	sdelay $0x1  }
0xa7: {  	s23 =	simm.s32 $0x1B8B  }
0xa8: {  	_ =	swait.ge [sflag:s23], $0x1  }
0xa9: {  	[sflag:s23] =	ssyncset.done $0x0  }
0xaa: {  	s25 =	simm.s32 $0x1B8E;
	s24 =	sld [smem:$0x3FFE];
	[sflag:s23] =	ssyncadd.s32 $0xFFFFFFFF  }
0xab: {  	s26 =	simm.s32 $execute0_lowered;
	[smem:$0x3FD2] =	sst s25  }
0xac: {  	s6 =	sshll.u32 s26, $0x1;
	_ =	strace $0x80000046;
	[dreg:$0x1] =	wrdreg $0xFFFFFFFF  }
0xad: {  	s28 =	simm.s32 $_size_execute0_lowered;
	s4 =	sadd.s32 s4, s6;
	[dreg:$0x0] =	wrdreg $0x0  }
0xae: {  	s6 =	sshll.u32 s28, $0x1;
	[dreg:$0x2] =	wrdreg s4  }
0xaf: {  	[dreg:$0x3] =	wrdreg s6  }
0xb0: {  	[dreg:$0x4] =	wrdreg $0xC0  }
0xb1: {  	_ =	task [dreg:s8], $0x5FFFF  }
0xb2: {  	[dreg:$0x1] =	wrdreg $0xFFFFFFFF  }
0xb3: {  	[dreg:$0x0] =	wrdreg $0x60  }
0xb4: {  	[dreg:$0x2] =	wrdreg s24  }
0xb5: {  	[dreg:$0x3] =	wrdreg s17  }
0xb6: {  	[dreg:$0x4] =	wrdreg s16  }
0xb7: {  	[dreg:$0x5] =	wrdreg $0x9  }
0xb8: {  	_ =	task.clear_ibuf [dreg:s8], $0x6FFFF;
	_ =	strace $0x90000046  }
0xb9: {  	s29 =	simm.s32 $0x9;
	_ =	strace $0x80000048  }
0xba: {  	_ =	swait.ge [sflag:s29], $0x1  }
0xbb: {  	[sflag:s29] =	ssyncadd.s32 $0xFFFFFFFF  }
0xbc: {  	_ =	strace $0x90000048  }
0xbd: {  	_ =	sfence  }
0xbe: {  	s30 =	sld [smem:$0x0];
	_ =	sdelay $0x2  }
0xbf: {  	s31 =	sshll.u32 s1, $0xD;
	s1 =	sshrl.u32 s1, $0x2  }
0xc0: {  	s3 =	sand.u32 $0x4000, s31;
	s1 =	sadd.s32 s1, s30  }
0xc1: {  	s0 =	sor.u32 s3, s0;
	s1 =	sshll.u32 s1, $0x11  }
0xc2: {  	s0 =	sor.u32 s1, s0  }
0xc3: {  	s0 =	sadd.s32 $0x8F2B, s0  }
0xc4: {  	[sflag:s0] =	ssyncadd.remote.s32 $0x1  }
0xc5: {  	_ =	sfence.sel $0xFFFF  }
0xc6: {  	[dreg:$0x0] =	wrdreg $0xFFFFFFFF;
	(pc) =	sbr.abs _section_cstart, $3  }
0xc7: {  	[dreg:$0x1] =	wrdreg $0xFFFFFFFF  }
0xc8: {  	_ =	task.clear_ibuf [dreg:s8], $0x2FFFF;
	_ =	strace $0x9FFFFFFF  }
0xc9: {  	(tm) =	ssettm $0x7FFFFFFF  }
tec
execute0_lowered:
.L_overlay_start_1:
0x0: {  	(tag) =	ssettag $0x1  }
0x1: {  	s0 =	rddreg [dreg:$0x0]  }
0x2: {  	s1 =	rddreg [dreg:$0x1]  }
0x3: {  	s7 =	rddreg [dreg:$0x2];
	s3 =	srdreg.scid  }
0x4: {  	s4 =	stileid.u32;
	s2 =	simm.s32 $0x0;
	s19 =	simm.s32 $0x2  }
0x5: {  	s30 =	simm.s32 $0x10900;
	s31 =	simm.s32 $0x10A00;
	s11 =	simm.s32 $0x10D00  }
0x6: {  	s12 =	simm.s32 $0x10E00;
	s13 =	simm.s32 $0x10F00;
	s14 =	simm.s32 $0x10880  }
0x7: {  	s15 =	simm.s32 $0x10980;
	s16 =	simm.s32 $0x10A80;
	s17 =	simm.s32 $0x10B80  }
0x8: {  	s18 =	simm.s32 $0x10C80;
	s20 =	simm.s32 $0x10D80;
	s21 =	simm.s32 $0x10E80  }
0x9: {  	s22 =	simm.s32 $0x10F80;
	s23 =	simm.s32 $0x11000;
	s24 =	simm.s32 $0x0  }
0xa: {  	s3 =	sand.u32 $0x1, s3;
	s4 =	sshll.u32 s4, $0x1;
	[smem:$0x7FF] =	sst s2  }
0xb: {  	s4 =	sor.u32 s3, s4;
	_ =	strace $0x80000047;
	s3 =	ssub.s32 $0x2, s3  }
0xc: {  	s5 =	sshll.u32 s4, $0xD;
	s6 =	sshll.u32 s4, $0xA;
	s29 =	sshrl.u32 s3, $0x1  }
0xd: {  	s8 =	sshll.u32 s4, $0x8;
	s5 =	sadd.s32 s5, s0;
	s0 =	sadd.s32 s6, s0  }
0xe: {  	s9 =	ssub.s32 s3, s29;
	s10 =	sor.u32 $0x10, s8;
	s4 =	sadd.s32 s1, s8  }
0xf: {  	s6 =	sadd.s32 s7, s8;
	s3 =	sadd.s32 $0x1200, s5;
	s5 =	sadd.s32 s1, s10  }
0x10: {  	s7 =	sadd.s32 s7, s10;
	s8 =	sadd.s32 $0x41200, s0;
	s9 =	smax.u32 s9, $0x1  }
0x11: {  	v0 =	vimm.f32 $0.0e+00;
	v1 =	vimm.s32 $0x0;
	s10 =	simm.s32 $0x1;
	s0 =	simm.s32 $0x10B00;
	s1 =	simm.s32 $0x10C00  }
.LBB2_1:
0x12: {  	[tilespmem:s2], [sflag:$0x1] =	stream.linear.gather [hbm4b:s3+s2], $0x10000, $0x38;
	[tilespmem:$0x13000] =	vst v63  }
0x13: {  	s25 =	simm.s32 $0x200;
	s26 =	simm.s32 $0x0  }
.LBB2_2:
0x14: {  	p0 =	sne.s32 s25, $0x7E00;
	[tilespmem:s26+$0x11000] =	vst v0;
	s26 =	smov.u32 s25;
	s25 =	sadd.s32 $0x200, s25  }
.Ltmp0:
0x15: {  	(pc) =	sbr.rel @p0 .LBB2_2-.Ltmp0, $2  }
0x16: {  	_ =	sdelay $0x2  }
0x17: {  	s26 =	sshra.s32 s26, $0x2  }
0x18: {  	[tilespmem:s26+$0x11000] =	vst v0  }
0x19: {  	_ =	swait.ge [sflag:s10], $0x10000  }
0x1a: {  	[sflag:s10] =	ssyncset.done $0x0  }
0x1b: {  	s25 =	simm.s32 $0x0;
	s26 =	simm.s32 $0x0;
	[sflag:s10] =	ssyncadd.s32 $0xFFFF0000  }
.LBB2_4:
0x1c: {  	s29 =	sshll.u32 s26, $0x7  }
0x1d: {  	s28 =	sand.u32 $0x70, s25;
	s29 =	sand.u32 $0x3FFFFC00, s29  }
0x1e: {  	s29 =	sor.u32 s28, s29  }
0x1f: {  	v2 =	vld [tilespmem:s29+$0x80]  }
0x20: {  	v3 =	vld [tilespmem:s29+$0x0];
	_ =	sdelay $0x2  }
0x21: {  	v4 =	vld [tilespmem:s29+$0x100]  }
0x22: {  	vm0 =	vlt.f32 v2, $-Inf;
	vm1 =	vgt.f32 v2, $-Inf  }
0x23: {  	vm2 =	vgt.f32 v2, v3;
	vm0 =	vmor vm1, vm0  }
0x24: {  	v6 =	vld [tilespmem:s29+$0x180];
	vm15 =	vmneg vm2;
	v5 =	vnsel vm0, $0xFF800000, v2  }
0x25: {  	v5 =	vsel vm15, v5, v3  }
0x26: {  	v2 =	vsel vm15, v3, v2;
	vm3 =	vgt.f32 v4, v5  }
0x27: {  	v19 =	vld [tilespmem:s29+$0x200];
	vm5 =	vgt.f32 v4, v2;
	v3 =	vsel vm3, v4, v5  }
0x28: {  	v8 =	vsel vm2, $0x1, v1;
	vm0 =	vmand vm15, vm0;
	v3 =	vsel vm5, v2, v3  }
0x29: {  	v7 =	vsel vm0, $0x1, v1;
	v2 =	vsel vm5, v4, v2;
	vm6 =	vgt.f32 v6, v3  }
0x2a: {  	v21 =	vld [tilespmem:s29+$0x280];
	v20 =	vsel vm3, $0x2, v7;
	vm7 =	vgt.f32 v6, v2;
	v3 =	vsel vm6, v6, v3  }
0x2b: {  	v4 =	vsel vm5, v8, v20;
	v3 =	vsel vm7, v2, v3  }
0x2c: {  	v8 =	vsel vm5, $0x2, v8;
	v2 =	vsel vm7, v6, v2;
	vm8 =	vgt.f32 v19, v3  }
0x2d: {  	v22 =	vld [tilespmem:s29+$0x300];
	v4 =	vsel vm6, $0x3, v4;
	vm9 =	vgt.f32 v19, v2;
	v3 =	vsel vm8, v19, v3  }
0x2e: {  	v4 =	vsel vm7, v8, v4;
	v3 =	vsel vm9, v2, v3  }
0x2f: {  	v8 =	vsel vm7, $0x3, v8;
	v2 =	vsel vm9, v19, v2;
	vm10 =	vgt.f32 v21, v3  }
0x30: {  	v23 =	vld [tilespmem:s29+$0x380];
	v4 =	vsel vm8, $0x4, v4;
	vm11 =	vgt.f32 v21, v2;
	v3 =	vsel vm10, v21, v3  }
0x31: {  	v4 =	vsel vm9, v8, v4;
	v3 =	vsel vm11, v2, v3  }
0x32: {  	v8 =	vsel vm9, $0x4, v8;
	v2 =	vsel vm11, v21, v2;
	vm12 =	vgt.f32 v22, v3  }
0x33: {  	v24 =	vld [tilespmem:s29+$0x2000];
	v4 =	vsel vm10, $0x5, v4;
	vm13 =	vgt.f32 v22, v2;
	v3 =	vsel vm12, v22, v3  }
0x34: {  	v4 =	vsel vm11, v8, v4;
	v3 =	vsel vm13, v2, v3  }
0x35: {  	v8 =	vsel vm11, $0x5, v8;
	v2 =	vsel vm13, v22, v2;
	vm14 =	vgt.f32 v23, v3  }
0x36: {  	v25 =	vld [tilespmem:s29+$0x2080];
	v4 =	vsel vm12, $0x6, v4;
	vm15 =	vgt.f32 v23, v2;
	v3 =	vsel vm14, v23, v3  }
0x37: {  	v4 =	vsel vm13, v8, v4;
	v3 =	vsel vm15, v2, v3  }
0x38: {  	v8 =	vsel vm13, $0x6, v8;
	v2 =	vsel vm15, v23, v2;
	vm4 =	vgt.f32 v24, v3  }
0x39: {  	v26 =	vld [tilespmem:s29+$0x2100];
	v4 =	vsel vm14, $0x7, v4;
	vm5 =	vgt.f32 v24, v2;
	v3 =	vsel vm4, v24, v3  }
0x3a: {  	v4 =	vsel vm15, v8, v4;
	v3 =	vsel vm5, v2, v3  }
0x3b: {  	v8 =	vsel vm15, $0x7, v8;
	v2 =	vsel vm5, v24, v2;
	vm6 =	vgt.f32 v25, v3  }
0x3c: {  	v27 =	vld [tilespmem:s29+$0x2180];
	v4 =	vsel vm4, $0x8, v4;
	vm7 =	vgt.f32 v25, v2;
	v3 =	vsel vm6, v25, v3  }
0x3d: {  	v4 =	vsel vm5, v8, v4;
	v3 =	vsel vm7, v2, v3  }
0x3e: {  	v8 =	vsel vm5, $0x8, v8;
	v2 =	vsel vm7, v25, v2;
	vm8 =	vgt.f32 v26, v3  }
0x3f: {  	v28 =	vld [tilespmem:s29+$0x2200];
	v4 =	vsel vm6, $0x9, v4;
	vm9 =	vgt.f32 v26, v2;
	v3 =	vsel vm8, v26, v3  }
0x40: {  	v4 =	vsel vm7, v8, v4;
	v3 =	vsel vm9, v2, v3  }
0x41: {  	v8 =	vsel vm7, $0x9, v8;
	v2 =	vsel vm9, v26, v2;
	vm10 =	vgt.f32 v27, v3  }
0x42: {  	v29 =	vld [tilespmem:s29+$0x2280];
	v4 =	vsel vm8, $0xA, v4;
	vm11 =	vgt.f32 v27, v2;
	v3 =	vsel vm10, v27, v3  }
0x43: {  	v4 =	vsel vm9, v8, v4;
	v3 =	vsel vm11, v2, v3  }
0x44: {  	v8 =	vsel vm9, $0xA, v8;
	v2 =	vsel vm11, v27, v2;
	vm12 =	vgt.f32 v28, v3  }
0x45: {  	v30 =	vld [tilespmem:s29+$0x2300];
	v4 =	vsel vm10, $0xB, v4;
	vm13 =	vgt.f32 v28, v2;
	v3 =	vsel vm12, v28, v3  }
0x46: {  	v4 =	vsel vm11, v8, v4;
	v3 =	vsel vm13, v2, v3  }
0x47: {  	v8 =	vsel vm11, $0xB, v8;
	v2 =	vsel vm13, v28, v2;
	vm14 =	vgt.f32 v29, v3  }
0x48: {  	v31 =	vld [tilespmem:s29+$0x2380];
	v4 =	vsel vm12, $0xC, v4;
	vm15 =	vgt.f32 v29, v2;
	v3 =	vsel vm14, v29, v3  }
0x49: {  	v4 =	vsel vm13, v8, v4;
	v3 =	vsel vm15, v2, v3  }
0x4a: {  	v8 =	vsel vm13, $0xC, v8;
	v2 =	vsel vm15, v29, v2;
	vm4 =	vgt.f32 v30, v3  }
0x4b: {  	v32 =	vld [tilespmem:s29+$0x4000];
	v4 =	vsel vm14, $0xD, v4;
	vm5 =	vgt.f32 v30, v2;
	v3 =	vsel vm4, v30, v3  }
0x4c: {  	v4 =	vsel vm15, v8, v4;
	v3 =	vsel vm5, v2, v3  }
0x4d: {  	v8 =	vsel vm15, $0xD, v8;
	v2 =	vsel vm5, v30, v2;
	vm6 =	vgt.f32 v31, v3  }
0x4e: {  	v33 =	vld [tilespmem:s29+$0x4080];
	v4 =	vsel vm4, $0xE, v4;
	vm7 =	vgt.f32 v31, v2;
	v3 =	vsel vm6, v31, v3  }
0x4f: {  	v4 =	vsel vm5, v8, v4;
	v3 =	vsel vm7, v2, v3  }
0x50: {  	v8 =	vsel vm5, $0xE, v8;
	v2 =	vsel vm7, v31, v2;
	vm8 =	vgt.f32 v32, v3  }
0x51: {  	v34 =	vld [tilespmem:s29+$0x4100];
	v4 =	vsel vm6, $0xF, v4;
	vm9 =	vgt.f32 v32, v2;
	v3 =	vsel vm8, v32, v3  }
0x52: {  	v4 =	vsel vm7, v8, v4;
	v3 =	vsel vm9, v2, v3  }
0x53: {  	v8 =	vsel vm7, $0xF, v8;
	v2 =	vsel vm9, v32, v2;
	vm10 =	vgt.f32 v33, v3  }
0x54: {  	v35 =	vld [tilespmem:s29+$0x4180];
	v4 =	vsel vm8, $0x10, v4;
	vm11 =	vgt.f32 v33, v2;
	v3 =	vsel vm10, v33, v3  }
0x55: {  	v4 =	vsel vm9, v8, v4;
	v3 =	vsel vm11, v2, v3  }
0x56: {  	v8 =	vsel vm9, $0x10, v8;
	v2 =	vsel vm11, v33, v2;
	vm12 =	vgt.f32 v34, v3  }
0x57: {  	v36 =	vld [tilespmem:s29+$0x4200];
	v4 =	vsel vm10, $0x11, v4;
	vm13 =	vgt.f32 v34, v2;
	v3 =	vsel vm12, v34, v3  }
0x58: {  	v4 =	vsel vm11, v8, v4;
	v3 =	vsel vm13, v2, v3  }
0x59: {  	v8 =	vsel vm11, $0x11, v8;
	v2 =	vsel vm13, v34, v2;
	vm14 =	vgt.f32 v35, v3  }
0x5a: {  	v37 =	vld [tilespmem:s29+$0x4280];
	v4 =	vsel vm12, $0x12, v4;
	vm15 =	vgt.f32 v35, v2;
	v3 =	vsel vm14, v35, v3  }
0x5b: {  	v4 =	vsel vm13, v8, v4;
	v3 =	vsel vm15, v2, v3  }
0x5c: {  	v8 =	vsel vm13, $0x12, v8;
	v2 =	vsel vm15, v35, v2;
	vm4 =	vgt.f32 v36, v3  }
0x5d: {  	v38 =	vld [tilespmem:s29+$0x4300];
	v4 =	vsel vm14, $0x13, v4;
	vm5 =	vgt.f32 v36, v2;
	v3 =	vsel vm4, v36, v3  }
0x5e: {  	v4 =	vsel vm15, v8, v4;
	v3 =	vsel vm5, v2, v3  }
0x5f: {  	v8 =	vsel vm15, $0x13, v8;
	v2 =	vsel vm5, v36, v2;
	vm6 =	vgt.f32 v37, v3  }
0x60: {  	v39 =	vld [tilespmem:s29+$0x4380];
	v4 =	vsel vm4, $0x14, v4;
	vm7 =	vgt.f32 v37, v2;
	v3 =	vsel vm6, v37, v3  }
0x61: {  	v4 =	vsel vm5, v8, v4;
	v3 =	vsel vm7, v2, v3  }
0x62: {  	v8 =	vsel vm5, $0x14, v8;
	v2 =	vsel vm7, v37, v2;
	vm8 =	vgt.f32 v38, v3  }
0x63: {  	v40 =	vld [tilespmem:s29+$0x6000];
	v4 =	vsel vm6, $0x15, v4;
	vm9 =	vgt.f32 v38, v2;
	v3 =	vsel vm8, v38, v3  }
0x64: {  	v4 =	vsel vm7, v8, v4;
	v3 =	vsel vm9, v2, v3  }
0x65: {  	v8 =	vsel vm7, $0x15, v8;
	v2 =	vsel vm9, v38, v2;
	vm10 =	vgt.f32 v39, v3  }
0x66: {  	v41 =	vld [tilespmem:s29+$0x6080];
	v4 =	vsel vm8, $0x16, v4;
	vm11 =	vgt.f32 v39, v2;
	v3 =	vsel vm10, v39, v3  }
0x67: {  	v4 =	vsel vm9, v8, v4;
	v3 =	vsel vm11, v2, v3  }
0x68: {  	v8 =	vsel vm9, $0x16, v8;
	v2 =	vsel vm11, v39, v2;
	vm12 =	vgt.f32 v40, v3  }
0x69: {  	v42 =	vld [tilespmem:s29+$0x6100];
	v4 =	vsel vm10, $0x17, v4;
	vm13 =	vgt.f32 v40, v2;
	v3 =	vsel vm12, v40, v3  }
0x6a: {  	v4 =	vsel vm11, v8, v4;
	v3 =	vsel vm13, v2, v3  }
0x6b: {  	v8 =	vsel vm11, $0x17, v8;
	v2 =	vsel vm13, v40, v2;
	vm14 =	vgt.f32 v41, v3  }
0x6c: {  	v43 =	vld [tilespmem:s29+$0x6180];
	v4 =	vsel vm12, $0x18, v4;
	vm15 =	vgt.f32 v41, v2;
	v3 =	vsel vm14, v41, v3  }
0x6d: {  	v4 =	vsel vm13, v8, v4;
	v3 =	vsel vm15, v2, v3  }
0x6e: {  	v8 =	vsel vm13, $0x18, v8;
	v2 =	vsel vm15, v41, v2;
	vm4 =	vgt.f32 v42, v3  }
0x6f: {  	v44 =	vld [tilespmem:s29+$0x6200];
	v4 =	vsel vm14, $0x19, v4;
	vm5 =	vgt.f32 v42, v2;
	v3 =	vsel vm4, v42, v3  }
0x70: {  	v4 =	vsel vm15, v8, v4;
	v3 =	vsel vm5, v2, v3  }
0x71: {  	v8 =	vsel vm15, $0x19, v8;
	v2 =	vsel vm5, v42, v2;
	vm6 =	vgt.f32 v43, v3  }
0x72: {  	v45 =	vld [tilespmem:s29+$0x6280];
	v4 =	vsel vm4, $0x1A, v4;
	vm7 =	vgt.f32 v43, v2;
	v3 =	vsel vm6, v43, v3  }
0x73: {  	v4 =	vsel vm5, v8, v4;
	v3 =	vsel vm7, v2, v3  }
0x74: {  	v8 =	vsel vm5, $0x1A, v8;
	v2 =	vsel vm7, v43, v2;
	vm8 =	vgt.f32 v44, v3  }
0x75: {  	v46 =	vld [tilespmem:s29+$0x6300];
	v4 =	vsel vm6, $0x1B, v4;
	vm9 =	vgt.f32 v44, v2;
	v3 =	vsel vm8, v44, v3  }
0x76: {  	v4 =	vsel vm7, v8, v4;
	v3 =	vsel vm9, v2, v3  }
0x77: {  	v8 =	vsel vm7, $0x1B, v8;
	v2 =	vsel vm9, v44, v2;
	vm10 =	vgt.f32 v45, v3  }
0x78: {  	v47 =	vld [tilespmem:s29+$0x6380];
	v4 =	vsel vm8, $0x1C, v4;
	vm11 =	vgt.f32 v45, v2;
	v3 =	vsel vm10, v45, v3  }
0x79: {  	v4 =	vsel vm9, v8, v4;
	v3 =	vsel vm11, v2, v3  }
0x7a: {  	v8 =	vsel vm9, $0x1C, v8;
	v2 =	vsel vm11, v45, v2;
	vm12 =	vgt.f32 v46, v3  }
0x7b: {  	v48 =	vld [tilespmem:s29+$0x8000];
	v4 =	vsel vm10, $0x1D, v4;
	vm13 =	vgt.f32 v46, v2;
	v3 =	vsel vm12, v46, v3  }
0x7c: {  	v4 =	vsel vm11, v8, v4;
	v3 =	vsel vm13, v2, v3  }
0x7d: {  	v8 =	vsel vm11, $0x1D, v8;
	v2 =	vsel vm13, v46, v2;
	vm14 =	vgt.f32 v47, v3  }
0x7e: {  	v49 =	vld [tilespmem:s29+$0x8080];
	v4 =	vsel vm12, $0x1E, v4;
	vm15 =	vgt.f32 v47, v2;
	v3 =	vsel vm14, v47, v3  }
0x7f: {  	v4 =	vsel vm13, v8, v4;
	v3 =	vsel vm15, v2, v3  }
0x80: {  	v8 =	vsel vm13, $0x1E, v8;
	v2 =	vsel vm15, v47, v2;
	vm4 =	vgt.f32 v48, v3  }
0x81: {  	v50 =	vld [tilespmem:s29+$0x8100];
	v4 =	vsel vm14, $0x1F, v4;
	vm5 =	vgt.f32 v48, v2;
	v3 =	vsel vm4, v48, v3  }
0x82: {  	v4 =	vsel vm15, v8, v4;
	v3 =	vsel vm5, v2, v3  }
0x83: {  	v8 =	vsel vm15, $0x1F, v8;
	v2 =	vsel vm5, v48, v2;
	vm6 =	vgt.f32 v49, v3  }
0x84: {  	v51 =	vld [tilespmem:s29+$0x8180];
	v4 =	vsel vm4, $0x20, v4;
	vm7 =	vgt.f32 v49, v2;
	v3 =	vsel vm6, v49, v3  }
0x85: {  	v4 =	vsel vm5, v8, v4;
	v3 =	vsel vm7, v2, v3  }
0x86: {  	v8 =	vsel vm5, $0x20, v8;
	v2 =	vsel vm7, v49, v2;
	vm8 =	vgt.f32 v50, v3  }
0x87: {  	v52 =	vld [tilespmem:s29+$0x8200];
	v4 =	vsel vm6, $0x21, v4;
	vm9 =	vgt.f32 v50, v2;
	v3 =	vsel vm8, v50, v3  }
0x88: {  	v4 =	vsel vm7, v8, v4;
	v3 =	vsel vm9, v2, v3  }
0x89: {  	v8 =	vsel vm7, $0x21, v8;
	v2 =	vsel vm9, v50, v2;
	vm10 =	vgt.f32 v51, v3  }
0x8a: {  	v53 =	vld [tilespmem:s29+$0x8280];
	v4 =	vsel vm8, $0x22, v4;
	vm11 =	vgt.f32 v51, v2;
	v3 =	vsel vm10, v51, v3  }
0x8b: {  	v4 =	vsel vm9, v8, v4;
	v3 =	vsel vm11, v2, v3  }
0x8c: {  	v8 =	vsel vm9, $0x22, v8;
	v2 =	vsel vm11, v51, v2;
	vm12 =	vgt.f32 v52, v3  }
0x8d: {  	v54 =	vld [tilespmem:s29+$0x8300];
	v4 =	vsel vm10, $0x23, v4;
	vm13 =	vgt.f32 v52, v2;
	v3 =	vsel vm12, v52, v3  }
0x8e: {  	v4 =	vsel vm11, v8, v4;
	v3 =	vsel vm13, v2, v3  }
0x8f: {  	v8 =	vsel vm11, $0x23, v8;
	v2 =	vsel vm13, v52, v2;
	vm14 =	vgt.f32 v53, v3  }
0x90: {  	v55 =	vld [tilespmem:s29+$0x8380];
	v4 =	vsel vm12, $0x24, v4;
	vm15 =	vgt.f32 v53, v2;
	v3 =	vsel vm14, v53, v3  }
0x91: {  	v4 =	vsel vm13, v8, v4;
	v3 =	vsel vm15, v2, v3  }
0x92: {  	v8 =	vsel vm13, $0x24, v8;
	v2 =	vsel vm15, v53, v2;
	vm4 =	vgt.f32 v54, v3  }
0x93: {  	v56 =	vld [tilespmem:s29+$0xA000];
	v4 =	vsel vm14, $0x25, v4;
	vm5 =	vgt.f32 v54, v2;
	v3 =	vsel vm4, v54, v3  }
0x94: {  	v4 =	vsel vm15, v8, v4;
	v3 =	vsel vm5, v2, v3  }
0x95: {  	v8 =	vsel vm15, $0x25, v8;
	v2 =	vsel vm5, v54, v2;
	vm6 =	vgt.f32 v55, v3  }
0x96: {  	v57 =	vld [tilespmem:s29+$0xA080];
	v4 =	vsel vm4, $0x26, v4;
	vm7 =	vgt.f32 v55, v2;
	v3 =	vsel vm6, v55, v3  }
0x97: {  	v4 =	vsel vm5, v8, v4;
	v3 =	vsel vm7, v2, v3  }
0x98: {  	v8 =	vsel vm5, $0x26, v8;
	v2 =	vsel vm7, v55, v2;
	vm8 =	vgt.f32 v56, v3  }
0x99: {  	v58 =	vld [tilespmem:s29+$0xA100];
	v4 =	vsel vm6, $0x27, v4;
	vm9 =	vgt.f32 v56, v2;
	v3 =	vsel vm8, v56, v3  }
0x9a: {  	v4 =	vsel vm7, v8, v4;
	v3 =	vsel vm9, v2, v3  }
0x9b: {  	v8 =	vsel vm7, $0x27, v8;
	v2 =	vsel vm9, v56, v2;
	vm10 =	vgt.f32 v57, v3  }
0x9c: {  	v59 =	vld [tilespmem:s29+$0xA180];
	v4 =	vsel vm8, $0x28, v4;
	vm11 =	vgt.f32 v57, v2;
	v3 =	vsel vm10, v57, v3  }
0x9d: {  	v4 =	vsel vm9, v8, v4;
	v3 =	vsel vm11, v2, v3  }
0x9e: {  	v8 =	vsel vm9, $0x28, v8;
	v2 =	vsel vm11, v57, v2;
	vm12 =	vgt.f32 v58, v3  }
0x9f: {  	v60 =	vld [tilespmem:s29+$0xA200];
	v4 =	vsel vm10, $0x29, v4;
	vm13 =	vgt.f32 v58, v2;
	v3 =	vsel vm12, v58, v3  }
0xa0: {  	v4 =	vsel vm11, v8, v4;
	v3 =	vsel vm13, v2, v3  }
0xa1: {  	v8 =	vsel vm11, $0x29, v8;
	v2 =	vsel vm13, v58, v2;
	vm14 =	vgt.f32 v59, v3  }
0xa2: {  	v61 =	vld [tilespmem:s29+$0xA280];
	v4 =	vsel vm12, $0x2A, v4;
	vm15 =	vgt.f32 v59, v2;
	v3 =	vsel vm14, v59, v3  }
0xa3: {  	v4 =	vsel vm13, v8, v4;
	v3 =	vsel vm15, v2, v3  }
0xa4: {  	v8 =	vsel vm13, $0x2A, v8;
	v2 =	vsel vm15, v59, v2;
	vm4 =	vgt.f32 v60, v3  }
0xa5: {  	v62 =	vld [tilespmem:s29+$0xA300];
	v4 =	vsel vm14, $0x2B, v4;
	vm5 =	vgt.f32 v60, v2;
	v3 =	vsel vm4, v60, v3  }
0xa6: {  	v4 =	vsel vm15, v8, v4;
	v3 =	vsel vm5, v2, v3  }
0xa7: {  	v8 =	vsel vm15, $0x2B, v8;
	v2 =	vsel vm5, v60, v2;
	vm6 =	vgt.f32 v61, v3  }
0xa8: {  	v63 =	vld [tilespmem:s29+$0xA380];
	v4 =	vsel vm4, $0x2C, v4;
	vm7 =	vgt.f32 v61, v2;
	v3 =	vsel vm6, v61, v3  }
0xa9: {  	v4 =	vsel vm5, v8, v4;
	v3 =	vsel vm7, v2, v3  }
0xaa: {  	v8 =	vsel vm5, $0x2C, v8;
	v2 =	vsel vm7, v61, v2;
	vm8 =	vgt.f32 v62, v3  }
0xab: {  	v12 =	vld [tilespmem:s29+$0xC000];
	v4 =	vsel vm6, $0x2D, v4;
	vm9 =	vgt.f32 v62, v2;
	v3 =	vsel vm8, v62, v3  }
0xac: {  	v4 =	vsel vm7, v8, v4;
	v3 =	vsel vm9, v2, v3  }
0xad: {  	v8 =	vsel vm7, $0x2D, v8;
	v2 =	vsel vm9, v62, v2;
	vm10 =	vgt.f32 v63, v3  }
0xae: {  	v13 =	vld [tilespmem:s29+$0xC080];
	v4 =	vsel vm8, $0x2E, v4;
	vm11 =	vgt.f32 v63, v2;
	v3 =	vsel vm10, v63, v3  }
0xaf: {  	v4 =	vsel vm9, v8, v4;
	v3 =	vsel vm11, v2, v3  }
0xb0: {  	v8 =	vsel vm9, $0x2E, v8;
	v2 =	vsel vm11, v63, v2;
	vm12 =	vgt.f32 v12, v3  }
0xb1: {  	v14 =	vld [tilespmem:s29+$0xC100];
	v4 =	vsel vm10, $0x2F, v4;
	vm13 =	vgt.f32 v12, v2;
	v3 =	vsel vm12, v12, v3  }
0xb2: {  	v4 =	vsel vm11, v8, v4;
	v3 =	vsel vm13, v2, v3  }
0xb3: {  	v8 =	vsel vm11, $0x2F, v8;
	v2 =	vsel vm13, v12, v2;
	vm14 =	vgt.f32 v13, v3  }
0xb4: {  	v15 =	vld [tilespmem:s29+$0xC180];
	v4 =	vsel vm12, $0x30, v4;
	vm15 =	vgt.f32 v13, v2;
	v3 =	vsel vm14, v13, v3  }
0xb5: {  	v4 =	vsel vm13, v8, v4;
	v3 =	vsel vm15, v2, v3  }
0xb6: {  	v8 =	vsel vm13, $0x30, v8;
	v2 =	vsel vm15, v13, v2;
	vm4 =	vgt.f32 v14, v3  }
0xb7: {  	v16 =	vld [tilespmem:s29+$0xC200];
	v4 =	vsel vm14, $0x31, v4;
	vm5 =	vgt.f32 v14, v2;
	v3 =	vsel vm4, v14, v3  }
0xb8: {  	v4 =	vsel vm15, v8, v4;
	v3 =	vsel vm5, v2, v3  }
0xb9: {  	v8 =	vsel vm15, $0x31, v8;
	v2 =	vsel vm5, v14, v2;
	vm6 =	vgt.f32 v15, v3  }
0xba: {  	v17 =	vld [tilespmem:s29+$0xC280];
	v4 =	vsel vm4, $0x32, v4;
	vm7 =	vgt.f32 v15, v2;
	v3 =	vsel vm6, v15, v3  }
0xbb: {  	v4 =	vsel vm5, v8, v4;
	v3 =	vsel vm7, v2, v3  }
0xbc: {  	v8 =	vsel vm5, $0x32, v8;
	v2 =	vsel vm7, v15, v2;
	vm8 =	vgt.f32 v16, v3  }
0xbd: {  	v18 =	vld [tilespmem:s29+$0xC300];
	v4 =	vsel vm6, $0x33, v4;
	vm9 =	vgt.f32 v16, v2;
	v3 =	vsel vm8, v16, v3  }
0xbe: {  	v4 =	vsel vm7, v8, v4;
	v3 =	vsel vm9, v2, v3  }
0xbf: {  	v8 =	vsel vm7, $0x33, v8;
	v2 =	vsel vm9, v16, v2;
	vm10 =	vgt.f32 v17, v3  }
0xc0: {  	v19 =	vld [tilespmem:s29+$0xC380];
	v4 =	vsel vm8, $0x34, v4;
	vm11 =	vgt.f32 v17, v2;
	v3 =	vsel vm10, v17, v3  }
0xc1: {  	v4 =	vsel vm9, v8, v4;
	v3 =	vsel vm11, v2, v3  }
0xc2: {  	v8 =	vsel vm9, $0x34, v8;
	v2 =	vsel vm11, v17, v2;
	vm12 =	vgt.f32 v18, v3  }
0xc3: {  	v20 =	vld [tilespmem:s29+$0xE000];
	v4 =	vsel vm10, $0x35, v4;
	vm13 =	vgt.f32 v18, v2;
	v3 =	vsel vm12, v18, v3  }
0xc4: {  	v4 =	vsel vm11, v8, v4;
	v3 =	vsel vm13, v2, v3  }
0xc5: {  	v8 =	vsel vm11, $0x35, v8;
	v2 =	vsel vm13, v18, v2;
	vm14 =	vgt.f32 v19, v3  }
0xc6: {  	v21 =	vld [tilespmem:s29+$0xE080];
	v4 =	vsel vm12, $0x36, v4;
	vm15 =	vgt.f32 v19, v2;
	v3 =	vsel vm14, v19, v3  }
0xc7: {  	v4 =	vsel vm13, v8, v4;
	v3 =	vsel vm15, v2, v3  }
0xc8: {  	v8 =	vsel vm13, $0x36, v8;
	v2 =	vsel vm15, v19, v2;
	vm4 =	vgt.f32 v20, v3  }
0xc9: {  	v22 =	vld [tilespmem:s29+$0xE100];
	v4 =	vsel vm14, $0x37, v4;
	vm5 =	vgt.f32 v20, v2;
	v3 =	vsel vm4, v20, v3  }
0xca: {  	v4 =	vsel vm15, v8, v4;
	v3 =	vsel vm5, v2, v3  }
0xcb: {  	v8 =	vsel vm15, $0x37, v8;
	v2 =	vsel vm5, v20, v2;
	vm6 =	vgt.f32 v21, v3  }
0xcc: {  	v23 =	vld [tilespmem:s29+$0xE180];
	v4 =	vsel vm4, $0x38, v4;
	vm7 =	vgt.f32 v21, v2;
	v3 =	vsel vm6, v21, v3  }
0xcd: {  	v4 =	vsel vm5, v8, v4;
	v3 =	vsel vm7, v2, v3  }
0xce: {  	v8 =	vsel vm5, $0x38, v8;
	v2 =	vsel vm7, v21, v2;
	vm8 =	vgt.f32 v22, v3  }
0xcf: {  	v24 =	vld [tilespmem:s29+$0xE200];
	v4 =	vsel vm6, $0x39, v4;
	vm9 =	vgt.f32 v22, v2;
	v3 =	vsel vm8, v22, v3  }
0xd0: {  	v4 =	vsel vm7, v8, v4;
	v3 =	vsel vm9, v2, v3  }
0xd1: {  	v8 =	vsel vm7, $0x39, v8;
	v2 =	vsel vm9, v22, v2;
	vm10 =	vgt.f32 v23, v3  }
0xd2: {  	v25 =	vld [tilespmem:s29+$0xE280];
	v4 =	vsel vm8, $0x3A, v4;
	vm11 =	vgt.f32 v23, v2;
	v3 =	vsel vm10, v23, v3  }
0xd3: {  	v4 =	vsel vm9, v8, v4;
	v3 =	vsel vm11, v2, v3  }
0xd4: {  	v8 =	vsel vm9, $0x3A, v8;
	v2 =	vsel vm11, v23, v2;
	vm12 =	vgt.f32 v24, v3  }
0xd5: {  	v26 =	vld [tilespmem:s29+$0xE300];
	v4 =	vsel vm10, $0x3B, v4;
	vm13 =	vgt.f32 v24, v2;
	v3 =	vsel vm12, v24, v3  }
0xd6: {  	v4 =	vsel vm11, v8, v4;
	v3 =	vsel vm13, v2, v3  }
0xd7: {  	v8 =	vsel vm11, $0x3B, v8;
	v2 =	vsel vm13, v24, v2;
	vm14 =	vgt.f32 v25, v3  }
0xd8: {  	v27 =	vsel vm12, $0x3C, v4;
	v4 =	vld [tilespmem:s29+$0xE380];
	vm15 =	vgt.f32 v25, v2;
	v3 =	vsel vm14, v25, v3  }
0xd9: {  	v6 =	vsel vm13, v8, v27;
	v8 =	vsel vm13, $0x3C, v8;
	v3 =	vsel vm15, v2, v3  }
0xda: {  	v6 =	vsel vm14, $0x3D, v6;
	v2 =	vsel vm15, v25, v2;
	vm4 =	vgt.f32 v26, v3  }
0xdb: {  	v28 =	vsel vm15, v8, v6;
	vm5 =	vgt.f32 v26, v2;
	v3 =	vsel vm4, v26, v3  }
0xdc: {  	v8 =	vsel vm15, $0x3D, v8;
	v6 =	vsel vm5, v2, v3;
	v3 =	vsel vm4, $0x3E, v28  }
0xdd: {  	v5 =	vsel vm5, v26, v2;
	v3 =	vsel vm5, v8, v3;
	vm1 =	vgt.f32 v4, v6  }
0xde: {  	v29 =	vsel vm5, $0x3E, v8;
	vm0 =	vgt.f32 v4, v5;
	v2 =	vsel vm1, $0x3F, v3  }
0xdf: {  	v3 =	vsel vm0, $0x3F, v29;
	v6 =	vsel vm1, v4, v6;
	v4 =	vsel vm0, v4, v5  }
0xe0: {  	v2 =	vsel vm0, v29, v2;
	vm6 =	veq.s32 v3, $0x0;
	vm8 =	veq.s32 v3, $0x1  }
0xe1: {  	vm10 =	veq.s32 v3, $0x2;
	vm12 =	veq.s32 v3, $0x3;
	vm14 =	veq.s32 v3, $0x4  }
0xe2: {  	vm4 =	veq.s32 v3, $0xF;
	v6 =	vsel vm0, v5, v6;
	vm7 =	veq.s32 v2, $0x0  }
0xe3: {  	v31 =	vsel vm6, $0x3F800000, v0;
	v32 =	vsel vm8, $0x3F800000, v0;
	vm9 =	veq.s32 v2, $0x1  }
0xe4: {  	vm11 =	veq.s32 v2, $0x2;
	v13 =	vsel vm10, $0x3F800000, v0;
	vm13 =	veq.s32 v2, $0x3  }
0xe5: {  	v34 =	vsel vm12, $0x3F800000, v0;
	vm15 =	veq.s32 v2, $0x4;
	v38 =	vsel vm14, $0x3F800000, v0  }
0xe6: {  	vm6 =	veq.s32 v3, $0x5;
	vm8 =	veq.s32 v3, $0x6;
	vm10 =	veq.s32 v3, $0x7  }
0xe7: {  	vm12 =	veq.s32 v3, $0x8;
	vm14 =	veq.s32 v3, $0x9;
	v62 =	vsel vm4, $0x3F800000, v0  }
0xe8: {  	vm5 =	veq.s32 v2, $0xF;
	vm4 =	veq.s32 v3, $0x24;
	v4 =	vsub.f32 v6, v4  }
0xe9: {  	v9 =	vsel vm7, $0x3F800000, v0;
	v12 =	vsel vm9, $0x3F800000, v0;
	v14 =	vsel vm11, $0x3F800000, v0  }
0xea: {  	v35 =	vsel vm13, $0x3F800000, v0;
	v39 =	vsel vm15, $0x3F800000, v0;
	v40 =	vsel vm6, $0x3F800000, v0  }
0xeb: {  	vm7 =	veq.s32 v2, $0x5;
	vm9 =	veq.s32 v2, $0x6;
	v18 =	vsel vm8, $0x3F800000, v0  }
0xec: {  	vm11 =	veq.s32 v2, $0x7;
	v43 =	vsel vm10, $0x3F800000, v0;
	v46 =	vsel vm12, $0x3F800000, v0  }
0xed: {  	vm13 =	veq.s32 v2, $0x8;
	vm15 =	veq.s32 v2, $0x9;
	v20 =	vsel vm14, $0x3F800000, v0  }
0xee: {  	vm6 =	veq.s32 v3, $0xA;
	vm8 =	veq.s32 v3, $0xB;
	vm10 =	veq.s32 v3, $0xC  }
0xef: {  	vm12 =	veq.s32 v3, $0xD;
	v8 =	vadd.f32 v9, v31;
	v12 =	vadd.f32 v12, v32  }
0xf0: {  	vm14 =	veq.s32 v3, $0xE;
	v33 =	vadd.f32 v14, v13;
	v13 =	vadd.f32 v39, v38  }
0xf1: {  	v17 =	vsel vm7, $0x3F800000, v0;
	v19 =	vsel vm9, $0x3F800000, v0;
	v44 =	vsel vm11, $0x3F800000, v0  }
0xf2: {  	v48 =	vsel vm13, $0x3F800000, v0;
	v21 =	vsel vm15, $0x3F800000, v0;
	vm7 =	veq.s32 v2, $0xA  }
0xf3: {  	v50 =	vsel vm6, $0x3F800000, v0;
	vm9 =	veq.s32 v2, $0xB;
	v54 =	vsel vm8, $0x3F800000, v0  }
0xf4: {  	v56 =	vsel vm10, $0x3F800000, v0;
	vm11 =	veq.s32 v2, $0xC;
	vm13 =	veq.s32 v2, $0xD  }
0xf5: {  	v25 =	vsel vm12, $0x3F800000, v0;
	vm15 =	veq.s32 v2, $0xE;
	v59 =	vsel vm14, $0x3F800000, v0  }
0xf6: {  	v32 =	vsel vm5, $0x3F800000, v0;
	vm6 =	veq.s32 v3, $0x10;
	vm8 =	veq.s32 v3, $0x11  }
0xf7: {  	vm10 =	veq.s32 v3, $0x12;
	vm12 =	veq.s32 v3, $0x13;
	vm14 =	veq.s32 v3, $0x14  }
0xf8: {  	v10 =	vld [tilespmem:$0x11080];
	vm5 =	veq.s32 v2, $0x24;
	v17 =	vadd.f32 v17, v40;
	v41 =	vadd.f32 v19, v18  }
0xf9: {  	v30 =	vld [tilespmem:$0x11000];
	v4 =	vmul.f32 $1.442695020e+00, v4;
	v19 =	vadd.f32 v48, v46;
	v49 =	vadd.f32 v21, v20  }
0xfa: {  	v11 =	vld [tilespmem:$0x11100];
	v51 =	vsel vm7, $0x3F800000, v0;
	v55 =	vsel vm9, $0x3F800000, v0;
	v24 =	vsel vm11, $0x3F800000, v0  }
0xfb: {  	v37 =	vld [tilespmem:$0x11200];
	v26 =	vsel vm13, $0x3F800000, v0;
	v60 =	vsel vm15, $0x3F800000, v0;
	vm7 =	veq.s32 v2, $0x10  }
0xfc: {  	v27 =	vsel vm6, $0x3F800000, v0;
	vm9 =	veq.s32 v2, $0x11;
	vm11 =	veq.s32 v2, $0x12  }
0xfd: {  	v38 =	vsel vm10, $0x3F800000, v0;
	v40 =	vsel vm12, $0x3F800000, v0;
	vm13 =	veq.s32 v2, $0x13  }
0xfe: {  	vm15 =	veq.s32 v2, $0x14;
	v9 =	vadd.f32 v8, v30;
	v8 =	vadd.f32 v12, v10  }
0xff: {  	vm6 =	veq.s32 v3, $0x15;
	v7 =	vadd.f32 v33, v11;
	v10 =	vadd.f32 v35, v34  }
0x100: {  	v15 =	vld [tilespmem:$0x11280];
	vm10 =	veq.s32 v3, $0x17;
	v12 =	vadd.f32 v13, v37;
	v21 =	vadd.f32 v55, v54  }
0x101: {  	v47 =	vld [tilespmem:$0x11480];
	vm12 =	veq.s32 v3, $0x18;
	v24 =	vadd.f32 v24, v56;
	v57 =	vadd.f32 v26, v25  }
0x102: {  	v26 =	vadd.f32 v32, v62;
	v28 =	vsel vm7, $0x3F800000, v0;
	v34 =	vsel vm8, $0x3F800000, v0  }
0x103: {  	v35 =	vsel vm9, $0x3F800000, v0;
	v39 =	vsel vm11, $0x3F800000, v0;
	v31 =	vsel vm13, $0x3F800000, v0  }
0x104: {  	v32 =	vsel vm14, $0x3F800000, v0;
	vm7 =	veq.s32 v2, $0x15;
	vm8 =	veq.s32 v3, $0x16  }
0x105: {  	vm9 =	veq.s32 v2, $0x16;
	vm11 =	veq.s32 v2, $0x17;
	v11 =	vadd.f32 v17, v15  }
0x106: {  	vm13 =	veq.s32 v2, $0x18;
	v15 =	vadd.f32 v44, v43;
	v13 =	vadd.f32 v49, v47  }
0x107: {  	v36 =	vld [tilespmem:$0x11180];
	vm14 =	veq.s32 v3, $0x19;
	v17 =	vadd.f32 v51, v50;
	v33 =	vadd.f32 v28, v27  }
0x108: {  	v16 =	vld [tilespmem:$0x11300];
	(erf) = vpow2.f32 v4;
	v28 =	vadd.f32 v39, v38;
	v31 =	vadd.f32 v31, v40  }
0x109: {  	v22 =	vld [tilespmem:$0x11600];
	v43 =	vsel vm6, $0x3F800000, v0;
	v44 =	vsel vm7, $0x3F800000, v0;
	v46 =	vsel vm8, $0x3F800000, v0  }
0x10a: {  	v48 =	vsel vm9, $0x3F800000, v0;
	v50 =	vsel vm12, $0x3F800000, v0;
	v51 =	vsel vm13, $0x3F800000, v0  }
0x10b: {  	v42 =	vld [tilespmem:$0x11380];
	v54 =	vsel vm14, $0x3F800000, v0;
	vm6 =	veq.s32 v3, $0x1A;
	vm7 =	veq.s32 v2, $0x1A  }
0x10c: {  	v45 =	vld [tilespmem:$0x11400];
	vm8 =	veq.s32 v3, $0x1B;
	vm9 =	veq.s32 v2, $0x1B;
	vm12 =	veq.s32 v3, $0x1D  }
0x10d: {  	v52 =	vld [tilespmem:$0x11500];
	vm13 =	veq.s32 v2, $0x1D;
	v14 =	vadd.f32 v10, v36;
	v10 =	vadd.f32 v41, v16  }
0x10e: {  	v53 =	vld [tilespmem:$0x11580];
	vm14 =	veq.s32 v3, $0x1E;
	v18 =	vadd.f32 v24, v22;
	v22 =	vadd.f32 v60, v59  }
0x10f: {  	v63 =	vld [tilespmem:$0x11800];
	v24 =	vadd.f32 v35, v34;
	v34 =	vsel vm10, $0x3F800000, v0;
	v35 =	vsel vm11, $0x3F800000, v0  }
0x110: {  	v23 =	vld [tilespmem:$0x11680];
	v56 =	vsel vm6, $0x3F800000, v0;
	v38 =	vsel vm7, $0x3F800000, v0;
	v39 =	vsel vm8, $0x3F800000, v0  }
0x111: {  	v29 =	vld [tilespmem:$0x11980];
	v40 =	vsel vm9, $0x3F800000, v0;
	vm10 =	veq.s32 v3, $0x1C;
	vm11 =	veq.s32 v2, $0x1C  }
0x112: {  	v62 =	vsel vm12, $0x3F800000, v0;
	vm6 =	veq.s32 v3, $0x1F;
	vm7 =	veq.s32 v2, $0x1F  }
0x113: {  	v58 =	vld [tilespmem:$0x11700];
	vm8 =	veq.s32 v3, $0x20;
	v16 =	vadd.f32 v15, v42;
	v15 =	vadd.f32 v19, v45  }
0x114: {  	v61 =	vld [tilespmem:$0x11780];
	vm9 =	veq.s32 v2, $0x20;
	v20 =	vadd.f32 v17, v52;
	v19 =	vadd.f32 v21, v53  }
0x115: {  	v37 =	vld [tilespmem:$0x11900];
	vm12 =	veq.s32 v3, $0x22;
	v17 =	vadd.f32 v57, v23;
	v21 =	vadd.f32 v33, v63  }
0x116: {  	v30 =	vld [tilespmem:$0x11A00];
	v33 =	vsel vm15, $0x3F800000, v0;
	v25 =	vadd.f32 v31, v29;
	v29 =	vadd.f32 v44, v43  }
0x117: {  	v47 =	vld [tilespmem:$0x11B80];
	v49 =	vadd.f32 v35, v34;
	v31 =	vadd.f32 v51, v50;
	vm15 =	veq.s32 v2, $0x19  }
0x118: {  	v36 =	vld [tilespmem:$0x11880];
	v38 =	vadd.f32 v38, v56;
	v57 =	vadd.f32 v40, v39;
	v59 =	vsel vm10, $0x3F800000, v0  }
0x119: {  	v42 =	vld [tilespmem:$0x11A80];
	v60 =	vsel vm11, $0x3F800000, v0;
	v51 =	vsel vm8, $0x3F800000, v0;
	vm10 =	veq.s32 v3, $0x21  }
0x11a: {  	v45 =	vld [tilespmem:$0x11B00];
	vm11 =	veq.s32 v2, $0x21;
	v23 =	vadd.f32 v22, v58;
	v22 =	vadd.f32 v26, v61  }
0x11b: {  	v52 =	vld [tilespmem:$0x11C00];
	vm8 =	veq.s32 v3, $0x26;
	v41 =	vadd.f32 v33, v32;
	v33 =	vadd.f32 v48, v46  }
0x11c: {  	v53 =	vld [tilespmem:$0x11C80];
	v55 =	vsel vm15, $0x3F800000, v0;
	vm15 =	veq.s32 v2, $0x1E;
	v48 =	vsel vm7, $0x3F800000, v0  }
0x11d: {  	vm7 =	veq.s32 v2, $0x25;
	v26 =	vadd.f32 v28, v37;
	v35 =	vadd.f32 v55, v54  }
0x11e: {  	v28 =	vadd.f32 v49, v47;
	v47 =	vsel vm6, $0x3F800000, v0;
	vm6 =	veq.s32 v3, $0x25  }
0x11f: {  	v27 =	vadd.f32 v24, v36;
	v24 =	vadd.f32 v41, v30;
	v41 =	vsel vm14, $0x3F800000, v0  }
0x120: {  	vm14 =	veq.s32 v3, $0x23;
	v30 =	vadd.f32 v29, v42;
	v29 =	vadd.f32 v33, v45  }
0x121: {  	v34 =	vadd.f32 v31, v52;
	v33 =	vadd.f32 v35, v53;
	v45 =	vsel vm13, $0x3F800000, v0  }
0x122: {  	v37 =	vld [tilespmem:$0x11D80];
	v42 =	vsel vm15, $0x3F800000, v0;
	v52 =	vsel vm9, $0x3F800000, v0;
	v53 =	vsel vm10, $0x3F800000, v0  }
0x123: {  	v63 =	vld [tilespmem:$0x11F00];
	vm13 =	veq.s32 v2, $0x22;
	vm15 =	veq.s32 v2, $0x23;
	v56 =	vsel vm14, $0x3F800000, v0  }
0x124: {  	vm9 =	veq.s32 v2, $0x26;
	vm10 =	veq.s32 v3, $0x27;
	v40 =	vadd.f32 v45, v62  }
0x125: {  	v36 =	vld [tilespmem:$0x11D00];
	vm14 =	veq.s32 v3, $0x29;
	v46 =	vadd.f32 v42, v41;
	v42 =	vadd.f32 v52, v51  }
0x126: {  	[tilespmem:$0x11000] =	vst v9;
	v43 =	vld [tilespmem:$0x12080];
	v45 =	vsel vm11, $0x3F800000, v0;
	v51 =	vsel vm9, $0x3F800000, v0;
	vm11 =	veq.s32 v2, $0x27  }
0x127: {  	[tilespmem:$0x11080] =	vst v8;
	vm9 =	veq.s32 v2, $0x2B;
	v31 =	vadd.f32 v57, v37;
	v45 =	vadd.f32 v45, v53  }
0x128: {  	[tilespmem:$0x11100] =	vst v7;
	v57 =	vsel vm15, $0x3F800000, v0;
	vm15 =	veq.s32 v2, $0x29;
	v35 =	vadd.f32 v46, v63  }
0x129: {  	[tilespmem:$0x11200] =	vst v12;
	v50 =	vld [tilespmem:$0x12000];
	v46 =	vsel vm12, $0x3F800000, v0;
	v63 =	vsel vm6, $0x3F800000, v0;
	vm12 =	veq.s32 v3, $0x28  }
0x12a: {  	[tilespmem:$0x11280] =	vst v11;
	v58 =	vld [tilespmem:$0x11E00];
	vm6 =	veq.s32 v3, $0x2A;
	v32 =	vadd.f32 v38, v36;
	v36 =	vadd.f32 v60, v59  }
0x12b: {  	[tilespmem:$0x11480] =	vst v13;
	v61 =	vld [tilespmem:$0x11E80];
	v38 =	vadd.f32 v48, v47;
	v47 =	vsel vm13, $0x3F800000, v0;
	v39 =	vadd.f32 v45, v43  }
0x12c: {  	[tilespmem:$0x11180] =	vst v14;
	v49 =	vld [tilespmem:$0x11F80];
	v43 =	vadd.f32 v57, v56;
	v59 =	vsel vm4, $0x3F800000, v0;
	v48 =	vsel vm7, $0x3F800000, v0  }
0x12d: {  	[tilespmem:$0x11300] =	vst v10;
	v55 =	vld [tilespmem:$0x12180];
	v56 =	vsel vm11, $0x3F800000, v0;
	vm13 =	veq.s32 v2, $0x28;
	vm7 =	veq.s32 v2, $0x2A  }
0x12e: {  	[tilespmem:$0x11600] =	vst v18;
	v45 =	vsel vm6, $0x3F800000, v0;
	vm11 =	veq.s32 v2, $0x2C;
	vm4 =	veq.s32 v3, $0x2F  }
0x12f: {  	[tilespmem:$0x11380] =	vst v16;
	vm6 =	veq.s32 v3, $0x30;
	v54 =	vadd.f32 v47, v46;
	v46 =	vsel vm7, $0x3F800000, v0  }
0x130: {  	[tilespmem:$0x11B80] =	vst v28;
	vm7 =	veq.s32 v2, $0x30;
	v28 =	vsel vm6, $0x3F800000, v0;
	v37 =	vadd.f32 v36, v58  }
0x131: {  	v44 =	vld [tilespmem:$0x12100];
	[tilespmem:$0x11400] =	vst v15;
	vm6 =	veq.s32 v3, $0x35;
	v36 =	vadd.f32 v40, v61;
	v41 =	vadd.f32 v38, v49  }
0x132: {  	[tilespmem:$0x11500] =	vst v20;
	v40 =	vadd.f32 v42, v50;
	v61 =	vsel vm5, $0x3F800000, v0;
	v9 =	vadd.f32 v43, v55  }
0x133: {  	[tilespmem:$0x11580] =	vst v19;
	v49 =	vadd.f32 v48, v63;
	v50 =	vsel vm8, $0x3F800000, v0;
	v55 =	vsel vm10, $0x3F800000, v0  }
0x134: {  	[tilespmem:$0x11680] =	vst v17;
	v63 =	vsel vm15, $0x3F800000, v0;
	vm8 =	veq.s32 v3, $0x2B;
	v15 =	vadd.f32 v46, v45  }
0x135: {  	[tilespmem:$0x11800] =	vst v21;
	vm10 =	veq.s32 v3, $0x2C;
	vm15 =	veq.s32 v2, $0x2E;
	vm5 =	veq.s32 v2, $0x2F  }
0x136: {  	v52 =	vld [tilespmem:$0x12300];
	[tilespmem:$0x11B00] =	vst v29;
	v29 =	vsel vm7, $0x3F800000, v0;
	v38 =	vadd.f32 v54, v44;
	v62 =	vadd.f32 v61, v59  }
0x137: {  	[tilespmem:$0x11980] =	vst v25;
	v60 =	vld [tilespmem:$0x12280];
	vm7 =	veq.s32 v2, $0x35;
	v53 =	vadd.f32 v51, v50;
	v10 =	vadd.f32 v56, v55  }
0x138: {  	[tilespmem:$0x11700] =	vst v23;
	v48 =	vsel vm8, $0x3F800000, v0;
	v50 =	vsel vm9, $0x3F800000, v0;
	v51 =	vsel vm10, $0x3F800000, v0  }
0x139: {  	[tilespmem:$0x11A80] =	vst v30;
	v47 =	vld [tilespmem:$0x12580];
	v30 =	vadd.f32 v29, v28;
	vm8 =	veq.s32 v3, $0x31;
	vm9 =	veq.s32 v2, $0x31  }
0x13a: {  	[tilespmem:$0x11C80] =	vst v33;
	vm10 =	veq.s32 v3, $0x32;
	v16 =	vadd.f32 v50, v48;
	v33 =	vsel vm8, $0x3F800000, v0  }
0x13b: {  	[tilespmem:$0x11780] =	vst v22;
	v58 =	vld [tilespmem:$0x12200];
	v42 =	vsel vm9, $0x3F800000, v0;
	vm8 =	veq.s32 v3, $0x36;
	vm9 =	veq.s32 v2, $0x36  }
0x13c: {  	[tilespmem:$0x11900] =	vst v26;
	v8 =	vadd.f32 v49, v60;
	v60 =	vsel vm13, $0x3F800000, v0;
	v11 =	vadd.f32 v53, v52  }
0x13d: {  	[tilespmem:$0x11880] =	vst v27;
	v52 =	vsel vm11, $0x3F800000, v0;
	vm13 =	veq.s32 v2, $0x2D;
	vm11 =	veq.s32 v2, $0x32  }
0x13e: {  	[tilespmem:$0x11A00] =	vst v24;
	v54 =	vld [tilespmem:$0x12380];
	v53 =	vadd.f32 v52, v51;
	v16 =	vadd.f32 v16, v47;
	v55 =	vsel vm13, $0x3F800000, v0  }
0x13f: {  	[tilespmem:$0x11C00] =	vst v34;
	v45 =	vsel vm11, $0x3F800000, v0;
	vm13 =	veq.s32 v2, $0x33;
	vm11 =	veq.s32 v2, $0x37  }
0x140: {  	[tilespmem:$0x11D80] =	vst v31;
	v7 =	vadd.f32 v62, v58;
	v58 =	vsel vm12, $0x3F800000, v0;
	v62 =	vsel vm14, $0x3F800000, v0  }
0x141: {  	v57 =	vld [tilespmem:$0x12400];
	[tilespmem:$0x11F00] =	vst v35;
	vm12 =	veq.s32 v3, $0x2D;
	vm14 =	veq.s32 v3, $0x2E;
	v50 =	vsel vm13, $0x3F800000, v0  }
0x142: {  	[tilespmem:$0x11D00] =	vst v32;
	v59 =	vld [tilespmem:$0x12480];
	v29 =	vsel vm11, $0x3F800000, v0;
	vm13 =	veq.s32 v2, $0x38;
	v61 =	vadd.f32 v60, v58  }
0x143: {  	[tilespmem:$0x12080] =	vst v39;
	v44 =	vld [tilespmem:$0x12500];
	vm11 =	veq.s32 v2, $0x3D;
	v14 =	vadd.f32 v63, v62;
	v12 =	vadd.f32 v10, v54  }
0x144: {  	[tilespmem:$0x11E00] =	vst v37;
	v49 =	vld [tilespmem:$0x12600];
	v54 =	vsel vm12, $0x3F800000, v0;
	v58 =	vsel vm14, $0x3F800000, v0;
	v63 =	vsel vm5, $0x3F800000, v0  }
0x145: {  	[tilespmem:$0x11E80] =	vst v36;
	vm12 =	veq.s32 v3, $0x33;
	vm14 =	veq.s32 v3, $0x34;
	v31 =	vsel vm13, $0x3F800000, v0  }
0x146: {  	[tilespmem:$0x11F80] =	vst v41;
	vm5 =	veq.s32 v2, $0x3A;
	vm13 =	veq.s32 v2, $0x3E;
	v17 =	vadd.f32 v55, v54  }
0x147: {  	[tilespmem:$0x12000] =	vst v40;
	v48 =	vsel vm12, $0x3F800000, v0;
	v51 =	vsel vm14, $0x3F800000, v0;
	vm12 =	veq.s32 v3, $0x38  }
0x148: {  	v56 =	vld [tilespmem:$0x12680];
	[tilespmem:$0x12180] =	vst v9;
	vm14 =	veq.s32 v3, $0x39;
	v13 =	vadd.f32 v61, v57;
	v10 =	vadd.f32 v14, v59  }
0x149: {  	[tilespmem:$0x12100] =	vst v38;
	v38 =	vsel vm5, $0x3F800000, v0;
	v14 =	vadd.f32 v15, v44;
	v15 =	vadd.f32 v53, v49  }
0x14a: {  	[tilespmem:$0x12280] =	vst v8;
	v59 =	vsel vm15, $0x3F800000, v0;
	v61 =	vsel vm4, $0x3F800000, v0;
	v44 =	vsel vm10, $0x3F800000, v0  }
0x14b: {  	[tilespmem:$0x12300] =	vst v11;
	vm15 =	veq.s32 v2, $0x34;
	v25 =	vadd.f32 v50, v48;
	vm10 =	veq.s32 v3, $0x37  }
0x14c: {  	v46 =	vld [tilespmem:$0x12980];
	[tilespmem:$0x12580] =	vst v16;
	vm4 =	veq.s32 v3, $0x3A;
	v20 =	vadd.f32 v59, v58;
	v21 =	vadd.f32 v63, v61  }
0x14d: {  	[tilespmem:$0x12200] =	vst v7;
	v17 =	vadd.f32 v17, v56;
	v47 =	vadd.f32 v45, v44;
	v52 =	vsel vm15, $0x3F800000, v0  }
0x14e: {  	v62 =	vld [tilespmem:$0x12800];
	[tilespmem:$0x12380] =	vst v12;
	v58 =	vsel vm6, $0x3F800000, v0;
	v59 =	vsel vm7, $0x3F800000, v0;
	v61 =	vsel vm8, $0x3F800000, v0  }
0x14f: {  	v43 =	vld [tilespmem:$0x12900];
	v27 =	vsel vm10, $0x3F800000, v0;
	vm15 =	veq.s32 v2, $0x39;
	v36 =	vsel vm4, $0x3F800000, v0;
	[tilespmem:$0x12400] =	vst v13  }
0x150: {  	v26 =	vld [tilespmem:$0x12B80];
	vm6 =	veq.s32 v3, $0x3B;
	vm7 =	veq.s32 v2, $0x3B;
	v53 =	vadd.f32 v52, v51;
	[tilespmem:$0x12480] =	vst v10  }
0x151: {  	v37 =	vld [tilespmem:$0x12D00];
	vm8 =	veq.s32 v3, $0x3C;
	v56 =	vadd.f32 v25, v46;
	v6 =	vadd.f32 v59, v58;
	[tilespmem:$0x12500] =	vst v14  }
0x152: {  	v57 =	vld [tilespmem:$0x12700];
	vm10 =	veq.s32 v3, $0x3D;
	v10 =	vadd.f32 v29, v27;
	[tilespmem:$0x12600] =	vst v15;
	v40 =	vadd.f32 v38, v36  }
0x153: {  	v60 =	vld [tilespmem:$0x12780];
	v41 =	vsel vm6, $0x3F800000, v0;
	v45 =	vsel vm8, $0x3F800000, v0;
	v19 =	vadd.f32 v30, v62;
	[tilespmem:$0x12680] =	vst v17  }
0x154: {  	v49 =	vld [tilespmem:$0x12A00];
	v50 =	vsel vm10, $0x3F800000, v0;
	v51 =	vsel vm11, $0x3F800000, v0;
	v55 =	vadd.f32 v47, v43;
	[tilespmem:$0x12980] =	vst v56  }
0x155: {  	v63 =	vld [tilespmem:$0x12B00];
	v62 =	vsel vm9, $0x3F800000, v0;
	v30 =	vsel vm12, $0x3F800000, v0;
	v10 =	vadd.f32 v10, v26;
	[tilespmem:$0x12800] =	vst v19  }
0x156: {  	v28 =	vld [tilespmem:$0x12C00];
	vm9 =	veq.s32 v2, $0x3C;
	v25 =	vadd.f32 v62, v61;
	v5 =	vadd.f32 v40, v37;
	[tilespmem:$0x12900] =	vst v55  }
0x157: {  	v34 =	vld [tilespmem:$0x12880];
	v44 =	vpop (erf);
	vm12 =	veq.s32 v3, $0x3E;
	v32 =	vadd.f32 v31, v30;
	v18 =	vadd.f32 v20, v57;
	[tilespmem:$0x12B80] =	vst v10  }
0x158: {  	v39 =	vld [tilespmem:$0x12D80];
	v46 =	vsel vm9, $0x3F800000, v0;
	v14 =	vadd.f32 $1.000000000e+00, v44;
	v20 =	vadd.f32 v21, v60;
	[tilespmem:$0x12D00] =	vst v5  }
0x159: {  	v43 =	vld [tilespmem:$0x12E00];
	v56 =	vsel vm13, $0x3F800000, v0;
	v21 =	vadd.f32 v42, v33;
	v57 =	vadd.f32 v53, v49;
	[tilespmem:$0x12700] =	vst v18  }
0x15a: {  	v60 =	vld [tilespmem:$0x12A80];
	v42 =	vsel vm7, $0x3F800000, v0;
	v9 =	vadd.f32 v46, v45;
	v7 =	vadd.f32 v25, v63;
	[tilespmem:$0x12780] =	vst v20  }
0x15b: {  	v35 =	vld [tilespmem:$0x12C80];
	v33 =	vsel vm14, $0x3F800000, v0;
	v4 =	vadd.f32 v32, v28;
	v11 =	vadd.f32 v42, v41;
	[tilespmem:$0x12A00] =	vst v57  }
0x15c: {  	v49 =	vld [tilespmem:$0x12E80];
	v53 =	vadd.f32 v51, v50;
	vm14 =	veq.s32 v3, $0x3F;
	v54 =	vadd.f32 v21, v34;
	[tilespmem:$0x12B00] =	vst v7  }
0x15d: {  	v52 =	vld [tilespmem:$0x12F00];
	(erf) = vrcp.f32 v14;
	v34 =	vsel vm15, $0x3F800000, v0;
	v47 =	vadd.f32 v11, v39;
	[tilespmem:$0x12C00] =	vst v4  }
0x15e: {  	v55 =	vld [tilespmem:$0x12F80];
	v58 =	vsel vm14, $0x3F800000, v0;
	v8 =	vadd.f32 v34, v33;
	v48 =	vadd.f32 v9, v43;
	[tilespmem:$0x12880] =	vst v54  }
0x15f: {  	vm15 =	veq.s32 v2, $0x3F;
	v54 =	vsel vm12, $0x3F800000, v0;
	v6 =	vadd.f32 v6, v60;
	[tilespmem:$0x12D80] =	vst v47  }
0x160: {  	v59 =	vsel vm15, $0x3F800000, v0;
	v8 =	vadd.f32 v8, v35;
	v57 =	vadd.f32 v56, v54;
	[tilespmem:$0x12E00] =	vst v48  }
0x161: {  	v4 =	vadd.f32 v53, v49;
	v60 =	vadd.f32 v59, v58;
	[tilespmem:$0x12A80] =	vst v6  }
0x162: {  	[tilespmem:$0x12C80] =	vst v8;
	v5 =	vadd.f32 v57, v52  }
0x163: {  	s29 =	sshll.u32 s26, $0x5;
	[tilespmem:$0x12E80] =	vst v4;
	v61 =	vadd.f32 v60, v55  }
0x164: {  	p0 =	sne.s32 s26, $0x3F;
	s29 =	sand.u32 $0xFFFFFF00, s29;
	[tilespmem:$0x12F00] =	vst v5  }
.Ltmp1:
0x165: {  	s28 =	sor.u32 s28, s29;
	[tilespmem:$0x12F80] =	vst v61;
	(pc) =	sbr.rel @p0 .LBB2_4-.Ltmp1, $4  }
0x166: {  	v62 =	vpop (erf);
	[tilespmem:s28+$0x10800] =	vst v3  }
0x167: {  	[tilespmem:s28+$0x10880] =	vst v2;
	v63 =	vsub.f32 $1.000000000e+00, v62  }
0x168: {  	[tilespmem:s28+$0x10000] =	vst v62  }
0x169: {  	s25 =	sadd.s32 $0x10, s25;
	s26 =	sadd.s32 $0x1, s26;
	[tilespmem:s28+$0x10080] =	vst v63  }
0x16a: {  	s25 =	simm.s32 $0x10000  }
0x16b: {  	[hbm4b:s4+s2] =	stream.linear.scatter [tilespmem:s25], [sflag:$0x2], $0x80, $0x38;
	[tilespmem:$0x13000] =	vst v63  }
0x16c: {  	s29 =	sadd.s32 $0x20, s4;
	s26 =	simm.s32 $0x10100  }
0x16d: {  	[hbm4b:s29+s2] =	stream.linear.scatter [tilespmem:s26], [sflag:$0x2], $0x80, $0x38;
	[tilespmem:$0x13000] =	vst v63  }
0x16e: {  	s28 =	sadd.s32 $0x40, s4;
	s29 =	simm.s32 $0x10200  }
0x16f: {  	[hbm4b:s28+s2] =	stream.linear.scatter [tilespmem:s29], [sflag:$0x2], $0x80, $0x38;
	[tilespmem:$0x13000] =	vst v63  }
0x170: {  	s28 =	sadd.s32 $0x60, s4;
	s29 =	simm.s32 $0x10300  }
0x171: {  	[hbm4b:s28+s2] =	stream.linear.scatter [tilespmem:s29], [sflag:$0x2], $0x80, $0x38;
	[tilespmem:$0x13000] =	vst v63  }
0x172: {  	s28 =	sadd.s32 $0x80, s4;
	s29 =	simm.s32 $0x10400  }
0x173: {  	[hbm4b:s28+s2] =	stream.linear.scatter [tilespmem:s29], [sflag:$0x2], $0x80, $0x38;
	[tilespmem:$0x13000] =	vst v63  }
0x174: {  	s28 =	sadd.s32 $0xA0, s4;
	s29 =	simm.s32 $0x10500  }
0x175: {  	[hbm4b:s28+s2] =	stream.linear.scatter [tilespmem:s29], [sflag:$0x2], $0x80, $0x38;
	[tilespmem:$0x13000] =	vst v63  }
0x176: {  	s28 =	sadd.s32 $0xC0, s4;
	s29 =	simm.s32 $0x10600  }
0x177: {  	[hbm4b:s28+s2] =	stream.linear.scatter [tilespmem:s29], [sflag:$0x2], $0x80, $0x38;
	[tilespmem:$0x13000] =	vst v63  }
0x178: {  	s28 =	sadd.s32 $0xE0, s4;
	s29 =	simm.s32 $0x10700  }
0x179: {  	[hbm4b:s28+s2] =	stream.linear.scatter [tilespmem:s29], [sflag:$0x2], $0x80, $0x38;
	[tilespmem:$0x13000] =	vst v63  }
0x17a: {  	_ =	swait.ge [sflag:s19], $0x400  }
0x17b: {  	[sflag:s19] =	ssyncset.done $0x0  }
0x17c: {  	s26 =	simm.s32 $0x10080;
	[sflag:s19] =	ssyncadd.s32 $0xFFFFFC00  }
0x17d: {  	[hbm4b:s5+s2] =	stream.linear.scatter [tilespmem:s26], [sflag:$0x2], $0x80, $0x38;
	[tilespmem:$0x13000] =	vst v63  }
0x17e: {  	s28 =	sadd.s32 $0x20, s5;
	s29 =	simm.s32 $0x10180  }
0x17f: {  	[hbm4b:s28+s2] =	stream.linear.scatter [tilespmem:s29], [sflag:$0x2], $0x80, $0x38;
	[tilespmem:$0x13000] =	vst v63  }
0x180: {  	s28 =	sadd.s32 $0x40, s5;
	s29 =	simm.s32 $0x10280  }
0x181: {  	[hbm4b:s28+s2] =	stream.linear.scatter [tilespmem:s29], [sflag:$0x2], $0x80, $0x38;
	[tilespmem:$0x13000] =	vst v63  }
0x182: {  	s28 =	sadd.s32 $0x60, s5;
	s29 =	simm.s32 $0x10380  }
0x183: {  	[hbm4b:s28+s2] =	stream.linear.scatter [tilespmem:s29], [sflag:$0x2], $0x80, $0x38;
	[tilespmem:$0x13000] =	vst v63  }
0x184: {  	s28 =	sadd.s32 $0x80, s5;
	s29 =	simm.s32 $0x10480  }
0x185: {  	[hbm4b:s28+s2] =	stream.linear.scatter [tilespmem:s29], [sflag:$0x2], $0x80, $0x38;
	[tilespmem:$0x13000] =	vst v63  }
0x186: {  	s28 =	sadd.s32 $0xA0, s5;
	s29 =	simm.s32 $0x10580  }
0x187: {  	[hbm4b:s28+s2] =	stream.linear.scatter [tilespmem:s29], [sflag:$0x2], $0x80, $0x38;
	[tilespmem:$0x13000] =	vst v63  }
0x188: {  	s28 =	sadd.s32 $0xC0, s5;
	s29 =	simm.s32 $0x10680  }
0x189: {  	[hbm4b:s28+s2] =	stream.linear.scatter [tilespmem:s29], [sflag:$0x2], $0x80, $0x38;
	[tilespmem:$0x13000] =	vst v63  }
0x18a: {  	s28 =	sadd.s32 $0xE0, s5;
	s29 =	simm.s32 $0x10780  }
0x18b: {  	[hbm4b:s28+s2] =	stream.linear.scatter [tilespmem:s29], [sflag:$0x2], $0x80, $0x38;
	[tilespmem:$0x13000] =	vst v63  }
0x18c: {  	_ =	swait.ge [sflag:s19], $0x400  }
0x18d: {  	[sflag:s19] =	ssyncset.done $0x0  }
0x18e: {  	s26 =	simm.s32 $0x10800;
	[sflag:s19] =	ssyncadd.s32 $0xFFFFFC00  }
0x18f: {  	[hbm4b:s6+s2] =	stream.linear.scatter [tilespmem:s26], [sflag:$0x2], $0x80, $0x38;
	[tilespmem:$0x13000] =	vst v63  }
0x190: {  	s28 =	sadd.s32 $0x20, s6  }
0x191: {  	[hbm4b:s28+s2] =	stream.linear.scatter [tilespmem:s30], [sflag:$0x2], $0x80, $0x38;
	[tilespmem:$0x13000] =	vst v63  }
0x192: {  	s29 =	sadd.s32 $0x40, s6  }
0x193: {  	[hbm4b:s29+s2] =	stream.linear.scatter [tilespmem:s31], [sflag:$0x2], $0x80, $0x38;
	[tilespmem:$0x13000] =	vst v63  }
0x194: {  	s26 =	sadd.s32 $0x60, s6  }
0x195: {  	[hbm4b:s26+s2] =	stream.linear.scatter [tilespmem:s0], [sflag:$0x2], $0x80, $0x38;
	[tilespmem:$0x13000] =	vst v63  }
0x196: {  	s28 =	sadd.s32 $0x80, s6  }
0x197: {  	[hbm4b:s28+s2] =	stream.linear.scatter [tilespmem:s1], [sflag:$0x2], $0x80, $0x38;
	[tilespmem:$0x13000] =	vst v63  }
0x198: {  	s29 =	sadd.s32 $0xA0, s6  }
0x199: {  	[hbm4b:s29+s2] =	stream.linear.scatter [tilespmem:s11], [sflag:$0x2], $0x80, $0x38;
	[tilespmem:$0x13000] =	vst v63  }
0x19a: {  	s26 =	sadd.s32 $0xC0, s6  }
0x19b: {  	[hbm4b:s26+s2] =	stream.linear.scatter [tilespmem:s12], [sflag:$0x2], $0x80, $0x38;
	[tilespmem:$0x13000] =	vst v63  }
0x19c: {  	s28 =	sadd.s32 $0xE0, s6  }
0x19d: {  	[hbm4b:s28+s2] =	stream.linear.scatter [tilespmem:s13], [sflag:$0x2], $0x80, $0x38;
	[tilespmem:$0x13000] =	vst v63  }
0x19e: {  	_ =	swait.ge [sflag:s19], $0x400  }
0x19f: {  	[sflag:s19] =	ssyncset.done $0x0  }
0x1a0: {  	[sflag:s19] =	ssyncadd.s32 $0xFFFFFC00  }
0x1a1: {  	[hbm4b:s7+s2] =	stream.linear.scatter [tilespmem:s14], [sflag:$0x2], $0x80, $0x38;
	[tilespmem:$0x13000] =	vst v63  }
0x1a2: {  	s29 =	sadd.s32 $0x20, s7  }
0x1a3: {  	[hbm4b:s29+s2] =	stream.linear.scatter [tilespmem:s15], [sflag:$0x2], $0x80, $0x38;
	[tilespmem:$0x13000] =	vst v63  }
0x1a4: {  	s26 =	sadd.s32 $0x40, s7  }
0x1a5: {  	[hbm4b:s26+s2] =	stream.linear.scatter [tilespmem:s16], [sflag:$0x2], $0x80, $0x38;
	[tilespmem:$0x13000] =	vst v63  }
0x1a6: {  	s28 =	sadd.s32 $0x60, s7  }
0x1a7: {  	[hbm4b:s28+s2] =	stream.linear.scatter [tilespmem:s17], [sflag:$0x2], $0x80, $0x38;
	[tilespmem:$0x13000] =	vst v63  }
0x1a8: {  	s29 =	sadd.s32 $0x80, s7  }
0x1a9: {  	[hbm4b:s29+s2] =	stream.linear.scatter [tilespmem:s18], [sflag:$0x2], $0x80, $0x38;
	[tilespmem:$0x13000] =	vst v63  }
0x1aa: {  	s26 =	sadd.s32 $0xA0, s7  }
0x1ab: {  	[hbm4b:s26+s2] =	stream.linear.scatter [tilespmem:s20], [sflag:$0x2], $0x80, $0x38;
	[tilespmem:$0x13000] =	vst v63  }
0x1ac: {  	s28 =	sadd.s32 $0xC0, s7  }
0x1ad: {  	[hbm4b:s28+s2] =	stream.linear.scatter [tilespmem:s21], [sflag:$0x2], $0x80, $0x38;
	[tilespmem:$0x13000] =	vst v63  }
0x1ae: {  	s29 =	sadd.s32 $0xE0, s7  }
0x1af: {  	[hbm4b:s29+s2] =	stream.linear.scatter [tilespmem:s22], [sflag:$0x2], $0x80, $0x38;
	[tilespmem:$0x13000] =	vst v63  }
0x1b0: {  	s24 =	sadd.s32 $0x1, s24;
	_ =	swait.ge [sflag:s19], $0x400  }
0x1b1: {  	p0 =	sne.s32 s24, s9;
	[sflag:s19] =	ssyncset.done $0x0  }
.Ltmp2:
0x1b2: {  	[sflag:s19] =	ssyncadd.s32 $0xFFFFFC00;
	(pc) =	sbr.rel @p0 .LBB2_1-.Ltmp2, $4  }
0x1b3: {  	[hbm4b:s8+s2] =	stream.linear.scatter [tilespmem:s23], [sflag:$0x2], $0x2000, $0x38;
	[tilespmem:$0x13000] =	vst v63  }
0x1b4: {  	_ =	swait.ge [sflag:s19], $0x2000  }
0x1b5: {  	[sflag:s19] =	ssyncset.done $0x0  }
0x1b6: {  	[sflag:s19] =	ssyncadd.s32 $0xFFFFE000  }
0x1b7: {  	_ =	sfence.sel $0x180000  }
0x1b8: {  	[bflag:$0x0] =	sbarrier.arrive $0xFFFF  }
0x1b9: {  	_ =	strace $0x90000047  }
0x1ba: {  	s0 =	stileid.u32;
	[bflag:$0x2] =	sbarrier.arrive $0xFFFF  }
0x1bb: {  	p0 =	sne.s32 s0, $0x0;
	s0 =	rddreg [dreg:$0x3]  }
0x1bc: {  	s0 =	sadd.s32 @!p0 $0x100000, s0  }
0x1bd: {  	[sflag:s0] =	ssyncadd.tile.s32 @!p0 $0x1;
	_ =	shalt  }
.Lfunc_end2:
_tile_overlayer_lowered:
.L_overlay_start_2:
0x1be: {  	(tag) =	ssettag $0x2  }
0x1bf: {  	s0 =	rddreg [dreg:$0x0];
	s2 =	stileid.u32  }
0x1c0: {  	s1 =	rddreg [dreg:$0x1];
	p0 =	sne.s32 s2, $0x0  }
0x1c1: {  	s3 =	rddreg [dreg:$0x2];
	[bflag:$0x3] =	sbarrier.arrive $0xFFFF;
	s2 =	simm.s32 @!p0 $0x1C02  }
0x1c2: {  	[timem:s3], [sflag:s2] =	dma.local @!p0 [hbm:s0], s1  }
0x1c3: {  	s0 =	simm.s32 @!p0 $0x2  }
0x1c4: {  	_ =	swait.ge @!p0 [sflag:s0], s1  }
0x1c5: {  	s1 =	ssub.s32 @!p0 $0x0, s1;
	[sflag:s0] =	ssyncset.done @!p0 $0x0  }
0x1c6: {  	[sflag:s0] =	ssyncadd.s32 @!p0 s1  }
0x1c7: {  	[bflag:$0x3] =	sbarrier.arrive $0xFFFF  }
0x1c8: {  	_ =	shalt  }

</sc_bundles>
